<compile_context>
chip_gen: v7x
topology: tpu7x:2x2x1
jax: 0.10.2.dev20260603
libtpu: 0.0.44.dev20260713+nightly
codegen_flags: <defaults>
</compile_context>

<pallas_src>
import functools

import jax
import jax.numpy as jnp
from jax import lax
from jax.experimental import pallas as pl
from jax.experimental.pallas import tpu as pltpu
from jax.experimental.pallas import tpu_sc as plsc

_V = 1000000
_D = 64
_NC = 2
_NS = 16
_NW = _NC * _NS
_S = 16384
_T = 26
_B = _S * _T
_UPW = _B // (128 * _NW)

_CB = 256
_NFULL = 999936 // _CB
_TAIL0 = _NFULL * _CB

_mesh = plsc.VectorSubcoreMesh(core_axis_name="c", subcore_axis_name="s")
_params = pltpu.CompilerParams(use_tc_tiling_on_sc=True,
                               needs_layout_passes=False)

def _iota16():
    return lax.broadcasted_iota(jnp.int32, (16,), 0)


@functools.partial(
    pl.kernel,
    out_type=jax.ShapeDtypeStruct((_V // 2, 128), jnp.float32),
    mesh=_mesh,
    compiler_params=_params,
    scratch_types=[
        [pltpu.VMEM((_D, _CB), jnp.float32) for _ in range(2)],
        [pltpu.VMEM((_CB // 2, 128), jnp.float32) for _ in range(2)],
        pltpu.VMEM((16, 16), jnp.int32),
        [pltpu.SemaphoreType.DMA for _ in range(2)],
        [pltpu.SemaphoreType.DMA for _ in range(2)],
    ],
)
def _transpose_kernel(wt_hbm, wtail_hbm, wrm_hbm, vin, vout, rot_ref,
                      isem, osem):
    wid = lax.axis_index("s") * _NC + lax.axis_index("c")
    iota = _iota16()
    for t in range(16):
        rot_ref[t, :] = lax.bitwise_and(iota + t, 15)
    base_n = _NFULL // _NW
    extra = _NFULL - base_n * _NW
    nmine = jnp.where(wid < extra, base_n + 1, base_n)
    start = wid * base_n + jnp.minimum(wid, extra)

    def in_slice(b):
        return wt_hbm.at[:, pl.ds((start + b) * _CB, _CB)]

    def out_slice(b):
        return wrm_hbm.at[pl.ds((start + b) * (_CB // 2), _CB // 2), :]

    pvecs = [p0 + iota for p0 in range(0, _CB // 2, 16)]
    cols = [[2 * p0 + iota * 2 + c for c in range(2)]
            for p0 in range(0, _CB // 2, 16)]

    def permute(k):
        def body(th, carry):
            for tk in range(2):
                t = 2 * th + tk
                rot = rot_ref[t, :]
                srows = [j20 + rot for j20 in range(0, 128, 16)]
                rrows = [srows[i] if i < 4 else srows[i] - _D
                         for i in range(8)]
                for p0i in range(len(pvecs)):
                    for j20i in range(8):
                        v = plsc.load_gather(
                            vin[k], [rrows[j20i], cols[p0i][j20i // 4]])
                        plsc.store_scatter(
                            vout[k], [pvecs[p0i], srows[j20i]], v)
            return carry
        lax.fori_loop(0, 8, body, 0)

    for k in range(2):
        @pl.when(k < nmine)
        def _():
            pltpu.async_copy(in_slice(k), vin[k], isem[k])

    def blk(b, k):
        @pl.when(b < nmine)
        def _():
            pltpu.make_async_copy(in_slice(b), vin[k], isem[k]).wait()

            @pl.when(b >= 2)
            def _():
                pltpu.make_async_copy(vout[k], out_slice(b - 2), osem[k]).wait()

            permute(k)
            pltpu.async_copy(vout[k], out_slice(b), osem[k])

            @pl.when(b + 2 < nmine)
            def _():
                pltpu.async_copy(in_slice(b + 2), vin[k], isem[k])

    def pair(i, carry):
        blk(2 * i, 0)
        blk(2 * i + 1, 1)
        return carry

    lax.fori_loop(0, (base_n + 2) // 2, pair, 0)

    for k in range(2):
        @pl.when(k < nmine)
        def _():
            pltpu.make_async_copy(vout[k], out_slice(0), osem[k]).wait()

    @pl.when(wid == _NW - 1)
    def _():
        bounce = vout[0].at[pl.ds(0, 32), :]
        pltpu.async_copy(wtail_hbm, bounce, isem[0])
        pltpu.make_async_copy(wtail_hbm, bounce, isem[0]).wait()
        dst = wrm_hbm.at[pl.ds(_TAIL0 // 2, 32), :]
        pltpu.async_copy(bounce, dst, osem[0])
        pltpu.make_async_copy(bounce, dst, osem[0]).wait()


@functools.partial(
    pl.kernel,
    out_type=jax.ShapeDtypeStruct((_T, _D, _S), jnp.float32),
    mesh=_mesh,
    compiler_params=_params,
    scratch_types=[
        pltpu.VMEM((_UPW, 128), jnp.int32),
        [pltpu.VMEM((128,), jnp.int32) for _ in range(2)],
        [pltpu.VMEM((128,), jnp.int32) for _ in range(2)],
        [pltpu.VMEM((128, 128), jnp.float32) for _ in range(2)],
        [pltpu.VMEM((_D, 128), jnp.float32) for _ in range(2)],
        pltpu.VMEM((16, 16), jnp.int32),
        [pltpu.SemaphoreType.DMA for _ in range(2)],
        [pltpu.SemaphoreType.DMA for _ in range(2)],
        pltpu.SemaphoreType.DMA,
    ],
)
def _gather_kernel(idx_hbm, wrm_hbm, out_hbm, idxv, gv, parv, rows, tbuf,
                   rot_ref, gsem, ssem, stage_sem):
    wid = lax.axis_index("s") * _NC + lax.axis_index("c")
    iota = _iota16()
    for t in range(16):
        rot_ref[t, :] = lax.bitwise_and(iota + t, 15)
    pltpu.async_copy(idx_hbm.at[wid], idxv, stage_sem)
    pltpu.make_async_copy(idx_hbm.at[wid], idxv, stage_sem).wait()

    def compute_idx(b, k):
        for g in range(8):
            v = idxv[b, pl.ds(g * 16, 16)]
            gv[k][pl.ds(g * 16, 16)] = lax.shift_right_logical(v, 1)
            parv[k][pl.ds(g * 16, 16)] = lax.bitwise_and(v, 1) * _D

    def start_gather(k):
        pltpu.async_copy(wrm_hbm.at[gv[k]], rows[k], gsem[k])

    def wait_gather(k):
        pltpu.make_async_copy(wrm_hbm.at[gv[k]], rows[k], gsem[k]).wait()

    def out_slice(b):
        u = wid * _UPW + b
        return out_hbm.at[u // 128, :, pl.ds((u % 128) * 128, 128)]

    def start_store(b, k):
        pltpu.async_copy(tbuf[k], out_slice(b), ssem[k])

    def wait_store(b, k):
        pltpu.make_async_copy(tbuf[k], out_slice(b), ssem[k]).wait()

    jvecs = [j0 + iota for j0 in range(0, _D, 16)]

    def permute(k):
        def body(th, carry):
            for tk in range(2):
                t = 2 * th + tk
                rot = rot_ref[t, :]
                srows = [s0 + rot for s0 in range(0, 128, 16)]
                pars = [plsc.load_gather(parv[k], [srows[i]])
                        for i in range(8)]
                for j0i in range(len(jvecs)):
                    for s0i in range(8):
                        col = pars[s0i] + jvecs[j0i]
                        v = plsc.load_gather(rows[k], [srows[s0i], col])
                        plsc.store_scatter(
                            tbuf[k], [jvecs[j0i], srows[s0i]], v)
            return carry
        lax.fori_loop(0, 8, body, 0)

    for k in range(2):
        compute_idx(k, k)
        start_gather(k)

    def unit(b, k):
        wait_gather(k)

        @pl.when(b >= 2)
        def _():
            wait_store(b - 2, k)

        permute(k)
        start_store(b, k)

        @pl.when(b + 2 < _UPW)
        def _():
            compute_idx(b + 2, k)
            start_gather(k)

    def pair(i, carry):
        unit(2 * i, 0)
        unit(2 * i + 1, 1)
        return carry

    lax.fori_loop(0, _UPW // 2, pair, 0)
    wait_store(_UPW - 2, 0)
    wait_store(_UPW - 1, 1)


def kernel(token_ids, weight):
    wt = weight.T
    wtail = weight[_TAIL0:].reshape(32, 128)
    wrm = _transpose_kernel(wt, wtail)
    idx3 = token_ids.T.reshape(_NW, _UPW, 128).astype(jnp.int32)
    out3 = _gather_kernel(idx3, wrm)
    return jnp.transpose(out3, (2, 0, 1))

# --- scband reference (transcript-rebuilt; emitter-appended) ---
"""Pipeline reference for scband-embedding-80470507258329 (READ-ONLY COPY).

The authoritative reference and input builder live on the scoring server;
editing this copy changes nothing except your own understanding.
"""

import jax, jax.numpy as jnp
import numpy as np

NUM_EMBEDDINGS = 1000000
EMBEDDING_DIM = 64

def setup_inputs(seed: int = 0) -> dict:
    key = jax.random.key(seed)
    k_idx, k_w = jax.random.split(key)
    token_ids = jax.random.randint(k_idx, (16384, 26), 0, NUM_EMBEDDINGS, dtype=jnp.int64 if jax.config.jax_enable_x64 else jnp.int32)
    # trunc_normal_(mean=0, std=1, a=-3, b=3)
    weight = jax.random.truncated_normal(k_w, -3.0, 3.0, (NUM_EMBEDDINGS, EMBEDDING_DIM), dtype=jnp.float32)
    return {"token_ids": token_ids, "weight": weight}

def reference(token_ids, weight):
    # embedding lookup: weight[token_ids]
    embedding = jnp.take(weight, token_ids, axis=0)
    return embedding

if __name__ == "__main__":
    import jax
    _d = setup_inputs()
    print(jax.jit(kernel)(*tuple(_d.values())))

</pallas_src>

<mosaic_0001>
#map = affine_map<(d0, d1) -> (0, 0)>
module attributes {stable_mosaic.version = 14 : i64} {
  func.func @_transpose_kernel(%arg0: i32, %arg1: i32, %arg2: memref<64x1000000xf32, #tpu.memory_space<hbm>>, %arg3: memref<32x128xf32, #tpu.memory_space<hbm>>, %arg4: memref<500000x128xf32, #tpu.memory_space<hbm>>, %arg5: memref<64x256xf32, #tpu.memory_space<vmem>>, %arg6: memref<64x256xf32, #tpu.memory_space<vmem>>, %arg7: memref<128x128xf32, #tpu.memory_space<vmem>>, %arg8: memref<128x128xf32, #tpu.memory_space<vmem>>, %arg9: memref<16x16xi32, #tpu.memory_space<vmem>>, %arg10: memref<!tpu.dma_semaphore, #tpu.memory_space<semaphore_mem>>, %arg11: memref<!tpu.dma_semaphore, #tpu.memory_space<semaphore_mem>>, %arg12: memref<!tpu.dma_semaphore, #tpu.memory_space<semaphore_mem>>, %arg13: memref<!tpu.dma_semaphore, #tpu.memory_space<semaphore_mem>>) attributes {dimension_semantics = [#tpu.dimension_semantics<core_parallel>, #tpu.dimension_semantics<subcore_parallel>], iteration_bounds = array<i64: 2, 16>, scalar_prefetch = 0 : i64, scratch_operands = 9 : i64, tpu.core_type = #tpu.core_type<sc_vector_subcore>, window_params = [{transform_indices = #map}, {transform_indices = #map}, {transform_indices = #map}]} {
    %mul3A = arith.constant 2 : i32
    %mul3A_0 = arith.muli %arg1, %mul3A : i32
    %add3A = arith.addi %mul3A_0, %arg0 : i32
    %iota3A = tpu.iota {dimensions = array<i32: 0>} : vector<16xi32>
    %add3A_1 = arith.constant 0 : i32
    %add3A_2 = vector.broadcast %add3A_1 : i32 to vector<16xi32>
    %add3A_3 = arith.addi %iota3A, %add3A_2 : vector<16xi32>
    %and3A = arith.constant 15 : i32
    %and3A_4 = vector.broadcast %and3A : i32 to vector<16xi32>
    %and3A_5 = arith.andi %add3A_3, %and3A_4 : vector<16xi32>
    %swap3A = arith.constant 0 : i32
    %swap3A_6 = arith.index_cast %swap3A : i32 to index
    %swap3A_7 = arith.constant 0 : index
    %swap3A_8 = tpu.vector_load %arg9[%swap3A_6, %swap3A_7] {strides = array<i32>} : memref<16x16xi32, #tpu.memory_space<vmem>>, vector<16xi32>,
    tpu.vector_store %arg9[%swap3A_6, %swap3A_7], %and3A_5 {strides = array<i32>} : memref<16x16xi32, #tpu.memory_space<vmem>>, vector<16xi32>,
    %add3A_9 = arith.constant 1 : i32
    %add3A_10 = vector.broadcast %add3A_9 : i32 to vector<16xi32>
    %add3A_11 = arith.addi %iota3A, %add3A_10 : vector<16xi32>
    %and3A_12 = arith.constant 15 : i32
    %and3A_13 = vector.broadcast %and3A_12 : i32 to vector<16xi32>
    %and3A_14 = arith.andi %add3A_11, %and3A_13 : vector<16xi32>
    %swap3A_15 = arith.constant 1 : i32
    %swap3A_16 = arith.index_cast %swap3A_15 : i32 to index
    %swap3A_17 = arith.constant 0 : index
    %swap3A_18 = tpu.vector_load %arg9[%swap3A_16, %swap3A_17] {strides = array<i32>} : memref<16x16xi32, #tpu.memory_space<vmem>>, vector<16xi32>,
    tpu.vector_store %arg9[%swap3A_16, %swap3A_17], %and3A_14 {strides = array<i32>} : memref<16x16xi32, #tpu.memory_space<vmem>>, vector<16xi32>,
    %add3A_19 = arith.constant 2 : i32
    %add3A_20 = vector.broadcast %add3A_19 : i32 to vector<16xi32>
    %add3A_21 = arith.addi %iota3A, %add3A_20 : vector<16xi32>
    %and3A_22 = arith.constant 15 : i32
    %and3A_23 = vector.broadcast %and3A_22 : i32 to vector<16xi32>
    %and3A_24 = arith.andi %add3A_21, %and3A_23 : vector<16xi32>
    %swap3A_25 = arith.constant 2 : i32
    %swap3A_26 = arith.index_cast %swap3A_25 : i32 to index
    %swap3A_27 = arith.constant 0 : index
    %swap3A_28 = tpu.vector_load %arg9[%swap3A_26, %swap3A_27] {strides = array<i32>} : memref<16x16xi32, #tpu.memory_space<vmem>>, vector<16xi32>,
    tpu.vector_store %arg9[%swap3A_26, %swap3A_27], %and3A_24 {strides = array<i32>} : memref<16x16xi32, #tpu.memory_space<vmem>>, vector<16xi32>,
    %add3A_29 = arith.constant 3 : i32
    %add3A_30 = vector.broadcast %add3A_29 : i32 to vector<16xi32>
    %add3A_31 = arith.addi %iota3A, %add3A_30 : vector<16xi32>
    %and3A_32 = arith.constant 15 : i32
    %and3A_33 = vector.broadcast %and3A_32 : i32 to vector<16xi32>
    %and3A_34 = arith.andi %add3A_31, %and3A_33 : vector<16xi32>
    %swap3A_35 = arith.constant 3 : i32
    %swap3A_36 = arith.index_cast %swap3A_35 : i32 to index
    %swap3A_37 = arith.constant 0 : index
    %swap3A_38 = tpu.vector_load %arg9[%swap3A_36, %swap3A_37] {strides = array<i32>} : memref<16x16xi32, #tpu.memory_space<vmem>>, vector<16xi32>,
    tpu.vector_store %arg9[%swap3A_36, %swap3A_37], %and3A_34 {strides = array<i32>} : memref<16x16xi32, #tpu.memory_space<vmem>>, vector<16xi32>,
    %add3A_39 = arith.constant 4 : i32
    %add3A_40 = vector.broadcast %add3A_39 : i32 to vector<16xi32>
    %add3A_41 = arith.addi %iota3A, %add3A_40 : vector<16xi32>
    %and3A_42 = arith.constant 15 : i32
    %and3A_43 = vector.broadcast %and3A_42 : i32 to vector<16xi32>
    %and3A_44 = arith.andi %add3A_41, %and3A_43 : vector<16xi32>
    %swap3A_45 = arith.constant 4 : i32
    %swap3A_46 = arith.index_cast %swap3A_45 : i32 to index
    %swap3A_47 = arith.constant 0 : index
    %swap3A_48 = tpu.vector_load %arg9[%swap3A_46, %swap3A_47] {strides = array<i32>} : memref<16x16xi32, #tpu.memory_space<vmem>>, vector<16xi32>,
    tpu.vector_store %arg9[%swap3A_46, %swap3A_47], %and3A_44 {strides = array<i32>} : memref<16x16xi32, #tpu.memory_space<vmem>>, vector<16xi32>,
    %add3A_49 = arith.constant 5 : i32
    %add3A_50 = vector.broadcast %add3A_49 : i32 to vector<16xi32>
    %add3A_51 = arith.addi %iota3A, %add3A_50 : vector<16xi32>
    %and3A_52 = arith.constant 15 : i32
    %and3A_53 = vector.broadcast %and3A_52 : i32 to vector<16xi32>
    %and3A_54 = arith.andi %add3A_51, %and3A_53 : vector<16xi32>
    %swap3A_55 = arith.constant 5 : i32
    %swap3A_56 = arith.index_cast %swap3A_55 : i32 to index
    %swap3A_57 = arith.constant 0 : index
    %swap3A_58 = tpu.vector_load %arg9[%swap3A_56, %swap3A_57] {strides = array<i32>} : memref<16x16xi32, #tpu.memory_space<vmem>>, vector<16xi32>,
    tpu.vector_store %arg9[%swap3A_56, %swap3A_57], %and3A_54 {strides = array<i32>} : memref<16x16xi32, #tpu.memory_space<vmem>>, vector<16xi32>,
    %add3A_59 = arith.constant 6 : i32
    %add3A_60 = vector.broadcast %add3A_59 : i32 to vector<16xi32>
    %add3A_61 = arith.addi %iota3A, %add3A_60 : vector<16xi32>
    %and3A_62 = arith.constant 15 : i32
    %and3A_63 = vector.broadcast %and3A_62 : i32 to vector<16xi32>
    %and3A_64 = arith.andi %add3A_61, %and3A_63 : vector<16xi32>
    %swap3A_65 = arith.constant 6 : i32
    %swap3A_66 = arith.index_cast %swap3A_65 : i32 to index
    %swap3A_67 = arith.constant 0 : index
    %swap3A_68 = tpu.vector_load %arg9[%swap3A_66, %swap3A_67] {strides = array<i32>} : memref<16x16xi32, #tpu.memory_space<vmem>>, vector<16xi32>,
    tpu.vector_store %arg9[%swap3A_66, %swap3A_67], %and3A_64 {strides = array<i32>} : memref<16x16xi32, #tpu.memory_space<vmem>>, vector<16xi32>,
    %add3A_69 = arith.constant 7 : i32
    %add3A_70 = vector.broadcast %add3A_69 : i32 to vector<16xi32>
    %add3A_71 = arith.addi %iota3A, %add3A_70 : vector<16xi32>
    %and3A_72 = arith.constant 15 : i32
    %and3A_73 = vector.broadcast %and3A_72 : i32 to vector<16xi32>
    %and3A_74 = arith.andi %add3A_71, %and3A_73 : vector<16xi32>
    %swap3A_75 = arith.constant 7 : i32
    %swap3A_76 = arith.index_cast %swap3A_75 : i32 to index
    %swap3A_77 = arith.constant 0 : index
    %swap3A_78 = tpu.vector_load %arg9[%swap3A_76, %swap3A_77] {strides = array<i32>} : memref<16x16xi32, #tpu.memory_space<vmem>>, vector<16xi32>,
    tpu.vector_store %arg9[%swap3A_76, %swap3A_77], %and3A_74 {strides = array<i32>} : memref<16x16xi32, #tpu.memory_space<vmem>>, vector<16xi32>,
    %add3A_79 = arith.constant 8 : i32
    %add3A_80 = vector.broadcast %add3A_79 : i32 to vector<16xi32>
    %add3A_81 = arith.addi %iota3A, %add3A_80 : vector<16xi32>
    %and3A_82 = arith.constant 15 : i32
    %and3A_83 = vector.broadcast %and3A_82 : i32 to vector<16xi32>
    %and3A_84 = arith.andi %add3A_81, %and3A_83 : vector<16xi32>
    %swap3A_85 = arith.constant 8 : i32
    %swap3A_86 = arith.index_cast %swap3A_85 : i32 to index
    %swap3A_87 = arith.constant 0 : index
    %swap3A_88 = tpu.vector_load %arg9[%swap3A_86, %swap3A_87] {strides = array<i32>} : memref<16x16xi32, #tpu.memory_space<vmem>>, vector<16xi32>,
    tpu.vector_store %arg9[%swap3A_86, %swap3A_87], %and3A_84 {strides = array<i32>} : memref<16x16xi32, #tpu.memory_space<vmem>>, vector<16xi32>,
    %add3A_89 = arith.constant 9 : i32
    %add3A_90 = vector.broadcast %add3A_89 : i32 to vector<16xi32>
    %add3A_91 = arith.addi %iota3A, %add3A_90 : vector<16xi32>
    %and3A_92 = arith.constant 15 : i32
    %and3A_93 = vector.broadcast %and3A_92 : i32 to vector<16xi32>
    %and3A_94 = arith.andi %add3A_91, %and3A_93 : vector<16xi32>
    %swap3A_95 = arith.constant 9 : i32
    %swap3A_96 = arith.index_cast %swap3A_95 : i32 to index
    %swap3A_97 = arith.constant 0 : index
    %swap3A_98 = tpu.vector_load %arg9[%swap3A_96, %swap3A_97] {strides = array<i32>} : memref<16x16xi32, #tpu.memory_space<vmem>>, vector<16xi32>,
    tpu.vector_store %arg9[%swap3A_96, %swap3A_97], %and3A_94 {strides = array<i32>} : memref<16x16xi32, #tpu.memory_space<vmem>>, vector<16xi32>,
    %add3A_99 = arith.constant 10 : i32
    %add3A_100 = vector.broadcast %add3A_99 : i32 to vector<16xi32>
    %add3A_101 = arith.addi %iota3A, %add3A_100 : vector<16xi32>
    %and3A_102 = arith.constant 15 : i32
    %and3A_103 = vector.broadcast %and3A_102 : i32 to vector<16xi32>
    %and3A_104 = arith.andi %add3A_101, %and3A_103 : vector<16xi32>
    %swap3A_105 = arith.constant 10 : i32
    %swap3A_106 = arith.index_cast %swap3A_105 : i32 to index
    %swap3A_107 = arith.constant 0 : index
    %swap3A_108 = tpu.vector_load %arg9[%swap3A_106, %swap3A_107] {strides = array<i32>} : memref<16x16xi32, #tpu.memory_space<vmem>>, vector<16xi32>,
    tpu.vector_store %arg9[%swap3A_106, %swap3A_107], %and3A_104 {strides = array<i32>} : memref<16x16xi32, #tpu.memory_space<vmem>>, vector<16xi32>,
    %add3A_109 = arith.constant 11 : i32
    %add3A_110 = vector.broadcast %add3A_109 : i32 to vector<16xi32>
    %add3A_111 = arith.addi %iota3A, %add3A_110 : vector<16xi32>
    %and3A_112 = arith.constant 15 : i32
    %and3A_113 = vector.broadcast %and3A_112 : i32 to vector<16xi32>
    %and3A_114 = arith.andi %add3A_111, %and3A_113 : vector<16xi32>
    %swap3A_115 = arith.constant 11 : i32
    %swap3A_116 = arith.index_cast %swap3A_115 : i32 to index
    %swap3A_117 = arith.constant 0 : index
    %swap3A_118 = tpu.vector_load %arg9[%swap3A_116, %swap3A_117] {strides = array<i32>} : memref<16x16xi32, #tpu.memory_space<vmem>>, vector<16xi32>,
    tpu.vector_store %arg9[%swap3A_116, %swap3A_117], %and3A_114 {strides = array<i32>} : memref<16x16xi32, #tpu.memory_space<vmem>>, vector<16xi32>,
    %add3A_119 = arith.constant 12 : i32
    %add3A_120 = vector.broadcast %add3A_119 : i32 to vector<16xi32>
    %add3A_121 = arith.addi %iota3A, %add3A_120 : vector<16xi32>
    %and3A_122 = arith.constant 15 : i32
    %and3A_123 = vector.broadcast %and3A_122 : i32 to vector<16xi32>
    %and3A_124 = arith.andi %add3A_121, %and3A_123 : vector<16xi32>
    %swap3A_125 = arith.constant 12 : i32
    %swap3A_126 = arith.index_cast %swap3A_125 : i32 to index
    %swap3A_127 = arith.constant 0 : index
    %swap3A_128 = tpu.vector_load %arg9[%swap3A_126, %swap3A_127] {strides = array<i32>} : memref<16x16xi32, #tpu.memory_space<vmem>>, vector<16xi32>,
    tpu.vector_store %arg9[%swap3A_126, %swap3A_127], %and3A_124 {strides = array<i32>} : memref<16x16xi32, #tpu.memory_space<vmem>>, vector<16xi32>,
    %add3A_129 = arith.constant 13 : i32
    %add3A_130 = vector.broadcast %add3A_129 : i32 to vector<16xi32>
    %add3A_131 = arith.addi %iota3A, %add3A_130 : vector<16xi32>
    %and3A_132 = arith.constant 15 : i32
    %and3A_133 = vector.broadcast %and3A_132 : i32 to vector<16xi32>
    %and3A_134 = arith.andi %add3A_131, %and3A_133 : vector<16xi32>
    %swap3A_135 = arith.constant 13 : i32
    %swap3A_136 = arith.index_cast %swap3A_135 : i32 to index
    %swap3A_137 = arith.constant 0 : index
    %swap3A_138 = tpu.vector_load %arg9[%swap3A_136, %swap3A_137] {strides = array<i32>} : memref<16x16xi32, #tpu.memory_space<vmem>>, vector<16xi32>,
    tpu.vector_store %arg9[%swap3A_136, %swap3A_137], %and3A_134 {strides = array<i32>} : memref<16x16xi32, #tpu.memory_space<vmem>>, vector<16xi32>,
    %add3A_139 = arith.constant 14 : i32
    %add3A_140 = vector.broadcast %add3A_139 : i32 to vector<16xi32>
    %add3A_141 = arith.addi %iota3A, %add3A_140 : vector<16xi32>
    %and3A_142 = arith.constant 15 : i32
    %and3A_143 = vector.broadcast %and3A_142 : i32 to vector<16xi32>
    %and3A_144 = arith.andi %add3A_141, %and3A_143 : vector<16xi32>
    %swap3A_145 = arith.constant 14 : i32
    %swap3A_146 = arith.index_cast %swap3A_145 : i32 to index
    %swap3A_147 = arith.constant 0 : index
    %swap3A_148 = tpu.vector_load %arg9[%swap3A_146, %swap3A_147] {strides = array<i32>} : memref<16x16xi32, #tpu.memory_space<vmem>>, vector<16xi32>,
    tpu.vector_store %arg9[%swap3A_146, %swap3A_147], %and3A_144 {strides = array<i32>} : memref<16x16xi32, #tpu.memory_space<vmem>>, vector<16xi32>,
    %add3A_149 = arith.constant 15 : i32
    %add3A_150 = vector.broadcast %add3A_149 : i32 to vector<16xi32>
    %add3A_151 = arith.addi %iota3A, %add3A_150 : vector<16xi32>
    %and3A_152 = arith.constant 15 : i32
    %and3A_153 = vector.broadcast %and3A_152 : i32 to vector<16xi32>
    %and3A_154 = arith.andi %add3A_151, %and3A_153 : vector<16xi32>
    %swap3A_155 = arith.constant 15 : i32
    %swap3A_156 = arith.index_cast %swap3A_155 : i32 to index
    %swap3A_157 = arith.constant 0 : index
    %swap3A_158 = tpu.vector_load %arg9[%swap3A_156, %swap3A_157] {strides = array<i32>} : memref<16x16xi32, #tpu.memory_space<vmem>>, vector<16xi32>,
    tpu.vector_store %arg9[%swap3A_156, %swap3A_157], %and3A_154 {strides = array<i32>} : memref<16x16xi32, #tpu.memory_space<vmem>>, vector<16xi32>,
    %lt3A = arith.constant 2 : i32
    %lt3A_159 = arith.cmpi slt, %add3A, %lt3A : i32
    %jit3A = arith.constant 123 : i32
    %jit3A_160 = arith.constant 122 : i32
    %select_n3A = arith.select %lt3A_159, %jit3A, %jit3A_160 : i32
    %mul3A_161 = arith.constant 122 : i32
    %mul3A_162 = arith.muli %add3A, %mul3A_161 : i32
    %min3A = arith.constant 2 : i32
    %min3A_163 = arith.minsi %add3A, %min3A : i32
    %add3A_164 = arith.addi %mul3A_162, %min3A_163 : i32
    %add3A_165 = arith.constant 0 : i32
    %add3A_166 = vector.broadcast %add3A_165 : i32 to vector<16xi32>
    %add3A_167 = arith.addi %add3A_166, %iota3A : vector<16xi32>
    %add3A_168 = arith.constant 16 : i32
    %add3A_169 = vector.broadcast %add3A_168 : i32 to vector<16xi32>
    %add3A_170 = arith.addi %add3A_169, %iota3A : vector<16xi32>
    %add3A_171 = arith.constant 32 : i32
    %add3A_172 = vector.broadcast %add3A_171 : i32 to vector<16xi32>
    %add3A_173 = arith.addi %add3A_172, %iota3A : vector<16xi32>
    %add3A_174 = arith.constant 48 : i32
    %add3A_175 = vector.broadcast %add3A_174 : i32 to vector<16xi32>
    %add3A_176 = arith.addi %add3A_175, %iota3A : vector<16xi32>
    %add3A_177 = arith.constant 64 : i32
    %add3A_178 = vector.broadcast %add3A_177 : i32 to vector<16xi32>
    %add3A_179 = arith.addi %add3A_178, %iota3A : vector<16xi32>
    %add3A_180 = arith.constant 80 : i32
    %add3A_181 = vector.broadcast %add3A_180 : i32 to vector<16xi32>
    %add3A_182 = arith.addi %add3A_181, %iota3A : vector<16xi32>
    %add3A_183 = arith.constant 96 : i32
    %add3A_184 = vector.broadcast %add3A_183 : i32 to vector<16xi32>
    %add3A_185 = arith.addi %add3A_184, %iota3A : vector<16xi32>
    %add3A_186 = arith.constant 112 : i32
    %add3A_187 = vector.broadcast %add3A_186 : i32 to vector<16xi32>
    %add3A_188 = arith.addi %add3A_187, %iota3A : vector<16xi32>
    %mul3A_189 = arith.constant 2 : i32
    %mul3A_190 = vector.broadcast %mul3A_189 : i32 to vector<16xi32>
    %mul3A_191 = arith.muli %iota3A, %mul3A_190 : vector<16xi32>
    %add3A_192 = arith.constant 0 : i32
    %add3A_193 = vector.broadcast %add3A_192 : i32 to vector<16xi32>
    %add3A_194 = arith.addi %add3A_193, %mul3A_191 : vector<16xi32>
    %add3A_195 = arith.constant 0 : i32
    %add3A_196 = vector.broadcast %add3A_195 : i32 to vector<16xi32>
    %add3A_197 = arith.addi %add3A_194, %add3A_196 : vector<16xi32>
    %mul3A_198 = arith.constant 2 : i32
    %mul3A_199 = vector.broadcast %mul3A_198 : i32 to vector<16xi32>
    %mul3A_200 = arith.muli %iota3A, %mul3A_199 : vector<16xi32>
    %add3A_201 = arith.constant 0 : i32
    %add3A_202 = vector.broadcast %add3A_201 : i32 to vector<16xi32>
    %add3A_203 = arith.addi %add3A_202, %mul3A_200 : vector<16xi32>
    %add3A_204 = arith.constant 1 : i32
    %add3A_205 = vector.broadcast %add3A_204 : i32 to vector<16xi32>
    %add3A_206 = arith.addi %add3A_203, %add3A_205 : vector<16xi32>
    %mul3A_207 = arith.constant 2 : i32
    %mul3A_208 = vector.broadcast %mul3A_207 : i32 to vector<16xi32>
    %mul3A_209 = arith.muli %iota3A, %mul3A_208 : vector<16xi32>
    %add3A_210 = arith.constant 32 : i32
    %add3A_211 = vector.broadcast %add3A_210 : i32 to vector<16xi32>
    %add3A_212 = arith.addi %add3A_211, %mul3A_209 : vector<16xi32>
    %add3A_213 = arith.constant 0 : i32
    %add3A_214 = vector.broadcast %add3A_213 : i32 to vector<16xi32>
    %add3A_215 = arith.addi %add3A_212, %add3A_214 : vector<16xi32>
    %mul3A_216 = arith.constant 2 : i32
    %mul3A_217 = vector.broadcast %mul3A_216 : i32 to vector<16xi32>
    %mul3A_218 = arith.muli %iota3A, %mul3A_217 : vector<16xi32>
    %add3A_219 = arith.constant 32 : i32
    %add3A_220 = vector.broadcast %add3A_219 : i32 to vector<16xi32>
    %add3A_221 = arith.addi %add3A_220, %mul3A_218 : vector<16xi32>
    %add3A_222 = arith.constant 1 : i32
    %add3A_223 = vector.broadcast %add3A_222 : i32 to vector<16xi32>
    %add3A_224 = arith.addi %add3A_221, %add3A_223 : vector<16xi32>
    %mul3A_225 = arith.constant 2 : i32
    %mul3A_226 = vector.broadcast %mul3A_225 : i32 to vector<16xi32>
    %mul3A_227 = arith.muli %iota3A, %mul3A_226 : vector<16xi32>
    %add3A_228 = arith.constant 64 : i32
    %add3A_229 = vector.broadcast %add3A_228 : i32 to vector<16xi32>
    %add3A_230 = arith.addi %add3A_229, %mul3A_227 : vector<16xi32>
    %add3A_231 = arith.constant 0 : i32
    %add3A_232 = vector.broadcast %add3A_231 : i32 to vector<16xi32>
    %add3A_233 = arith.addi %add3A_230, %add3A_232 : vector<16xi32>
    %mul3A_234 = arith.constant 2 : i32
    %mul3A_235 = vector.broadcast %mul3A_234 : i32 to vector<16xi32>
    %mul3A_236 = arith.muli %iota3A, %mul3A_235 : vector<16xi32>
    %add3A_237 = arith.constant 64 : i32
    %add3A_238 = vector.broadcast %add3A_237 : i32 to vector<16xi32>
    %add3A_239 = arith.addi %add3A_238, %mul3A_236 : vector<16xi32>
    %add3A_240 = arith.constant 1 : i32
    %add3A_241 = vector.broadcast %add3A_240 : i32 to vector<16xi32>
    %add3A_242 = arith.addi %add3A_239, %add3A_241 : vector<16xi32>
    %mul3A_243 = arith.constant 2 : i32
    %mul3A_244 = vector.broadcast %mul3A_243 : i32 to vector<16xi32>
    %mul3A_245 = arith.muli %iota3A, %mul3A_244 : vector<16xi32>
    %add3A_246 = arith.constant 96 : i32
    %add3A_247 = vector.broadcast %add3A_246 : i32 to vector<16xi32>
    %add3A_248 = arith.addi %add3A_247, %mul3A_245 : vector<16xi32>
    %add3A_249 = arith.constant 0 : i32
    %add3A_250 = vector.broadcast %add3A_249 : i32 to vector<16xi32>
    %add3A_251 = arith.addi %add3A_248, %add3A_250 : vector<16xi32>
    %mul3A_252 = arith.constant 2 : i32
    %mul3A_253 = vector.broadcast %mul3A_252 : i32 to vector<16xi32>
    %mul3A_254 = arith.muli %iota3A, %mul3A_253 : vector<16xi32>
    %add3A_255 = arith.constant 96 : i32
    %add3A_256 = vector.broadcast %add3A_255 : i32 to vector<16xi32>
    %add3A_257 = arith.addi %add3A_256, %mul3A_254 : vector<16xi32>
    %add3A_258 = arith.constant 1 : i32
    %add3A_259 = vector.broadcast %add3A_258 : i32 to vector<16xi32>
    %add3A_260 = arith.addi %add3A_257, %add3A_259 : vector<16xi32>
    %mul3A_261 = arith.constant 2 : i32
    %mul3A_262 = vector.broadcast %mul3A_261 : i32 to vector<16xi32>
    %mul3A_263 = arith.muli %iota3A, %mul3A_262 : vector<16xi32>
    %add3A_264 = arith.constant 128 : i32
    %add3A_265 = vector.broadcast %add3A_264 : i32 to vector<16xi32>
    %add3A_266 = arith.addi %add3A_265, %mul3A_263 : vector<16xi32>
    %add3A_267 = arith.constant 0 : i32
    %add3A_268 = vector.broadcast %add3A_267 : i32 to vector<16xi32>
    %add3A_269 = arith.addi %add3A_266, %add3A_268 : vector<16xi32>
    %mul3A_270 = arith.constant 2 : i32
    %mul3A_271 = vector.broadcast %mul3A_270 : i32 to vector<16xi32>
    %mul3A_272 = arith.muli %iota3A, %mul3A_271 : vector<16xi32>
    %add3A_273 = arith.constant 128 : i32
    %add3A_274 = vector.broadcast %add3A_273 : i32 to vector<16xi32>
    %add3A_275 = arith.addi %add3A_274, %mul3A_272 : vector<16xi32>
    %add3A_276 = arith.constant 1 : i32
    %add3A_277 = vector.broadcast %add3A_276 : i32 to vector<16xi32>
    %add3A_278 = arith.addi %add3A_275, %add3A_277 : vector<16xi32>
    %mul3A_279 = arith.constant 2 : i32
    %mul3A_280 = vector.broadcast %mul3A_279 : i32 to vector<16xi32>
    %mul3A_281 = arith.muli %iota3A, %mul3A_280 : vector<16xi32>
    %add3A_282 = arith.constant 160 : i32
    %add3A_283 = vector.broadcast %add3A_282 : i32 to vector<16xi32>
    %add3A_284 = arith.addi %add3A_283, %mul3A_281 : vector<16xi32>
    %add3A_285 = arith.constant 0 : i32
    %add3A_286 = vector.broadcast %add3A_285 : i32 to vector<16xi32>
    %add3A_287 = arith.addi %add3A_284, %add3A_286 : vector<16xi32>
    %mul3A_288 = arith.constant 2 : i32
    %mul3A_289 = vector.broadcast %mul3A_288 : i32 to vector<16xi32>
    %mul3A_290 = arith.muli %iota3A, %mul3A_289 : vector<16xi32>
    %add3A_291 = arith.constant 160 : i32
    %add3A_292 = vector.broadcast %add3A_291 : i32 to vector<16xi32>
    %add3A_293 = arith.addi %add3A_292, %mul3A_290 : vector<16xi32>
    %add3A_294 = arith.constant 1 : i32
    %add3A_295 = vector.broadcast %add3A_294 : i32 to vector<16xi32>
    %add3A_296 = arith.addi %add3A_293, %add3A_295 : vector<16xi32>
    %mul3A_297 = arith.constant 2 : i32
    %mul3A_298 = vector.broadcast %mul3A_297 : i32 to vector<16xi32>
    %mul3A_299 = arith.muli %iota3A, %mul3A_298 : vector<16xi32>
    %add3A_300 = arith.constant 192 : i32
    %add3A_301 = vector.broadcast %add3A_300 : i32 to vector<16xi32>
    %add3A_302 = arith.addi %add3A_301, %mul3A_299 : vector<16xi32>
    %add3A_303 = arith.constant 0 : i32
    %add3A_304 = vector.broadcast %add3A_303 : i32 to vector<16xi32>
    %add3A_305 = arith.addi %add3A_302, %add3A_304 : vector<16xi32>
    %mul3A_306 = arith.constant 2 : i32
    %mul3A_307 = vector.broadcast %mul3A_306 : i32 to vector<16xi32>
    %mul3A_308 = arith.muli %iota3A, %mul3A_307 : vector<16xi32>
    %add3A_309 = arith.constant 192 : i32
    %add3A_310 = vector.broadcast %add3A_309 : i32 to vector<16xi32>
    %add3A_311 = arith.addi %add3A_310, %mul3A_308 : vector<16xi32>
    %add3A_312 = arith.constant 1 : i32
    %add3A_313 = vector.broadcast %add3A_312 : i32 to vector<16xi32>
    %add3A_314 = arith.addi %add3A_311, %add3A_313 : vector<16xi32>
    %mul3A_315 = arith.constant 2 : i32
    %mul3A_316 = vector.broadcast %mul3A_315 : i32 to vector<16xi32>
    %mul3A_317 = arith.muli %iota3A, %mul3A_316 : vector<16xi32>
    %add3A_318 = arith.constant 224 : i32
    %add3A_319 = vector.broadcast %add3A_318 : i32 to vector<16xi32>
    %add3A_320 = arith.addi %add3A_319, %mul3A_317 : vector<16xi32>
    %add3A_321 = arith.constant 0 : i32
    %add3A_322 = vector.broadcast %add3A_321 : i32 to vector<16xi32>
    %add3A_323 = arith.addi %add3A_320, %add3A_322 : vector<16xi32>
    %mul3A_324 = arith.constant 2 : i32
    %mul3A_325 = vector.broadcast %mul3A_324 : i32 to vector<16xi32>
    %mul3A_326 = arith.muli %iota3A, %mul3A_325 : vector<16xi32>
    %add3A_327 = arith.constant 224 : i32
    %add3A_328 = vector.broadcast %add3A_327 : i32 to vector<16xi32>
    %add3A_329 = arith.addi %add3A_328, %mul3A_326 : vector<16xi32>
    %add3A_330 = arith.constant 1 : i32
    %add3A_331 = vector.broadcast %add3A_330 : i32 to vector<16xi32>
    %add3A_332 = arith.addi %add3A_329, %add3A_331 : vector<16xi32>
    %gt3A = arith.constant 0 : i32
    %gt3A_333 = arith.cmpi sgt, %select_n3A, %gt3A : i32
    %convert_element_type3A = arith.extui %gt3A_333 : i1 to i32
    %cond3A = arith.constant 0 : i32
    %cond3A_334 = arith.cmpi ne, %convert_element_type3A, %cond3A : i32
    scf.if %cond3A_334 {
      %add3A_359 = arith.constant 0 : i32
      %add3A_360 = arith.addi %add3A_164, %add3A_359 : i32
      %mul3A_361 = arith.constant 256 : i32
      %mul3A_362 = arith.muli %add3A_360, %mul3A_361 : i32
      %dma_start3A = arith.constant 0 : i32
      %dma_start3A_363 = tpu.memref_slice %arg2[%dma_start3A, %mul3A_362] : memref<64x1000000xf32, #tpu.memory_space<hbm>> -> memref<64x256xf32, #tpu.memory_space<hbm>>
      %dma_start3A_364 = arith.constant 0 : i32
      %dma_start3A_365 = tpu.memref_slice %arg2[%dma_start3A_364, %mul3A_362] : memref<64x1000000xf32, #tpu.memory_space<hbm>> -> memref<64x256xf32, #tpu.memory_space<hbm>>
      tpu.enqueue_dma source(%dma_start3A_365 : memref<64x256xf32, #tpu.memory_space<hbm>>) target(%arg5 : memref<64x256xf32, #tpu.memory_space<vmem>>) target_semaphore(%arg10 : memref<!tpu.dma_semaphore, #tpu.memory_space<semaphore_mem>>)
    } else {
    }
    %gt3A_335 = arith.constant 1 : i32
    %gt3A_336 = arith.cmpi sgt, %select_n3A, %gt3A_335 : i32
    %convert_element_type3A_337 = arith.extui %gt3A_336 : i1 to i32
    %cond3A_338 = arith.constant 0 : i32
    %cond3A_339 = arith.cmpi ne, %convert_element_type3A_337, %cond3A_338 : i32
    scf.if %cond3A_339 {
      %add3A_359 = arith.constant 1 : i32
      %add3A_360 = arith.addi %add3A_164, %add3A_359 : i32
      %mul3A_361 = arith.constant 256 : i32
      %mul3A_362 = arith.muli %add3A_360, %mul3A_361 : i32
      %dma_start3A = arith.constant 0 : i32
      %dma_start3A_363 = tpu.memref_slice %arg2[%dma_start3A, %mul3A_362] : memref<64x1000000xf32, #tpu.memory_space<hbm>> -> memref<64x256xf32, #tpu.memory_space<hbm>>
      %dma_start3A_364 = arith.constant 0 : i32
      %dma_start3A_365 = tpu.memref_slice %arg2[%dma_start3A_364, %mul3A_362] : memref<64x1000000xf32, #tpu.memory_space<hbm>> -> memref<64x256xf32, #tpu.memory_space<hbm>>
      tpu.enqueue_dma source(%dma_start3A_365 : memref<64x256xf32, #tpu.memory_space<hbm>>) target(%arg6 : memref<64x256xf32, #tpu.memory_space<vmem>>) target_semaphore(%arg11 : memref<!tpu.dma_semaphore, #tpu.memory_space<semaphore_mem>>)
    } else {
    }
    %scan3A = arith.constant 0 : i32
    %scan3A_340 = arith.constant 0 : i32
    %scan3A_341 = arith.constant 62 : i32
    %scan3A_342 = arith.addi %scan3A_340, %scan3A_341 : i32
    %scan3A_343 = arith.constant 1 : i32
    scf.for %scan3A_359 = %scan3A_340 to %scan3A_342 step %scan3A_343  : i32 {
      %mul3A_360 = arith.constant 2 : i32
      %mul3A_361 = arith.muli %mul3A_360, %scan3A_359 : i32
      %lt3A_362 = arith.cmpi slt, %mul3A_361, %select_n3A : i32
      %convert_element_type3A_363 = arith.extui %lt3A_362 : i1 to i32
      %cond3A_364 = arith.constant 0 : i32
      %cond3A_365 = arith.cmpi ne, %convert_element_type3A_363, %cond3A_364 : i32
      scf.if %cond3A_365 {
        %add3A_374 = arith.addi %add3A_164, %mul3A_361 : i32
        %mul3A_375 = arith.constant 256 : i32
        %mul3A_376 = arith.muli %add3A_374, %mul3A_375 : i32
        %dma_wait3A = arith.constant 0 : i32
        %dma_wait3A_377 = tpu.memref_slice %arg2[%dma_wait3A, %mul3A_376] : memref<64x1000000xf32, #tpu.memory_space<hbm>> -> memref<64x256xf32, #tpu.memory_space<hbm>>
        %dma_wait3A_378 = arith.constant 0 : i32
        %dma_wait3A_379 = tpu.memref_slice %arg2[%dma_wait3A_378, %mul3A_376] : memref<64x1000000xf32, #tpu.memory_space<hbm>> -> memref<64x256xf32, #tpu.memory_space<hbm>>
        tpu.wait_dma2 semaphore(%arg10 : memref<!tpu.dma_semaphore, #tpu.memory_space<semaphore_mem>>) src(%dma_wait3A_379 : memref<64x256xf32, #tpu.memory_space<hbm>>) dst(%arg5 : memref<64x256xf32, #tpu.memory_space<vmem>>)
        %ge3A = arith.constant 2 : i32
        %ge3A_380 = arith.cmpi sge, %mul3A_361, %ge3A : i32
        %convert_element_type3A_381 = arith.extui %ge3A_380 : i1 to i32
        %cond3A_382 = arith.constant 0 : i32
        %cond3A_383 = arith.cmpi ne, %convert_element_type3A_381, %cond3A_382 : i32
        scf.if %cond3A_383 {
          %sub3A = arith.constant 2 : i32
          %sub3A_402 = arith.subi %mul3A_361, %sub3A : i32
          %add3A_403 = arith.addi %add3A_164, %sub3A_402 : i32
          %mul3A_404 = arith.constant 128 : i32
          %mul3A_405 = arith.muli %add3A_403, %mul3A_404 : i32
          %dma_wait3A_406 = arith.constant 0 : i32
          %dma_wait3A_407 = tpu.memref_slice %arg4[%mul3A_405, %dma_wait3A_406] : memref<500000x128xf32, #tpu.memory_space<hbm>> -> memref<128x128xf32, #tpu.memory_space<hbm>>
          %dma_wait3A_408 = arith.constant 0 : i32
          %dma_wait3A_409 = tpu.memref_slice %arg4[%mul3A_405, %dma_wait3A_408] : memref<500000x128xf32, #tpu.memory_space<hbm>> -> memref<128x128xf32, #tpu.memory_space<hbm>>
          tpu.wait_dma2 semaphore(%arg12 : memref<!tpu.dma_semaphore, #tpu.memory_space<semaphore_mem>>) src(%arg7 : memref<128x128xf32, #tpu.memory_space<vmem>>) dst(%dma_wait3A_409 : memref<128x128xf32, #tpu.memory_space<hbm>>)
        } else {
        }
        %scan3A_384 = arith.constant 0 : i32
        %scan3A_385 = arith.constant 0 : i32
        %scan3A_386 = arith.constant 8 : i32
        %scan3A_387 = arith.addi %scan3A_385, %scan3A_386 : i32
        %scan3A_388 = arith.constant 1 : i32
        scf.for %scan3A_402 = %scan3A_385 to %scan3A_387 step %scan3A_388  : i32 {
          %mul3A_403 = arith.constant 2 : i32
          %mul3A_404 = arith.muli %mul3A_403, %scan3A_402 : i32
          %add3A_405 = arith.constant 0 : i32
          %add3A_406 = arith.addi %mul3A_404, %add3A_405 : i32
          %get3A = arith.index_cast %add3A_406 : i32 to index
          %get3A_407 = arith.constant 0 : index
          %get3A_408 = tpu.vector_load %arg9[%get3A, %get3A_407] {strides = array<i32>} : memref<16x16xi32, #tpu.memory_space<vmem>>, vector<16xi32>,
          %add3A_409 = arith.constant 0 : i32
          %add3A_410 = vector.broadcast %add3A_409 : i32 to vector<16xi32>
          %add3A_411 = arith.addi %add3A_410, %get3A_408 : vector<16xi32>
          %add3A_412 = arith.constant 16 : i32
          %add3A_413 = vector.broadcast %add3A_412 : i32 to vector<16xi32>
          %add3A_414 = arith.addi %add3A_413, %get3A_408 : vector<16xi32>
          %add3A_415 = arith.constant 32 : i32
          %add3A_416 = vector.broadcast %add3A_415 : i32 to vector<16xi32>
          %add3A_417 = arith.addi %add3A_416, %get3A_408 : vector<16xi32>
          %add3A_418 = arith.constant 48 : i32
          %add3A_419 = vector.broadcast %add3A_418 : i32 to vector<16xi32>
          %add3A_420 = arith.addi %add3A_419, %get3A_408 : vector<16xi32>
          %add3A_421 = arith.constant 64 : i32
          %add3A_422 = vector.broadcast %add3A_421 : i32 to vector<16xi32>
          %add3A_423 = arith.addi %add3A_422, %get3A_408 : vector<16xi32>
          %add3A_424 = arith.constant 80 : i32
          %add3A_425 = vector.broadcast %add3A_424 : i32 to vector<16xi32>
          %add3A_426 = arith.addi %add3A_425, %get3A_408 : vector<16xi32>
          %add3A_427 = arith.constant 96 : i32
          %add3A_428 = vector.broadcast %add3A_427 : i32 to vector<16xi32>
          %add3A_429 = arith.addi %add3A_428, %get3A_408 : vector<16xi32>
          %add3A_430 = arith.constant 112 : i32
          %add3A_431 = vector.broadcast %add3A_430 : i32 to vector<16xi32>
          %add3A_432 = arith.addi %add3A_431, %get3A_408 : vector<16xi32>
          %sub3A = arith.constant 64 : i32
          %sub3A_433 = vector.broadcast %sub3A : i32 to vector<16xi32>
          %sub3A_434 = arith.subi %add3A_423, %sub3A_433 : vector<16xi32>
          %sub3A_435 = arith.constant 64 : i32
          %sub3A_436 = vector.broadcast %sub3A_435 : i32 to vector<16xi32>
          %sub3A_437 = arith.subi %add3A_426, %sub3A_436 : vector<16xi32>
          %sub3A_438 = arith.constant 64 : i32
          %sub3A_439 = vector.broadcast %sub3A_438 : i32 to vector<16xi32>
          %sub3A_440 = arith.subi %add3A_429, %sub3A_439 : vector<16xi32>
          %sub3A_441 = arith.constant 64 : i32
          %sub3A_442 = vector.broadcast %sub3A_441 : i32 to vector<16xi32>
          %sub3A_443 = arith.subi %add3A_432, %sub3A_442 : vector<16xi32>
          %gather3A = tpu.vector_load_idx %arg5[%add3A_411, %add3A_197] : memref<64x256xf32, #tpu.memory_space<vmem>>[vector<16xi32>, vector<16xi32>], vector<16xf32>,
          tpu.vector_store_idx %arg7[%add3A_167, %add3A_411], %gather3A : memref<128x128xf32, #tpu.memory_space<vmem>>[vector<16xi32>, vector<16xi32>], vector<16xf32>,
          %gather3A_444 = tpu.vector_load_idx %arg5[%add3A_414, %add3A_197] : memref<64x256xf32, #tpu.memory_space<vmem>>[vector<16xi32>, vector<16xi32>], vector<16xf32>,
          tpu.vector_store_idx %arg7[%add3A_167, %add3A_414], %gather3A_444 : memref<128x128xf32, #tpu.memory_space<vmem>>[vector<16xi32>, vector<16xi32>], vector<16xf32>,
          %gather3A_445 = tpu.vector_load_idx %arg5[%add3A_417, %add3A_197] : memref<64x256xf32, #tpu.memory_space<vmem>>[vector<16xi32>, vector<16xi32>], vector<16xf32>,
          tpu.vector_store_idx %arg7[%add3A_167, %add3A_417], %gather3A_445 : memref<128x128xf32, #tpu.memory_space<vmem>>[vector<16xi32>, vector<16xi32>], vector<16xf32>,
          %gather3A_446 = tpu.vector_load_idx %arg5[%add3A_420, %add3A_197] : memref<64x256xf32, #tpu.memory_space<vmem>>[vector<16xi32>, vector<16xi32>], vector<16xf32>,
          tpu.vector_store_idx %arg7[%add3A_167, %add3A_420], %gather3A_446 : memref<128x128xf32, #tpu.memory_space<vmem>>[vector<16xi32>, vector<16xi32>], vector<16xf32>,
          %gather3A_447 = tpu.vector_load_idx %arg5[%sub3A_434, %add3A_206] : memref<64x256xf32, #tpu.memory_space<vmem>>[vector<16xi32>, vector<16xi32>], vector<16xf32>,
          tpu.vector_store_idx %arg7[%add3A_167, %add3A_423], %gather3A_447 : memref<128x128xf32, #tpu.memory_space<vmem>>[vector<16xi32>, vector<16xi32>], vector<16xf32>,
          %gather3A_448 = tpu.vector_load_idx %arg5[%sub3A_437, %add3A_206] : memref<64x256xf32, #tpu.memory_space<vmem>>[vector<16xi32>, vector<16xi32>], vector<16xf32>,
          tpu.vector_store_idx %arg7[%add3A_167, %add3A_426], %gather3A_448 : memref<128x128xf32, #tpu.memory_space<vmem>>[vector<16xi32>, vector<16xi32>], vector<16xf32>,
          %gather3A_449 = tpu.vector_load_idx %arg5[%sub3A_440, %add3A_206] : memref<64x256xf32, #tpu.memory_space<vmem>>[vector<16xi32>, vector<16xi32>], vector<16xf32>,
          tpu.vector_store_idx %arg7[%add3A_167, %add3A_429], %gather3A_449 : memref<128x128xf32, #tpu.memory_space<vmem>>[vector<16xi32>, vector<16xi32>], vector<16xf32>,
          %gather3A_450 = tpu.vector_load_idx %arg5[%sub3A_443, %add3A_206] : memref<64x256xf32, #tpu.memory_space<vmem>>[vector<16xi32>, vector<16xi32>], vector<16xf32>,
          tpu.vector_store_idx %arg7[%add3A_167, %add3A_432], %gather3A_450 : memref<128x128xf32, #tpu.memory_space<vmem>>[vector<16xi32>, vector<16xi32>], vector<16xf32>,
          %gather3A_451 = tpu.vector_load_idx %arg5[%add3A_411, %add3A_215] : memref<64x256xf32, #tpu.memory_space<vmem>>[vector<16xi32>, vector<16xi32>], vector<16xf32>,
          tpu.vector_store_idx %arg7[%add3A_170, %add3A_411], %gather3A_451 : memref<128x128xf32, #tpu.memory_space<vmem>>[vector<16xi32>, vector<16xi32>], vector<16xf32>,
          %gather3A_452 = tpu.vector_load_idx %arg5[%add3A_414, %add3A_215] : memref<64x256xf32, #tpu.memory_space<vmem>>[vector<16xi32>, vector<16xi32>], vector<16xf32>,
          tpu.vector_store_idx %arg7[%add3A_170, %add3A_414], %gather3A_452 : memref<128x128xf32, #tpu.memory_space<vmem>>[vector<16xi32>, vector<16xi32>], vector<16xf32>,
          %gather3A_453 = tpu.vector_load_idx %arg5[%add3A_417, %add3A_215] : memref<64x256xf32, #tpu.memory_space<vmem>>[vector<16xi32>, vector<16xi32>], vector<16xf32>,
          tpu.vector_store_idx %arg7[%add3A_170, %add3A_417], %gather3A_453 : memref<128x128xf32, #tpu.memory_space<vmem>>[vector<16xi32>, vector<16xi32>], vector<16xf32>,
          %gather3A_454 = tpu.vector_load_idx %arg5[%add3A_420, %add3A_215] : memref<64x256xf32, #tpu.memory_space<vmem>>[vector<16xi32>, vector<16xi32>], vector<16xf32>,
          tpu.vector_store_idx %arg7[%add3A_170, %add3A_420], %gather3A_454 : memref<128x128xf32, #tpu.memory_space<vmem>>[vector<16xi32>, vector<16xi32>], vector<16xf32>,
          %gather3A_455 = tpu.vector_load_idx %arg5[%sub3A_434, %add3A_224] : memref<64x256xf32, #tpu.memory_space<vmem>>[vector<16xi32>, vector<16xi32>], vector<16xf32>,
          tpu.vector_store_idx %arg7[%add3A_170, %add3A_423], %gather3A_455 : memref<128x128xf32, #tpu.memory_space<vmem>>[vector<16xi32>, vector<16xi32>], vector<16xf32>,
          %gather3A_456 = tpu.vector_load_idx %arg5[%sub3A_437, %add3A_224] : memref<64x256xf32, #tpu.memory_space<vmem>>[vector<16xi32>, vector<16xi32>], vector<16xf32>,
          tpu.vector_store_idx %arg7[%add3A_170, %add3A_426], %gather3A_456 : memref<128x128xf32, #tpu.memory_space<vmem>>[vector<16xi32>, vector<16xi32>], vector<16xf32>,
          %gather3A_457 = tpu.vector_load_idx %arg5[%sub3A_440, %add3A_224] : memref<64x256xf32, #tpu.memory_space<vmem>>[vector<16xi32>, vector<16xi32>], vector<16xf32>,
          tpu.vector_store_idx %arg7[%add3A_170, %add3A_429], %gather3A_457 : memref<128x128xf32, #tpu.memory_space<vmem>>[vector<16xi32>, vector<16xi32>], vector<16xf32>,
          %gather3A_458 = tpu.vector_load_idx %arg5[%sub3A_443, %add3A_224] : memref<64x256xf32, #tpu.memory_space<vmem>>[vector<16xi32>, vector<16xi32>], vector<16xf32>,
          tpu.vector_store_idx %arg7[%add3A_170, %add3A_432], %gather3A_458 : memref<128x128xf32, #tpu.memory_space<vmem>>[vector<16xi32>, vector<16xi32>], vector<16xf32>,
          %gather3A_459 = tpu.vector_load_idx %arg5[%add3A_411, %add3A_233] : memref<64x256xf32, #tpu.memory_space<vmem>>[vector<16xi32>, vector<16xi32>], vector<16xf32>,
          tpu.vector_store_idx %arg7[%add3A_173, %add3A_411], %gather3A_459 : memref<128x128xf32, #tpu.memory_space<vmem>>[vector<16xi32>, vector<16xi32>], vector<16xf32>,
          %gather3A_460 = tpu.vector_load_idx %arg5[%add3A_414, %add3A_233] : memref<64x256xf32, #tpu.memory_space<vmem>>[vector<16xi32>, vector<16xi32>], vector<16xf32>,
          tpu.vector_store_idx %arg7[%add3A_173, %add3A_414], %gather3A_460 : memref<128x128xf32, #tpu.memory_space<vmem>>[vector<16xi32>, vector<16xi32>], vector<16xf32>,
          %gather3A_461 = tpu.vector_load_idx %arg5[%add3A_417, %add3A_233] : memref<64x256xf32, #tpu.memory_space<vmem>>[vector<16xi32>, vector<16xi32>], vector<16xf32>,
          tpu.vector_store_idx %arg7[%add3A_173, %add3A_417], %gather3A_461 : memref<128x128xf32, #tpu.memory_space<vmem>>[vector<16xi32>, vector<16xi32>], vector<16xf32>,
          %gather3A_462 = tpu.vector_load_idx %arg5[%add3A_420, %add3A_233] : memref<64x256xf32, #tpu.memory_space<vmem>>[vector<16xi32>, vector<16xi32>], vector<16xf32>,
          tpu.vector_store_idx %arg7[%add3A_173, %add3A_420], %gather3A_462 : memref<128x128xf32, #tpu.memory_space<vmem>>[vector<16xi32>, vector<16xi32>], vector<16xf32>,
          %gather3A_463 = tpu.vector_load_idx %arg5[%sub3A_434, %add3A_242] : memref<64x256xf32, #tpu.memory_space<vmem>>[vector<16xi32>, vector<16xi32>], vector<16xf32>,
          tpu.vector_store_idx %arg7[%add3A_173, %add3A_423], %gather3A_463 : memref<128x128xf32, #tpu.memory_space<vmem>>[vector<16xi32>, vector<16xi32>], vector<16xf32>,
          %gather3A_464 = tpu.vector_load_idx %arg5[%sub3A_437, %add3A_242] : memref<64x256xf32, #tpu.memory_space<vmem>>[vector<16xi32>, vector<16xi32>], vector<16xf32>,
          tpu.vector_store_idx %arg7[%add3A_173, %add3A_426], %gather3A_464 : memref<128x128xf32, #tpu.memory_space<vmem>>[vector<16xi32>, vector<16xi32>], vector<16xf32>,
          %gather3A_465 = tpu.vector_load_idx %arg5[%sub3A_440, %add3A_242] : memref<64x256xf32, #tpu.memory_space<vmem>>[vector<16xi32>, vector<16xi32>], vector<16xf32>,
          tpu.vector_store_idx %arg7[%add3A_173, %add3A_429], %gather3A_465 : memref<128x128xf32, #tpu.memory_space<vmem>>[vector<16xi32>, vector<16xi32>], vector<16xf32>,
          %gather3A_466 = tpu.vector_load_idx %arg5[%sub3A_443, %add3A_242] : memref<64x256xf32, #tpu.memory_space<vmem>>[vector<16xi32>, vector<16xi32>], vector<16xf32>,
          tpu.vector_store_idx %arg7[%add3A_173, %add3A_432], %gather3A_466 : memref<128x128xf32, #tpu.memory_space<vmem>>[vector<16xi32>, vector<16xi32>], vector<16xf32>,
          %gather3A_467 = tpu.vector_load_idx %arg5[%add3A_411, %add3A_251] : memref<64x256xf32, #tpu.memory_space<vmem>>[vector<16xi32>, vector<16xi32>], vector<16xf32>,
          tpu.vector_store_idx %arg7[%add3A_176, %add3A_411], %gather3A_467 : memref<128x128xf32, #tpu.memory_space<vmem>>[vector<16xi32>, vector<16xi32>], vector<16xf32>,
          %gather3A_468 = tpu.vector_load_idx %arg5[%add3A_414, %add3A_251] : memref<64x256xf32, #tpu.memory_space<vmem>>[vector<16xi32>, vector<16xi32>], vector<16xf32>,
          tpu.vector_store_idx %arg7[%add3A_176, %add3A_414], %gather3A_468 : memref<128x128xf32, #tpu.memory_space<vmem>>[vector<16xi32>, vector<16xi32>], vector<16xf32>,
          %gather3A_469 = tpu.vector_load_idx %arg5[%add3A_417, %add3A_251] : memref<64x256xf32, #tpu.memory_space<vmem>>[vector<16xi32>, vector<16xi32>], vector<16xf32>,
          tpu.vector_store_idx %arg7[%add3A_176, %add3A_417], %gather3A_469 : memref<128x128xf32, #tpu.memory_space<vmem>>[vector<16xi32>, vector<16xi32>], vector<16xf32>,
          %gather3A_470 = tpu.vector_load_idx %arg5[%add3A_420, %add3A_251] : memref<64x256xf32, #tpu.memory_space<vmem>>[vector<16xi32>, vector<16xi32>], vector<16xf32>,
          tpu.vector_store_idx %arg7[%add3A_176, %add3A_420], %gather3A_470 : memref<128x128xf32, #tpu.memory_space<vmem>>[vector<16xi32>, vector<16xi32>], vector<16xf32>,
          %gather3A_471 = tpu.vector_load_idx %arg5[%sub3A_434, %add3A_260] : memref<64x256xf32, #tpu.memory_space<vmem>>[vector<16xi32>, vector<16xi32>], vector<16xf32>,
          tpu.vector_store_idx %arg7[%add3A_176, %add3A_423], %gather3A_471 : memref<128x128xf32, #tpu.memory_space<vmem>>[vector<16xi32>, vector<16xi32>], vector<16xf32>,
          %gather3A_472 = tpu.vector_load_idx %arg5[%sub3A_437, %add3A_260] : memref<64x256xf32, #tpu.memory_space<vmem>>[vector<16xi32>, vector<16xi32>], vector<16xf32>,
          tpu.vector_store_idx %arg7[%add3A_176, %add3A_426], %gather3A_472 : memref<128x128xf32, #tpu.memory_space<vmem>>[vector<16xi32>, vector<16xi32>], vector<16xf32>,
          %gather3A_473 = tpu.vector_load_idx %arg5[%sub3A_440, %add3A_260] : memref<64x256xf32, #tpu.memory_space<vmem>>[vector<16xi32>, vector<16xi32>], vector<16xf32>,
          tpu.vector_store_idx %arg7[%add3A_176, %add3A_429], %gather3A_473 : memref<128x128xf32, #tpu.memory_space<vmem>>[vector<16xi32>, vector<16xi32>], vector<16xf32>,
          %gather3A_474 = tpu.vector_load_idx %arg5[%sub3A_443, %add3A_260] : memref<64x256xf32, #tpu.memory_space<vmem>>[vector<16xi32>, vector<16xi32>], vector<16xf32>,
          tpu.vector_store_idx %arg7[%add3A_176, %add3A_432], %gather3A_474 : memref<128x128xf32, #tpu.memory_space<vmem>>[vector<16xi32>, vector<16xi32>], vector<16xf32>,
          %gather3A_475 = tpu.vector_load_idx %arg5[%add3A_411, %add3A_269] : memref<64x256xf32, #tpu.memory_space<vmem>>[vector<16xi32>, vector<16xi32>], vector<16xf32>,
          tpu.vector_store_idx %arg7[%add3A_179, %add3A_411], %gather3A_475 : memref<128x128xf32, #tpu.memory_space<vmem>>[vector<16xi32>, vector<16xi32>], vector<16xf32>,
          %gather3A_476 = tpu.vector_load_idx %arg5[%add3A_414, %add3A_269] : memref<64x256xf32, #tpu.memory_space<vmem>>[vector<16xi32>, vector<16xi32>], vector<16xf32>,
          tpu.vector_store_idx %arg7[%add3A_179, %add3A_414], %gather3A_476 : memref<128x128xf32, #tpu.memory_space<vmem>>[vector<16xi32>, vector<16xi32>], vector<16xf32>,
          %gather3A_477 = tpu.vector_load_idx %arg5[%add3A_417, %add3A_269] : memref<64x256xf32, #tpu.memory_space<vmem>>[vector<16xi32>, vector<16xi32>], vector<16xf32>,
          tpu.vector_store_idx %arg7[%add3A_179, %add3A_417], %gather3A_477 : memref<128x128xf32, #tpu.memory_space<vmem>>[vector<16xi32>, vector<16xi32>], vector<16xf32>,
          %gather3A_478 = tpu.vector_load_idx %arg5[%add3A_420, %add3A_269] : memref<64x256xf32, #tpu.memory_space<vmem>>[vector<16xi32>, vector<16xi32>], vector<16xf32>,
          tpu.vector_store_idx %arg7[%add3A_179, %add3A_420], %gather3A_478 : memref<128x128xf32, #tpu.memory_space<vmem>>[vector<16xi32>, vector<16xi32>], vector<16xf32>,
          %gather3A_479 = tpu.vector_load_idx %arg5[%sub3A_434, %add3A_278] : memref<64x256xf32, #tpu.memory_space<vmem>>[vector<16xi32>, vector<16xi32>], vector<16xf32>,
          tpu.vector_store_idx %arg7[%add3A_179, %add3A_423], %gather3A_479 : memref<128x128xf32, #tpu.memory_space<vmem>>[vector<16xi32>, vector<16xi32>], vector<16xf32>,
          %gather3A_480 = tpu.vector_load_idx %arg5[%sub3A_437, %add3A_278] : memref<64x256xf32, #tpu.memory_space<vmem>>[vector<16xi32>, vector<16xi32>], vector<16xf32>,
          tpu.vector_store_idx %arg7[%add3A_179, %add3A_426], %gather3A_480 : memref<128x128xf32, #tpu.memory_space<vmem>>[vector<16xi32>, vector<16xi32>], vector<16xf32>,
          %gather3A_481 = tpu.vector_load_idx %arg5[%sub3A_440, %add3A_278] : memref<64x256xf32, #tpu.memory_space<vmem>>[vector<16xi32>, vector<16xi32>], vector<16xf32>,
          tpu.vector_store_idx %arg7[%add3A_179, %add3A_429], %gather3A_481 : memref<128x128xf32, #tpu.memory_space<vmem>>[vector<16xi32>, vector<16xi32>], vector<16xf32>,
          %gather3A_482 = tpu.vector_load_idx %arg5[%sub3A_443, %add3A_278] : memref<64x256xf32, #tpu.memory_space<vmem>>[vector<16xi32>, vector<16xi32>], vector<16xf32>,
          tpu.vector_store_idx %arg7[%add3A_179, %add3A_432], %gather3A_482 : memref<128x128xf32, #tpu.memory_space<vmem>>[vector<16xi32>, vector<16xi32>], vector<16xf32>,
          %gather3A_483 = tpu.vector_load_idx %arg5[%add3A_411, %add3A_287] : memref<64x256xf32, #tpu.memory_space<vmem>>[vector<16xi32>, vector<16xi32>], vector<16xf32>,
          tpu.vector_store_idx %arg7[%add3A_182, %add3A_411], %gather3A_483 : memref<128x128xf32, #tpu.memory_space<vmem>>[vector<16xi32>, vector<16xi32>], vector<16xf32>,
          %gather3A_484 = tpu.vector_load_idx %arg5[%add3A_414, %add3A_287] : memref<64x256xf32, #tpu.memory_space<vmem>>[vector<16xi32>, vector<16xi32>], vector<16xf32>,
          tpu.vector_store_idx %arg7[%add3A_182, %add3A_414], %gather3A_484 : memref<128x128xf32, #tpu.memory_space<vmem>>[vector<16xi32>, vector<16xi32>], vector<16xf32>,
          %gather3A_485 = tpu.vector_load_idx %arg5[%add3A_417, %add3A_287] : memref<64x256xf32, #tpu.memory_space<vmem>>[vector<16xi32>, vector<16xi32>], vector<16xf32>,
          tpu.vector_store_idx %arg7[%add3A_182, %add3A_417], %gather3A_485 : memref<128x128xf32, #tpu.memory_space<vmem>>[vector<16xi32>, vector<16xi32>], vector<16xf32>,
          %gather3A_486 = tpu.vector_load_idx %arg5[%add3A_420, %add3A_287] : memref<64x256xf32, #tpu.memory_space<vmem>>[vector<16xi32>, vector<16xi32>], vector<16xf32>,
          tpu.vector_store_idx %arg7[%add3A_182, %add3A_420], %gather3A_486 : memref<128x128xf32, #tpu.memory_space<vmem>>[vector<16xi32>, vector<16xi32>], vector<16xf32>,
          %gather3A_487 = tpu.vector_load_idx %arg5[%sub3A_434, %add3A_296] : memref<64x256xf32, #tpu.memory_space<vmem>>[vector<16xi32>, vector<16xi32>], vector<16xf32>,
          tpu.vector_store_idx %arg7[%add3A_182, %add3A_423], %gather3A_487 : memref<128x128xf32, #tpu.memory_space<vmem>>[vector<16xi32>, vector<16xi32>], vector<16xf32>,
          %gather3A_488 = tpu.vector_load_idx %arg5[%sub3A_437, %add3A_296] : memref<64x256xf32, #tpu.memory_space<vmem>>[vector<16xi32>, vector<16xi32>], vector<16xf32>,
          tpu.vector_store_idx %arg7[%add3A_182, %add3A_426], %gather3A_488 : memref<128x128xf32, #tpu.memory_space<vmem>>[vector<16xi32>, vector<16xi32>], vector<16xf32>,
          %gather3A_489 = tpu.vector_load_idx %arg5[%sub3A_440, %add3A_296] : memref<64x256xf32, #tpu.memory_space<vmem>>[vector<16xi32>, vector<16xi32>], vector<16xf32>,
          tpu.vector_store_idx %arg7[%add3A_182, %add3A_429], %gather3A_489 : memref<128x128xf32, #tpu.memory_space<vmem>>[vector<16xi32>, vector<16xi32>], vector<16xf32>,
          %gather3A_490 = tpu.vector_load_idx %arg5[%sub3A_443, %add3A_296] : memref<64x256xf32, #tpu.memory_space<vmem>>[vector<16xi32>, vector<16xi32>], vector<16xf32>,
          tpu.vector_store_idx %arg7[%add3A_182, %add3A_432], %gather3A_490 : memref<128x128xf32, #tpu.memory_space<vmem>>[vector<16xi32>, vector<16xi32>], vector<16xf32>,
          %gather3A_491 = tpu.vector_load_idx %arg5[%add3A_411, %add3A_305] : memref<64x256xf32, #tpu.memory_space<vmem>>[vector<16xi32>, vector<16xi32>], vector<16xf32>,
          tpu.vector_store_idx %arg7[%add3A_185, %add3A_411], %gather3A_491 : memref<128x128xf32, #tpu.memory_space<vmem>>[vector<16xi32>, vector<16xi32>], vector<16xf32>,
          %gather3A_492 = tpu.vector_load_idx %arg5[%add3A_414, %add3A_305] : memref<64x256xf32, #tpu.memory_space<vmem>>[vector<16xi32>, vector<16xi32>], vector<16xf32>,
          tpu.vector_store_idx %arg7[%add3A_185, %add3A_414], %gather3A_492 : memref<128x128xf32, #tpu.memory_space<vmem>>[vector<16xi32>, vector<16xi32>], vector<16xf32>,
          %gather3A_493 = tpu.vector_load_idx %arg5[%add3A_417, %add3A_305] : memref<64x256xf32, #tpu.memory_space<vmem>>[vector<16xi32>, vector<16xi32>], vector<16xf32>,
          tpu.vector_store_idx %arg7[%add3A_185, %add3A_417], %gather3A_493 : memref<128x128xf32, #tpu.memory_space<vmem>>[vector<16xi32>, vector<16xi32>], vector<16xf32>,
          %gather3A_494 = tpu.vector_load_idx %arg5[%add3A_420, %add3A_305] : memref<64x256xf32, #tpu.memory_space<vmem>>[vector<16xi32>, vector<16xi32>], vector<16xf32>,
          tpu.vector_store_idx %arg7[%add3A_185, %add3A_420], %gather3A_494 : memref<128x128xf32, #tpu.memory_space<vmem>>[vector<16xi32>, vector<16xi32>], vector<16xf32>,
          %gather3A_495 = tpu.vector_load_idx %arg5[%sub3A_434, %add3A_314] : memref<64x256xf32, #tpu.memory_space<vmem>>[vector<16xi32>, vector<16xi32>], vector<16xf32>,
          tpu.vector_store_idx %arg7[%add3A_185, %add3A_423], %gather3A_495 : memref<128x128xf32, #tpu.memory_space<vmem>>[vector<16xi32>, vector<16xi32>], vector<16xf32>,
          %gather3A_496 = tpu.vector_load_idx %arg5[%sub3A_437, %add3A_314] : memref<64x256xf32, #tpu.memory_space<vmem>>[vector<16xi32>, vector<16xi32>], vector<16xf32>,
          tpu.vector_store_idx %arg7[%add3A_185, %add3A_426], %gather3A_496 : memref<128x128xf32, #tpu.memory_space<vmem>>[vector<16xi32>, vector<16xi32>], vector<16xf32>,
          %gather3A_497 = tpu.vector_load_idx %arg5[%sub3A_440, %add3A_314] : memref<64x256xf32, #tpu.memory_space<vmem>>[vector<16xi32>, vector<16xi32>], vector<16xf32>,
          tpu.vector_store_idx %arg7[%add3A_185, %add3A_429], %gather3A_497 : memref<128x128xf32, #tpu.memory_space<vmem>>[vector<16xi32>, vector<16xi32>], vector<16xf32>,
          %gather3A_498 = tpu.vector_load_idx %arg5[%sub3A_443, %add3A_314] : memref<64x256xf32, #tpu.memory_space<vmem>>[vector<16xi32>, vector<16xi32>], vector<16xf32>,
          tpu.vector_store_idx %arg7[%add3A_185, %add3A_432], %gather3A_498 : memref<128x128xf32, #tpu.memory_space<vmem>>[vector<16xi32>, vector<16xi32>], vector<16xf32>,
          %gather3A_499 = tpu.vector_load_idx %arg5[%add3A_411, %add3A_323] : memref<64x256xf32, #tpu.memory_space<vmem>>[vector<16xi32>, vector<16xi32>], vector<16xf32>,
          tpu.vector_store_idx %arg7[%add3A_188, %add3A_411], %gather3A_499 : memref<128x128xf32, #tpu.memory_space<vmem>>[vector<16xi32>, vector<16xi32>], vector<16xf32>,
          %gather3A_500 = tpu.vector_load_idx %arg5[%add3A_414, %add3A_323] : memref<64x256xf32, #tpu.memory_space<vmem>>[vector<16xi32>, vector<16xi32>], vector<16xf32>,
          tpu.vector_store_idx %arg7[%add3A_188, %add3A_414], %gather3A_500 : memref<128x128xf32, #tpu.memory_space<vmem>>[vector<16xi32>, vector<16xi32>], vector<16xf32>,
          %gather3A_501 = tpu.vector_load_idx %arg5[%add3A_417, %add3A_323] : memref<64x256xf32, #tpu.memory_space<vmem>>[vector<16xi32>, vector<16xi32>], vector<16xf32>,
          tpu.vector_store_idx %arg7[%add3A_188, %add3A_417], %gather3A_501 : memref<128x128xf32, #tpu.memory_space<vmem>>[vector<16xi32>, vector<16xi32>], vector<16xf32>,
          %gather3A_502 = tpu.vector_load_idx %arg5[%add3A_420, %add3A_323] : memref<64x256xf32, #tpu.memory_space<vmem>>[vector<16xi32>, vector<16xi32>], vector<16xf32>,
          tpu.vector_store_idx %arg7[%add3A_188, %add3A_420], %gather3A_502 : memref<128x128xf32, #tpu.memory_space<vmem>>[vector<16xi32>, vector<16xi32>], vector<16xf32>,
          %gather3A_503 = tpu.vector_load_idx %arg5[%sub3A_434, %add3A_332] : memref<64x256xf32, #tpu.memory_space<vmem>>[vector<16xi32>, vector<16xi32>], vector<16xf32>,
          tpu.vector_store_idx %arg7[%add3A_188, %add3A_423], %gather3A_503 : memref<128x128xf32, #tpu.memory_space<vmem>>[vector<16xi32>, vector<16xi32>], vector<16xf32>,
          %gather3A_504 = tpu.vector_load_idx %arg5[%sub3A_437, %add3A_332] : memref<64x256xf32, #tpu.memory_space<vmem>>[vector<16xi32>, vector<16xi32>], vector<16xf32>,
          tpu.vector_store_idx %arg7[%add3A_188, %add3A_426], %gather3A_504 : memref<128x128xf32, #tpu.memory_space<vmem>>[vector<16xi32>, vector<16xi32>], vector<16xf32>,
          %gather3A_505 = tpu.vector_load_idx %arg5[%sub3A_440, %add3A_332] : memref<64x256xf32, #tpu.memory_space<vmem>>[vector<16xi32>, vector<16xi32>], vector<16xf32>,
          tpu.vector_store_idx %arg7[%add3A_188, %add3A_429], %gather3A_505 : memref<128x128xf32, #tpu.memory_space<vmem>>[vector<16xi32>, vector<16xi32>], vector<16xf32>,
          %gather3A_506 = tpu.vector_load_idx %arg5[%sub3A_443, %add3A_332] : memref<64x256xf32, #tpu.memory_space<vmem>>[vector<16xi32>, vector<16xi32>], vector<16xf32>,
          tpu.vector_store_idx %arg7[%add3A_188, %add3A_432], %gather3A_506 : memref<128x128xf32, #tpu.memory_space<vmem>>[vector<16xi32>, vector<16xi32>], vector<16xf32>,
          %mul3A_507 = arith.constant 2 : i32
          %mul3A_508 = arith.muli %mul3A_507, %scan3A_402 : i32
          %add3A_509 = arith.constant 1 : i32
          %add3A_510 = arith.addi %mul3A_508, %add3A_509 : i32
          %get3A_511 = arith.index_cast %add3A_510 : i32 to index
          %get3A_512 = arith.constant 0 : index
          %get3A_513 = tpu.vector_load %arg9[%get3A_511, %get3A_512] {strides = array<i32>} : memref<16x16xi32, #tpu.memory_space<vmem>>, vector<16xi32>,
          %add3A_514 = arith.constant 0 : i32
          %add3A_515 = vector.broadcast %add3A_514 : i32 to vector<16xi32>
          %add3A_516 = arith.addi %add3A_515, %get3A_513 : vector<16xi32>
          %add3A_517 = arith.constant 16 : i32
          %add3A_518 = vector.broadcast %add3A_517 : i32 to vector<16xi32>
          %add3A_519 = arith.addi %add3A_518, %get3A_513 : vector<16xi32>
          %add3A_520 = arith.constant 32 : i32
          %add3A_521 = vector.broadcast %add3A_520 : i32 to vector<16xi32>
          %add3A_522 = arith.addi %add3A_521, %get3A_513 : vector<16xi32>
          %add3A_523 = arith.constant 48 : i32
          %add3A_524 = vector.broadcast %add3A_523 : i32 to vector<16xi32>
          %add3A_525 = arith.addi %add3A_524, %get3A_513 : vector<16xi32>
          %add3A_526 = arith.constant 64 : i32
          %add3A_527 = vector.broadcast %add3A_526 : i32 to vector<16xi32>
          %add3A_528 = arith.addi %add3A_527, %get3A_513 : vector<16xi32>
          %add3A_529 = arith.constant 80 : i32
          %add3A_530 = vector.broadcast %add3A_529 : i32 to vector<16xi32>
          %add3A_531 = arith.addi %add3A_530, %get3A_513 : vector<16xi32>
          %add3A_532 = arith.constant 96 : i32
          %add3A_533 = vector.broadcast %add3A_532 : i32 to vector<16xi32>
          %add3A_534 = arith.addi %add3A_533, %get3A_513 : vector<16xi32>
          %add3A_535 = arith.constant 112 : i32
          %add3A_536 = vector.broadcast %add3A_535 : i32 to vector<16xi32>
          %add3A_537 = arith.addi %add3A_536, %get3A_513 : vector<16xi32>
          %sub3A_538 = arith.constant 64 : i32
          %sub3A_539 = vector.broadcast %sub3A_538 : i32 to vector<16xi32>
          %sub3A_540 = arith.subi %add3A_528, %sub3A_539 : vector<16xi32>
          %sub3A_541 = arith.constant 64 : i32
          %sub3A_542 = vector.broadcast %sub3A_541 : i32 to vector<16xi32>
          %sub3A_543 = arith.subi %add3A_531, %sub3A_542 : vector<16xi32>
          %sub3A_544 = arith.constant 64 : i32
          %sub3A_545 = vector.broadcast %sub3A_544 : i32 to vector<16xi32>
          %sub3A_546 = arith.subi %add3A_534, %sub3A_545 : vector<16xi32>
          %sub3A_547 = arith.constant 64 : i32
          %sub3A_548 = vector.broadcast %sub3A_547 : i32 to vector<16xi32>
          %sub3A_549 = arith.subi %add3A_537, %sub3A_548 : vector<16xi32>
          %gather3A_550 = tpu.vector_load_idx %arg5[%add3A_516, %add3A_197] : memref<64x256xf32, #tpu.memory_space<vmem>>[vector<16xi32>, vector<16xi32>], vector<16xf32>,
          tpu.vector_store_idx %arg7[%add3A_167, %add3A_516], %gather3A_550 : memref<128x128xf32, #tpu.memory_space<vmem>>[vector<16xi32>, vector<16xi32>], vector<16xf32>,
          %gather3A_551 = tpu.vector_load_idx %arg5[%add3A_519, %add3A_197] : memref<64x256xf32, #tpu.memory_space<vmem>>[vector<16xi32>, vector<16xi32>], vector<16xf32>,
          tpu.vector_store_idx %arg7[%add3A_167, %add3A_519], %gather3A_551 : memref<128x128xf32, #tpu.memory_space<vmem>>[vector<16xi32>, vector<16xi32>], vector<16xf32>,
          %gather3A_552 = tpu.vector_load_idx %arg5[%add3A_522, %add3A_197] : memref<64x256xf32, #tpu.memory_space<vmem>>[vector<16xi32>, vector<16xi32>], vector<16xf32>,
          tpu.vector_store_idx %arg7[%add3A_167, %add3A_522], %gather3A_552 : memref<128x128xf32, #tpu.memory_space<vmem>>[vector<16xi32>, vector<16xi32>], vector<16xf32>,
          %gather3A_553 = tpu.vector_load_idx %arg5[%add3A_525, %add3A_197] : memref<64x256xf32, #tpu.memory_space<vmem>>[vector<16xi32>, vector<16xi32>], vector<16xf32>,
          tpu.vector_store_idx %arg7[%add3A_167, %add3A_525], %gather3A_553 : memref<128x128xf32, #tpu.memory_space<vmem>>[vector<16xi32>, vector<16xi32>], vector<16xf32>,
          %gather3A_554 = tpu.vector_load_idx %arg5[%sub3A_540, %add3A_206] : memref<64x256xf32, #tpu.memory_space<vmem>>[vector<16xi32>, vector<16xi32>], vector<16xf32>,
          tpu.vector_store_idx %arg7[%add3A_167, %add3A_528], %gather3A_554 : memref<128x128xf32, #tpu.memory_space<vmem>>[vector<16xi32>, vector<16xi32>], vector<16xf32>,
          %gather3A_555 = tpu.vector_load_idx %arg5[%sub3A_543, %add3A_206] : memref<64x256xf32, #tpu.memory_space<vmem>>[vector<16xi32>, vector<16xi32>], vector<16xf32>,
          tpu.vector_store_idx %arg7[%add3A_167, %add3A_531], %gather3A_555 : memref<128x128xf32, #tpu.memory_space<vmem>>[vector<16xi32>, vector<16xi32>], vector<16xf32>,
          %gather3A_556 = tpu.vector_load_idx %arg5[%sub3A_546, %add3A_206] : memref<64x256xf32, #tpu.memory_space<vmem>>[vector<16xi32>, vector<16xi32>], vector<16xf32>,
          tpu.vector_store_idx %arg7[%add3A_167, %add3A_534], %gather3A_556 : memref<128x128xf32, #tpu.memory_space<vmem>>[vector<16xi32>, vector<16xi32>], vector<16xf32>,
          %gather3A_557 = tpu.vector_load_idx %arg5[%sub3A_549, %add3A_206] : memref<64x256xf32, #tpu.memory_space<vmem>>[vector<16xi32>, vector<16xi32>], vector<16xf32>,
          tpu.vector_store_idx %arg7[%add3A_167, %add3A_537], %gather3A_557 : memref<128x128xf32, #tpu.memory_space<vmem>>[vector<16xi32>, vector<16xi32>], vector<16xf32>,
          %gather3A_558 = tpu.vector_load_idx %arg5[%add3A_516, %add3A_215] : memref<64x256xf32, #tpu.memory_space<vmem>>[vector<16xi32>, vector<16xi32>], vector<16xf32>,
          tpu.vector_store_idx %arg7[%add3A_170, %add3A_516], %gather3A_558 : memref<128x128xf32, #tpu.memory_space<vmem>>[vector<16xi32>, vector<16xi32>], vector<16xf32>,
          %gather3A_559 = tpu.vector_load_idx %arg5[%add3A_519, %add3A_215] : memref<64x256xf32, #tpu.memory_space<vmem>>[vector<16xi32>, vector<16xi32>], vector<16xf32>,
          tpu.vector_store_idx %arg7[%add3A_170, %add3A_519], %gather3A_559 : memref<128x128xf32, #tpu.memory_space<vmem>>[vector<16xi32>, vector<16xi32>], vector<16xf32>,
          %gather3A_560 = tpu.vector_load_idx %arg5[%add3A_522, %add3A_215] : memref<64x256xf32, #tpu.memory_space<vmem>>[vector<16xi32>, vector<16xi32>], vector<16xf32>,
          tpu.vector_store_idx %arg7[%add3A_170, %add3A_522], %gather3A_560 : memref<128x128xf32, #tpu.memory_space<vmem>>[vector<16xi32>, vector<16xi32>], vector<16xf32>,
          %gather3A_561 = tpu.vector_load_idx %arg5[%add3A_525, %add3A_215] : memref<64x256xf32, #tpu.memory_space<vmem>>[vector<16xi32>, vector<16xi32>], vector<16xf32>,
          tpu.vector_store_idx %arg7[%add3A_170, %add3A_525], %gather3A_561 : memref<128x128xf32, #tpu.memory_space<vmem>>[vector<16xi32>, vector<16xi32>], vector<16xf32>,
          %gather3A_562 = tpu.vector_load_idx %arg5[%sub3A_540, %add3A_224] : memref<64x256xf32, #tpu.memory_space<vmem>>[vector<16xi32>, vector<16xi32>], vector<16xf32>,
          tpu.vector_store_idx %arg7[%add3A_170, %add3A_528], %gather3A_562 : memref<128x128xf32, #tpu.memory_space<vmem>>[vector<16xi32>, vector<16xi32>], vector<16xf32>,
          %gather3A_563 = tpu.vector_load_idx %arg5[%sub3A_543, %add3A_224] : memref<64x256xf32, #tpu.memory_space<vmem>>[vector<16xi32>, vector<16xi32>], vector<16xf32>,
          tpu.vector_store_idx %arg7[%add3A_170, %add3A_531], %gather3A_563 : memref<128x128xf32, #tpu.memory_space<vmem>>[vector<16xi32>, vector<16xi32>], vector<16xf32>,
          %gather3A_564 = tpu.vector_load_idx %arg5[%sub3A_546, %add3A_224] : memref<64x256xf32, #tpu.memory_space<vmem>>[vector<16xi32>, vector<16xi32>], vector<16xf32>,
          tpu.vector_store_idx %arg7[%add3A_170, %add3A_534], %gather3A_564 : memref<128x128xf32, #tpu.memory_space<vmem>>[vector<16xi32>, vector<16xi32>], vector<16xf32>,
          %gather3A_565 = tpu.vector_load_idx %arg5[%sub3A_549, %add3A_224] : memref<64x256xf32, #tpu.memory_space<vmem>>[vector<16xi32>, vector<16xi32>], vector<16xf32>,
          tpu.vector_store_idx %arg7[%add3A_170, %add3A_537], %gather3A_565 : memref<128x128xf32, #tpu.memory_space<vmem>>[vector<16xi32>, vector<16xi32>], vector<16xf32>,
          %gather3A_566 = tpu.vector_load_idx %arg5[%add3A_516, %add3A_233] : memref<64x256xf32, #tpu.memory_space<vmem>>[vector<16xi32>, vector<16xi32>], vector<16xf32>,
          tpu.vector_store_idx %arg7[%add3A_173, %add3A_516], %gather3A_566 : memref<128x128xf32, #tpu.memory_space<vmem>>[vector<16xi32>, vector<16xi32>], vector<16xf32>,
          %gather3A_567 = tpu.vector_load_idx %arg5[%add3A_519, %add3A_233] : memref<64x256xf32, #tpu.memory_space<vmem>>[vector<16xi32>, vector<16xi32>], vector<16xf32>,
          tpu.vector_store_idx %arg7[%add3A_173, %add3A_519], %gather3A_567 : memref<128x128xf32, #tpu.memory_space<vmem>>[vector<16xi32>, vector<16xi32>], vector<16xf32>,
          %gather3A_568 = tpu.vector_load_idx %arg5[%add3A_522, %add3A_233] : memref<64x256xf32, #tpu.memory_space<vmem>>[vector<16xi32>, vector<16xi32>], vector<16xf32>,
          tpu.vector_store_idx %arg7[%add3A_173, %add3A_522], %gather3A_568 : memref<128x128xf32, #tpu.memory_space<vmem>>[vector<16xi32>, vector<16xi32>], vector<16xf32>,
          %gather3A_569 = tpu.vector_load_idx %arg5[%add3A_525, %add3A_233] : memref<64x256xf32, #tpu.memory_space<vmem>>[vector<16xi32>, vector<16xi32>], vector<16xf32>,
          tpu.vector_store_idx %arg7[%add3A_173, %add3A_525], %gather3A_569 : memref<128x128xf32, #tpu.memory_space<vmem>>[vector<16xi32>, vector<16xi32>], vector<16xf32>,
          %gather3A_570 = tpu.vector_load_idx %arg5[%sub3A_540, %add3A_242] : memref<64x256xf32, #tpu.memory_space<vmem>>[vector<16xi32>, vector<16xi32>], vector<16xf32>,
          tpu.vector_store_idx %arg7[%add3A_173, %add3A_528], %gather3A_570 : memref<128x128xf32, #tpu.memory_space<vmem>>[vector<16xi32>, vector<16xi32>], vector<16xf32>,
          %gather3A_571 = tpu.vector_load_idx %arg5[%sub3A_543, %add3A_242] : memref<64x256xf32, #tpu.memory_space<vmem>>[vector<16xi32>, vector<16xi32>], vector<16xf32>,
          tpu.vector_store_idx %arg7[%add3A_173, %add3A_531], %gather3A_571 : memref<128x128xf32, #tpu.memory_space<vmem>>[vector<16xi32>, vector<16xi32>], vector<16xf32>,
          %gather3A_572 = tpu.vector_load_idx %arg5[%sub3A_546, %add3A_242] : memref<64x256xf32, #tpu.memory_space<vmem>>[vector<16xi32>, vector<16xi32>], vector<16xf32>,
          tpu.vector_store_idx %arg7[%add3A_173, %add3A_534], %gather3A_572 : memref<128x128xf32, #tpu.memory_space<vmem>>[vector<16xi32>, vector<16xi32>], vector<16xf32>,
          %gather3A_573 = tpu.vector_load_idx %arg5[%sub3A_549, %add3A_242] : memref<64x256xf32, #tpu.memory_space<vmem>>[vector<16xi32>, vector<16xi32>], vector<16xf32>,
          tpu.vector_store_idx %arg7[%add3A_173, %add3A_537], %gather3A_573 : memref<128x128xf32, #tpu.memory_space<vmem>>[vector<16xi32>, vector<16xi32>], vector<16xf32>,
          %gather3A_574 = tpu.vector_load_idx %arg5[%add3A_516, %add3A_251] : memref<64x256xf32, #tpu.memory_space<vmem>>[vector<16xi32>, vector<16xi32>], vector<16xf32>,
          tpu.vector_store_idx %arg7[%add3A_176, %add3A_516], %gather3A_574 : memref<128x128xf32, #tpu.memory_space<vmem>>[vector<16xi32>, vector<16xi32>], vector<16xf32>,
          %gather3A_575 = tpu.vector_load_idx %arg5[%add3A_519, %add3A_251] : memref<64x256xf32, #tpu.memory_space<vmem>>[vector<16xi32>, vector<16xi32>], vector<16xf32>,
          tpu.vector_store_idx %arg7[%add3A_176, %add3A_519], %gather3A_575 : memref<128x128xf32, #tpu.memory_space<vmem>>[vector<16xi32>, vector<16xi32>], vector<16xf32>,
          %gather3A_576 = tpu.vector_load_idx %arg5[%add3A_522, %add3A_251] : memref<64x256xf32, #tpu.memory_space<vmem>>[vector<16xi32>, vector<16xi32>], vector<16xf32>,
          tpu.vector_store_idx %arg7[%add3A_176, %add3A_522], %gather3A_576 : memref<128x128xf32, #tpu.memory_space<vmem>>[vector<16xi32>, vector<16xi32>], vector<16xf32>,
          %gather3A_577 = tpu.vector_load_idx %arg5[%add3A_525, %add3A_251] : memref<64x256xf32, #tpu.memory_space<vmem>>[vector<16xi32>, vector<16xi32>], vector<16xf32>,
          tpu.vector_store_idx %arg7[%add3A_176, %add3A_525], %gather3A_577 : memref<128x128xf32, #tpu.memory_space<vmem>>[vector<16xi32>, vector<16xi32>], vector<16xf32>,
          %gather3A_578 = tpu.vector_load_idx %arg5[%sub3A_540, %add3A_260] : memref<64x256xf32, #tpu.memory_space<vmem>>[vector<16xi32>, vector<16xi32>], vector<16xf32>,
          tpu.vector_store_idx %arg7[%add3A_176, %add3A_528], %gather3A_578 : memref<128x128xf32, #tpu.memory_space<vmem>>[vector<16xi32>, vector<16xi32>], vector<16xf32>,
          %gather3A_579 = tpu.vector_load_idx %arg5[%sub3A_543, %add3A_260] : memref<64x256xf32, #tpu.memory_space<vmem>>[vector<16xi32>, vector<16xi32>], vector<16xf32>,
          tpu.vector_store_idx %arg7[%add3A_176, %add3A_531], %gather3A_579 : memref<128x128xf32, #tpu.memory_space<vmem>>[vector<16xi32>, vector<16xi32>], vector<16xf32>,
          %gather3A_580 = tpu.vector_load_idx %arg5[%sub3A_546, %add3A_260] : memref<64x256xf32, #tpu.memory_space<vmem>>[vector<16xi32>, vector<16xi32>], vector<16xf32>,
          tpu.vector_store_idx %arg7[%add3A_176, %add3A_534], %gather3A_580 : memref<128x128xf32, #tpu.memory_space<vmem>>[vector<16xi32>, vector<16xi32>], vector<16xf32>,
          %gather3A_581 = tpu.vector_load_idx %arg5[%sub3A_549, %add3A_260] : memref<64x256xf32, #tpu.memory_space<vmem>>[vector<16xi32>, vector<16xi32>], vector<16xf32>,
          tpu.vector_store_idx %arg7[%add3A_176, %add3A_537], %gather3A_581 : memref<128x128xf32, #tpu.memory_space<vmem>>[vector<16xi32>, vector<16xi32>], vector<16xf32>,
          %gather3A_582 = tpu.vector_load_idx %arg5[%add3A_516, %add3A_269] : memref<64x256xf32, #tpu.memory_space<vmem>>[vector<16xi32>, vector<16xi32>], vector<16xf32>,
          tpu.vector_store_idx %arg7[%add3A_179, %add3A_516], %gather3A_582 : memref<128x128xf32, #tpu.memory_space<vmem>>[vector<16xi32>, vector<16xi32>], vector<16xf32>,
          %gather3A_583 = tpu.vector_load_idx %arg5[%add3A_519, %add3A_269] : memref<64x256xf32, #tpu.memory_space<vmem>>[vector<16xi32>, vector<16xi32>], vector<16xf32>,
          tpu.vector_store_idx %arg7[%add3A_179, %add3A_519], %gather3A_583 : memref<128x128xf32, #tpu.memory_space<vmem>>[vector<16xi32>, vector<16xi32>], vector<16xf32>,
          %gather3A_584 = tpu.vector_load_idx %arg5[%add3A_522, %add3A_269] : memref<64x256xf32, #tpu.memory_space<vmem>>[vector<16xi32>, vector<16xi32>], vector<16xf32>,
          tpu.vector_store_idx %arg7[%add3A_179, %add3A_522], %gather3A_584 : memref<128x128xf32, #tpu.memory_space<vmem>>[vector<16xi32>, vector<16xi32>], vector<16xf32>,
          %gather3A_585 = tpu.vector_load_idx %arg5[%add3A_525, %add3A_269] : memref<64x256xf32, #tpu.memory_space<vmem>>[vector<16xi32>, vector<16xi32>], vector<16xf32>,
          tpu.vector_store_idx %arg7[%add3A_179, %add3A_525], %gather3A_585 : memref<128x128xf32, #tpu.memory_space<vmem>>[vector<16xi32>, vector<16xi32>], vector<16xf32>,
          %gather3A_586 = tpu.vector_load_idx %arg5[%sub3A_540, %add3A_278] : memref<64x256xf32, #tpu.memory_space<vmem>>[vector<16xi32>, vector<16xi32>], vector<16xf32>,
          tpu.vector_store_idx %arg7[%add3A_179, %add3A_528], %gather3A_586 : memref<128x128xf32, #tpu.memory_space<vmem>>[vector<16xi32>, vector<16xi32>], vector<16xf32>,
          %gather3A_587 = tpu.vector_load_idx %arg5[%sub3A_543, %add3A_278] : memref<64x256xf32, #tpu.memory_space<vmem>>[vector<16xi32>, vector<16xi32>], vector<16xf32>,
          tpu.vector_store_idx %arg7[%add3A_179, %add3A_531], %gather3A_587 : memref<128x128xf32, #tpu.memory_space<vmem>>[vector<16xi32>, vector<16xi32>], vector<16xf32>,
          %gather3A_588 = tpu.vector_load_idx %arg5[%sub3A_546, %add3A_278] : memref<64x256xf32, #tpu.memory_space<vmem>>[vector<16xi32>, vector<16xi32>], vector<16xf32>,
          tpu.vector_store_idx %arg7[%add3A_179, %add3A_534], %gather3A_588 : memref<128x128xf32, #tpu.memory_space<vmem>>[vector<16xi32>, vector<16xi32>], vector<16xf32>,
          %gather3A_589 = tpu.vector_load_idx %arg5[%sub3A_549, %add3A_278] : memref<64x256xf32, #tpu.memory_space<vmem>>[vector<16xi32>, vector<16xi32>], vector<16xf32>,
          tpu.vector_store_idx %arg7[%add3A_179, %add3A_537], %gather3A_589 : memref<128x128xf32, #tpu.memory_space<vmem>>[vector<16xi32>, vector<16xi32>], vector<16xf32>,
          %gather3A_590 = tpu.vector_load_idx %arg5[%add3A_516, %add3A_287] : memref<64x256xf32, #tpu.memory_space<vmem>>[vector<16xi32>, vector<16xi32>], vector<16xf32>,
          tpu.vector_store_idx %arg7[%add3A_182, %add3A_516], %gather3A_590 : memref<128x128xf32, #tpu.memory_space<vmem>>[vector<16xi32>, vector<16xi32>], vector<16xf32>,
          %gather3A_591 = tpu.vector_load_idx %arg5[%add3A_519, %add3A_287] : memref<64x256xf32, #tpu.memory_space<vmem>>[vector<16xi32>, vector<16xi32>], vector<16xf32>,
          tpu.vector_store_idx %arg7[%add3A_182, %add3A_519], %gather3A_591 : memref<128x128xf32, #tpu.memory_space<vmem>>[vector<16xi32>, vector<16xi32>], vector<16xf32>,
          %gather3A_592 = tpu.vector_load_idx %arg5[%add3A_522, %add3A_287] : memref<64x256xf32, #tpu.memory_space<vmem>>[vector<16xi32>, vector<16xi32>], vector<16xf32>,
          tpu.vector_store_idx %arg7[%add3A_182, %add3A_522], %gather3A_592 : memref<128x128xf32, #tpu.memory_space<vmem>>[vector<16xi32>, vector<16xi32>], vector<16xf32>,
          %gather3A_593 = tpu.vector_load_idx %arg5[%add3A_525, %add3A_287] : memref<64x256xf32, #tpu.memory_space<vmem>>[vector<16xi32>, vector<16xi32>], vector<16xf32>,
          tpu.vector_store_idx %arg7[%add3A_182, %add3A_525], %gather3A_593 : memref<128x128xf32, #tpu.memory_space<vmem>>[vector<16xi32>, vector<16xi32>], vector<16xf32>,
          %gather3A_594 = tpu.vector_load_idx %arg5[%sub3A_540, %add3A_296] : memref<64x256xf32, #tpu.memory_space<vmem>>[vector<16xi32>, vector<16xi32>], vector<16xf32>,
          tpu.vector_store_idx %arg7[%add3A_182, %add3A_528], %gather3A_594 : memref<128x128xf32, #tpu.memory_space<vmem>>[vector<16xi32>, vector<16xi32>], vector<16xf32>,
          %gather3A_595 = tpu.vector_load_idx %arg5[%sub3A_543, %add3A_296] : memref<64x256xf32, #tpu.memory_space<vmem>>[vector<16xi32>, vector<16xi32>], vector<16xf32>,
          tpu.vector_store_idx %arg7[%add3A_182, %add3A_531], %gather3A_595 : memref<128x128xf32, #tpu.memory_space<vmem>>[vector<16xi32>, vector<16xi32>], vector<16xf32>,
          %gather3A_596 = tpu.vector_load_idx %arg5[%sub3A_546, %add3A_296] : memref<64x256xf32, #tpu.memory_space<vmem>>[vector<16xi32>, vector<16xi32>], vector<16xf32>,
          tpu.vector_store_idx %arg7[%add3A_182, %add3A_534], %gather3A_596 : memref<128x128xf32, #tpu.memory_space<vmem>>[vector<16xi32>, vector<16xi32>], vector<16xf32>,
          %gather3A_597 = tpu.vector_load_idx %arg5[%sub3A_549, %add3A_296] : memref<64x256xf32, #tpu.memory_space<vmem>>[vector<16xi32>, vector<16xi32>], vector<16xf32>,
          tpu.vector_store_idx %arg7[%add3A_182, %add3A_537], %gather3A_597 : memref<128x128xf32, #tpu.memory_space<vmem>>[vector<16xi32>, vector<16xi32>], vector<16xf32>,
          %gather3A_598 = tpu.vector_load_idx %arg5[%add3A_516, %add3A_305] : memref<64x256xf32, #tpu.memory_space<vmem>>[vector<16xi32>, vector<16xi32>], vector<16xf32>,
          tpu.vector_store_idx %arg7[%add3A_185, %add3A_516], %gather3A_598 : memref<128x128xf32, #tpu.memory_space<vmem>>[vector<16xi32>, vector<16xi32>], vector<16xf32>,
          %gather3A_599 = tpu.vector_load_idx %arg5[%add3A_519, %add3A_305] : memref<64x256xf32, #tpu.memory_space<vmem>>[vector<16xi32>, vector<16xi32>], vector<16xf32>,
          tpu.vector_store_idx %arg7[%add3A_185, %add3A_519], %gather3A_599 : memref<128x128xf32, #tpu.memory_space<vmem>>[vector<16xi32>, vector<16xi32>], vector<16xf32>,
          %gather3A_600 = tpu.vector_load_idx %arg5[%add3A_522, %add3A_305] : memref<64x256xf32, #tpu.memory_space<vmem>>[vector<16xi32>, vector<16xi32>], vector<16xf32>,
          tpu.vector_store_idx %arg7[%add3A_185, %add3A_522], %gather3A_600 : memref<128x128xf32, #tpu.memory_space<vmem>>[vector<16xi32>, vector<16xi32>], vector<16xf32>,
          %gather3A_601 = tpu.vector_load_idx %arg5[%add3A_525, %add3A_305] : memref<64x256xf32, #tpu.memory_space<vmem>>[vector<16xi32>, vector<16xi32>], vector<16xf32>,
          tpu.vector_store_idx %arg7[%add3A_185, %add3A_525], %gather3A_601 : memref<128x128xf32, #tpu.memory_space<vmem>>[vector<16xi32>, vector<16xi32>], vector<16xf32>,
          %gather3A_602 = tpu.vector_load_idx %arg5[%sub3A_540, %add3A_314] : memref<64x256xf32, #tpu.memory_space<vmem>>[vector<16xi32>, vector<16xi32>], vector<16xf32>,
          tpu.vector_store_idx %arg7[%add3A_185, %add3A_528], %gather3A_602 : memref<128x128xf32, #tpu.memory_space<vmem>>[vector<16xi32>, vector<16xi32>], vector<16xf32>,
          %gather3A_603 = tpu.vector_load_idx %arg5[%sub3A_543, %add3A_314] : memref<64x256xf32, #tpu.memory_space<vmem>>[vector<16xi32>, vector<16xi32>], vector<16xf32>,
          tpu.vector_store_idx %arg7[%add3A_185, %add3A_531], %gather3A_603 : memref<128x128xf32, #tpu.memory_space<vmem>>[vector<16xi32>, vector<16xi32>], vector<16xf32>,
          %gather3A_604 = tpu.vector_load_idx %arg5[%sub3A_546, %add3A_314] : memref<64x256xf32, #tpu.memory_space<vmem>>[vector<16xi32>, vector<16xi32>], vector<16xf32>,
          tpu.vector_store_idx %arg7[%add3A_185, %add3A_534], %gather3A_604 : memref<128x128xf32, #tpu.memory_space<vmem>>[vector<16xi32>, vector<16xi32>], vector<16xf32>,
          %gather3A_605 = tpu.vector_load_idx %arg5[%sub3A_549, %add3A_314] : memref<64x256xf32, #tpu.memory_space<vmem>>[vector<16xi32>, vector<16xi32>], vector<16xf32>,
          tpu.vector_store_idx %arg7[%add3A_185, %add3A_537], %gather3A_605 : memref<128x128xf32, #tpu.memory_space<vmem>>[vector<16xi32>, vector<16xi32>], vector<16xf32>,
          %gather3A_606 = tpu.vector_load_idx %arg5[%add3A_516, %add3A_323] : memref<64x256xf32, #tpu.memory_space<vmem>>[vector<16xi32>, vector<16xi32>], vector<16xf32>,
          tpu.vector_store_idx %arg7[%add3A_188, %add3A_516], %gather3A_606 : memref<128x128xf32, #tpu.memory_space<vmem>>[vector<16xi32>, vector<16xi32>], vector<16xf32>,
          %gather3A_607 = tpu.vector_load_idx %arg5[%add3A_519, %add3A_323] : memref<64x256xf32, #tpu.memory_space<vmem>>[vector<16xi32>, vector<16xi32>], vector<16xf32>,
          tpu.vector_store_idx %arg7[%add3A_188, %add3A_519], %gather3A_607 : memref<128x128xf32, #tpu.memory_space<vmem>>[vector<16xi32>, vector<16xi32>], vector<16xf32>,
          %gather3A_608 = tpu.vector_load_idx %arg5[%add3A_522, %add3A_323] : memref<64x256xf32, #tpu.memory_space<vmem>>[vector<16xi32>, vector<16xi32>], vector<16xf32>,
          tpu.vector_store_idx %arg7[%add3A_188, %add3A_522], %gather3A_608 : memref<128x128xf32, #tpu.memory_space<vmem>>[vector<16xi32>, vector<16xi32>], vector<16xf32>,
          %gather3A_609 = tpu.vector_load_idx %arg5[%add3A_525, %add3A_323] : memref<64x256xf32, #tpu.memory_space<vmem>>[vector<16xi32>, vector<16xi32>], vector<16xf32>,
          tpu.vector_store_idx %arg7[%add3A_188, %add3A_525], %gather3A_609 : memref<128x128xf32, #tpu.memory_space<vmem>>[vector<16xi32>, vector<16xi32>], vector<16xf32>,
          %gather3A_610 = tpu.vector_load_idx %arg5[%sub3A_540, %add3A_332] : memref<64x256xf32, #tpu.memory_space<vmem>>[vector<16xi32>, vector<16xi32>], vector<16xf32>,
          tpu.vector_store_idx %arg7[%add3A_188, %add3A_528], %gather3A_610 : memref<128x128xf32, #tpu.memory_space<vmem>>[vector<16xi32>, vector<16xi32>], vector<16xf32>,
          %gather3A_611 = tpu.vector_load_idx %arg5[%sub3A_543, %add3A_332] : memref<64x256xf32, #tpu.memory_space<vmem>>[vector<16xi32>, vector<16xi32>], vector<16xf32>,
          tpu.vector_store_idx %arg7[%add3A_188, %add3A_531], %gather3A_611 : memref<128x128xf32, #tpu.memory_space<vmem>>[vector<16xi32>, vector<16xi32>], vector<16xf32>,
          %gather3A_612 = tpu.vector_load_idx %arg5[%sub3A_546, %add3A_332] : memref<64x256xf32, #tpu.memory_space<vmem>>[vector<16xi32>, vector<16xi32>], vector<16xf32>,
          tpu.vector_store_idx %arg7[%add3A_188, %add3A_534], %gather3A_612 : memref<128x128xf32, #tpu.memory_space<vmem>>[vector<16xi32>, vector<16xi32>], vector<16xf32>,
          %gather3A_613 = tpu.vector_load_idx %arg5[%sub3A_549, %add3A_332] : memref<64x256xf32, #tpu.memory_space<vmem>>[vector<16xi32>, vector<16xi32>], vector<16xf32>,
          tpu.vector_store_idx %arg7[%add3A_188, %add3A_537], %gather3A_613 : memref<128x128xf32, #tpu.memory_space<vmem>>[vector<16xi32>, vector<16xi32>], vector<16xf32>,
        }
        %scan3A_389 = arith.constant 8 : i32
        %add3A_390 = arith.addi %add3A_164, %mul3A_361 : i32
        %mul3A_391 = arith.constant 128 : i32
        %mul3A_392 = arith.muli %add3A_390, %mul3A_391 : i32
        %dma_start3A = arith.constant 0 : i32
        %dma_start3A_393 = tpu.memref_slice %arg4[%mul3A_392, %dma_start3A] : memref<500000x128xf32, #tpu.memory_space<hbm>> -> memref<128x128xf32, #tpu.memory_space<hbm>>
        %dma_start3A_394 = arith.constant 0 : i32
        %dma_start3A_395 = tpu.memref_slice %arg4[%mul3A_392, %dma_start3A_394] : memref<500000x128xf32, #tpu.memory_space<hbm>> -> memref<128x128xf32, #tpu.memory_space<hbm>>
        tpu.enqueue_dma source(%arg7 : memref<128x128xf32, #tpu.memory_space<vmem>>) target(%dma_start3A_395 : memref<128x128xf32, #tpu.memory_space<hbm>>) target_semaphore(%arg12 : memref<!tpu.dma_semaphore, #tpu.memory_space<semaphore_mem>>)
        %add3A_396 = arith.constant 2 : i32
        %add3A_397 = arith.addi %mul3A_361, %add3A_396 : i32
        %lt3A_398 = arith.cmpi slt, %add3A_397, %select_n3A : i32
        %convert_element_type3A_399 = arith.extui %lt3A_398 : i1 to i32
        %cond3A_400 = arith.constant 0 : i32
        %cond3A_401 = arith.cmpi ne, %convert_element_type3A_399, %cond3A_400 : i32
        scf.if %cond3A_401 {
          %add3A_402 = arith.constant 2 : i32
          %add3A_403 = arith.addi %mul3A_361, %add3A_402 : i32
          %add3A_404 = arith.addi %add3A_164, %add3A_403 : i32
          %mul3A_405 = arith.constant 256 : i32
          %mul3A_406 = arith.muli %add3A_404, %mul3A_405 : i32
          %dma_start3A_407 = arith.constant 0 : i32
          %dma_start3A_408 = tpu.memref_slice %arg2[%dma_start3A_407, %mul3A_406] : memref<64x1000000xf32, #tpu.memory_space<hbm>> -> memref<64x256xf32, #tpu.memory_space<hbm>>
          %dma_start3A_409 = arith.constant 0 : i32
          %dma_start3A_410 = tpu.memref_slice %arg2[%dma_start3A_409, %mul3A_406] : memref<64x1000000xf32, #tpu.memory_space<hbm>> -> memref<64x256xf32, #tpu.memory_space<hbm>>
          tpu.enqueue_dma source(%dma_start3A_410 : memref<64x256xf32, #tpu.memory_space<hbm>>) target(%arg5 : memref<64x256xf32, #tpu.memory_space<vmem>>) target_semaphore(%arg10 : memref<!tpu.dma_semaphore, #tpu.memory_space<semaphore_mem>>)
        } else {
        }
      } else {
      }
      %mul3A_366 = arith.constant 2 : i32
      %mul3A_367 = arith.muli %mul3A_366, %scan3A_359 : i32
      %add3A_368 = arith.constant 1 : i32
      %add3A_369 = arith.addi %mul3A_367, %add3A_368 : i32
      %lt3A_370 = arith.cmpi slt, %add3A_369, %select_n3A : i32
      %convert_element_type3A_371 = arith.extui %lt3A_370 : i1 to i32
      %cond3A_372 = arith.constant 0 : i32
      %cond3A_373 = arith.cmpi ne, %convert_element_type3A_371, %cond3A_372 : i32
      scf.if %cond3A_373 {
        %add3A_374 = arith.addi %add3A_164, %add3A_369 : i32
        %mul3A_375 = arith.constant 256 : i32
        %mul3A_376 = arith.muli %add3A_374, %mul3A_375 : i32
        %dma_wait3A = arith.constant 0 : i32
        %dma_wait3A_377 = tpu.memref_slice %arg2[%dma_wait3A, %mul3A_376] : memref<64x1000000xf32, #tpu.memory_space<hbm>> -> memref<64x256xf32, #tpu.memory_space<hbm>>
        %dma_wait3A_378 = arith.constant 0 : i32
        %dma_wait3A_379 = tpu.memref_slice %arg2[%dma_wait3A_378, %mul3A_376] : memref<64x1000000xf32, #tpu.memory_space<hbm>> -> memref<64x256xf32, #tpu.memory_space<hbm>>
        tpu.wait_dma2 semaphore(%arg11 : memref<!tpu.dma_semaphore, #tpu.memory_space<semaphore_mem>>) src(%dma_wait3A_379 : memref<64x256xf32, #tpu.memory_space<hbm>>) dst(%arg6 : memref<64x256xf32, #tpu.memory_space<vmem>>)
        %ge3A = arith.constant 2 : i32
        %ge3A_380 = arith.cmpi sge, %add3A_369, %ge3A : i32
        %convert_element_type3A_381 = arith.extui %ge3A_380 : i1 to i32
        %cond3A_382 = arith.constant 0 : i32
        %cond3A_383 = arith.cmpi ne, %convert_element_type3A_381, %cond3A_382 : i32
        scf.if %cond3A_383 {
          %sub3A = arith.constant 2 : i32
          %sub3A_402 = arith.subi %add3A_369, %sub3A : i32
          %add3A_403 = arith.addi %add3A_164, %sub3A_402 : i32
          %mul3A_404 = arith.constant 128 : i32
          %mul3A_405 = arith.muli %add3A_403, %mul3A_404 : i32
          %dma_wait3A_406 = arith.constant 0 : i32
          %dma_wait3A_407 = tpu.memref_slice %arg4[%mul3A_405, %dma_wait3A_406] : memref<500000x128xf32, #tpu.memory_space<hbm>> -> memref<128x128xf32, #tpu.memory_space<hbm>>
          %dma_wait3A_408 = arith.constant 0 : i32
          %dma_wait3A_409 = tpu.memref_slice %arg4[%mul3A_405, %dma_wait3A_408] : memref<500000x128xf32, #tpu.memory_space<hbm>> -> memref<128x128xf32, #tpu.memory_space<hbm>>
          tpu.wait_dma2 semaphore(%arg13 : memref<!tpu.dma_semaphore, #tpu.memory_space<semaphore_mem>>) src(%arg8 : memref<128x128xf32, #tpu.memory_space<vmem>>) dst(%dma_wait3A_409 : memref<128x128xf32, #tpu.memory_space<hbm>>)
        } else {
        }
        %scan3A_384 = arith.constant 0 : i32
        %scan3A_385 = arith.constant 0 : i32
        %scan3A_386 = arith.constant 8 : i32
        %scan3A_387 = arith.addi %scan3A_385, %scan3A_386 : i32
        %scan3A_388 = arith.constant 1 : i32
        scf.for %scan3A_402 = %scan3A_385 to %scan3A_387 step %scan3A_388  : i32 {
          %mul3A_403 = arith.constant 2 : i32
          %mul3A_404 = arith.muli %mul3A_403, %scan3A_402 : i32
          %add3A_405 = arith.constant 0 : i32
          %add3A_406 = arith.addi %mul3A_404, %add3A_405 : i32
          %get3A = arith.index_cast %add3A_406 : i32 to index
          %get3A_407 = arith.constant 0 : index
          %get3A_408 = tpu.vector_load %arg9[%get3A, %get3A_407] {strides = array<i32>} : memref<16x16xi32, #tpu.memory_space<vmem>>, vector<16xi32>,
          %add3A_409 = arith.constant 0 : i32
          %add3A_410 = vector.broadcast %add3A_409 : i32 to vector<16xi32>
          %add3A_411 = arith.addi %add3A_410, %get3A_408 : vector<16xi32>
          %add3A_412 = arith.constant 16 : i32
          %add3A_413 = vector.broadcast %add3A_412 : i32 to vector<16xi32>
          %add3A_414 = arith.addi %add3A_413, %get3A_408 : vector<16xi32>
          %add3A_415 = arith.constant 32 : i32
          %add3A_416 = vector.broadcast %add3A_415 : i32 to vector<16xi32>
          %add3A_417 = arith.addi %add3A_416, %get3A_408 : vector<16xi32>
          %add3A_418 = arith.constant 48 : i32
          %add3A_419 = vector.broadcast %add3A_418 : i32 to vector<16xi32>
          %add3A_420 = arith.addi %add3A_419, %get3A_408 : vector<16xi32>
          %add3A_421 = arith.constant 64 : i32
          %add3A_422 = vector.broadcast %add3A_421 : i32 to vector<16xi32>
          %add3A_423 = arith.addi %add3A_422, %get3A_408 : vector<16xi32>
          %add3A_424 = arith.constant 80 : i32
          %add3A_425 = vector.broadcast %add3A_424 : i32 to vector<16xi32>
          %add3A_426 = arith.addi %add3A_425, %get3A_408 : vector<16xi32>
          %add3A_427 = arith.constant 96 : i32
          %add3A_428 = vector.broadcast %add3A_427 : i32 to vector<16xi32>
          %add3A_429 = arith.addi %add3A_428, %get3A_408 : vector<16xi32>
          %add3A_430 = arith.constant 112 : i32
          %add3A_431 = vector.broadcast %add3A_430 : i32 to vector<16xi32>
          %add3A_432 = arith.addi %add3A_431, %get3A_408 : vector<16xi32>
          %sub3A = arith.constant 64 : i32
          %sub3A_433 = vector.broadcast %sub3A : i32 to vector<16xi32>
          %sub3A_434 = arith.subi %add3A_423, %sub3A_433 : vector<16xi32>
          %sub3A_435 = arith.constant 64 : i32
          %sub3A_436 = vector.broadcast %sub3A_435 : i32 to vector<16xi32>
          %sub3A_437 = arith.subi %add3A_426, %sub3A_436 : vector<16xi32>
          %sub3A_438 = arith.constant 64 : i32
          %sub3A_439 = vector.broadcast %sub3A_438 : i32 to vector<16xi32>
          %sub3A_440 = arith.subi %add3A_429, %sub3A_439 : vector<16xi32>
          %sub3A_441 = arith.constant 64 : i32
          %sub3A_442 = vector.broadcast %sub3A_441 : i32 to vector<16xi32>
          %sub3A_443 = arith.subi %add3A_432, %sub3A_442 : vector<16xi32>
          %gather3A = tpu.vector_load_idx %arg6[%add3A_411, %add3A_197] : memref<64x256xf32, #tpu.memory_space<vmem>>[vector<16xi32>, vector<16xi32>], vector<16xf32>,
          tpu.vector_store_idx %arg8[%add3A_167, %add3A_411], %gather3A : memref<128x128xf32, #tpu.memory_space<vmem>>[vector<16xi32>, vector<16xi32>], vector<16xf32>,
          %gather3A_444 = tpu.vector_load_idx %arg6[%add3A_414, %add3A_197] : memref<64x256xf32, #tpu.memory_space<vmem>>[vector<16xi32>, vector<16xi32>], vector<16xf32>,
          tpu.vector_store_idx %arg8[%add3A_167, %add3A_414], %gather3A_444 : memref<128x128xf32, #tpu.memory_space<vmem>>[vector<16xi32>, vector<16xi32>], vector<16xf32>,
          %gather3A_445 = tpu.vector_load_idx %arg6[%add3A_417, %add3A_197] : memref<64x256xf32, #tpu.memory_space<vmem>>[vector<16xi32>, vector<16xi32>], vector<16xf32>,
          tpu.vector_store_idx %arg8[%add3A_167, %add3A_417], %gather3A_445 : memref<128x128xf32, #tpu.memory_space<vmem>>[vector<16xi32>, vector<16xi32>], vector<16xf32>,
          %gather3A_446 = tpu.vector_load_idx %arg6[%add3A_420, %add3A_197] : memref<64x256xf32, #tpu.memory_space<vmem>>[vector<16xi32>, vector<16xi32>], vector<16xf32>,
          tpu.vector_store_idx %arg8[%add3A_167, %add3A_420], %gather3A_446 : memref<128x128xf32, #tpu.memory_space<vmem>>[vector<16xi32>, vector<16xi32>], vector<16xf32>,
          %gather3A_447 = tpu.vector_load_idx %arg6[%sub3A_434, %add3A_206] : memref<64x256xf32, #tpu.memory_space<vmem>>[vector<16xi32>, vector<16xi32>], vector<16xf32>,
          tpu.vector_store_idx %arg8[%add3A_167, %add3A_423], %gather3A_447 : memref<128x128xf32, #tpu.memory_space<vmem>>[vector<16xi32>, vector<16xi32>], vector<16xf32>,
          %gather3A_448 = tpu.vector_load_idx %arg6[%sub3A_437, %add3A_206] : memref<64x256xf32, #tpu.memory_space<vmem>>[vector<16xi32>, vector<16xi32>], vector<16xf32>,
          tpu.vector_store_idx %arg8[%add3A_167, %add3A_426], %gather3A_448 : memref<128x128xf32, #tpu.memory_space<vmem>>[vector<16xi32>, vector<16xi32>], vector<16xf32>,
          %gather3A_449 = tpu.vector_load_idx %arg6[%sub3A_440, %add3A_206] : memref<64x256xf32, #tpu.memory_space<vmem>>[vector<16xi32>, vector<16xi32>], vector<16xf32>,
          tpu.vector_store_idx %arg8[%add3A_167, %add3A_429], %gather3A_449 : memref<128x128xf32, #tpu.memory_space<vmem>>[vector<16xi32>, vector<16xi32>], vector<16xf32>,
          %gather3A_450 = tpu.vector_load_idx %arg6[%sub3A_443, %add3A_206] : memref<64x256xf32, #tpu.memory_space<vmem>>[vector<16xi32>, vector<16xi32>], vector<16xf32>,
          tpu.vector_store_idx %arg8[%add3A_167, %add3A_432], %gather3A_450 : memref<128x128xf32, #tpu.memory_space<vmem>>[vector<16xi32>, vector<16xi32>], vector<16xf32>,
          %gather3A_451 = tpu.vector_load_idx %arg6[%add3A_411, %add3A_215] : memref<64x256xf32, #tpu.memory_space<vmem>>[vector<16xi32>, vector<16xi32>], vector<16xf32>,
          tpu.vector_store_idx %arg8[%add3A_170, %add3A_411], %gather3A_451 : memref<128x128xf32, #tpu.memory_space<vmem>>[vector<16xi32>, vector<16xi32>], vector<16xf32>,
          %gather3A_452 = tpu.vector_load_idx %arg6[%add3A_414, %add3A_215] : memref<64x256xf32, #tpu.memory_space<vmem>>[vector<16xi32>, vector<16xi32>], vector<16xf32>,
          tpu.vector_store_idx %arg8[%add3A_170, %add3A_414], %gather3A_452 : memref<128x128xf32, #tpu.memory_space<vmem>>[vector<16xi32>, vector<16xi32>], vector<16xf32>,
          %gather3A_453 = tpu.vector_load_idx %arg6[%add3A_417, %add3A_215] : memref<64x256xf32, #tpu.memory_space<vmem>>[vector<16xi32>, vector<16xi32>], vector<16xf32>,
          tpu.vector_store_idx %arg8[%add3A_170, %add3A_417], %gather3A_453 : memref<128x128xf32, #tpu.memory_space<vmem>>[vector<16xi32>, vector<16xi32>], vector<16xf32>,
          %gather3A_454 = tpu.vector_load_idx %arg6[%add3A_420, %add3A_215] : memref<64x256xf32, #tpu.memory_space<vmem>>[vector<16xi32>, vector<16xi32>], vector<16xf32>,
          tpu.vector_store_idx %arg8[%add3A_170, %add3A_420], %gather3A_454 : memref<128x128xf32, #tpu.memory_space<vmem>>[vector<16xi32>, vector<16xi32>], vector<16xf32>,
          %gather3A_455 = tpu.vector_load_idx %arg6[%sub3A_434, %add3A_224] : memref<64x256xf32, #tpu.memory_space<vmem>>[vector<16xi32>, vector<16xi32>], vector<16xf32>,
          tpu.vector_store_idx %arg8[%add3A_170, %add3A_423], %gather3A_455 : memref<128x128xf32, #tpu.memory_space<vmem>>[vector<16xi32>, vector<16xi32>], vector<16xf32>,
          %gather3A_456 = tpu.vector_load_idx %arg6[%sub3A_437, %add3A_224] : memref<64x256xf32, #tpu.memory_space<vmem>>[vector<16xi32>, vector<16xi32>], vector<16xf32>,
          tpu.vector_store_idx %arg8[%add3A_170, %add3A_426], %gather3A_456 : memref<128x128xf32, #tpu.memory_space<vmem>>[vector<16xi32>, vector<16xi32>], vector<16xf32>,
          %gather3A_457 = tpu.vector_load_idx %arg6[%sub3A_440, %add3A_224] : memref<64x256xf32, #tpu.memory_space<vmem>>[vector<16xi32>, vector<16xi32>], vector<16xf32>,
          tpu.vector_store_idx %arg8[%add3A_170, %add3A_429], %gather3A_457 : memref<128x128xf32, #tpu.memory_space<vmem>>[vector<16xi32>, vector<16xi32>], vector<16xf32>,
          %gather3A_458 = tpu.vector_load_idx %arg6[%sub3A_443, %add3A_224] : memref<64x256xf32, #tpu.memory_space<vmem>>[vector<16xi32>, vector<16xi32>], vector<16xf32>,
          tpu.vector_store_idx %arg8[%add3A_170, %add3A_432], %gather3A_458 : memref<128x128xf32, #tpu.memory_space<vmem>>[vector<16xi32>, vector<16xi32>], vector<16xf32>,
          %gather3A_459 = tpu.vector_load_idx %arg6[%add3A_411, %add3A_233] : memref<64x256xf32, #tpu.memory_space<vmem>>[vector<16xi32>, vector<16xi32>], vector<16xf32>,
          tpu.vector_store_idx %arg8[%add3A_173, %add3A_411], %gather3A_459 : memref<128x128xf32, #tpu.memory_space<vmem>>[vector<16xi32>, vector<16xi32>], vector<16xf32>,
          %gather3A_460 = tpu.vector_load_idx %arg6[%add3A_414, %add3A_233] : memref<64x256xf32, #tpu.memory_space<vmem>>[vector<16xi32>, vector<16xi32>], vector<16xf32>,
          tpu.vector_store_idx %arg8[%add3A_173, %add3A_414], %gather3A_460 : memref<128x128xf32, #tpu.memory_space<vmem>>[vector<16xi32>, vector<16xi32>], vector<16xf32>,
          %gather3A_461 = tpu.vector_load_idx %arg6[%add3A_417, %add3A_233] : memref<64x256xf32, #tpu.memory_space<vmem>>[vector<16xi32>, vector<16xi32>], vector<16xf32>,
          tpu.vector_store_idx %arg8[%add3A_173, %add3A_417], %gather3A_461 : memref<128x128xf32, #tpu.memory_space<vmem>>[vector<16xi32>, vector<16xi32>], vector<16xf32>,
          %gather3A_462 = tpu.vector_load_idx %arg6[%add3A_420, %add3A_233] : memref<64x256xf32, #tpu.memory_space<vmem>>[vector<16xi32>, vector<16xi32>], vector<16xf32>,
          tpu.vector_store_idx %arg8[%add3A_173, %add3A_420], %gather3A_462 : memref<128x128xf32, #tpu.memory_space<vmem>>[vector<16xi32>, vector<16xi32>], vector<16xf32>,
          %gather3A_463 = tpu.vector_load_idx %arg6[%sub3A_434, %add3A_242] : memref<64x256xf32, #tpu.memory_space<vmem>>[vector<16xi32>, vector<16xi32>], vector<16xf32>,
          tpu.vector_store_idx %arg8[%add3A_173, %add3A_423], %gather3A_463 : memref<128x128xf32, #tpu.memory_space<vmem>>[vector<16xi32>, vector<16xi32>], vector<16xf32>,
          %gather3A_464 = tpu.vector_load_idx %arg6[%sub3A_437, %add3A_242] : memref<64x256xf32, #tpu.memory_space<vmem>>[vector<16xi32>, vector<16xi32>], vector<16xf32>,
          tpu.vector_store_idx %arg8[%add3A_173, %add3A_426], %gather3A_464 : memref<128x128xf32, #tpu.memory_space<vmem>>[vector<16xi32>, vector<16xi32>], vector<16xf32>,
          %gather3A_465 = tpu.vector_load_idx %arg6[%sub3A_440, %add3A_242] : memref<64x256xf32, #tpu.memory_space<vmem>>[vector<16xi32>, vector<16xi32>], vector<16xf32>,
          tpu.vector_store_idx %arg8[%add3A_173, %add3A_429], %gather3A_465 : memref<128x128xf32, #tpu.memory_space<vmem>>[vector<16xi32>, vector<16xi32>], vector<16xf32>,
          %gather3A_466 = tpu.vector_load_idx %arg6[%sub3A_443, %add3A_242] : memref<64x256xf32, #tpu.memory_space<vmem>>[vector<16xi32>, vector<16xi32>], vector<16xf32>,
          tpu.vector_store_idx %arg8[%add3A_173, %add3A_432], %gather3A_466 : memref<128x128xf32, #tpu.memory_space<vmem>>[vector<16xi32>, vector<16xi32>], vector<16xf32>,
          %gather3A_467 = tpu.vector_load_idx %arg6[%add3A_411, %add3A_251] : memref<64x256xf32, #tpu.memory_space<vmem>>[vector<16xi32>, vector<16xi32>], vector<16xf32>,
          tpu.vector_store_idx %arg8[%add3A_176, %add3A_411], %gather3A_467 : memref<128x128xf32, #tpu.memory_space<vmem>>[vector<16xi32>, vector<16xi32>], vector<16xf32>,
          %gather3A_468 = tpu.vector_load_idx %arg6[%add3A_414, %add3A_251] : memref<64x256xf32, #tpu.memory_space<vmem>>[vector<16xi32>, vector<16xi32>], vector<16xf32>,
          tpu.vector_store_idx %arg8[%add3A_176, %add3A_414], %gather3A_468 : memref<128x128xf32, #tpu.memory_space<vmem>>[vector<16xi32>, vector<16xi32>], vector<16xf32>,
          %gather3A_469 = tpu.vector_load_idx %arg6[%add3A_417, %add3A_251] : memref<64x256xf32, #tpu.memory_space<vmem>>[vector<16xi32>, vector<16xi32>], vector<16xf32>,
          tpu.vector_store_idx %arg8[%add3A_176, %add3A_417], %gather3A_469 : memref<128x128xf32, #tpu.memory_space<vmem>>[vector<16xi32>, vector<16xi32>], vector<16xf32>,
          %gather3A_470 = tpu.vector_load_idx %arg6[%add3A_420, %add3A_251] : memref<64x256xf32, #tpu.memory_space<vmem>>[vector<16xi32>, vector<16xi32>], vector<16xf32>,
          tpu.vector_store_idx %arg8[%add3A_176, %add3A_420], %gather3A_470 : memref<128x128xf32, #tpu.memory_space<vmem>>[vector<16xi32>, vector<16xi32>], vector<16xf32>,
          %gather3A_471 = tpu.vector_load_idx %arg6[%sub3A_434, %add3A_260] : memref<64x256xf32, #tpu.memory_space<vmem>>[vector<16xi32>, vector<16xi32>], vector<16xf32>,
          tpu.vector_store_idx %arg8[%add3A_176, %add3A_423], %gather3A_471 : memref<128x128xf32, #tpu.memory_space<vmem>>[vector<16xi32>, vector<16xi32>], vector<16xf32>,
          %gather3A_472 = tpu.vector_load_idx %arg6[%sub3A_437, %add3A_260] : memref<64x256xf32, #tpu.memory_space<vmem>>[vector<16xi32>, vector<16xi32>], vector<16xf32>,
          tpu.vector_store_idx %arg8[%add3A_176, %add3A_426], %gather3A_472 : memref<128x128xf32, #tpu.memory_space<vmem>>[vector<16xi32>, vector<16xi32>], vector<16xf32>,
          %gather3A_473 = tpu.vector_load_idx %arg6[%sub3A_440, %add3A_260] : memref<64x256xf32, #tpu.memory_space<vmem>>[vector<16xi32>, vector<16xi32>], vector<16xf32>,
          tpu.vector_store_idx %arg8[%add3A_176, %add3A_429], %gather3A_473 : memref<128x128xf32, #tpu.memory_space<vmem>>[vector<16xi32>, vector<16xi32>], vector<16xf32>,
          %gather3A_474 = tpu.vector_load_idx %arg6[%sub3A_443, %add3A_260] : memref<64x256xf32, #tpu.memory_space<vmem>>[vector<16xi32>, vector<16xi32>], vector<16xf32>,
          tpu.vector_store_idx %arg8[%add3A_176, %add3A_432], %gather3A_474 : memref<128x128xf32, #tpu.memory_space<vmem>>[vector<16xi32>, vector<16xi32>], vector<16xf32>,
          %gather3A_475 = tpu.vector_load_idx %arg6[%add3A_411, %add3A_269] : memref<64x256xf32, #tpu.memory_space<vmem>>[vector<16xi32>, vector<16xi32>], vector<16xf32>,
          tpu.vector_store_idx %arg8[%add3A_179, %add3A_411], %gather3A_475 : memref<128x128xf32, #tpu.memory_space<vmem>>[vector<16xi32>, vector<16xi32>], vector<16xf32>,
          %gather3A_476 = tpu.vector_load_idx %arg6[%add3A_414, %add3A_269] : memref<64x256xf32, #tpu.memory_space<vmem>>[vector<16xi32>, vector<16xi32>], vector<16xf32>,
          tpu.vector_store_idx %arg8[%add3A_179, %add3A_414], %gather3A_476 : memref<128x128xf32, #tpu.memory_space<vmem>>[vector<16xi32>, vector<16xi32>], vector<16xf32>,
          %gather3A_477 = tpu.vector_load_idx %arg6[%add3A_417, %add3A_269] : memref<64x256xf32, #tpu.memory_space<vmem>>[vector<16xi32>, vector<16xi32>], vector<16xf32>,
          tpu.vector_store_idx %arg8[%add3A_179, %add3A_417], %gather3A_477 : memref<128x128xf32, #tpu.memory_space<vmem>>[vector<16xi32>, vector<16xi32>], vector<16xf32>,
          %gather3A_478 = tpu.vector_load_idx %arg6[%add3A_420, %add3A_269] : memref<64x256xf32, #tpu.memory_space<vmem>>[vector<16xi32>, vector<16xi32>], vector<16xf32>,
          tpu.vector_store_idx %arg8[%add3A_179, %add3A_420], %gather3A_478 : memref<128x128xf32, #tpu.memory_space<vmem>>[vector<16xi32>, vector<16xi32>], vector<16xf32>,
          %gather3A_479 = tpu.vector_load_idx %arg6[%sub3A_434, %add3A_278] : memref<64x256xf32, #tpu.memory_space<vmem>>[vector<16xi32>, vector<16xi32>], vector<16xf32>,
          tpu.vector_store_idx %arg8[%add3A_179, %add3A_423], %gather3A_479 : memref<128x128xf32, #tpu.memory_space<vmem>>[vector<16xi32>, vector<16xi32>], vector<16xf32>,
          %gather3A_480 = tpu.vector_load_idx %arg6[%sub3A_437, %add3A_278] : memref<64x256xf32, #tpu.memory_space<vmem>>[vector<16xi32>, vector<16xi32>], vector<16xf32>,
          tpu.vector_store_idx %arg8[%add3A_179, %add3A_426], %gather3A_480 : memref<128x128xf32, #tpu.memory_space<vmem>>[vector<16xi32>, vector<16xi32>], vector<16xf32>,
          %gather3A_481 = tpu.vector_load_idx %arg6[%sub3A_440, %add3A_278] : memref<64x256xf32, #tpu.memory_space<vmem>>[vector<16xi32>, vector<16xi32>], vector<16xf32>,
          tpu.vector_store_idx %arg8[%add3A_179, %add3A_429], %gather3A_481 : memref<128x128xf32, #tpu.memory_space<vmem>>[vector<16xi32>, vector<16xi32>], vector<16xf32>,
          %gather3A_482 = tpu.vector_load_idx %arg6[%sub3A_443, %add3A_278] : memref<64x256xf32, #tpu.memory_space<vmem>>[vector<16xi32>, vector<16xi32>], vector<16xf32>,
          tpu.vector_store_idx %arg8[%add3A_179, %add3A_432], %gather3A_482 : memref<128x128xf32, #tpu.memory_space<vmem>>[vector<16xi32>, vector<16xi32>], vector<16xf32>,
          %gather3A_483 = tpu.vector_load_idx %arg6[%add3A_411, %add3A_287] : memref<64x256xf32, #tpu.memory_space<vmem>>[vector<16xi32>, vector<16xi32>], vector<16xf32>,
          tpu.vector_store_idx %arg8[%add3A_182, %add3A_411], %gather3A_483 : memref<128x128xf32, #tpu.memory_space<vmem>>[vector<16xi32>, vector<16xi32>], vector<16xf32>,
          %gather3A_484 = tpu.vector_load_idx %arg6[%add3A_414, %add3A_287] : memref<64x256xf32, #tpu.memory_space<vmem>>[vector<16xi32>, vector<16xi32>], vector<16xf32>,
          tpu.vector_store_idx %arg8[%add3A_182, %add3A_414], %gather3A_484 : memref<128x128xf32, #tpu.memory_space<vmem>>[vector<16xi32>, vector<16xi32>], vector<16xf32>,
          %gather3A_485 = tpu.vector_load_idx %arg6[%add3A_417, %add3A_287] : memref<64x256xf32, #tpu.memory_space<vmem>>[vector<16xi32>, vector<16xi32>], vector<16xf32>,
          tpu.vector_store_idx %arg8[%add3A_182, %add3A_417], %gather3A_485 : memref<128x128xf32, #tpu.memory_space<vmem>>[vector<16xi32>, vector<16xi32>], vector<16xf32>,
          %gather3A_486 = tpu.vector_load_idx %arg6[%add3A_420, %add3A_287] : memref<64x256xf32, #tpu.memory_space<vmem>>[vector<16xi32>, vector<16xi32>], vector<16xf32>,
          tpu.vector_store_idx %arg8[%add3A_182, %add3A_420], %gather3A_486 : memref<128x128xf32, #tpu.memory_space<vmem>>[vector<16xi32>, vector<16xi32>], vector<16xf32>,
          %gather3A_487 = tpu.vector_load_idx %arg6[%sub3A_434, %add3A_296] : memref<64x256xf32, #tpu.memory_space<vmem>>[vector<16xi32>, vector<16xi32>], vector<16xf32>,
          tpu.vector_store_idx %arg8[%add3A_182, %add3A_423], %gather3A_487 : memref<128x128xf32, #tpu.memory_space<vmem>>[vector<16xi32>, vector<16xi32>], vector<16xf32>,
          %gather3A_488 = tpu.vector_load_idx %arg6[%sub3A_437, %add3A_296] : memref<64x256xf32, #tpu.memory_space<vmem>>[vector<16xi32>, vector<16xi32>], vector<16xf32>,
          tpu.vector_store_idx %arg8[%add3A_182, %add3A_426], %gather3A_488 : memref<128x128xf32, #tpu.memory_space<vmem>>[vector<16xi32>, vector<16xi32>], vector<16xf32>,
          %gather3A_489 = tpu.vector_load_idx %arg6[%sub3A_440, %add3A_296] : memref<64x256xf32, #tpu.memory_space<vmem>>[vector<16xi32>, vector<16xi32>], vector<16xf32>,
          tpu.vector_store_idx %arg8[%add3A_182, %add3A_429], %gather3A_489 : memref<128x128xf32, #tpu.memory_space<vmem>>[vector<16xi32>, vector<16xi32>], vector<16xf32>,
          %gather3A_490 = tpu.vector_load_idx %arg6[%sub3A_443, %add3A_296] : memref<64x256xf32, #tpu.memory_space<vmem>>[vector<16xi32>, vector<16xi32>], vector<16xf32>,
          tpu.vector_store_idx %arg8[%add3A_182, %add3A_432], %gather3A_490 : memref<128x128xf32, #tpu.memory_space<vmem>>[vector<16xi32>, vector<16xi32>], vector<16xf32>,
          %gather3A_491 = tpu.vector_load_idx %arg6[%add3A_411, %add3A_305] : memref<64x256xf32, #tpu.memory_space<vmem>>[vector<16xi32>, vector<16xi32>], vector<16xf32>,
          tpu.vector_store_idx %arg8[%add3A_185, %add3A_411], %gather3A_491 : memref<128x128xf32, #tpu.memory_space<vmem>>[vector<16xi32>, vector<16xi32>], vector<16xf32>,
          %gather3A_492 = tpu.vector_load_idx %arg6[%add3A_414, %add3A_305] : memref<64x256xf32, #tpu.memory_space<vmem>>[vector<16xi32>, vector<16xi32>], vector<16xf32>,
          tpu.vector_store_idx %arg8[%add3A_185, %add3A_414], %gather3A_492 : memref<128x128xf32, #tpu.memory_space<vmem>>[vector<16xi32>, vector<16xi32>], vector<16xf32>,
          %gather3A_493 = tpu.vector_load_idx %arg6[%add3A_417, %add3A_305] : memref<64x256xf32, #tpu.memory_space<vmem>>[vector<16xi32>, vector<16xi32>], vector<16xf32>,
          tpu.vector_store_idx %arg8[%add3A_185, %add3A_417], %gather3A_493 : memref<128x128xf32, #tpu.memory_space<vmem>>[vector<16xi32>, vector<16xi32>], vector<16xf32>,
          %gather3A_494 = tpu.vector_load_idx %arg6[%add3A_420, %add3A_305] : memref<64x256xf32, #tpu.memory_space<vmem>>[vector<16xi32>, vector<16xi32>], vector<16xf32>,
          tpu.vector_store_idx %arg8[%add3A_185, %add3A_420], %gather3A_494 : memref<128x128xf32, #tpu.memory_space<vmem>>[vector<16xi32>, vector<16xi32>], vector<16xf32>,
          %gather3A_495 = tpu.vector_load_idx %arg6[%sub3A_434, %add3A_314] : memref<64x256xf32, #tpu.memory_space<vmem>>[vector<16xi32>, vector<16xi32>], vector<16xf32>,
          tpu.vector_store_idx %arg8[%add3A_185, %add3A_423], %gather3A_495 : memref<128x128xf32, #tpu.memory_space<vmem>>[vector<16xi32>, vector<16xi32>], vector<16xf32>,
          %gather3A_496 = tpu.vector_load_idx %arg6[%sub3A_437, %add3A_314] : memref<64x256xf32, #tpu.memory_space<vmem>>[vector<16xi32>, vector<16xi32>], vector<16xf32>,
          tpu.vector_store_idx %arg8[%add3A_185, %add3A_426], %gather3A_496 : memref<128x128xf32, #tpu.memory_space<vmem>>[vector<16xi32>, vector<16xi32>], vector<16xf32>,
          %gather3A_497 = tpu.vector_load_idx %arg6[%sub3A_440, %add3A_314] : memref<64x256xf32, #tpu.memory_space<vmem>>[vector<16xi32>, vector<16xi32>], vector<16xf32>,
          tpu.vector_store_idx %arg8[%add3A_185, %add3A_429], %gather3A_497 : memref<128x128xf32, #tpu.memory_space<vmem>>[vector<16xi32>, vector<16xi32>], vector<16xf32>,
          %gather3A_498 = tpu.vector_load_idx %arg6[%sub3A_443, %add3A_314] : memref<64x256xf32, #tpu.memory_space<vmem>>[vector<16xi32>, vector<16xi32>], vector<16xf32>,
          tpu.vector_store_idx %arg8[%add3A_185, %add3A_432], %gather3A_498 : memref<128x128xf32, #tpu.memory_space<vmem>>[vector<16xi32>, vector<16xi32>], vector<16xf32>,
          %gather3A_499 = tpu.vector_load_idx %arg6[%add3A_411, %add3A_323] : memref<64x256xf32, #tpu.memory_space<vmem>>[vector<16xi32>, vector<16xi32>], vector<16xf32>,
          tpu.vector_store_idx %arg8[%add3A_188, %add3A_411], %gather3A_499 : memref<128x128xf32, #tpu.memory_space<vmem>>[vector<16xi32>, vector<16xi32>], vector<16xf32>,
          %gather3A_500 = tpu.vector_load_idx %arg6[%add3A_414, %add3A_323] : memref<64x256xf32, #tpu.memory_space<vmem>>[vector<16xi32>, vector<16xi32>], vector<16xf32>,
          tpu.vector_store_idx %arg8[%add3A_188, %add3A_414], %gather3A_500 : memref<128x128xf32, #tpu.memory_space<vmem>>[vector<16xi32>, vector<16xi32>], vector<16xf32>,
          %gather3A_501 = tpu.vector_load_idx %arg6[%add3A_417, %add3A_323] : memref<64x256xf32, #tpu.memory_space<vmem>>[vector<16xi32>, vector<16xi32>], vector<16xf32>,
          tpu.vector_store_idx %arg8[%add3A_188, %add3A_417], %gather3A_501 : memref<128x128xf32, #tpu.memory_space<vmem>>[vector<16xi32>, vector<16xi32>], vector<16xf32>,
          %gather3A_502 = tpu.vector_load_idx %arg6[%add3A_420, %add3A_323] : memref<64x256xf32, #tpu.memory_space<vmem>>[vector<16xi32>, vector<16xi32>], vector<16xf32>,
          tpu.vector_store_idx %arg8[%add3A_188, %add3A_420], %gather3A_502 : memref<128x128xf32, #tpu.memory_space<vmem>>[vector<16xi32>, vector<16xi32>], vector<16xf32>,
          %gather3A_503 = tpu.vector_load_idx %arg6[%sub3A_434, %add3A_332] : memref<64x256xf32, #tpu.memory_space<vmem>>[vector<16xi32>, vector<16xi32>], vector<16xf32>,
          tpu.vector_store_idx %arg8[%add3A_188, %add3A_423], %gather3A_503 : memref<128x128xf32, #tpu.memory_space<vmem>>[vector<16xi32>, vector<16xi32>], vector<16xf32>,
          %gather3A_504 = tpu.vector_load_idx %arg6[%sub3A_437, %add3A_332] : memref<64x256xf32, #tpu.memory_space<vmem>>[vector<16xi32>, vector<16xi32>], vector<16xf32>,
          tpu.vector_store_idx %arg8[%add3A_188, %add3A_426], %gather3A_504 : memref<128x128xf32, #tpu.memory_space<vmem>>[vector<16xi32>, vector<16xi32>], vector<16xf32>,
          %gather3A_505 = tpu.vector_load_idx %arg6[%sub3A_440, %add3A_332] : memref<64x256xf32, #tpu.memory_space<vmem>>[vector<16xi32>, vector<16xi32>], vector<16xf32>,
          tpu.vector_store_idx %arg8[%add3A_188, %add3A_429], %gather3A_505 : memref<128x128xf32, #tpu.memory_space<vmem>>[vector<16xi32>, vector<16xi32>], vector<16xf32>,
          %gather3A_506 = tpu.vector_load_idx %arg6[%sub3A_443, %add3A_332] : memref<64x256xf32, #tpu.memory_space<vmem>>[vector<16xi32>, vector<16xi32>], vector<16xf32>,
          tpu.vector_store_idx %arg8[%add3A_188, %add3A_432], %gather3A_506 : memref<128x128xf32, #tpu.memory_space<vmem>>[vector<16xi32>, vector<16xi32>], vector<16xf32>,
          %mul3A_507 = arith.constant 2 : i32
          %mul3A_508 = arith.muli %mul3A_507, %scan3A_402 : i32
          %add3A_509 = arith.constant 1 : i32
          %add3A_510 = arith.addi %mul3A_508, %add3A_509 : i32
          %get3A_511 = arith.index_cast %add3A_510 : i32 to index
          %get3A_512 = arith.constant 0 : index
          %get3A_513 = tpu.vector_load %arg9[%get3A_511, %get3A_512] {strides = array<i32>} : memref<16x16xi32, #tpu.memory_space<vmem>>, vector<16xi32>,
          %add3A_514 = arith.constant 0 : i32
          %add3A_515 = vector.broadcast %add3A_514 : i32 to vector<16xi32>
          %add3A_516 = arith.addi %add3A_515, %get3A_513 : vector<16xi32>
          %add3A_517 = arith.constant 16 : i32
          %add3A_518 = vector.broadcast %add3A_517 : i32 to vector<16xi32>
          %add3A_519 = arith.addi %add3A_518, %get3A_513 : vector<16xi32>
          %add3A_520 = arith.constant 32 : i32
          %add3A_521 = vector.broadcast %add3A_520 : i32 to vector<16xi32>
          %add3A_522 = arith.addi %add3A_521, %get3A_513 : vector<16xi32>
          %add3A_523 = arith.constant 48 : i32
          %add3A_524 = vector.broadcast %add3A_523 : i32 to vector<16xi32>
          %add3A_525 = arith.addi %add3A_524, %get3A_513 : vector<16xi32>
          %add3A_526 = arith.constant 64 : i32
          %add3A_527 = vector.broadcast %add3A_526 : i32 to vector<16xi32>
          %add3A_528 = arith.addi %add3A_527, %get3A_513 : vector<16xi32>
          %add3A_529 = arith.constant 80 : i32
          %add3A_530 = vector.broadcast %add3A_529 : i32 to vector<16xi32>
          %add3A_531 = arith.addi %add3A_530, %get3A_513 : vector<16xi32>
          %add3A_532 = arith.constant 96 : i32
          %add3A_533 = vector.broadcast %add3A_532 : i32 to vector<16xi32>
          %add3A_534 = arith.addi %add3A_533, %get3A_513 : vector<16xi32>
          %add3A_535 = arith.constant 112 : i32
          %add3A_536 = vector.broadcast %add3A_535 : i32 to vector<16xi32>
          %add3A_537 = arith.addi %add3A_536, %get3A_513 : vector<16xi32>
          %sub3A_538 = arith.constant 64 : i32
          %sub3A_539 = vector.broadcast %sub3A_538 : i32 to vector<16xi32>
          %sub3A_540 = arith.subi %add3A_528, %sub3A_539 : vector<16xi32>
          %sub3A_541 = arith.constant 64 : i32
          %sub3A_542 = vector.broadcast %sub3A_541 : i32 to vector<16xi32>
          %sub3A_543 = arith.subi %add3A_531, %sub3A_542 : vector<16xi32>
          %sub3A_544 = arith.constant 64 : i32
          %sub3A_545 = vector.broadcast %sub3A_544 : i32 to vector<16xi32>
          %sub3A_546 = arith.subi %add3A_534, %sub3A_545 : vector<16xi32>
          %sub3A_547 = arith.constant 64 : i32
          %sub3A_548 = vector.broadcast %sub3A_547 : i32 to vector<16xi32>
          %sub3A_549 = arith.subi %add3A_537, %sub3A_548 : vector<16xi32>
          %gather3A_550 = tpu.vector_load_idx %arg6[%add3A_516, %add3A_197] : memref<64x256xf32, #tpu.memory_space<vmem>>[vector<16xi32>, vector<16xi32>], vector<16xf32>,
          tpu.vector_store_idx %arg8[%add3A_167, %add3A_516], %gather3A_550 : memref<128x128xf32, #tpu.memory_space<vmem>>[vector<16xi32>, vector<16xi32>], vector<16xf32>,
          %gather3A_551 = tpu.vector_load_idx %arg6[%add3A_519, %add3A_197] : memref<64x256xf32, #tpu.memory_space<vmem>>[vector<16xi32>, vector<16xi32>], vector<16xf32>,
          tpu.vector_store_idx %arg8[%add3A_167, %add3A_519], %gather3A_551 : memref<128x128xf32, #tpu.memory_space<vmem>>[vector<16xi32>, vector<16xi32>], vector<16xf32>,
          %gather3A_552 = tpu.vector_load_idx %arg6[%add3A_522, %add3A_197] : memref<64x256xf32, #tpu.memory_space<vmem>>[vector<16xi32>, vector<16xi32>], vector<16xf32>,
          tpu.vector_store_idx %arg8[%add3A_167, %add3A_522], %gather3A_552 : memref<128x128xf32, #tpu.memory_space<vmem>>[vector<16xi32>, vector<16xi32>], vector<16xf32>,
          %gather3A_553 = tpu.vector_load_idx %arg6[%add3A_525, %add3A_197] : memref<64x256xf32, #tpu.memory_space<vmem>>[vector<16xi32>, vector<16xi32>], vector<16xf32>,
          tpu.vector_store_idx %arg8[%add3A_167, %add3A_525], %gather3A_553 : memref<128x128xf32, #tpu.memory_space<vmem>>[vector<16xi32>, vector<16xi32>], vector<16xf32>,
          %gather3A_554 = tpu.vector_load_idx %arg6[%sub3A_540, %add3A_206] : memref<64x256xf32, #tpu.memory_space<vmem>>[vector<16xi32>, vector<16xi32>], vector<16xf32>,
          tpu.vector_store_idx %arg8[%add3A_167, %add3A_528], %gather3A_554 : memref<128x128xf32, #tpu.memory_space<vmem>>[vector<16xi32>, vector<16xi32>], vector<16xf32>,
          %gather3A_555 = tpu.vector_load_idx %arg6[%sub3A_543, %add3A_206] : memref<64x256xf32, #tpu.memory_space<vmem>>[vector<16xi32>, vector<16xi32>], vector<16xf32>,
          tpu.vector_store_idx %arg8[%add3A_167, %add3A_531], %gather3A_555 : memref<128x128xf32, #tpu.memory_space<vmem>>[vector<16xi32>, vector<16xi32>], vector<16xf32>,
          %gather3A_556 = tpu.vector_load_idx %arg6[%sub3A_546, %add3A_206] : memref<64x256xf32, #tpu.memory_space<vmem>>[vector<16xi32>, vector<16xi32>], vector<16xf32>,
          tpu.vector_store_idx %arg8[%add3A_167, %add3A_534], %gather3A_556 : memref<128x128xf32, #tpu.memory_space<vmem>>[vector<16xi32>, vector<16xi32>], vector<16xf32>,
          %gather3A_557 = tpu.vector_load_idx %arg6[%sub3A_549, %add3A_206] : memref<64x256xf32, #tpu.memory_space<vmem>>[vector<16xi32>, vector<16xi32>], vector<16xf32>,
          tpu.vector_store_idx %arg8[%add3A_167, %add3A_537], %gather3A_557 : memref<128x128xf32, #tpu.memory_space<vmem>>[vector<16xi32>, vector<16xi32>], vector<16xf32>,
          %gather3A_558 = tpu.vector_load_idx %arg6[%add3A_516, %add3A_215] : memref<64x256xf32, #tpu.memory_space<vmem>>[vector<16xi32>, vector<16xi32>], vector<16xf32>,
          tpu.vector_store_idx %arg8[%add3A_170, %add3A_516], %gather3A_558 : memref<128x128xf32, #tpu.memory_space<vmem>>[vector<16xi32>, vector<16xi32>], vector<16xf32>,
          %gather3A_559 = tpu.vector_load_idx %arg6[%add3A_519, %add3A_215] : memref<64x256xf32, #tpu.memory_space<vmem>>[vector<16xi32>, vector<16xi32>], vector<16xf32>,
          tpu.vector_store_idx %arg8[%add3A_170, %add3A_519], %gather3A_559 : memref<128x128xf32, #tpu.memory_space<vmem>>[vector<16xi32>, vector<16xi32>], vector<16xf32>,
          %gather3A_560 = tpu.vector_load_idx %arg6[%add3A_522, %add3A_215] : memref<64x256xf32, #tpu.memory_space<vmem>>[vector<16xi32>, vector<16xi32>], vector<16xf32>,
          tpu.vector_store_idx %arg8[%add3A_170, %add3A_522], %gather3A_560 : memref<128x128xf32, #tpu.memory_space<vmem>>[vector<16xi32>, vector<16xi32>], vector<16xf32>,
          %gather3A_561 = tpu.vector_load_idx %arg6[%add3A_525, %add3A_215] : memref<64x256xf32, #tpu.memory_space<vmem>>[vector<16xi32>, vector<16xi32>], vector<16xf32>,
          tpu.vector_store_idx %arg8[%add3A_170, %add3A_525], %gather3A_561 : memref<128x128xf32, #tpu.memory_space<vmem>>[vector<16xi32>, vector<16xi32>], vector<16xf32>,
          %gather3A_562 = tpu.vector_load_idx %arg6[%sub3A_540, %add3A_224] : memref<64x256xf32, #tpu.memory_space<vmem>>[vector<16xi32>, vector<16xi32>], vector<16xf32>,
          tpu.vector_store_idx %arg8[%add3A_170, %add3A_528], %gather3A_562 : memref<128x128xf32, #tpu.memory_space<vmem>>[vector<16xi32>, vector<16xi32>], vector<16xf32>,
          %gather3A_563 = tpu.vector_load_idx %arg6[%sub3A_543, %add3A_224] : memref<64x256xf32, #tpu.memory_space<vmem>>[vector<16xi32>, vector<16xi32>], vector<16xf32>,
          tpu.vector_store_idx %arg8[%add3A_170, %add3A_531], %gather3A_563 : memref<128x128xf32, #tpu.memory_space<vmem>>[vector<16xi32>, vector<16xi32>], vector<16xf32>,
          %gather3A_564 = tpu.vector_load_idx %arg6[%sub3A_546, %add3A_224] : memref<64x256xf32, #tpu.memory_space<vmem>>[vector<16xi32>, vector<16xi32>], vector<16xf32>,
          tpu.vector_store_idx %arg8[%add3A_170, %add3A_534], %gather3A_564 : memref<128x128xf32, #tpu.memory_space<vmem>>[vector<16xi32>, vector<16xi32>], vector<16xf32>,
          %gather3A_565 = tpu.vector_load_idx %arg6[%sub3A_549, %add3A_224] : memref<64x256xf32, #tpu.memory_space<vmem>>[vector<16xi32>, vector<16xi32>], vector<16xf32>,
          tpu.vector_store_idx %arg8[%add3A_170, %add3A_537], %gather3A_565 : memref<128x128xf32, #tpu.memory_space<vmem>>[vector<16xi32>, vector<16xi32>], vector<16xf32>,
          %gather3A_566 = tpu.vector_load_idx %arg6[%add3A_516, %add3A_233] : memref<64x256xf32, #tpu.memory_space<vmem>>[vector<16xi32>, vector<16xi32>], vector<16xf32>,
          tpu.vector_store_idx %arg8[%add3A_173, %add3A_516], %gather3A_566 : memref<128x128xf32, #tpu.memory_space<vmem>>[vector<16xi32>, vector<16xi32>], vector<16xf32>,
          %gather3A_567 = tpu.vector_load_idx %arg6[%add3A_519, %add3A_233] : memref<64x256xf32, #tpu.memory_space<vmem>>[vector<16xi32>, vector<16xi32>], vector<16xf32>,
          tpu.vector_store_idx %arg8[%add3A_173, %add3A_519], %gather3A_567 : memref<128x128xf32, #tpu.memory_space<vmem>>[vector<16xi32>, vector<16xi32>], vector<16xf32>,
          %gather3A_568 = tpu.vector_load_idx %arg6[%add3A_522, %add3A_233] : memref<64x256xf32, #tpu.memory_space<vmem>>[vector<16xi32>, vector<16xi32>], vector<16xf32>,
          tpu.vector_store_idx %arg8[%add3A_173, %add3A_522], %gather3A_568 : memref<128x128xf32, #tpu.memory_space<vmem>>[vector<16xi32>, vector<16xi32>], vector<16xf32>,
          %gather3A_569 = tpu.vector_load_idx %arg6[%add3A_525, %add3A_233] : memref<64x256xf32, #tpu.memory_space<vmem>>[vector<16xi32>, vector<16xi32>], vector<16xf32>,
          tpu.vector_store_idx %arg8[%add3A_173, %add3A_525], %gather3A_569 : memref<128x128xf32, #tpu.memory_space<vmem>>[vector<16xi32>, vector<16xi32>], vector<16xf32>,
          %gather3A_570 = tpu.vector_load_idx %arg6[%sub3A_540, %add3A_242] : memref<64x256xf32, #tpu.memory_space<vmem>>[vector<16xi32>, vector<16xi32>], vector<16xf32>,
          tpu.vector_store_idx %arg8[%add3A_173, %add3A_528], %gather3A_570 : memref<128x128xf32, #tpu.memory_space<vmem>>[vector<16xi32>, vector<16xi32>], vector<16xf32>,
          %gather3A_571 = tpu.vector_load_idx %arg6[%sub3A_543, %add3A_242] : memref<64x256xf32, #tpu.memory_space<vmem>>[vector<16xi32>, vector<16xi32>], vector<16xf32>,
          tpu.vector_store_idx %arg8[%add3A_173, %add3A_531], %gather3A_571 : memref<128x128xf32, #tpu.memory_space<vmem>>[vector<16xi32>, vector<16xi32>], vector<16xf32>,
          %gather3A_572 = tpu.vector_load_idx %arg6[%sub3A_546, %add3A_242] : memref<64x256xf32, #tpu.memory_space<vmem>>[vector<16xi32>, vector<16xi32>], vector<16xf32>,
          tpu.vector_store_idx %arg8[%add3A_173, %add3A_534], %gather3A_572 : memref<128x128xf32, #tpu.memory_space<vmem>>[vector<16xi32>, vector<16xi32>], vector<16xf32>,
          %gather3A_573 = tpu.vector_load_idx %arg6[%sub3A_549, %add3A_242] : memref<64x256xf32, #tpu.memory_space<vmem>>[vector<16xi32>, vector<16xi32>], vector<16xf32>,
          tpu.vector_store_idx %arg8[%add3A_173, %add3A_537], %gather3A_573 : memref<128x128xf32, #tpu.memory_space<vmem>>[vector<16xi32>, vector<16xi32>], vector<16xf32>,
          %gather3A_574 = tpu.vector_load_idx %arg6[%add3A_516, %add3A_251] : memref<64x256xf32, #tpu.memory_space<vmem>>[vector<16xi32>, vector<16xi32>], vector<16xf32>,
          tpu.vector_store_idx %arg8[%add3A_176, %add3A_516], %gather3A_574 : memref<128x128xf32, #tpu.memory_space<vmem>>[vector<16xi32>, vector<16xi32>], vector<16xf32>,
          %gather3A_575 = tpu.vector_load_idx %arg6[%add3A_519, %add3A_251] : memref<64x256xf32, #tpu.memory_space<vmem>>[vector<16xi32>, vector<16xi32>], vector<16xf32>,
          tpu.vector_store_idx %arg8[%add3A_176, %add3A_519], %gather3A_575 : memref<128x128xf32, #tpu.memory_space<vmem>>[vector<16xi32>, vector<16xi32>], vector<16xf32>,
          %gather3A_576 = tpu.vector_load_idx %arg6[%add3A_522, %add3A_251] : memref<64x256xf32, #tpu.memory_space<vmem>>[vector<16xi32>, vector<16xi32>], vector<16xf32>,
          tpu.vector_store_idx %arg8[%add3A_176, %add3A_522], %gather3A_576 : memref<128x128xf32, #tpu.memory_space<vmem>>[vector<16xi32>, vector<16xi32>], vector<16xf32>,
          %gather3A_577 = tpu.vector_load_idx %arg6[%add3A_525, %add3A_251] : memref<64x256xf32, #tpu.memory_space<vmem>>[vector<16xi32>, vector<16xi32>], vector<16xf32>,
          tpu.vector_store_idx %arg8[%add3A_176, %add3A_525], %gather3A_577 : memref<128x128xf32, #tpu.memory_space<vmem>>[vector<16xi32>, vector<16xi32>], vector<16xf32>,
          %gather3A_578 = tpu.vector_load_idx %arg6[%sub3A_540, %add3A_260] : memref<64x256xf32, #tpu.memory_space<vmem>>[vector<16xi32>, vector<16xi32>], vector<16xf32>,
          tpu.vector_store_idx %arg8[%add3A_176, %add3A_528], %gather3A_578 : memref<128x128xf32, #tpu.memory_space<vmem>>[vector<16xi32>, vector<16xi32>], vector<16xf32>,
          %gather3A_579 = tpu.vector_load_idx %arg6[%sub3A_543, %add3A_260] : memref<64x256xf32, #tpu.memory_space<vmem>>[vector<16xi32>, vector<16xi32>], vector<16xf32>,
          tpu.vector_store_idx %arg8[%add3A_176, %add3A_531], %gather3A_579 : memref<128x128xf32, #tpu.memory_space<vmem>>[vector<16xi32>, vector<16xi32>], vector<16xf32>,
          %gather3A_580 = tpu.vector_load_idx %arg6[%sub3A_546, %add3A_260] : memref<64x256xf32, #tpu.memory_space<vmem>>[vector<16xi32>, vector<16xi32>], vector<16xf32>,
          tpu.vector_store_idx %arg8[%add3A_176, %add3A_534], %gather3A_580 : memref<128x128xf32, #tpu.memory_space<vmem>>[vector<16xi32>, vector<16xi32>], vector<16xf32>,
          %gather3A_581 = tpu.vector_load_idx %arg6[%sub3A_549, %add3A_260] : memref<64x256xf32, #tpu.memory_space<vmem>>[vector<16xi32>, vector<16xi32>], vector<16xf32>,
          tpu.vector_store_idx %arg8[%add3A_176, %add3A_537], %gather3A_581 : memref<128x128xf32, #tpu.memory_space<vmem>>[vector<16xi32>, vector<16xi32>], vector<16xf32>,
          %gather3A_582 = tpu.vector_load_idx %arg6[%add3A_516, %add3A_269] : memref<64x256xf32, #tpu.memory_space<vmem>>[vector<16xi32>, vector<16xi32>], vector<16xf32>,
          tpu.vector_store_idx %arg8[%add3A_179, %add3A_516], %gather3A_582 : memref<128x128xf32, #tpu.memory_space<vmem>>[vector<16xi32>, vector<16xi32>], vector<16xf32>,
          %gather3A_583 = tpu.vector_load_idx %arg6[%add3A_519, %add3A_269] : memref<64x256xf32, #tpu.memory_space<vmem>>[vector<16xi32>, vector<16xi32>], vector<16xf32>,
          tpu.vector_store_idx %arg8[%add3A_179, %add3A_519], %gather3A_583 : memref<128x128xf32, #tpu.memory_space<vmem>>[vector<16xi32>, vector<16xi32>], vector<16xf32>,
          %gather3A_584 = tpu.vector_load_idx %arg6[%add3A_522, %add3A_269] : memref<64x256xf32, #tpu.memory_space<vmem>>[vector<16xi32>, vector<16xi32>], vector<16xf32>,
          tpu.vector_store_idx %arg8[%add3A_179, %add3A_522], %gather3A_584 : memref<128x128xf32, #tpu.memory_space<vmem>>[vector<16xi32>, vector<16xi32>], vector<16xf32>,
          %gather3A_585 = tpu.vector_load_idx %arg6[%add3A_525, %add3A_269] : memref<64x256xf32, #tpu.memory_space<vmem>>[vector<16xi32>, vector<16xi32>], vector<16xf32>,
          tpu.vector_store_idx %arg8[%add3A_179, %add3A_525], %gather3A_585 : memref<128x128xf32, #tpu.memory_space<vmem>>[vector<16xi32>, vector<16xi32>], vector<16xf32>,
          %gather3A_586 = tpu.vector_load_idx %arg6[%sub3A_540, %add3A_278] : memref<64x256xf32, #tpu.memory_space<vmem>>[vector<16xi32>, vector<16xi32>], vector<16xf32>,
          tpu.vector_store_idx %arg8[%add3A_179, %add3A_528], %gather3A_586 : memref<128x128xf32, #tpu.memory_space<vmem>>[vector<16xi32>, vector<16xi32>], vector<16xf32>,
          %gather3A_587 = tpu.vector_load_idx %arg6[%sub3A_543, %add3A_278] : memref<64x256xf32, #tpu.memory_space<vmem>>[vector<16xi32>, vector<16xi32>], vector<16xf32>,
          tpu.vector_store_idx %arg8[%add3A_179, %add3A_531], %gather3A_587 : memref<128x128xf32, #tpu.memory_space<vmem>>[vector<16xi32>, vector<16xi32>], vector<16xf32>,
          %gather3A_588 = tpu.vector_load_idx %arg6[%sub3A_546, %add3A_278] : memref<64x256xf32, #tpu.memory_space<vmem>>[vector<16xi32>, vector<16xi32>], vector<16xf32>,
          tpu.vector_store_idx %arg8[%add3A_179, %add3A_534], %gather3A_588 : memref<128x128xf32, #tpu.memory_space<vmem>>[vector<16xi32>, vector<16xi32>], vector<16xf32>,
          %gather3A_589 = tpu.vector_load_idx %arg6[%sub3A_549, %add3A_278] : memref<64x256xf32, #tpu.memory_space<vmem>>[vector<16xi32>, vector<16xi32>], vector<16xf32>,
          tpu.vector_store_idx %arg8[%add3A_179, %add3A_537], %gather3A_589 : memref<128x128xf32, #tpu.memory_space<vmem>>[vector<16xi32>, vector<16xi32>], vector<16xf32>,
          %gather3A_590 = tpu.vector_load_idx %arg6[%add3A_516, %add3A_287] : memref<64x256xf32, #tpu.memory_space<vmem>>[vector<16xi32>, vector<16xi32>], vector<16xf32>,
          tpu.vector_store_idx %arg8[%add3A_182, %add3A_516], %gather3A_590 : memref<128x128xf32, #tpu.memory_space<vmem>>[vector<16xi32>, vector<16xi32>], vector<16xf32>,
          %gather3A_591 = tpu.vector_load_idx %arg6[%add3A_519, %add3A_287] : memref<64x256xf32, #tpu.memory_space<vmem>>[vector<16xi32>, vector<16xi32>], vector<16xf32>,
          tpu.vector_store_idx %arg8[%add3A_182, %add3A_519], %gather3A_591 : memref<128x128xf32, #tpu.memory_space<vmem>>[vector<16xi32>, vector<16xi32>], vector<16xf32>,
          %gather3A_592 = tpu.vector_load_idx %arg6[%add3A_522, %add3A_287] : memref<64x256xf32, #tpu.memory_space<vmem>>[vector<16xi32>, vector<16xi32>], vector<16xf32>,
          tpu.vector_store_idx %arg8[%add3A_182, %add3A_522], %gather3A_592 : memref<128x128xf32, #tpu.memory_space<vmem>>[vector<16xi32>, vector<16xi32>], vector<16xf32>,
          %gather3A_593 = tpu.vector_load_idx %arg6[%add3A_525, %add3A_287] : memref<64x256xf32, #tpu.memory_space<vmem>>[vector<16xi32>, vector<16xi32>], vector<16xf32>,
          tpu.vector_store_idx %arg8[%add3A_182, %add3A_525], %gather3A_593 : memref<128x128xf32, #tpu.memory_space<vmem>>[vector<16xi32>, vector<16xi32>], vector<16xf32>,
          %gather3A_594 = tpu.vector_load_idx %arg6[%sub3A_540, %add3A_296] : memref<64x256xf32, #tpu.memory_space<vmem>>[vector<16xi32>, vector<16xi32>], vector<16xf32>,
          tpu.vector_store_idx %arg8[%add3A_182, %add3A_528], %gather3A_594 : memref<128x128xf32, #tpu.memory_space<vmem>>[vector<16xi32>, vector<16xi32>], vector<16xf32>,
          %gather3A_595 = tpu.vector_load_idx %arg6[%sub3A_543, %add3A_296] : memref<64x256xf32, #tpu.memory_space<vmem>>[vector<16xi32>, vector<16xi32>], vector<16xf32>,
          tpu.vector_store_idx %arg8[%add3A_182, %add3A_531], %gather3A_595 : memref<128x128xf32, #tpu.memory_space<vmem>>[vector<16xi32>, vector<16xi32>], vector<16xf32>,
          %gather3A_596 = tpu.vector_load_idx %arg6[%sub3A_546, %add3A_296] : memref<64x256xf32, #tpu.memory_space<vmem>>[vector<16xi32>, vector<16xi32>], vector<16xf32>,
          tpu.vector_store_idx %arg8[%add3A_182, %add3A_534], %gather3A_596 : memref<128x128xf32, #tpu.memory_space<vmem>>[vector<16xi32>, vector<16xi32>], vector<16xf32>,
          %gather3A_597 = tpu.vector_load_idx %arg6[%sub3A_549, %add3A_296] : memref<64x256xf32, #tpu.memory_space<vmem>>[vector<16xi32>, vector<16xi32>], vector<16xf32>,
          tpu.vector_store_idx %arg8[%add3A_182, %add3A_537], %gather3A_597 : memref<128x128xf32, #tpu.memory_space<vmem>>[vector<16xi32>, vector<16xi32>], vector<16xf32>,
          %gather3A_598 = tpu.vector_load_idx %arg6[%add3A_516, %add3A_305] : memref<64x256xf32, #tpu.memory_space<vmem>>[vector<16xi32>, vector<16xi32>], vector<16xf32>,
          tpu.vector_store_idx %arg8[%add3A_185, %add3A_516], %gather3A_598 : memref<128x128xf32, #tpu.memory_space<vmem>>[vector<16xi32>, vector<16xi32>], vector<16xf32>,
          %gather3A_599 = tpu.vector_load_idx %arg6[%add3A_519, %add3A_305] : memref<64x256xf32, #tpu.memory_space<vmem>>[vector<16xi32>, vector<16xi32>], vector<16xf32>,
          tpu.vector_store_idx %arg8[%add3A_185, %add3A_519], %gather3A_599 : memref<128x128xf32, #tpu.memory_space<vmem>>[vector<16xi32>, vector<16xi32>], vector<16xf32>,
          %gather3A_600 = tpu.vector_load_idx %arg6[%add3A_522, %add3A_305] : memref<64x256xf32, #tpu.memory_space<vmem>>[vector<16xi32>, vector<16xi32>], vector<16xf32>,
          tpu.vector_store_idx %arg8[%add3A_185, %add3A_522], %gather3A_600 : memref<128x128xf32, #tpu.memory_space<vmem>>[vector<16xi32>, vector<16xi32>], vector<16xf32>,
          %gather3A_601 = tpu.vector_load_idx %arg6[%add3A_525, %add3A_305] : memref<64x256xf32, #tpu.memory_space<vmem>>[vector<16xi32>, vector<16xi32>], vector<16xf32>,
          tpu.vector_store_idx %arg8[%add3A_185, %add3A_525], %gather3A_601 : memref<128x128xf32, #tpu.memory_space<vmem>>[vector<16xi32>, vector<16xi32>], vector<16xf32>,
          %gather3A_602 = tpu.vector_load_idx %arg6[%sub3A_540, %add3A_314] : memref<64x256xf32, #tpu.memory_space<vmem>>[vector<16xi32>, vector<16xi32>], vector<16xf32>,
          tpu.vector_store_idx %arg8[%add3A_185, %add3A_528], %gather3A_602 : memref<128x128xf32, #tpu.memory_space<vmem>>[vector<16xi32>, vector<16xi32>], vector<16xf32>,
          %gather3A_603 = tpu.vector_load_idx %arg6[%sub3A_543, %add3A_314] : memref<64x256xf32, #tpu.memory_space<vmem>>[vector<16xi32>, vector<16xi32>], vector<16xf32>,
          tpu.vector_store_idx %arg8[%add3A_185, %add3A_531], %gather3A_603 : memref<128x128xf32, #tpu.memory_space<vmem>>[vector<16xi32>, vector<16xi32>], vector<16xf32>,
          %gather3A_604 = tpu.vector_load_idx %arg6[%sub3A_546, %add3A_314] : memref<64x256xf32, #tpu.memory_space<vmem>>[vector<16xi32>, vector<16xi32>], vector<16xf32>,
          tpu.vector_store_idx %arg8[%add3A_185, %add3A_534], %gather3A_604 : memref<128x128xf32, #tpu.memory_space<vmem>>[vector<16xi32>, vector<16xi32>], vector<16xf32>,
          %gather3A_605 = tpu.vector_load_idx %arg6[%sub3A_549, %add3A_314] : memref<64x256xf32, #tpu.memory_space<vmem>>[vector<16xi32>, vector<16xi32>], vector<16xf32>,
          tpu.vector_store_idx %arg8[%add3A_185, %add3A_537], %gather3A_605 : memref<128x128xf32, #tpu.memory_space<vmem>>[vector<16xi32>, vector<16xi32>], vector<16xf32>,
          %gather3A_606 = tpu.vector_load_idx %arg6[%add3A_516, %add3A_323] : memref<64x256xf32, #tpu.memory_space<vmem>>[vector<16xi32>, vector<16xi32>], vector<16xf32>,
          tpu.vector_store_idx %arg8[%add3A_188, %add3A_516], %gather3A_606 : memref<128x128xf32, #tpu.memory_space<vmem>>[vector<16xi32>, vector<16xi32>], vector<16xf32>,
          %gather3A_607 = tpu.vector_load_idx %arg6[%add3A_519, %add3A_323] : memref<64x256xf32, #tpu.memory_space<vmem>>[vector<16xi32>, vector<16xi32>], vector<16xf32>,
          tpu.vector_store_idx %arg8[%add3A_188, %add3A_519], %gather3A_607 : memref<128x128xf32, #tpu.memory_space<vmem>>[vector<16xi32>, vector<16xi32>], vector<16xf32>,
          %gather3A_608 = tpu.vector_load_idx %arg6[%add3A_522, %add3A_323] : memref<64x256xf32, #tpu.memory_space<vmem>>[vector<16xi32>, vector<16xi32>], vector<16xf32>,
          tpu.vector_store_idx %arg8[%add3A_188, %add3A_522], %gather3A_608 : memref<128x128xf32, #tpu.memory_space<vmem>>[vector<16xi32>, vector<16xi32>], vector<16xf32>,
          %gather3A_609 = tpu.vector_load_idx %arg6[%add3A_525, %add3A_323] : memref<64x256xf32, #tpu.memory_space<vmem>>[vector<16xi32>, vector<16xi32>], vector<16xf32>,
          tpu.vector_store_idx %arg8[%add3A_188, %add3A_525], %gather3A_609 : memref<128x128xf32, #tpu.memory_space<vmem>>[vector<16xi32>, vector<16xi32>], vector<16xf32>,
          %gather3A_610 = tpu.vector_load_idx %arg6[%sub3A_540, %add3A_332] : memref<64x256xf32, #tpu.memory_space<vmem>>[vector<16xi32>, vector<16xi32>], vector<16xf32>,
          tpu.vector_store_idx %arg8[%add3A_188, %add3A_528], %gather3A_610 : memref<128x128xf32, #tpu.memory_space<vmem>>[vector<16xi32>, vector<16xi32>], vector<16xf32>,
          %gather3A_611 = tpu.vector_load_idx %arg6[%sub3A_543, %add3A_332] : memref<64x256xf32, #tpu.memory_space<vmem>>[vector<16xi32>, vector<16xi32>], vector<16xf32>,
          tpu.vector_store_idx %arg8[%add3A_188, %add3A_531], %gather3A_611 : memref<128x128xf32, #tpu.memory_space<vmem>>[vector<16xi32>, vector<16xi32>], vector<16xf32>,
          %gather3A_612 = tpu.vector_load_idx %arg6[%sub3A_546, %add3A_332] : memref<64x256xf32, #tpu.memory_space<vmem>>[vector<16xi32>, vector<16xi32>], vector<16xf32>,
          tpu.vector_store_idx %arg8[%add3A_188, %add3A_534], %gather3A_612 : memref<128x128xf32, #tpu.memory_space<vmem>>[vector<16xi32>, vector<16xi32>], vector<16xf32>,
          %gather3A_613 = tpu.vector_load_idx %arg6[%sub3A_549, %add3A_332] : memref<64x256xf32, #tpu.memory_space<vmem>>[vector<16xi32>, vector<16xi32>], vector<16xf32>,
          tpu.vector_store_idx %arg8[%add3A_188, %add3A_537], %gather3A_613 : memref<128x128xf32, #tpu.memory_space<vmem>>[vector<16xi32>, vector<16xi32>], vector<16xf32>,
        }
        %scan3A_389 = arith.constant 8 : i32
        %add3A_390 = arith.addi %add3A_164, %add3A_369 : i32
        %mul3A_391 = arith.constant 128 : i32
        %mul3A_392 = arith.muli %add3A_390, %mul3A_391 : i32
        %dma_start3A = arith.constant 0 : i32
        %dma_start3A_393 = tpu.memref_slice %arg4[%mul3A_392, %dma_start3A] : memref<500000x128xf32, #tpu.memory_space<hbm>> -> memref<128x128xf32, #tpu.memory_space<hbm>>
        %dma_start3A_394 = arith.constant 0 : i32
        %dma_start3A_395 = tpu.memref_slice %arg4[%mul3A_392, %dma_start3A_394] : memref<500000x128xf32, #tpu.memory_space<hbm>> -> memref<128x128xf32, #tpu.memory_space<hbm>>
        tpu.enqueue_dma source(%arg8 : memref<128x128xf32, #tpu.memory_space<vmem>>) target(%dma_start3A_395 : memref<128x128xf32, #tpu.memory_space<hbm>>) target_semaphore(%arg13 : memref<!tpu.dma_semaphore, #tpu.memory_space<semaphore_mem>>)
        %add3A_396 = arith.constant 2 : i32
        %add3A_397 = arith.addi %add3A_369, %add3A_396 : i32
        %lt3A_398 = arith.cmpi slt, %add3A_397, %select_n3A : i32
        %convert_element_type3A_399 = arith.extui %lt3A_398 : i1 to i32
        %cond3A_400 = arith.constant 0 : i32
        %cond3A_401 = arith.cmpi ne, %convert_element_type3A_399, %cond3A_400 : i32
        scf.if %cond3A_401 {
          %add3A_402 = arith.constant 2 : i32
          %add3A_403 = arith.addi %add3A_369, %add3A_402 : i32
          %add3A_404 = arith.addi %add3A_164, %add3A_403 : i32
          %mul3A_405 = arith.constant 256 : i32
          %mul3A_406 = arith.muli %add3A_404, %mul3A_405 : i32
          %dma_start3A_407 = arith.constant 0 : i32
          %dma_start3A_408 = tpu.memref_slice %arg2[%dma_start3A_407, %mul3A_406] : memref<64x1000000xf32, #tpu.memory_space<hbm>> -> memref<64x256xf32, #tpu.memory_space<hbm>>
          %dma_start3A_409 = arith.constant 0 : i32
          %dma_start3A_410 = tpu.memref_slice %arg2[%dma_start3A_409, %mul3A_406] : memref<64x1000000xf32, #tpu.memory_space<hbm>> -> memref<64x256xf32, #tpu.memory_space<hbm>>
          tpu.enqueue_dma source(%dma_start3A_410 : memref<64x256xf32, #tpu.memory_space<hbm>>) target(%arg6 : memref<64x256xf32, #tpu.memory_space<vmem>>) target_semaphore(%arg11 : memref<!tpu.dma_semaphore, #tpu.memory_space<semaphore_mem>>)
        } else {
        }
      } else {
      }
    }
    %scan3A_344 = arith.constant 62 : i32
    %gt3A_345 = arith.constant 0 : i32
    %gt3A_346 = arith.cmpi sgt, %select_n3A, %gt3A_345 : i32
    %convert_element_type3A_347 = arith.extui %gt3A_346 : i1 to i32
    %cond3A_348 = arith.constant 0 : i32
    %cond3A_349 = arith.cmpi ne, %convert_element_type3A_347, %cond3A_348 : i32
    scf.if %cond3A_349 {
      %add3A_359 = arith.constant 0 : i32
      %add3A_360 = arith.addi %add3A_164, %add3A_359 : i32
      %mul3A_361 = arith.constant 128 : i32
      %mul3A_362 = arith.muli %add3A_360, %mul3A_361 : i32
      %dma_wait3A = arith.constant 0 : i32
      %dma_wait3A_363 = tpu.memref_slice %arg4[%mul3A_362, %dma_wait3A] : memref<500000x128xf32, #tpu.memory_space<hbm>> -> memref<128x128xf32, #tpu.memory_space<hbm>>
      %dma_wait3A_364 = arith.constant 0 : i32
      %dma_wait3A_365 = tpu.memref_slice %arg4[%mul3A_362, %dma_wait3A_364] : memref<500000x128xf32, #tpu.memory_space<hbm>> -> memref<128x128xf32, #tpu.memory_space<hbm>>
      tpu.wait_dma2 semaphore(%arg12 : memref<!tpu.dma_semaphore, #tpu.memory_space<semaphore_mem>>) src(%arg7 : memref<128x128xf32, #tpu.memory_space<vmem>>) dst(%dma_wait3A_365 : memref<128x128xf32, #tpu.memory_space<hbm>>)
    } else {
    }
    %gt3A_350 = arith.constant 1 : i32
    %gt3A_351 = arith.cmpi sgt, %select_n3A, %gt3A_350 : i32
    %convert_element_type3A_352 = arith.extui %gt3A_351 : i1 to i32
    %cond3A_353 = arith.constant 0 : i32
    %cond3A_354 = arith.cmpi ne, %convert_element_type3A_352, %cond3A_353 : i32
    scf.if %cond3A_354 {
      %add3A_359 = arith.constant 0 : i32
      %add3A_360 = arith.addi %add3A_164, %add3A_359 : i32
      %mul3A_361 = arith.constant 128 : i32
      %mul3A_362 = arith.muli %add3A_360, %mul3A_361 : i32
      %dma_wait3A = arith.constant 0 : i32
      %dma_wait3A_363 = tpu.memref_slice %arg4[%mul3A_362, %dma_wait3A] : memref<500000x128xf32, #tpu.memory_space<hbm>> -> memref<128x128xf32, #tpu.memory_space<hbm>>
      %dma_wait3A_364 = arith.constant 0 : i32
      %dma_wait3A_365 = tpu.memref_slice %arg4[%mul3A_362, %dma_wait3A_364] : memref<500000x128xf32, #tpu.memory_space<hbm>> -> memref<128x128xf32, #tpu.memory_space<hbm>>
      tpu.wait_dma2 semaphore(%arg13 : memref<!tpu.dma_semaphore, #tpu.memory_space<semaphore_mem>>) src(%arg8 : memref<128x128xf32, #tpu.memory_space<vmem>>) dst(%dma_wait3A_365 : memref<128x128xf32, #tpu.memory_space<hbm>>)
    } else {
    }
    %eq3A = arith.constant 31 : i32
    %eq3A_355 = arith.cmpi eq, %add3A, %eq3A : i32
    %convert_element_type3A_356 = arith.extui %eq3A_355 : i1 to i32
    %cond3A_357 = arith.constant 0 : i32
    %cond3A_358 = arith.cmpi ne, %convert_element_type3A_356, %cond3A_357 : i32
    scf.if %cond3A_358 {
      %dma_start3A = arith.constant 0 : i32
      %dma_start3A_359 = arith.constant 0 : i32
      %dma_start3A_360 = tpu.memref_slice %arg7[%dma_start3A, %dma_start3A_359] : memref<128x128xf32, #tpu.memory_space<vmem>> -> memref<32x128xf32, #tpu.memory_space<vmem>>
      %dma_start3A_361 = arith.constant 0 : i32
      %dma_start3A_362 = arith.constant 0 : i32
      %dma_start3A_363 = tpu.memref_slice %arg7[%dma_start3A_361, %dma_start3A_362] : memref<128x128xf32, #tpu.memory_space<vmem>> -> memref<32x128xf32, #tpu.memory_space<vmem>>
      tpu.enqueue_dma source(%arg3 : memref<32x128xf32, #tpu.memory_space<hbm>>) target(%dma_start3A_363 : memref<32x128xf32, #tpu.memory_space<vmem>>) target_semaphore(%arg10 : memref<!tpu.dma_semaphore, #tpu.memory_space<semaphore_mem>>)
      %dma_wait3A = arith.constant 0 : i32
      %dma_wait3A_364 = arith.constant 0 : i32
      %dma_wait3A_365 = tpu.memref_slice %arg7[%dma_wait3A, %dma_wait3A_364] : memref<128x128xf32, #tpu.memory_space<vmem>> -> memref<32x128xf32, #tpu.memory_space<vmem>>
      %dma_wait3A_366 = arith.constant 0 : i32
      %dma_wait3A_367 = arith.constant 0 : i32
      %dma_wait3A_368 = tpu.memref_slice %arg7[%dma_wait3A_366, %dma_wait3A_367] : memref<128x128xf32, #tpu.memory_space<vmem>> -> memref<32x128xf32, #tpu.memory_space<vmem>>
      tpu.wait_dma2 semaphore(%arg10 : memref<!tpu.dma_semaphore, #tpu.memory_space<semaphore_mem>>) src(%arg3 : memref<32x128xf32, #tpu.memory_space<hbm>>) dst(%dma_wait3A_368 : memref<32x128xf32, #tpu.memory_space<vmem>>)
      %dma_start3A_369 = arith.constant 0 : i32
      %dma_start3A_370 = arith.constant 0 : i32
      %dma_start3A_371 = tpu.memref_slice %arg7[%dma_start3A_369, %dma_start3A_370] : memref<128x128xf32, #tpu.memory_space<vmem>> -> memref<32x128xf32, #tpu.memory_space<vmem>>
      %dma_start3A_372 = arith.constant 499968 : i32
      %dma_start3A_373 = arith.constant 0 : i32
      %dma_start3A_374 = tpu.memref_slice %arg4[%dma_start3A_372, %dma_start3A_373] : memref<500000x128xf32, #tpu.memory_space<hbm>> -> memref<32x128xf32, #tpu.memory_space<hbm>>
      %dma_start3A_375 = arith.constant 499968 : i32
      %dma_start3A_376 = arith.constant 0 : i32
      %dma_start3A_377 = tpu.memref_slice %arg4[%dma_start3A_375, %dma_start3A_376] : memref<500000x128xf32, #tpu.memory_space<hbm>> -> memref<32x128xf32, #tpu.memory_space<hbm>>
      %dma_start3A_378 = arith.constant 0 : i32
      %dma_start3A_379 = arith.constant 0 : i32
      %dma_start3A_380 = tpu.memref_slice %arg7[%dma_start3A_378, %dma_start3A_379] : memref<128x128xf32, #tpu.memory_space<vmem>> -> memref<32x128xf32, #tpu.memory_space<vmem>>
      tpu.enqueue_dma source(%dma_start3A_380 : memref<32x128xf32, #tpu.memory_space<vmem>>) target(%dma_start3A_377 : memref<32x128xf32, #tpu.memory_space<hbm>>) target_semaphore(%arg12 : memref<!tpu.dma_semaphore, #tpu.memory_space<semaphore_mem>>)
      %dma_wait3A_381 = arith.constant 0 : i32
      %dma_wait3A_382 = arith.constant 0 : i32
      %dma_wait3A_383 = tpu.memref_slice %arg7[%dma_wait3A_381, %dma_wait3A_382] : memref<128x128xf32, #tpu.memory_space<vmem>> -> memref<32x128xf32, #tpu.memory_space<vmem>>
      %dma_wait3A_384 = arith.constant 499968 : i32
      %dma_wait3A_385 = arith.constant 0 : i32
      %dma_wait3A_386 = tpu.memref_slice %arg4[%dma_wait3A_384, %dma_wait3A_385] : memref<500000x128xf32, #tpu.memory_space<hbm>> -> memref<32x128xf32, #tpu.memory_space<hbm>>
      %dma_wait3A_387 = arith.constant 499968 : i32
      %dma_wait3A_388 = arith.constant 0 : i32
      %dma_wait3A_389 = tpu.memref_slice %arg4[%dma_wait3A_387, %dma_wait3A_388] : memref<500000x128xf32, #tpu.memory_space<hbm>> -> memref<32x128xf32, #tpu.memory_space<hbm>>
      %dma_wait3A_390 = arith.constant 0 : i32
      %dma_wait3A_391 = arith.constant 0 : i32
      %dma_wait3A_392 = tpu.memref_slice %arg7[%dma_wait3A_390, %dma_wait3A_391] : memref<128x128xf32, #tpu.memory_space<vmem>> -> memref<32x128xf32, #tpu.memory_space<vmem>>
      tpu.wait_dma2 semaphore(%arg12 : memref<!tpu.dma_semaphore, #tpu.memory_space<semaphore_mem>>) src(%dma_wait3A_392 : memref<32x128xf32, #tpu.memory_space<vmem>>) dst(%dma_wait3A_389 : memref<32x128xf32, #tpu.memory_space<hbm>>)
    } else {
    }
    return
  }
}

#map = affine_map<(d0, d1) -> (0, 0, 0)>
#map1 = affine_map<(d0, d1) -> (0, 0)>
module attributes {stable_mosaic.version = 14 : i64} {
  func.func @_gather_kernel(%arg0: i32, %arg1: i32, %arg2: memref<32x104x128xi32, #tpu.memory_space<hbm>>, %arg3: memref<500000x128xf32, #tpu.memory_space<hbm>>, %arg4: memref<26x64x16384xf32, #tpu.memory_space<hbm>>, %arg5: memref<104x128xi32, #tpu.memory_space<vmem>>, %arg6: memref<128xi32, #tpu.memory_space<vmem>>, %arg7: memref<128xi32, #tpu.memory_space<vmem>>, %arg8: memref<128xi32, #tpu.memory_space<vmem>>, %arg9: memref<128xi32, #tpu.memory_space<vmem>>, %arg10: memref<128x128xf32, #tpu.memory_space<vmem>>, %arg11: memref<128x128xf32, #tpu.memory_space<vmem>>, %arg12: memref<64x128xf32, #tpu.memory_space<vmem>>, %arg13: memref<64x128xf32, #tpu.memory_space<vmem>>, %arg14: memref<16x16xi32, #tpu.memory_space<vmem>>, %arg15: memref<!tpu.dma_semaphore, #tpu.memory_space<semaphore_mem>>, %arg16: memref<!tpu.dma_semaphore, #tpu.memory_space<semaphore_mem>>, %arg17: memref<!tpu.dma_semaphore, #tpu.memory_space<semaphore_mem>>, %arg18: memref<!tpu.dma_semaphore, #tpu.memory_space<semaphore_mem>>, %arg19: memref<!tpu.dma_semaphore, #tpu.memory_space<semaphore_mem>>) attributes {dimension_semantics = [#tpu.dimension_semantics<core_parallel>, #tpu.dimension_semantics<subcore_parallel>], iteration_bounds = array<i64: 2, 16>, scalar_prefetch = 0 : i64, scratch_operands = 15 : i64, tpu.core_type = #tpu.core_type<sc_vector_subcore>, window_params = [{transform_indices = #map}, {transform_indices = #map1}, {transform_indices = #map}]} {
    %mul3A = arith.constant 2 : i32
    %mul3A_0 = arith.muli %arg1, %mul3A : i32
    %add3A = arith.addi %mul3A_0, %arg0 : i32
    %iota3A = tpu.iota {dimensions = array<i32: 0>} : vector<16xi32>
    %add3A_1 = arith.constant 0 : i32
    %add3A_2 = vector.broadcast %add3A_1 : i32 to vector<16xi32>
    %add3A_3 = arith.addi %iota3A, %add3A_2 : vector<16xi32>
    %and3A = arith.constant 15 : i32
    %and3A_4 = vector.broadcast %and3A : i32 to vector<16xi32>
    %and3A_5 = arith.andi %add3A_3, %and3A_4 : vector<16xi32>
    %swap3A = arith.constant 0 : i32
    %swap3A_6 = arith.index_cast %swap3A : i32 to index
    %swap3A_7 = arith.constant 0 : index
    %swap3A_8 = tpu.vector_load %arg14[%swap3A_6, %swap3A_7] {strides = array<i32>} : memref<16x16xi32, #tpu.memory_space<vmem>>, vector<16xi32>,
    tpu.vector_store %arg14[%swap3A_6, %swap3A_7], %and3A_5 {strides = array<i32>} : memref<16x16xi32, #tpu.memory_space<vmem>>, vector<16xi32>,
    %add3A_9 = arith.constant 1 : i32
    %add3A_10 = vector.broadcast %add3A_9 : i32 to vector<16xi32>
    %add3A_11 = arith.addi %iota3A, %add3A_10 : vector<16xi32>
    %and3A_12 = arith.constant 15 : i32
    %and3A_13 = vector.broadcast %and3A_12 : i32 to vector<16xi32>
    %and3A_14 = arith.andi %add3A_11, %and3A_13 : vector<16xi32>
    %swap3A_15 = arith.constant 1 : i32
    %swap3A_16 = arith.index_cast %swap3A_15 : i32 to index
    %swap3A_17 = arith.constant 0 : index
    %swap3A_18 = tpu.vector_load %arg14[%swap3A_16, %swap3A_17] {strides = array<i32>} : memref<16x16xi32, #tpu.memory_space<vmem>>, vector<16xi32>,
    tpu.vector_store %arg14[%swap3A_16, %swap3A_17], %and3A_14 {strides = array<i32>} : memref<16x16xi32, #tpu.memory_space<vmem>>, vector<16xi32>,
    %add3A_19 = arith.constant 2 : i32
    %add3A_20 = vector.broadcast %add3A_19 : i32 to vector<16xi32>
    %add3A_21 = arith.addi %iota3A, %add3A_20 : vector<16xi32>
    %and3A_22 = arith.constant 15 : i32
    %and3A_23 = vector.broadcast %and3A_22 : i32 to vector<16xi32>
    %and3A_24 = arith.andi %add3A_21, %and3A_23 : vector<16xi32>
    %swap3A_25 = arith.constant 2 : i32
    %swap3A_26 = arith.index_cast %swap3A_25 : i32 to index
    %swap3A_27 = arith.constant 0 : index
    %swap3A_28 = tpu.vector_load %arg14[%swap3A_26, %swap3A_27] {strides = array<i32>} : memref<16x16xi32, #tpu.memory_space<vmem>>, vector<16xi32>,
    tpu.vector_store %arg14[%swap3A_26, %swap3A_27], %and3A_24 {strides = array<i32>} : memref<16x16xi32, #tpu.memory_space<vmem>>, vector<16xi32>,
    %add3A_29 = arith.constant 3 : i32
    %add3A_30 = vector.broadcast %add3A_29 : i32 to vector<16xi32>
    %add3A_31 = arith.addi %iota3A, %add3A_30 : vector<16xi32>
    %and3A_32 = arith.constant 15 : i32
    %and3A_33 = vector.broadcast %and3A_32 : i32 to vector<16xi32>
    %and3A_34 = arith.andi %add3A_31, %and3A_33 : vector<16xi32>
    %swap3A_35 = arith.constant 3 : i32
    %swap3A_36 = arith.index_cast %swap3A_35 : i32 to index
    %swap3A_37 = arith.constant 0 : index
    %swap3A_38 = tpu.vector_load %arg14[%swap3A_36, %swap3A_37] {strides = array<i32>} : memref<16x16xi32, #tpu.memory_space<vmem>>, vector<16xi32>,
    tpu.vector_store %arg14[%swap3A_36, %swap3A_37], %and3A_34 {strides = array<i32>} : memref<16x16xi32, #tpu.memory_space<vmem>>, vector<16xi32>,
    %add3A_39 = arith.constant 4 : i32
    %add3A_40 = vector.broadcast %add3A_39 : i32 to vector<16xi32>
    %add3A_41 = arith.addi %iota3A, %add3A_40 : vector<16xi32>
    %and3A_42 = arith.constant 15 : i32
    %and3A_43 = vector.broadcast %and3A_42 : i32 to vector<16xi32>
    %and3A_44 = arith.andi %add3A_41, %and3A_43 : vector<16xi32>
    %swap3A_45 = arith.constant 4 : i32
    %swap3A_46 = arith.index_cast %swap3A_45 : i32 to index
    %swap3A_47 = arith.constant 0 : index
    %swap3A_48 = tpu.vector_load %arg14[%swap3A_46, %swap3A_47] {strides = array<i32>} : memref<16x16xi32, #tpu.memory_space<vmem>>, vector<16xi32>,
    tpu.vector_store %arg14[%swap3A_46, %swap3A_47], %and3A_44 {strides = array<i32>} : memref<16x16xi32, #tpu.memory_space<vmem>>, vector<16xi32>,
    %add3A_49 = arith.constant 5 : i32
    %add3A_50 = vector.broadcast %add3A_49 : i32 to vector<16xi32>
    %add3A_51 = arith.addi %iota3A, %add3A_50 : vector<16xi32>
    %and3A_52 = arith.constant 15 : i32
    %and3A_53 = vector.broadcast %and3A_52 : i32 to vector<16xi32>
    %and3A_54 = arith.andi %add3A_51, %and3A_53 : vector<16xi32>
    %swap3A_55 = arith.constant 5 : i32
    %swap3A_56 = arith.index_cast %swap3A_55 : i32 to index
    %swap3A_57 = arith.constant 0 : index
    %swap3A_58 = tpu.vector_load %arg14[%swap3A_56, %swap3A_57] {strides = array<i32>} : memref<16x16xi32, #tpu.memory_space<vmem>>, vector<16xi32>,
    tpu.vector_store %arg14[%swap3A_56, %swap3A_57], %and3A_54 {strides = array<i32>} : memref<16x16xi32, #tpu.memory_space<vmem>>, vector<16xi32>,
    %add3A_59 = arith.constant 6 : i32
    %add3A_60 = vector.broadcast %add3A_59 : i32 to vector<16xi32>
    %add3A_61 = arith.addi %iota3A, %add3A_60 : vector<16xi32>
    %and3A_62 = arith.constant 15 : i32
    %and3A_63 = vector.broadcast %and3A_62 : i32 to vector<16xi32>
    %and3A_64 = arith.andi %add3A_61, %and3A_63 : vector<16xi32>
    %swap3A_65 = arith.constant 6 : i32
    %swap3A_66 = arith.index_cast %swap3A_65 : i32 to index
    %swap3A_67 = arith.constant 0 : index
    %swap3A_68 = tpu.vector_load %arg14[%swap3A_66, %swap3A_67] {strides = array<i32>} : memref<16x16xi32, #tpu.memory_space<vmem>>, vector<16xi32>,
    tpu.vector_store %arg14[%swap3A_66, %swap3A_67], %and3A_64 {strides = array<i32>} : memref<16x16xi32, #tpu.memory_space<vmem>>, vector<16xi32>,
    %add3A_69 = arith.constant 7 : i32
    %add3A_70 = vector.broadcast %add3A_69 : i32 to vector<16xi32>
    %add3A_71 = arith.addi %iota3A, %add3A_70 : vector<16xi32>
    %and3A_72 = arith.constant 15 : i32
    %and3A_73 = vector.broadcast %and3A_72 : i32 to vector<16xi32>
    %and3A_74 = arith.andi %add3A_71, %and3A_73 : vector<16xi32>
    %swap3A_75 = arith.constant 7 : i32
    %swap3A_76 = arith.index_cast %swap3A_75 : i32 to index
    %swap3A_77 = arith.constant 0 : index
    %swap3A_78 = tpu.vector_load %arg14[%swap3A_76, %swap3A_77] {strides = array<i32>} : memref<16x16xi32, #tpu.memory_space<vmem>>, vector<16xi32>,
    tpu.vector_store %arg14[%swap3A_76, %swap3A_77], %and3A_74 {strides = array<i32>} : memref<16x16xi32, #tpu.memory_space<vmem>>, vector<16xi32>,
    %add3A_79 = arith.constant 8 : i32
    %add3A_80 = vector.broadcast %add3A_79 : i32 to vector<16xi32>
    %add3A_81 = arith.addi %iota3A, %add3A_80 : vector<16xi32>
    %and3A_82 = arith.constant 15 : i32
    %and3A_83 = vector.broadcast %and3A_82 : i32 to vector<16xi32>
    %and3A_84 = arith.andi %add3A_81, %and3A_83 : vector<16xi32>
    %swap3A_85 = arith.constant 8 : i32
    %swap3A_86 = arith.index_cast %swap3A_85 : i32 to index
    %swap3A_87 = arith.constant 0 : index
    %swap3A_88 = tpu.vector_load %arg14[%swap3A_86, %swap3A_87] {strides = array<i32>} : memref<16x16xi32, #tpu.memory_space<vmem>>, vector<16xi32>,
    tpu.vector_store %arg14[%swap3A_86, %swap3A_87], %and3A_84 {strides = array<i32>} : memref<16x16xi32, #tpu.memory_space<vmem>>, vector<16xi32>,
    %add3A_89 = arith.constant 9 : i32
    %add3A_90 = vector.broadcast %add3A_89 : i32 to vector<16xi32>
    %add3A_91 = arith.addi %iota3A, %add3A_90 : vector<16xi32>
    %and3A_92 = arith.constant 15 : i32
    %and3A_93 = vector.broadcast %and3A_92 : i32 to vector<16xi32>
    %and3A_94 = arith.andi %add3A_91, %and3A_93 : vector<16xi32>
    %swap3A_95 = arith.constant 9 : i32
    %swap3A_96 = arith.index_cast %swap3A_95 : i32 to index
    %swap3A_97 = arith.constant 0 : index
    %swap3A_98 = tpu.vector_load %arg14[%swap3A_96, %swap3A_97] {strides = array<i32>} : memref<16x16xi32, #tpu.memory_space<vmem>>, vector<16xi32>,
    tpu.vector_store %arg14[%swap3A_96, %swap3A_97], %and3A_94 {strides = array<i32>} : memref<16x16xi32, #tpu.memory_space<vmem>>, vector<16xi32>,
    %add3A_99 = arith.constant 10 : i32
    %add3A_100 = vector.broadcast %add3A_99 : i32 to vector<16xi32>
    %add3A_101 = arith.addi %iota3A, %add3A_100 : vector<16xi32>
    %and3A_102 = arith.constant 15 : i32
    %and3A_103 = vector.broadcast %and3A_102 : i32 to vector<16xi32>
    %and3A_104 = arith.andi %add3A_101, %and3A_103 : vector<16xi32>
    %swap3A_105 = arith.constant 10 : i32
    %swap3A_106 = arith.index_cast %swap3A_105 : i32 to index
    %swap3A_107 = arith.constant 0 : index
    %swap3A_108 = tpu.vector_load %arg14[%swap3A_106, %swap3A_107] {strides = array<i32>} : memref<16x16xi32, #tpu.memory_space<vmem>>, vector<16xi32>,
    tpu.vector_store %arg14[%swap3A_106, %swap3A_107], %and3A_104 {strides = array<i32>} : memref<16x16xi32, #tpu.memory_space<vmem>>, vector<16xi32>,
    %add3A_109 = arith.constant 11 : i32
    %add3A_110 = vector.broadcast %add3A_109 : i32 to vector<16xi32>
    %add3A_111 = arith.addi %iota3A, %add3A_110 : vector<16xi32>
    %and3A_112 = arith.constant 15 : i32
    %and3A_113 = vector.broadcast %and3A_112 : i32 to vector<16xi32>
    %and3A_114 = arith.andi %add3A_111, %and3A_113 : vector<16xi32>
    %swap3A_115 = arith.constant 11 : i32
    %swap3A_116 = arith.index_cast %swap3A_115 : i32 to index
    %swap3A_117 = arith.constant 0 : index
    %swap3A_118 = tpu.vector_load %arg14[%swap3A_116, %swap3A_117] {strides = array<i32>} : memref<16x16xi32, #tpu.memory_space<vmem>>, vector<16xi32>,
    tpu.vector_store %arg14[%swap3A_116, %swap3A_117], %and3A_114 {strides = array<i32>} : memref<16x16xi32, #tpu.memory_space<vmem>>, vector<16xi32>,
    %add3A_119 = arith.constant 12 : i32
    %add3A_120 = vector.broadcast %add3A_119 : i32 to vector<16xi32>
    %add3A_121 = arith.addi %iota3A, %add3A_120 : vector<16xi32>
    %and3A_122 = arith.constant 15 : i32
    %and3A_123 = vector.broadcast %and3A_122 : i32 to vector<16xi32>
    %and3A_124 = arith.andi %add3A_121, %and3A_123 : vector<16xi32>
    %swap3A_125 = arith.constant 12 : i32
    %swap3A_126 = arith.index_cast %swap3A_125 : i32 to index
    %swap3A_127 = arith.constant 0 : index
    %swap3A_128 = tpu.vector_load %arg14[%swap3A_126, %swap3A_127] {strides = array<i32>} : memref<16x16xi32, #tpu.memory_space<vmem>>, vector<16xi32>,
    tpu.vector_store %arg14[%swap3A_126, %swap3A_127], %and3A_124 {strides = array<i32>} : memref<16x16xi32, #tpu.memory_space<vmem>>, vector<16xi32>,
    %add3A_129 = arith.constant 13 : i32
    %add3A_130 = vector.broadcast %add3A_129 : i32 to vector<16xi32>
    %add3A_131 = arith.addi %iota3A, %add3A_130 : vector<16xi32>
    %and3A_132 = arith.constant 15 : i32
    %and3A_133 = vector.broadcast %and3A_132 : i32 to vector<16xi32>
    %and3A_134 = arith.andi %add3A_131, %and3A_133 : vector<16xi32>
    %swap3A_135 = arith.constant 13 : i32
    %swap3A_136 = arith.index_cast %swap3A_135 : i32 to index
    %swap3A_137 = arith.constant 0 : index
    %swap3A_138 = tpu.vector_load %arg14[%swap3A_136, %swap3A_137] {strides = array<i32>} : memref<16x16xi32, #tpu.memory_space<vmem>>, vector<16xi32>,
    tpu.vector_store %arg14[%swap3A_136, %swap3A_137], %and3A_134 {strides = array<i32>} : memref<16x16xi32, #tpu.memory_space<vmem>>, vector<16xi32>,
    %add3A_139 = arith.constant 14 : i32
    %add3A_140 = vector.broadcast %add3A_139 : i32 to vector<16xi32>
    %add3A_141 = arith.addi %iota3A, %add3A_140 : vector<16xi32>
    %and3A_142 = arith.constant 15 : i32
    %and3A_143 = vector.broadcast %and3A_142 : i32 to vector<16xi32>
    %and3A_144 = arith.andi %add3A_141, %and3A_143 : vector<16xi32>
    %swap3A_145 = arith.constant 14 : i32
    %swap3A_146 = arith.index_cast %swap3A_145 : i32 to index
    %swap3A_147 = arith.constant 0 : index
    %swap3A_148 = tpu.vector_load %arg14[%swap3A_146, %swap3A_147] {strides = array<i32>} : memref<16x16xi32, #tpu.memory_space<vmem>>, vector<16xi32>,
    tpu.vector_store %arg14[%swap3A_146, %swap3A_147], %and3A_144 {strides = array<i32>} : memref<16x16xi32, #tpu.memory_space<vmem>>, vector<16xi32>,
    %add3A_149 = arith.constant 15 : i32
    %add3A_150 = vector.broadcast %add3A_149 : i32 to vector<16xi32>
    %add3A_151 = arith.addi %iota3A, %add3A_150 : vector<16xi32>
    %and3A_152 = arith.constant 15 : i32
    %and3A_153 = vector.broadcast %and3A_152 : i32 to vector<16xi32>
    %and3A_154 = arith.andi %add3A_151, %and3A_153 : vector<16xi32>
    %swap3A_155 = arith.constant 15 : i32
    %swap3A_156 = arith.index_cast %swap3A_155 : i32 to index
    %swap3A_157 = arith.constant 0 : index
    %swap3A_158 = tpu.vector_load %arg14[%swap3A_156, %swap3A_157] {strides = array<i32>} : memref<16x16xi32, #tpu.memory_space<vmem>>, vector<16xi32>,
    tpu.vector_store %arg14[%swap3A_156, %swap3A_157], %and3A_154 {strides = array<i32>} : memref<16x16xi32, #tpu.memory_space<vmem>>, vector<16xi32>,
    %dma_start3A = arith.constant 0 : i32
    %dma_start3A_159 = arith.constant 0 : i32
    %dma_start3A_160 = tpu.memref_slice %arg2[%add3A, %dma_start3A, %dma_start3A_159] : memref<32x104x128xi32, #tpu.memory_space<hbm>> -> memref<1x104x128xi32, #tpu.memory_space<hbm>>
    %dma_start3A_161 = tpu.memref_squeeze %dma_start3A_160 : memref<1x104x128xi32, #tpu.memory_space<hbm>> -> memref<104x128xi32, #tpu.memory_space<hbm>>
    %dma_start3A_162 = arith.constant 0 : i32
    %dma_start3A_163 = arith.constant 0 : i32
    %dma_start3A_164 = tpu.memref_slice %arg2[%add3A, %dma_start3A_162, %dma_start3A_163] : memref<32x104x128xi32, #tpu.memory_space<hbm>> -> memref<1x104x128xi32, #tpu.memory_space<hbm>>
    %dma_start3A_165 = tpu.memref_squeeze %dma_start3A_164 : memref<1x104x128xi32, #tpu.memory_space<hbm>> -> memref<104x128xi32, #tpu.memory_space<hbm>>
    tpu.enqueue_dma source(%dma_start3A_165 : memref<104x128xi32, #tpu.memory_space<hbm>>) target(%arg5 : memref<104x128xi32, #tpu.memory_space<vmem>>) target_semaphore(%arg19 : memref<!tpu.dma_semaphore, #tpu.memory_space<semaphore_mem>>)
    %dma_wait3A = arith.constant 0 : i32
    %dma_wait3A_166 = arith.constant 0 : i32
    %dma_wait3A_167 = tpu.memref_slice %arg2[%add3A, %dma_wait3A, %dma_wait3A_166] : memref<32x104x128xi32, #tpu.memory_space<hbm>> -> memref<1x104x128xi32, #tpu.memory_space<hbm>>
    %dma_wait3A_168 = tpu.memref_squeeze %dma_wait3A_167 : memref<1x104x128xi32, #tpu.memory_space<hbm>> -> memref<104x128xi32, #tpu.memory_space<hbm>>
    %dma_wait3A_169 = arith.constant 0 : i32
    %dma_wait3A_170 = arith.constant 0 : i32
    %dma_wait3A_171 = tpu.memref_slice %arg2[%add3A, %dma_wait3A_169, %dma_wait3A_170] : memref<32x104x128xi32, #tpu.memory_space<hbm>> -> memref<1x104x128xi32, #tpu.memory_space<hbm>>
    %dma_wait3A_172 = tpu.memref_squeeze %dma_wait3A_171 : memref<1x104x128xi32, #tpu.memory_space<hbm>> -> memref<104x128xi32, #tpu.memory_space<hbm>>
    tpu.wait_dma2 semaphore(%arg19 : memref<!tpu.dma_semaphore, #tpu.memory_space<semaphore_mem>>) src(%dma_wait3A_172 : memref<104x128xi32, #tpu.memory_space<hbm>>) dst(%arg5 : memref<104x128xi32, #tpu.memory_space<vmem>>)
    %add3A_173 = arith.constant 0 : i32
    %add3A_174 = vector.broadcast %add3A_173 : i32 to vector<16xi32>
    %add3A_175 = arith.addi %add3A_174, %iota3A : vector<16xi32>
    %add3A_176 = arith.constant 16 : i32
    %add3A_177 = vector.broadcast %add3A_176 : i32 to vector<16xi32>
    %add3A_178 = arith.addi %add3A_177, %iota3A : vector<16xi32>
    %add3A_179 = arith.constant 32 : i32
    %add3A_180 = vector.broadcast %add3A_179 : i32 to vector<16xi32>
    %add3A_181 = arith.addi %add3A_180, %iota3A : vector<16xi32>
    %add3A_182 = arith.constant 48 : i32
    %add3A_183 = vector.broadcast %add3A_182 : i32 to vector<16xi32>
    %add3A_184 = arith.addi %add3A_183, %iota3A : vector<16xi32>
    %get3A = arith.constant 0 : i32
    %get3A_185 = arith.index_cast %get3A : i32 to index
    %get3A_186 = arith.constant 0 : index
    %get3A_187 = tpu.vector_load %arg5[%get3A_185, %get3A_186] {strides = array<i32>} : memref<104x128xi32, #tpu.memory_space<vmem>>, vector<16xi32>,
    %shift_right_logical3A = arith.constant 1 : i32
    %shift_right_logical3A_188 = vector.broadcast %shift_right_logical3A : i32 to vector<16xi32>
    %shift_right_logical3A_189 = arith.shrui %get3A_187, %shift_right_logical3A_188 : vector<16xi32>
    %swap3A_190 = arith.constant 0 : index
    %swap3A_191 = tpu.vector_load %arg6[%swap3A_190] {strides = array<i32>} : memref<128xi32, #tpu.memory_space<vmem>>, vector<16xi32>,
    tpu.vector_store %arg6[%swap3A_190], %shift_right_logical3A_189 {strides = array<i32>} : memref<128xi32, #tpu.memory_space<vmem>>, vector<16xi32>,
    %and3A_192 = arith.constant 1 : i32
    %and3A_193 = vector.broadcast %and3A_192 : i32 to vector<16xi32>
    %and3A_194 = arith.andi %get3A_187, %and3A_193 : vector<16xi32>
    %mul3A_195 = arith.constant 64 : i32
    %mul3A_196 = vector.broadcast %mul3A_195 : i32 to vector<16xi32>
    %mul3A_197 = arith.muli %and3A_194, %mul3A_196 : vector<16xi32>
    %swap3A_198 = arith.constant 0 : index
    %swap3A_199 = tpu.vector_load %arg8[%swap3A_198] {strides = array<i32>} : memref<128xi32, #tpu.memory_space<vmem>>, vector<16xi32>,
    tpu.vector_store %arg8[%swap3A_198], %mul3A_197 {strides = array<i32>} : memref<128xi32, #tpu.memory_space<vmem>>, vector<16xi32>,
    %get3A_200 = arith.constant 0 : i32
    %get3A_201 = arith.index_cast %get3A_200 : i32 to index
    %get3A_202 = arith.constant 16 : index
    %get3A_203 = tpu.vector_load %arg5[%get3A_201, %get3A_202] {strides = array<i32>} : memref<104x128xi32, #tpu.memory_space<vmem>>, vector<16xi32>,
    %shift_right_logical3A_204 = arith.constant 1 : i32
    %shift_right_logical3A_205 = vector.broadcast %shift_right_logical3A_204 : i32 to vector<16xi32>
    %shift_right_logical3A_206 = arith.shrui %get3A_203, %shift_right_logical3A_205 : vector<16xi32>
    %swap3A_207 = arith.constant 16 : index
    %swap3A_208 = tpu.vector_load %arg6[%swap3A_207] {strides = array<i32>} : memref<128xi32, #tpu.memory_space<vmem>>, vector<16xi32>,
    tpu.vector_store %arg6[%swap3A_207], %shift_right_logical3A_206 {strides = array<i32>} : memref<128xi32, #tpu.memory_space<vmem>>, vector<16xi32>,
    %and3A_209 = arith.constant 1 : i32
    %and3A_210 = vector.broadcast %and3A_209 : i32 to vector<16xi32>
    %and3A_211 = arith.andi %get3A_203, %and3A_210 : vector<16xi32>
    %mul3A_212 = arith.constant 64 : i32
    %mul3A_213 = vector.broadcast %mul3A_212 : i32 to vector<16xi32>
    %mul3A_214 = arith.muli %and3A_211, %mul3A_213 : vector<16xi32>
    %swap3A_215 = arith.constant 16 : index
    %swap3A_216 = tpu.vector_load %arg8[%swap3A_215] {strides = array<i32>} : memref<128xi32, #tpu.memory_space<vmem>>, vector<16xi32>,
    tpu.vector_store %arg8[%swap3A_215], %mul3A_214 {strides = array<i32>} : memref<128xi32, #tpu.memory_space<vmem>>, vector<16xi32>,
    %get3A_217 = arith.constant 0 : i32
    %get3A_218 = arith.index_cast %get3A_217 : i32 to index
    %get3A_219 = arith.constant 32 : index
    %get3A_220 = tpu.vector_load %arg5[%get3A_218, %get3A_219] {strides = array<i32>} : memref<104x128xi32, #tpu.memory_space<vmem>>, vector<16xi32>,
    %shift_right_logical3A_221 = arith.constant 1 : i32
    %shift_right_logical3A_222 = vector.broadcast %shift_right_logical3A_221 : i32 to vector<16xi32>
    %shift_right_logical3A_223 = arith.shrui %get3A_220, %shift_right_logical3A_222 : vector<16xi32>
    %swap3A_224 = arith.constant 32 : index
    %swap3A_225 = tpu.vector_load %arg6[%swap3A_224] {strides = array<i32>} : memref<128xi32, #tpu.memory_space<vmem>>, vector<16xi32>,
    tpu.vector_store %arg6[%swap3A_224], %shift_right_logical3A_223 {strides = array<i32>} : memref<128xi32, #tpu.memory_space<vmem>>, vector<16xi32>,
    %and3A_226 = arith.constant 1 : i32
    %and3A_227 = vector.broadcast %and3A_226 : i32 to vector<16xi32>
    %and3A_228 = arith.andi %get3A_220, %and3A_227 : vector<16xi32>
    %mul3A_229 = arith.constant 64 : i32
    %mul3A_230 = vector.broadcast %mul3A_229 : i32 to vector<16xi32>
    %mul3A_231 = arith.muli %and3A_228, %mul3A_230 : vector<16xi32>
    %swap3A_232 = arith.constant 32 : index
    %swap3A_233 = tpu.vector_load %arg8[%swap3A_232] {strides = array<i32>} : memref<128xi32, #tpu.memory_space<vmem>>, vector<16xi32>,
    tpu.vector_store %arg8[%swap3A_232], %mul3A_231 {strides = array<i32>} : memref<128xi32, #tpu.memory_space<vmem>>, vector<16xi32>,
    %get3A_234 = arith.constant 0 : i32
    %get3A_235 = arith.index_cast %get3A_234 : i32 to index
    %get3A_236 = arith.constant 48 : index
    %get3A_237 = tpu.vector_load %arg5[%get3A_235, %get3A_236] {strides = array<i32>} : memref<104x128xi32, #tpu.memory_space<vmem>>, vector<16xi32>,
    %shift_right_logical3A_238 = arith.constant 1 : i32
    %shift_right_logical3A_239 = vector.broadcast %shift_right_logical3A_238 : i32 to vector<16xi32>
    %shift_right_logical3A_240 = arith.shrui %get3A_237, %shift_right_logical3A_239 : vector<16xi32>
    %swap3A_241 = arith.constant 48 : index
    %swap3A_242 = tpu.vector_load %arg6[%swap3A_241] {strides = array<i32>} : memref<128xi32, #tpu.memory_space<vmem>>, vector<16xi32>,
    tpu.vector_store %arg6[%swap3A_241], %shift_right_logical3A_240 {strides = array<i32>} : memref<128xi32, #tpu.memory_space<vmem>>, vector<16xi32>,
    %and3A_243 = arith.constant 1 : i32
    %and3A_244 = vector.broadcast %and3A_243 : i32 to vector<16xi32>
    %and3A_245 = arith.andi %get3A_237, %and3A_244 : vector<16xi32>
    %mul3A_246 = arith.constant 64 : i32
    %mul3A_247 = vector.broadcast %mul3A_246 : i32 to vector<16xi32>
    %mul3A_248 = arith.muli %and3A_245, %mul3A_247 : vector<16xi32>
    %swap3A_249 = arith.constant 48 : index
    %swap3A_250 = tpu.vector_load %arg8[%swap3A_249] {strides = array<i32>} : memref<128xi32, #tpu.memory_space<vmem>>, vector<16xi32>,
    tpu.vector_store %arg8[%swap3A_249], %mul3A_248 {strides = array<i32>} : memref<128xi32, #tpu.memory_space<vmem>>, vector<16xi32>,
    %get3A_251 = arith.constant 0 : i32
    %get3A_252 = arith.index_cast %get3A_251 : i32 to index
    %get3A_253 = arith.constant 64 : index
    %get3A_254 = tpu.vector_load %arg5[%get3A_252, %get3A_253] {strides = array<i32>} : memref<104x128xi32, #tpu.memory_space<vmem>>, vector<16xi32>,
    %shift_right_logical3A_255 = arith.constant 1 : i32
    %shift_right_logical3A_256 = vector.broadcast %shift_right_logical3A_255 : i32 to vector<16xi32>
    %shift_right_logical3A_257 = arith.shrui %get3A_254, %shift_right_logical3A_256 : vector<16xi32>
    %swap3A_258 = arith.constant 64 : index
    %swap3A_259 = tpu.vector_load %arg6[%swap3A_258] {strides = array<i32>} : memref<128xi32, #tpu.memory_space<vmem>>, vector<16xi32>,
    tpu.vector_store %arg6[%swap3A_258], %shift_right_logical3A_257 {strides = array<i32>} : memref<128xi32, #tpu.memory_space<vmem>>, vector<16xi32>,
    %and3A_260 = arith.constant 1 : i32
    %and3A_261 = vector.broadcast %and3A_260 : i32 to vector<16xi32>
    %and3A_262 = arith.andi %get3A_254, %and3A_261 : vector<16xi32>
    %mul3A_263 = arith.constant 64 : i32
    %mul3A_264 = vector.broadcast %mul3A_263 : i32 to vector<16xi32>
    %mul3A_265 = arith.muli %and3A_262, %mul3A_264 : vector<16xi32>
    %swap3A_266 = arith.constant 64 : index
    %swap3A_267 = tpu.vector_load %arg8[%swap3A_266] {strides = array<i32>} : memref<128xi32, #tpu.memory_space<vmem>>, vector<16xi32>,
    tpu.vector_store %arg8[%swap3A_266], %mul3A_265 {strides = array<i32>} : memref<128xi32, #tpu.memory_space<vmem>>, vector<16xi32>,
    %get3A_268 = arith.constant 0 : i32
    %get3A_269 = arith.index_cast %get3A_268 : i32 to index
    %get3A_270 = arith.constant 80 : index
    %get3A_271 = tpu.vector_load %arg5[%get3A_269, %get3A_270] {strides = array<i32>} : memref<104x128xi32, #tpu.memory_space<vmem>>, vector<16xi32>,
    %shift_right_logical3A_272 = arith.constant 1 : i32
    %shift_right_logical3A_273 = vector.broadcast %shift_right_logical3A_272 : i32 to vector<16xi32>
    %shift_right_logical3A_274 = arith.shrui %get3A_271, %shift_right_logical3A_273 : vector<16xi32>
    %swap3A_275 = arith.constant 80 : index
    %swap3A_276 = tpu.vector_load %arg6[%swap3A_275] {strides = array<i32>} : memref<128xi32, #tpu.memory_space<vmem>>, vector<16xi32>,
    tpu.vector_store %arg6[%swap3A_275], %shift_right_logical3A_274 {strides = array<i32>} : memref<128xi32, #tpu.memory_space<vmem>>, vector<16xi32>,
    %and3A_277 = arith.constant 1 : i32
    %and3A_278 = vector.broadcast %and3A_277 : i32 to vector<16xi32>
    %and3A_279 = arith.andi %get3A_271, %and3A_278 : vector<16xi32>
    %mul3A_280 = arith.constant 64 : i32
    %mul3A_281 = vector.broadcast %mul3A_280 : i32 to vector<16xi32>
    %mul3A_282 = arith.muli %and3A_279, %mul3A_281 : vector<16xi32>
    %swap3A_283 = arith.constant 80 : index
    %swap3A_284 = tpu.vector_load %arg8[%swap3A_283] {strides = array<i32>} : memref<128xi32, #tpu.memory_space<vmem>>, vector<16xi32>,
    tpu.vector_store %arg8[%swap3A_283], %mul3A_282 {strides = array<i32>} : memref<128xi32, #tpu.memory_space<vmem>>, vector<16xi32>,
    %get3A_285 = arith.constant 0 : i32
    %get3A_286 = arith.index_cast %get3A_285 : i32 to index
    %get3A_287 = arith.constant 96 : index
    %get3A_288 = tpu.vector_load %arg5[%get3A_286, %get3A_287] {strides = array<i32>} : memref<104x128xi32, #tpu.memory_space<vmem>>, vector<16xi32>,
    %shift_right_logical3A_289 = arith.constant 1 : i32
    %shift_right_logical3A_290 = vector.broadcast %shift_right_logical3A_289 : i32 to vector<16xi32>
    %shift_right_logical3A_291 = arith.shrui %get3A_288, %shift_right_logical3A_290 : vector<16xi32>
    %swap3A_292 = arith.constant 96 : index
    %swap3A_293 = tpu.vector_load %arg6[%swap3A_292] {strides = array<i32>} : memref<128xi32, #tpu.memory_space<vmem>>, vector<16xi32>,
    tpu.vector_store %arg6[%swap3A_292], %shift_right_logical3A_291 {strides = array<i32>} : memref<128xi32, #tpu.memory_space<vmem>>, vector<16xi32>,
    %and3A_294 = arith.constant 1 : i32
    %and3A_295 = vector.broadcast %and3A_294 : i32 to vector<16xi32>
    %and3A_296 = arith.andi %get3A_288, %and3A_295 : vector<16xi32>
    %mul3A_297 = arith.constant 64 : i32
    %mul3A_298 = vector.broadcast %mul3A_297 : i32 to vector<16xi32>
    %mul3A_299 = arith.muli %and3A_296, %mul3A_298 : vector<16xi32>
    %swap3A_300 = arith.constant 96 : index
    %swap3A_301 = tpu.vector_load %arg8[%swap3A_300] {strides = array<i32>} : memref<128xi32, #tpu.memory_space<vmem>>, vector<16xi32>,
    tpu.vector_store %arg8[%swap3A_300], %mul3A_299 {strides = array<i32>} : memref<128xi32, #tpu.memory_space<vmem>>, vector<16xi32>,
    %get3A_302 = arith.constant 0 : i32
    %get3A_303 = arith.index_cast %get3A_302 : i32 to index
    %get3A_304 = arith.constant 112 : index
    %get3A_305 = tpu.vector_load %arg5[%get3A_303, %get3A_304] {strides = array<i32>} : memref<104x128xi32, #tpu.memory_space<vmem>>, vector<16xi32>,
    %shift_right_logical3A_306 = arith.constant 1 : i32
    %shift_right_logical3A_307 = vector.broadcast %shift_right_logical3A_306 : i32 to vector<16xi32>
    %shift_right_logical3A_308 = arith.shrui %get3A_305, %shift_right_logical3A_307 : vector<16xi32>
    %swap3A_309 = arith.constant 112 : index
    %swap3A_310 = tpu.vector_load %arg6[%swap3A_309] {strides = array<i32>} : memref<128xi32, #tpu.memory_space<vmem>>, vector<16xi32>,
    tpu.vector_store %arg6[%swap3A_309], %shift_right_logical3A_308 {strides = array<i32>} : memref<128xi32, #tpu.memory_space<vmem>>, vector<16xi32>,
    %and3A_311 = arith.constant 1 : i32
    %and3A_312 = vector.broadcast %and3A_311 : i32 to vector<16xi32>
    %and3A_313 = arith.andi %get3A_305, %and3A_312 : vector<16xi32>
    %mul3A_314 = arith.constant 64 : i32
    %mul3A_315 = vector.broadcast %mul3A_314 : i32 to vector<16xi32>
    %mul3A_316 = arith.muli %and3A_313, %mul3A_315 : vector<16xi32>
    %swap3A_317 = arith.constant 112 : index
    %swap3A_318 = tpu.vector_load %arg8[%swap3A_317] {strides = array<i32>} : memref<128xi32, #tpu.memory_space<vmem>>, vector<16xi32>,
    tpu.vector_store %arg8[%swap3A_317], %mul3A_316 {strides = array<i32>} : memref<128xi32, #tpu.memory_space<vmem>>, vector<16xi32>,
    %dma_start3A_319 = arith.constant 0 : i32
    %dma_start3A_320 = arith.constant 0 : i32
    %dma_start3A_321 = tpu.memref_slice %arg3[%dma_start3A_319, %dma_start3A_320] : memref<500000x128xf32, #tpu.memory_space<hbm>> -> memref<500000x128xf32, #tpu.memory_space<hbm>>
    tpu.enqueue_indirect_dma source(%dma_start3A_321 : memref<500000x128xf32, #tpu.memory_space<hbm>>) target(%arg10 : memref<128x128xf32, #tpu.memory_space<vmem>>) offsets(%arg6 : memref<128xi32, #tpu.memory_space<vmem>>) semaphore(%arg15 : memref<!tpu.dma_semaphore, #tpu.memory_space<semaphore_mem>>)
    %get3A_322 = arith.constant 1 : i32
    %get3A_323 = arith.index_cast %get3A_322 : i32 to index
    %get3A_324 = arith.constant 0 : index
    %get3A_325 = tpu.vector_load %arg5[%get3A_323, %get3A_324] {strides = array<i32>} : memref<104x128xi32, #tpu.memory_space<vmem>>, vector<16xi32>,
    %shift_right_logical3A_326 = arith.constant 1 : i32
    %shift_right_logical3A_327 = vector.broadcast %shift_right_logical3A_326 : i32 to vector<16xi32>
    %shift_right_logical3A_328 = arith.shrui %get3A_325, %shift_right_logical3A_327 : vector<16xi32>
    %swap3A_329 = arith.constant 0 : index
    %swap3A_330 = tpu.vector_load %arg7[%swap3A_329] {strides = array<i32>} : memref<128xi32, #tpu.memory_space<vmem>>, vector<16xi32>,
    tpu.vector_store %arg7[%swap3A_329], %shift_right_logical3A_328 {strides = array<i32>} : memref<128xi32, #tpu.memory_space<vmem>>, vector<16xi32>,
    %and3A_331 = arith.constant 1 : i32
    %and3A_332 = vector.broadcast %and3A_331 : i32 to vector<16xi32>
    %and3A_333 = arith.andi %get3A_325, %and3A_332 : vector<16xi32>
    %mul3A_334 = arith.constant 64 : i32
    %mul3A_335 = vector.broadcast %mul3A_334 : i32 to vector<16xi32>
    %mul3A_336 = arith.muli %and3A_333, %mul3A_335 : vector<16xi32>
    %swap3A_337 = arith.constant 0 : index
    %swap3A_338 = tpu.vector_load %arg9[%swap3A_337] {strides = array<i32>} : memref<128xi32, #tpu.memory_space<vmem>>, vector<16xi32>,
    tpu.vector_store %arg9[%swap3A_337], %mul3A_336 {strides = array<i32>} : memref<128xi32, #tpu.memory_space<vmem>>, vector<16xi32>,
    %get3A_339 = arith.constant 1 : i32
    %get3A_340 = arith.index_cast %get3A_339 : i32 to index
    %get3A_341 = arith.constant 16 : index
    %get3A_342 = tpu.vector_load %arg5[%get3A_340, %get3A_341] {strides = array<i32>} : memref<104x128xi32, #tpu.memory_space<vmem>>, vector<16xi32>,
    %shift_right_logical3A_343 = arith.constant 1 : i32
    %shift_right_logical3A_344 = vector.broadcast %shift_right_logical3A_343 : i32 to vector<16xi32>
    %shift_right_logical3A_345 = arith.shrui %get3A_342, %shift_right_logical3A_344 : vector<16xi32>
    %swap3A_346 = arith.constant 16 : index
    %swap3A_347 = tpu.vector_load %arg7[%swap3A_346] {strides = array<i32>} : memref<128xi32, #tpu.memory_space<vmem>>, vector<16xi32>,
    tpu.vector_store %arg7[%swap3A_346], %shift_right_logical3A_345 {strides = array<i32>} : memref<128xi32, #tpu.memory_space<vmem>>, vector<16xi32>,
    %and3A_348 = arith.constant 1 : i32
    %and3A_349 = vector.broadcast %and3A_348 : i32 to vector<16xi32>
    %and3A_350 = arith.andi %get3A_342, %and3A_349 : vector<16xi32>
    %mul3A_351 = arith.constant 64 : i32
    %mul3A_352 = vector.broadcast %mul3A_351 : i32 to vector<16xi32>
    %mul3A_353 = arith.muli %and3A_350, %mul3A_352 : vector<16xi32>
    %swap3A_354 = arith.constant 16 : index
    %swap3A_355 = tpu.vector_load %arg9[%swap3A_354] {strides = array<i32>} : memref<128xi32, #tpu.memory_space<vmem>>, vector<16xi32>,
    tpu.vector_store %arg9[%swap3A_354], %mul3A_353 {strides = array<i32>} : memref<128xi32, #tpu.memory_space<vmem>>, vector<16xi32>,
    %get3A_356 = arith.constant 1 : i32
    %get3A_357 = arith.index_cast %get3A_356 : i32 to index
    %get3A_358 = arith.constant 32 : index
    %get3A_359 = tpu.vector_load %arg5[%get3A_357, %get3A_358] {strides = array<i32>} : memref<104x128xi32, #tpu.memory_space<vmem>>, vector<16xi32>,
    %shift_right_logical3A_360 = arith.constant 1 : i32
    %shift_right_logical3A_361 = vector.broadcast %shift_right_logical3A_360 : i32 to vector<16xi32>
    %shift_right_logical3A_362 = arith.shrui %get3A_359, %shift_right_logical3A_361 : vector<16xi32>
    %swap3A_363 = arith.constant 32 : index
    %swap3A_364 = tpu.vector_load %arg7[%swap3A_363] {strides = array<i32>} : memref<128xi32, #tpu.memory_space<vmem>>, vector<16xi32>,
    tpu.vector_store %arg7[%swap3A_363], %shift_right_logical3A_362 {strides = array<i32>} : memref<128xi32, #tpu.memory_space<vmem>>, vector<16xi32>,
    %and3A_365 = arith.constant 1 : i32
    %and3A_366 = vector.broadcast %and3A_365 : i32 to vector<16xi32>
    %and3A_367 = arith.andi %get3A_359, %and3A_366 : vector<16xi32>
    %mul3A_368 = arith.constant 64 : i32
    %mul3A_369 = vector.broadcast %mul3A_368 : i32 to vector<16xi32>
    %mul3A_370 = arith.muli %and3A_367, %mul3A_369 : vector<16xi32>
    %swap3A_371 = arith.constant 32 : index
    %swap3A_372 = tpu.vector_load %arg9[%swap3A_371] {strides = array<i32>} : memref<128xi32, #tpu.memory_space<vmem>>, vector<16xi32>,
    tpu.vector_store %arg9[%swap3A_371], %mul3A_370 {strides = array<i32>} : memref<128xi32, #tpu.memory_space<vmem>>, vector<16xi32>,
    %get3A_373 = arith.constant 1 : i32
    %get3A_374 = arith.index_cast %get3A_373 : i32 to index
    %get3A_375 = arith.constant 48 : index
    %get3A_376 = tpu.vector_load %arg5[%get3A_374, %get3A_375] {strides = array<i32>} : memref<104x128xi32, #tpu.memory_space<vmem>>, vector<16xi32>,
    %shift_right_logical3A_377 = arith.constant 1 : i32
    %shift_right_logical3A_378 = vector.broadcast %shift_right_logical3A_377 : i32 to vector<16xi32>
    %shift_right_logical3A_379 = arith.shrui %get3A_376, %shift_right_logical3A_378 : vector<16xi32>
    %swap3A_380 = arith.constant 48 : index
    %swap3A_381 = tpu.vector_load %arg7[%swap3A_380] {strides = array<i32>} : memref<128xi32, #tpu.memory_space<vmem>>, vector<16xi32>,
    tpu.vector_store %arg7[%swap3A_380], %shift_right_logical3A_379 {strides = array<i32>} : memref<128xi32, #tpu.memory_space<vmem>>, vector<16xi32>,
    %and3A_382 = arith.constant 1 : i32
    %and3A_383 = vector.broadcast %and3A_382 : i32 to vector<16xi32>
    %and3A_384 = arith.andi %get3A_376, %and3A_383 : vector<16xi32>
    %mul3A_385 = arith.constant 64 : i32
    %mul3A_386 = vector.broadcast %mul3A_385 : i32 to vector<16xi32>
    %mul3A_387 = arith.muli %and3A_384, %mul3A_386 : vector<16xi32>
    %swap3A_388 = arith.constant 48 : index
    %swap3A_389 = tpu.vector_load %arg9[%swap3A_388] {strides = array<i32>} : memref<128xi32, #tpu.memory_space<vmem>>, vector<16xi32>,
    tpu.vector_store %arg9[%swap3A_388], %mul3A_387 {strides = array<i32>} : memref<128xi32, #tpu.memory_space<vmem>>, vector<16xi32>,
    %get3A_390 = arith.constant 1 : i32
    %get3A_391 = arith.index_cast %get3A_390 : i32 to index
    %get3A_392 = arith.constant 64 : index
    %get3A_393 = tpu.vector_load %arg5[%get3A_391, %get3A_392] {strides = array<i32>} : memref<104x128xi32, #tpu.memory_space<vmem>>, vector<16xi32>,
    %shift_right_logical3A_394 = arith.constant 1 : i32
    %shift_right_logical3A_395 = vector.broadcast %shift_right_logical3A_394 : i32 to vector<16xi32>
    %shift_right_logical3A_396 = arith.shrui %get3A_393, %shift_right_logical3A_395 : vector<16xi32>
    %swap3A_397 = arith.constant 64 : index
    %swap3A_398 = tpu.vector_load %arg7[%swap3A_397] {strides = array<i32>} : memref<128xi32, #tpu.memory_space<vmem>>, vector<16xi32>,
    tpu.vector_store %arg7[%swap3A_397], %shift_right_logical3A_396 {strides = array<i32>} : memref<128xi32, #tpu.memory_space<vmem>>, vector<16xi32>,
    %and3A_399 = arith.constant 1 : i32
    %and3A_400 = vector.broadcast %and3A_399 : i32 to vector<16xi32>
    %and3A_401 = arith.andi %get3A_393, %and3A_400 : vector<16xi32>
    %mul3A_402 = arith.constant 64 : i32
    %mul3A_403 = vector.broadcast %mul3A_402 : i32 to vector<16xi32>
    %mul3A_404 = arith.muli %and3A_401, %mul3A_403 : vector<16xi32>
    %swap3A_405 = arith.constant 64 : index
    %swap3A_406 = tpu.vector_load %arg9[%swap3A_405] {strides = array<i32>} : memref<128xi32, #tpu.memory_space<vmem>>, vector<16xi32>,
    tpu.vector_store %arg9[%swap3A_405], %mul3A_404 {strides = array<i32>} : memref<128xi32, #tpu.memory_space<vmem>>, vector<16xi32>,
    %get3A_407 = arith.constant 1 : i32
    %get3A_408 = arith.index_cast %get3A_407 : i32 to index
    %get3A_409 = arith.constant 80 : index
    %get3A_410 = tpu.vector_load %arg5[%get3A_408, %get3A_409] {strides = array<i32>} : memref<104x128xi32, #tpu.memory_space<vmem>>, vector<16xi32>,
    %shift_right_logical3A_411 = arith.constant 1 : i32
    %shift_right_logical3A_412 = vector.broadcast %shift_right_logical3A_411 : i32 to vector<16xi32>
    %shift_right_logical3A_413 = arith.shrui %get3A_410, %shift_right_logical3A_412 : vector<16xi32>
    %swap3A_414 = arith.constant 80 : index
    %swap3A_415 = tpu.vector_load %arg7[%swap3A_414] {strides = array<i32>} : memref<128xi32, #tpu.memory_space<vmem>>, vector<16xi32>,
    tpu.vector_store %arg7[%swap3A_414], %shift_right_logical3A_413 {strides = array<i32>} : memref<128xi32, #tpu.memory_space<vmem>>, vector<16xi32>,
    %and3A_416 = arith.constant 1 : i32
    %and3A_417 = vector.broadcast %and3A_416 : i32 to vector<16xi32>
    %and3A_418 = arith.andi %get3A_410, %and3A_417 : vector<16xi32>
    %mul3A_419 = arith.constant 64 : i32
    %mul3A_420 = vector.broadcast %mul3A_419 : i32 to vector<16xi32>
    %mul3A_421 = arith.muli %and3A_418, %mul3A_420 : vector<16xi32>
    %swap3A_422 = arith.constant 80 : index
    %swap3A_423 = tpu.vector_load %arg9[%swap3A_422] {strides = array<i32>} : memref<128xi32, #tpu.memory_space<vmem>>, vector<16xi32>,
    tpu.vector_store %arg9[%swap3A_422], %mul3A_421 {strides = array<i32>} : memref<128xi32, #tpu.memory_space<vmem>>, vector<16xi32>,
    %get3A_424 = arith.constant 1 : i32
    %get3A_425 = arith.index_cast %get3A_424 : i32 to index
    %get3A_426 = arith.constant 96 : index
    %get3A_427 = tpu.vector_load %arg5[%get3A_425, %get3A_426] {strides = array<i32>} : memref<104x128xi32, #tpu.memory_space<vmem>>, vector<16xi32>,
    %shift_right_logical3A_428 = arith.constant 1 : i32
    %shift_right_logical3A_429 = vector.broadcast %shift_right_logical3A_428 : i32 to vector<16xi32>
    %shift_right_logical3A_430 = arith.shrui %get3A_427, %shift_right_logical3A_429 : vector<16xi32>
    %swap3A_431 = arith.constant 96 : index
    %swap3A_432 = tpu.vector_load %arg7[%swap3A_431] {strides = array<i32>} : memref<128xi32, #tpu.memory_space<vmem>>, vector<16xi32>,
    tpu.vector_store %arg7[%swap3A_431], %shift_right_logical3A_430 {strides = array<i32>} : memref<128xi32, #tpu.memory_space<vmem>>, vector<16xi32>,
    %and3A_433 = arith.constant 1 : i32
    %and3A_434 = vector.broadcast %and3A_433 : i32 to vector<16xi32>
    %and3A_435 = arith.andi %get3A_427, %and3A_434 : vector<16xi32>
    %mul3A_436 = arith.constant 64 : i32
    %mul3A_437 = vector.broadcast %mul3A_436 : i32 to vector<16xi32>
    %mul3A_438 = arith.muli %and3A_435, %mul3A_437 : vector<16xi32>
    %swap3A_439 = arith.constant 96 : index
    %swap3A_440 = tpu.vector_load %arg9[%swap3A_439] {strides = array<i32>} : memref<128xi32, #tpu.memory_space<vmem>>, vector<16xi32>,
    tpu.vector_store %arg9[%swap3A_439], %mul3A_438 {strides = array<i32>} : memref<128xi32, #tpu.memory_space<vmem>>, vector<16xi32>,
    %get3A_441 = arith.constant 1 : i32
    %get3A_442 = arith.index_cast %get3A_441 : i32 to index
    %get3A_443 = arith.constant 112 : index
    %get3A_444 = tpu.vector_load %arg5[%get3A_442, %get3A_443] {strides = array<i32>} : memref<104x128xi32, #tpu.memory_space<vmem>>, vector<16xi32>,
    %shift_right_logical3A_445 = arith.constant 1 : i32
    %shift_right_logical3A_446 = vector.broadcast %shift_right_logical3A_445 : i32 to vector<16xi32>
    %shift_right_logical3A_447 = arith.shrui %get3A_444, %shift_right_logical3A_446 : vector<16xi32>
    %swap3A_448 = arith.constant 112 : index
    %swap3A_449 = tpu.vector_load %arg7[%swap3A_448] {strides = array<i32>} : memref<128xi32, #tpu.memory_space<vmem>>, vector<16xi32>,
    tpu.vector_store %arg7[%swap3A_448], %shift_right_logical3A_447 {strides = array<i32>} : memref<128xi32, #tpu.memory_space<vmem>>, vector<16xi32>,
    %and3A_450 = arith.constant 1 : i32
    %and3A_451 = vector.broadcast %and3A_450 : i32 to vector<16xi32>
    %and3A_452 = arith.andi %get3A_444, %and3A_451 : vector<16xi32>
    %mul3A_453 = arith.constant 64 : i32
    %mul3A_454 = vector.broadcast %mul3A_453 : i32 to vector<16xi32>
    %mul3A_455 = arith.muli %and3A_452, %mul3A_454 : vector<16xi32>
    %swap3A_456 = arith.constant 112 : index
    %swap3A_457 = tpu.vector_load %arg9[%swap3A_456] {strides = array<i32>} : memref<128xi32, #tpu.memory_space<vmem>>, vector<16xi32>,
    tpu.vector_store %arg9[%swap3A_456], %mul3A_455 {strides = array<i32>} : memref<128xi32, #tpu.memory_space<vmem>>, vector<16xi32>,
    %dma_start3A_458 = arith.constant 0 : i32
    %dma_start3A_459 = arith.constant 0 : i32
    %dma_start3A_460 = tpu.memref_slice %arg3[%dma_start3A_458, %dma_start3A_459] : memref<500000x128xf32, #tpu.memory_space<hbm>> -> memref<500000x128xf32, #tpu.memory_space<hbm>>
    tpu.enqueue_indirect_dma source(%dma_start3A_460 : memref<500000x128xf32, #tpu.memory_space<hbm>>) target(%arg11 : memref<128x128xf32, #tpu.memory_space<vmem>>) offsets(%arg7 : memref<128xi32, #tpu.memory_space<vmem>>) semaphore(%arg16 : memref<!tpu.dma_semaphore, #tpu.memory_space<semaphore_mem>>)
    %scan3A = arith.constant 0 : i32
    %scan3A_461 = arith.constant 0 : i32
    %scan3A_462 = arith.constant 52 : i32
    %scan3A_463 = arith.addi %scan3A_461, %scan3A_462 : i32
    %scan3A_464 = arith.constant 1 : i32
    scf.for %scan3A_561 = %scan3A_461 to %scan3A_463 step %scan3A_464  : i32 {
      %mul3A_562 = arith.constant 2 : i32
      %mul3A_563 = arith.muli %mul3A_562, %scan3A_561 : i32
      %dma_wait3A_564 = arith.constant 0 : i32
      %dma_wait3A_565 = arith.constant 0 : i32
      %dma_wait3A_566 = tpu.memref_slice %arg3[%dma_wait3A_564, %dma_wait3A_565] : memref<500000x128xf32, #tpu.memory_space<hbm>> -> memref<500000x128xf32, #tpu.memory_space<hbm>>
      tpu.wait_indirect_dma semaphore(%arg15 : memref<!tpu.dma_semaphore, #tpu.memory_space<semaphore_mem>>) src(%dma_wait3A_566 : memref<500000x128xf32, #tpu.memory_space<hbm>>) dst(%arg10 : memref<128x128xf32, #tpu.memory_space<vmem>>)
      %ge3A = arith.constant 2 : i32
      %ge3A_567 = arith.cmpi sge, %mul3A_563, %ge3A : i32
      %convert_element_type3A = arith.extui %ge3A_567 : i1 to i32
      %cond3A = arith.constant 0 : i32
      %cond3A_568 = arith.cmpi ne, %convert_element_type3A, %cond3A : i32
      scf.if %cond3A_568 {
        %sub3A_709 = arith.constant 2 : i32
        %sub3A_710 = arith.subi %mul3A_563, %sub3A_709 : i32
        %mul3A_711 = arith.constant 104 : i32
        %mul3A_712 = arith.muli %add3A, %mul3A_711 : i32
        %add3A_713 = arith.addi %mul3A_712, %sub3A_710 : i32
        %jit3A_714 = arith.constant 128 : i32
        %div3A_715 = arith.divsi %add3A_713, %jit3A_714 : i32
        %sign3A_716 = arith.constant 0 : i32
        %sign3A_717 = arith.cmpi sgt, %add3A_713, %sign3A_716 : i32
        %sign3A_718 = arith.extui %sign3A_717 : i1 to i32
        %sign3A_719 = arith.constant 0 : i32
        %sign3A_720 = arith.cmpi slt, %add3A_713, %sign3A_719 : i32
        %sign3A_721 = arith.extui %sign3A_720 : i1 to i32
        %sign3A_722 = arith.subi %sign3A_718, %sign3A_721 : i32
        %sign3A_723 = arith.constant 0 : i32
        %sign3A_724 = arith.cmpi sgt, %jit3A_714, %sign3A_723 : i32
        %sign3A_725 = arith.extui %sign3A_724 : i1 to i32
        %sign3A_726 = arith.constant 0 : i32
        %sign3A_727 = arith.cmpi slt, %jit3A_714, %sign3A_726 : i32
        %sign3A_728 = arith.extui %sign3A_727 : i1 to i32
        %sign3A_729 = arith.subi %sign3A_725, %sign3A_728 : i32
        %ne3A_730 = arith.cmpi ne, %sign3A_722, %sign3A_729 : i32
        %rem3A_731 = arith.remsi %add3A_713, %jit3A_714 : i32
        %ne3A_732 = arith.constant 0 : i32
        %ne3A_733 = arith.cmpi ne, %rem3A_731, %ne3A_732 : i32
        %and3A_734 = arith.andi %ne3A_730, %ne3A_733 : i1
        %sub3A_735 = arith.constant 1 : i32
        %sub3A_736 = arith.subi %div3A_715, %sub3A_735 : i32
        %select_n3A_737 = arith.select %and3A_734, %sub3A_736, %div3A_715 : i32
        %jit3A_738 = arith.constant 128 : i32
        %eq3A_739 = arith.constant 0 : i32
        %eq3A_740 = arith.cmpi eq, %jit3A_738, %eq3A_739 : i32
        %jit3A_741 = arith.constant 1 : i32
        %select_n3A_742 = arith.select %eq3A_740, %jit3A_741, %jit3A_738 : i32
        %rem3A_743 = arith.remsi %add3A_713, %select_n3A_742 : i32
        %ne3A_744 = arith.constant 0 : i32
        %ne3A_745 = arith.cmpi ne, %rem3A_743, %ne3A_744 : i32
        %lt3A_746 = arith.constant 0 : i32
        %lt3A_747 = arith.cmpi slt, %rem3A_743, %lt3A_746 : i32
        %lt3A_748 = arith.constant 0 : i32
        %lt3A_749 = arith.cmpi slt, %select_n3A_742, %lt3A_748 : i32
        %ne3A_750 = arith.xori %lt3A_747, %lt3A_749 : i1
        %and3A_751 = arith.andi %ne3A_750, %ne3A_745 : i1
        %add3A_752 = arith.addi %rem3A_743, %select_n3A_742 : i32
        %select_n3A_753 = arith.select %and3A_751, %add3A_752, %rem3A_743 : i32
        %mul3A_754 = arith.constant 128 : i32
        %mul3A_755 = arith.muli %select_n3A_753, %mul3A_754 : i32
        %dma_wait3A_756 = arith.constant 0 : i32
        %dma_wait3A_757 = tpu.memref_slice %arg4[%select_n3A_737, %dma_wait3A_756, %mul3A_755] : memref<26x64x16384xf32, #tpu.memory_space<hbm>> -> memref<1x64x128xf32, #tpu.memory_space<hbm>>
        %dma_wait3A_758 = tpu.memref_squeeze %dma_wait3A_757 : memref<1x64x128xf32, #tpu.memory_space<hbm>> -> memref<64x128xf32, #tpu.memory_space<hbm>>
        %dma_wait3A_759 = arith.constant 0 : i32
        %dma_wait3A_760 = tpu.memref_slice %arg4[%select_n3A_737, %dma_wait3A_759, %mul3A_755] : memref<26x64x16384xf32, #tpu.memory_space<hbm>> -> memref<1x64x128xf32, #tpu.memory_space<hbm>>
        %dma_wait3A_761 = tpu.memref_squeeze %dma_wait3A_760 : memref<1x64x128xf32, #tpu.memory_space<hbm>> -> memref<64x128xf32, #tpu.memory_space<hbm>>
        tpu.wait_dma2 semaphore(%arg17 : memref<!tpu.dma_semaphore, #tpu.memory_space<semaphore_mem>>) src(%arg12 : memref<64x128xf32, #tpu.memory_space<vmem>>) dst(%dma_wait3A_761 : memref<64x128xf32, #tpu.memory_space<hbm>>)
      } else {
      }
      %scan3A_569 = arith.constant 0 : i32
      %scan3A_570 = arith.constant 0 : i32
      %scan3A_571 = arith.constant 8 : i32
      %scan3A_572 = arith.addi %scan3A_570, %scan3A_571 : i32
      %scan3A_573 = arith.constant 1 : i32
      scf.for %scan3A_709 = %scan3A_570 to %scan3A_572 step %scan3A_573  : i32 {
        %mul3A_710 = arith.constant 2 : i32
        %mul3A_711 = arith.muli %mul3A_710, %scan3A_709 : i32
        %add3A_712 = arith.constant 0 : i32
        %add3A_713 = arith.addi %mul3A_711, %add3A_712 : i32
        %get3A_714 = arith.index_cast %add3A_713 : i32 to index
        %get3A_715 = arith.constant 0 : index
        %get3A_716 = tpu.vector_load %arg14[%get3A_714, %get3A_715] {strides = array<i32>} : memref<16x16xi32, #tpu.memory_space<vmem>>, vector<16xi32>,
        %add3A_717 = arith.constant 0 : i32
        %add3A_718 = vector.broadcast %add3A_717 : i32 to vector<16xi32>
        %add3A_719 = arith.addi %add3A_718, %get3A_716 : vector<16xi32>
        %add3A_720 = arith.constant 16 : i32
        %add3A_721 = vector.broadcast %add3A_720 : i32 to vector<16xi32>
        %add3A_722 = arith.addi %add3A_721, %get3A_716 : vector<16xi32>
        %add3A_723 = arith.constant 32 : i32
        %add3A_724 = vector.broadcast %add3A_723 : i32 to vector<16xi32>
        %add3A_725 = arith.addi %add3A_724, %get3A_716 : vector<16xi32>
        %add3A_726 = arith.constant 48 : i32
        %add3A_727 = vector.broadcast %add3A_726 : i32 to vector<16xi32>
        %add3A_728 = arith.addi %add3A_727, %get3A_716 : vector<16xi32>
        %add3A_729 = arith.constant 64 : i32
        %add3A_730 = vector.broadcast %add3A_729 : i32 to vector<16xi32>
        %add3A_731 = arith.addi %add3A_730, %get3A_716 : vector<16xi32>
        %add3A_732 = arith.constant 80 : i32
        %add3A_733 = vector.broadcast %add3A_732 : i32 to vector<16xi32>
        %add3A_734 = arith.addi %add3A_733, %get3A_716 : vector<16xi32>
        %add3A_735 = arith.constant 96 : i32
        %add3A_736 = vector.broadcast %add3A_735 : i32 to vector<16xi32>
        %add3A_737 = arith.addi %add3A_736, %get3A_716 : vector<16xi32>
        %add3A_738 = arith.constant 112 : i32
        %add3A_739 = vector.broadcast %add3A_738 : i32 to vector<16xi32>
        %add3A_740 = arith.addi %add3A_739, %get3A_716 : vector<16xi32>
        %gather3A = tpu.vector_load_idx %arg8[%add3A_719] : memref<128xi32, #tpu.memory_space<vmem>>[vector<16xi32>], vector<16xi32>,
        %gather3A_741 = tpu.vector_load_idx %arg8[%add3A_722] : memref<128xi32, #tpu.memory_space<vmem>>[vector<16xi32>], vector<16xi32>,
        %gather3A_742 = tpu.vector_load_idx %arg8[%add3A_725] : memref<128xi32, #tpu.memory_space<vmem>>[vector<16xi32>], vector<16xi32>,
        %gather3A_743 = tpu.vector_load_idx %arg8[%add3A_728] : memref<128xi32, #tpu.memory_space<vmem>>[vector<16xi32>], vector<16xi32>,
        %gather3A_744 = tpu.vector_load_idx %arg8[%add3A_731] : memref<128xi32, #tpu.memory_space<vmem>>[vector<16xi32>], vector<16xi32>,
        %gather3A_745 = tpu.vector_load_idx %arg8[%add3A_734] : memref<128xi32, #tpu.memory_space<vmem>>[vector<16xi32>], vector<16xi32>,
        %gather3A_746 = tpu.vector_load_idx %arg8[%add3A_737] : memref<128xi32, #tpu.memory_space<vmem>>[vector<16xi32>], vector<16xi32>,
        %gather3A_747 = tpu.vector_load_idx %arg8[%add3A_740] : memref<128xi32, #tpu.memory_space<vmem>>[vector<16xi32>], vector<16xi32>,
        %add3A_748 = arith.addi %gather3A, %add3A_175 : vector<16xi32>
        %gather3A_749 = tpu.vector_load_idx %arg10[%add3A_719, %add3A_748] : memref<128x128xf32, #tpu.memory_space<vmem>>[vector<16xi32>, vector<16xi32>], vector<16xf32>,
        tpu.vector_store_idx %arg12[%add3A_175, %add3A_719], %gather3A_749 : memref<64x128xf32, #tpu.memory_space<vmem>>[vector<16xi32>, vector<16xi32>], vector<16xf32>,
        %add3A_750 = arith.addi %gather3A_741, %add3A_175 : vector<16xi32>
        %gather3A_751 = tpu.vector_load_idx %arg10[%add3A_722, %add3A_750] : memref<128x128xf32, #tpu.memory_space<vmem>>[vector<16xi32>, vector<16xi32>], vector<16xf32>,
        tpu.vector_store_idx %arg12[%add3A_175, %add3A_722], %gather3A_751 : memref<64x128xf32, #tpu.memory_space<vmem>>[vector<16xi32>, vector<16xi32>], vector<16xf32>,
        %add3A_752 = arith.addi %gather3A_742, %add3A_175 : vector<16xi32>
        %gather3A_753 = tpu.vector_load_idx %arg10[%add3A_725, %add3A_752] : memref<128x128xf32, #tpu.memory_space<vmem>>[vector<16xi32>, vector<16xi32>], vector<16xf32>,
        tpu.vector_store_idx %arg12[%add3A_175, %add3A_725], %gather3A_753 : memref<64x128xf32, #tpu.memory_space<vmem>>[vector<16xi32>, vector<16xi32>], vector<16xf32>,
        %add3A_754 = arith.addi %gather3A_743, %add3A_175 : vector<16xi32>
        %gather3A_755 = tpu.vector_load_idx %arg10[%add3A_728, %add3A_754] : memref<128x128xf32, #tpu.memory_space<vmem>>[vector<16xi32>, vector<16xi32>], vector<16xf32>,
        tpu.vector_store_idx %arg12[%add3A_175, %add3A_728], %gather3A_755 : memref<64x128xf32, #tpu.memory_space<vmem>>[vector<16xi32>, vector<16xi32>], vector<16xf32>,
        %add3A_756 = arith.addi %gather3A_744, %add3A_175 : vector<16xi32>
        %gather3A_757 = tpu.vector_load_idx %arg10[%add3A_731, %add3A_756] : memref<128x128xf32, #tpu.memory_space<vmem>>[vector<16xi32>, vector<16xi32>], vector<16xf32>,
        tpu.vector_store_idx %arg12[%add3A_175, %add3A_731], %gather3A_757 : memref<64x128xf32, #tpu.memory_space<vmem>>[vector<16xi32>, vector<16xi32>], vector<16xf32>,
        %add3A_758 = arith.addi %gather3A_745, %add3A_175 : vector<16xi32>
        %gather3A_759 = tpu.vector_load_idx %arg10[%add3A_734, %add3A_758] : memref<128x128xf32, #tpu.memory_space<vmem>>[vector<16xi32>, vector<16xi32>], vector<16xf32>,
        tpu.vector_store_idx %arg12[%add3A_175, %add3A_734], %gather3A_759 : memref<64x128xf32, #tpu.memory_space<vmem>>[vector<16xi32>, vector<16xi32>], vector<16xf32>,
        %add3A_760 = arith.addi %gather3A_746, %add3A_175 : vector<16xi32>
        %gather3A_761 = tpu.vector_load_idx %arg10[%add3A_737, %add3A_760] : memref<128x128xf32, #tpu.memory_space<vmem>>[vector<16xi32>, vector<16xi32>], vector<16xf32>,
        tpu.vector_store_idx %arg12[%add3A_175, %add3A_737], %gather3A_761 : memref<64x128xf32, #tpu.memory_space<vmem>>[vector<16xi32>, vector<16xi32>], vector<16xf32>,
        %add3A_762 = arith.addi %gather3A_747, %add3A_175 : vector<16xi32>
        %gather3A_763 = tpu.vector_load_idx %arg10[%add3A_740, %add3A_762] : memref<128x128xf32, #tpu.memory_space<vmem>>[vector<16xi32>, vector<16xi32>], vector<16xf32>,
        tpu.vector_store_idx %arg12[%add3A_175, %add3A_740], %gather3A_763 : memref<64x128xf32, #tpu.memory_space<vmem>>[vector<16xi32>, vector<16xi32>], vector<16xf32>,
        %add3A_764 = arith.addi %gather3A, %add3A_178 : vector<16xi32>
        %gather3A_765 = tpu.vector_load_idx %arg10[%add3A_719, %add3A_764] : memref<128x128xf32, #tpu.memory_space<vmem>>[vector<16xi32>, vector<16xi32>], vector<16xf32>,
        tpu.vector_store_idx %arg12[%add3A_178, %add3A_719], %gather3A_765 : memref<64x128xf32, #tpu.memory_space<vmem>>[vector<16xi32>, vector<16xi32>], vector<16xf32>,
        %add3A_766 = arith.addi %gather3A_741, %add3A_178 : vector<16xi32>
        %gather3A_767 = tpu.vector_load_idx %arg10[%add3A_722, %add3A_766] : memref<128x128xf32, #tpu.memory_space<vmem>>[vector<16xi32>, vector<16xi32>], vector<16xf32>,
        tpu.vector_store_idx %arg12[%add3A_178, %add3A_722], %gather3A_767 : memref<64x128xf32, #tpu.memory_space<vmem>>[vector<16xi32>, vector<16xi32>], vector<16xf32>,
        %add3A_768 = arith.addi %gather3A_742, %add3A_178 : vector<16xi32>
        %gather3A_769 = tpu.vector_load_idx %arg10[%add3A_725, %add3A_768] : memref<128x128xf32, #tpu.memory_space<vmem>>[vector<16xi32>, vector<16xi32>], vector<16xf32>,
        tpu.vector_store_idx %arg12[%add3A_178, %add3A_725], %gather3A_769 : memref<64x128xf32, #tpu.memory_space<vmem>>[vector<16xi32>, vector<16xi32>], vector<16xf32>,
        %add3A_770 = arith.addi %gather3A_743, %add3A_178 : vector<16xi32>
        %gather3A_771 = tpu.vector_load_idx %arg10[%add3A_728, %add3A_770] : memref<128x128xf32, #tpu.memory_space<vmem>>[vector<16xi32>, vector<16xi32>], vector<16xf32>,
        tpu.vector_store_idx %arg12[%add3A_178, %add3A_728], %gather3A_771 : memref<64x128xf32, #tpu.memory_space<vmem>>[vector<16xi32>, vector<16xi32>], vector<16xf32>,
        %add3A_772 = arith.addi %gather3A_744, %add3A_178 : vector<16xi32>
        %gather3A_773 = tpu.vector_load_idx %arg10[%add3A_731, %add3A_772] : memref<128x128xf32, #tpu.memory_space<vmem>>[vector<16xi32>, vector<16xi32>], vector<16xf32>,
        tpu.vector_store_idx %arg12[%add3A_178, %add3A_731], %gather3A_773 : memref<64x128xf32, #tpu.memory_space<vmem>>[vector<16xi32>, vector<16xi32>], vector<16xf32>,
        %add3A_774 = arith.addi %gather3A_745, %add3A_178 : vector<16xi32>
        %gather3A_775 = tpu.vector_load_idx %arg10[%add3A_734, %add3A_774] : memref<128x128xf32, #tpu.memory_space<vmem>>[vector<16xi32>, vector<16xi32>], vector<16xf32>,
        tpu.vector_store_idx %arg12[%add3A_178, %add3A_734], %gather3A_775 : memref<64x128xf32, #tpu.memory_space<vmem>>[vector<16xi32>, vector<16xi32>], vector<16xf32>,
        %add3A_776 = arith.addi %gather3A_746, %add3A_178 : vector<16xi32>
        %gather3A_777 = tpu.vector_load_idx %arg10[%add3A_737, %add3A_776] : memref<128x128xf32, #tpu.memory_space<vmem>>[vector<16xi32>, vector<16xi32>], vector<16xf32>,
        tpu.vector_store_idx %arg12[%add3A_178, %add3A_737], %gather3A_777 : memref<64x128xf32, #tpu.memory_space<vmem>>[vector<16xi32>, vector<16xi32>], vector<16xf32>,
        %add3A_778 = arith.addi %gather3A_747, %add3A_178 : vector<16xi32>
        %gather3A_779 = tpu.vector_load_idx %arg10[%add3A_740, %add3A_778] : memref<128x128xf32, #tpu.memory_space<vmem>>[vector<16xi32>, vector<16xi32>], vector<16xf32>,
        tpu.vector_store_idx %arg12[%add3A_178, %add3A_740], %gather3A_779 : memref<64x128xf32, #tpu.memory_space<vmem>>[vector<16xi32>, vector<16xi32>], vector<16xf32>,
        %add3A_780 = arith.addi %gather3A, %add3A_181 : vector<16xi32>
        %gather3A_781 = tpu.vector_load_idx %arg10[%add3A_719, %add3A_780] : memref<128x128xf32, #tpu.memory_space<vmem>>[vector<16xi32>, vector<16xi32>], vector<16xf32>,
        tpu.vector_store_idx %arg12[%add3A_181, %add3A_719], %gather3A_781 : memref<64x128xf32, #tpu.memory_space<vmem>>[vector<16xi32>, vector<16xi32>], vector<16xf32>,
        %add3A_782 = arith.addi %gather3A_741, %add3A_181 : vector<16xi32>
        %gather3A_783 = tpu.vector_load_idx %arg10[%add3A_722, %add3A_782] : memref<128x128xf32, #tpu.memory_space<vmem>>[vector<16xi32>, vector<16xi32>], vector<16xf32>,
        tpu.vector_store_idx %arg12[%add3A_181, %add3A_722], %gather3A_783 : memref<64x128xf32, #tpu.memory_space<vmem>>[vector<16xi32>, vector<16xi32>], vector<16xf32>,
        %add3A_784 = arith.addi %gather3A_742, %add3A_181 : vector<16xi32>
        %gather3A_785 = tpu.vector_load_idx %arg10[%add3A_725, %add3A_784] : memref<128x128xf32, #tpu.memory_space<vmem>>[vector<16xi32>, vector<16xi32>], vector<16xf32>,
        tpu.vector_store_idx %arg12[%add3A_181, %add3A_725], %gather3A_785 : memref<64x128xf32, #tpu.memory_space<vmem>>[vector<16xi32>, vector<16xi32>], vector<16xf32>,
        %add3A_786 = arith.addi %gather3A_743, %add3A_181 : vector<16xi32>
        %gather3A_787 = tpu.vector_load_idx %arg10[%add3A_728, %add3A_786] : memref<128x128xf32, #tpu.memory_space<vmem>>[vector<16xi32>, vector<16xi32>], vector<16xf32>,
        tpu.vector_store_idx %arg12[%add3A_181, %add3A_728], %gather3A_787 : memref<64x128xf32, #tpu.memory_space<vmem>>[vector<16xi32>, vector<16xi32>], vector<16xf32>,
        %add3A_788 = arith.addi %gather3A_744, %add3A_181 : vector<16xi32>
        %gather3A_789 = tpu.vector_load_idx %arg10[%add3A_731, %add3A_788] : memref<128x128xf32, #tpu.memory_space<vmem>>[vector<16xi32>, vector<16xi32>], vector<16xf32>,
        tpu.vector_store_idx %arg12[%add3A_181, %add3A_731], %gather3A_789 : memref<64x128xf32, #tpu.memory_space<vmem>>[vector<16xi32>, vector<16xi32>], vector<16xf32>,
        %add3A_790 = arith.addi %gather3A_745, %add3A_181 : vector<16xi32>
        %gather3A_791 = tpu.vector_load_idx %arg10[%add3A_734, %add3A_790] : memref<128x128xf32, #tpu.memory_space<vmem>>[vector<16xi32>, vector<16xi32>], vector<16xf32>,
        tpu.vector_store_idx %arg12[%add3A_181, %add3A_734], %gather3A_791 : memref<64x128xf32, #tpu.memory_space<vmem>>[vector<16xi32>, vector<16xi32>], vector<16xf32>,
        %add3A_792 = arith.addi %gather3A_746, %add3A_181 : vector<16xi32>
        %gather3A_793 = tpu.vector_load_idx %arg10[%add3A_737, %add3A_792] : memref<128x128xf32, #tpu.memory_space<vmem>>[vector<16xi32>, vector<16xi32>], vector<16xf32>,
        tpu.vector_store_idx %arg12[%add3A_181, %add3A_737], %gather3A_793 : memref<64x128xf32, #tpu.memory_space<vmem>>[vector<16xi32>, vector<16xi32>], vector<16xf32>,
        %add3A_794 = arith.addi %gather3A_747, %add3A_181 : vector<16xi32>
        %gather3A_795 = tpu.vector_load_idx %arg10[%add3A_740, %add3A_794] : memref<128x128xf32, #tpu.memory_space<vmem>>[vector<16xi32>, vector<16xi32>], vector<16xf32>,
        tpu.vector_store_idx %arg12[%add3A_181, %add3A_740], %gather3A_795 : memref<64x128xf32, #tpu.memory_space<vmem>>[vector<16xi32>, vector<16xi32>], vector<16xf32>,
        %add3A_796 = arith.addi %gather3A, %add3A_184 : vector<16xi32>
        %gather3A_797 = tpu.vector_load_idx %arg10[%add3A_719, %add3A_796] : memref<128x128xf32, #tpu.memory_space<vmem>>[vector<16xi32>, vector<16xi32>], vector<16xf32>,
        tpu.vector_store_idx %arg12[%add3A_184, %add3A_719], %gather3A_797 : memref<64x128xf32, #tpu.memory_space<vmem>>[vector<16xi32>, vector<16xi32>], vector<16xf32>,
        %add3A_798 = arith.addi %gather3A_741, %add3A_184 : vector<16xi32>
        %gather3A_799 = tpu.vector_load_idx %arg10[%add3A_722, %add3A_798] : memref<128x128xf32, #tpu.memory_space<vmem>>[vector<16xi32>, vector<16xi32>], vector<16xf32>,
        tpu.vector_store_idx %arg12[%add3A_184, %add3A_722], %gather3A_799 : memref<64x128xf32, #tpu.memory_space<vmem>>[vector<16xi32>, vector<16xi32>], vector<16xf32>,
        %add3A_800 = arith.addi %gather3A_742, %add3A_184 : vector<16xi32>
        %gather3A_801 = tpu.vector_load_idx %arg10[%add3A_725, %add3A_800] : memref<128x128xf32, #tpu.memory_space<vmem>>[vector<16xi32>, vector<16xi32>], vector<16xf32>,
        tpu.vector_store_idx %arg12[%add3A_184, %add3A_725], %gather3A_801 : memref<64x128xf32, #tpu.memory_space<vmem>>[vector<16xi32>, vector<16xi32>], vector<16xf32>,
        %add3A_802 = arith.addi %gather3A_743, %add3A_184 : vector<16xi32>
        %gather3A_803 = tpu.vector_load_idx %arg10[%add3A_728, %add3A_802] : memref<128x128xf32, #tpu.memory_space<vmem>>[vector<16xi32>, vector<16xi32>], vector<16xf32>,
        tpu.vector_store_idx %arg12[%add3A_184, %add3A_728], %gather3A_803 : memref<64x128xf32, #tpu.memory_space<vmem>>[vector<16xi32>, vector<16xi32>], vector<16xf32>,
        %add3A_804 = arith.addi %gather3A_744, %add3A_184 : vector<16xi32>
        %gather3A_805 = tpu.vector_load_idx %arg10[%add3A_731, %add3A_804] : memref<128x128xf32, #tpu.memory_space<vmem>>[vector<16xi32>, vector<16xi32>], vector<16xf32>,
        tpu.vector_store_idx %arg12[%add3A_184, %add3A_731], %gather3A_805 : memref<64x128xf32, #tpu.memory_space<vmem>>[vector<16xi32>, vector<16xi32>], vector<16xf32>,
        %add3A_806 = arith.addi %gather3A_745, %add3A_184 : vector<16xi32>
        %gather3A_807 = tpu.vector_load_idx %arg10[%add3A_734, %add3A_806] : memref<128x128xf32, #tpu.memory_space<vmem>>[vector<16xi32>, vector<16xi32>], vector<16xf32>,
        tpu.vector_store_idx %arg12[%add3A_184, %add3A_734], %gather3A_807 : memref<64x128xf32, #tpu.memory_space<vmem>>[vector<16xi32>, vector<16xi32>], vector<16xf32>,
        %add3A_808 = arith.addi %gather3A_746, %add3A_184 : vector<16xi32>
        %gather3A_809 = tpu.vector_load_idx %arg10[%add3A_737, %add3A_808] : memref<128x128xf32, #tpu.memory_space<vmem>>[vector<16xi32>, vector<16xi32>], vector<16xf32>,
        tpu.vector_store_idx %arg12[%add3A_184, %add3A_737], %gather3A_809 : memref<64x128xf32, #tpu.memory_space<vmem>>[vector<16xi32>, vector<16xi32>], vector<16xf32>,
        %add3A_810 = arith.addi %gather3A_747, %add3A_184 : vector<16xi32>
        %gather3A_811 = tpu.vector_load_idx %arg10[%add3A_740, %add3A_810] : memref<128x128xf32, #tpu.memory_space<vmem>>[vector<16xi32>, vector<16xi32>], vector<16xf32>,
        tpu.vector_store_idx %arg12[%add3A_184, %add3A_740], %gather3A_811 : memref<64x128xf32, #tpu.memory_space<vmem>>[vector<16xi32>, vector<16xi32>], vector<16xf32>,
        %mul3A_812 = arith.constant 2 : i32
        %mul3A_813 = arith.muli %mul3A_812, %scan3A_709 : i32
        %add3A_814 = arith.constant 1 : i32
        %add3A_815 = arith.addi %mul3A_813, %add3A_814 : i32
        %get3A_816 = arith.index_cast %add3A_815 : i32 to index
        %get3A_817 = arith.constant 0 : index
        %get3A_818 = tpu.vector_load %arg14[%get3A_816, %get3A_817] {strides = array<i32>} : memref<16x16xi32, #tpu.memory_space<vmem>>, vector<16xi32>,
        %add3A_819 = arith.constant 0 : i32
        %add3A_820 = vector.broadcast %add3A_819 : i32 to vector<16xi32>
        %add3A_821 = arith.addi %add3A_820, %get3A_818 : vector<16xi32>
        %add3A_822 = arith.constant 16 : i32
        %add3A_823 = vector.broadcast %add3A_822 : i32 to vector<16xi32>
        %add3A_824 = arith.addi %add3A_823, %get3A_818 : vector<16xi32>
        %add3A_825 = arith.constant 32 : i32
        %add3A_826 = vector.broadcast %add3A_825 : i32 to vector<16xi32>
        %add3A_827 = arith.addi %add3A_826, %get3A_818 : vector<16xi32>
        %add3A_828 = arith.constant 48 : i32
        %add3A_829 = vector.broadcast %add3A_828 : i32 to vector<16xi32>
        %add3A_830 = arith.addi %add3A_829, %get3A_818 : vector<16xi32>
        %add3A_831 = arith.constant 64 : i32
        %add3A_832 = vector.broadcast %add3A_831 : i32 to vector<16xi32>
        %add3A_833 = arith.addi %add3A_832, %get3A_818 : vector<16xi32>
        %add3A_834 = arith.constant 80 : i32
        %add3A_835 = vector.broadcast %add3A_834 : i32 to vector<16xi32>
        %add3A_836 = arith.addi %add3A_835, %get3A_818 : vector<16xi32>
        %add3A_837 = arith.constant 96 : i32
        %add3A_838 = vector.broadcast %add3A_837 : i32 to vector<16xi32>
        %add3A_839 = arith.addi %add3A_838, %get3A_818 : vector<16xi32>
        %add3A_840 = arith.constant 112 : i32
        %add3A_841 = vector.broadcast %add3A_840 : i32 to vector<16xi32>
        %add3A_842 = arith.addi %add3A_841, %get3A_818 : vector<16xi32>
        %gather3A_843 = tpu.vector_load_idx %arg8[%add3A_821] : memref<128xi32, #tpu.memory_space<vmem>>[vector<16xi32>], vector<16xi32>,
        %gather3A_844 = tpu.vector_load_idx %arg8[%add3A_824] : memref<128xi32, #tpu.memory_space<vmem>>[vector<16xi32>], vector<16xi32>,
        %gather3A_845 = tpu.vector_load_idx %arg8[%add3A_827] : memref<128xi32, #tpu.memory_space<vmem>>[vector<16xi32>], vector<16xi32>,
        %gather3A_846 = tpu.vector_load_idx %arg8[%add3A_830] : memref<128xi32, #tpu.memory_space<vmem>>[vector<16xi32>], vector<16xi32>,
        %gather3A_847 = tpu.vector_load_idx %arg8[%add3A_833] : memref<128xi32, #tpu.memory_space<vmem>>[vector<16xi32>], vector<16xi32>,
        %gather3A_848 = tpu.vector_load_idx %arg8[%add3A_836] : memref<128xi32, #tpu.memory_space<vmem>>[vector<16xi32>], vector<16xi32>,
        %gather3A_849 = tpu.vector_load_idx %arg8[%add3A_839] : memref<128xi32, #tpu.memory_space<vmem>>[vector<16xi32>], vector<16xi32>,
        %gather3A_850 = tpu.vector_load_idx %arg8[%add3A_842] : memref<128xi32, #tpu.memory_space<vmem>>[vector<16xi32>], vector<16xi32>,
        %add3A_851 = arith.addi %gather3A_843, %add3A_175 : vector<16xi32>
        %gather3A_852 = tpu.vector_load_idx %arg10[%add3A_821, %add3A_851] : memref<128x128xf32, #tpu.memory_space<vmem>>[vector<16xi32>, vector<16xi32>], vector<16xf32>,
        tpu.vector_store_idx %arg12[%add3A_175, %add3A_821], %gather3A_852 : memref<64x128xf32, #tpu.memory_space<vmem>>[vector<16xi32>, vector<16xi32>], vector<16xf32>,
        %add3A_853 = arith.addi %gather3A_844, %add3A_175 : vector<16xi32>
        %gather3A_854 = tpu.vector_load_idx %arg10[%add3A_824, %add3A_853] : memref<128x128xf32, #tpu.memory_space<vmem>>[vector<16xi32>, vector<16xi32>], vector<16xf32>,
        tpu.vector_store_idx %arg12[%add3A_175, %add3A_824], %gather3A_854 : memref<64x128xf32, #tpu.memory_space<vmem>>[vector<16xi32>, vector<16xi32>], vector<16xf32>,
        %add3A_855 = arith.addi %gather3A_845, %add3A_175 : vector<16xi32>
        %gather3A_856 = tpu.vector_load_idx %arg10[%add3A_827, %add3A_855] : memref<128x128xf32, #tpu.memory_space<vmem>>[vector<16xi32>, vector<16xi32>], vector<16xf32>,
        tpu.vector_store_idx %arg12[%add3A_175, %add3A_827], %gather3A_856 : memref<64x128xf32, #tpu.memory_space<vmem>>[vector<16xi32>, vector<16xi32>], vector<16xf32>,
        %add3A_857 = arith.addi %gather3A_846, %add3A_175 : vector<16xi32>
        %gather3A_858 = tpu.vector_load_idx %arg10[%add3A_830, %add3A_857] : memref<128x128xf32, #tpu.memory_space<vmem>>[vector<16xi32>, vector<16xi32>], vector<16xf32>,
        tpu.vector_store_idx %arg12[%add3A_175, %add3A_830], %gather3A_858 : memref<64x128xf32, #tpu.memory_space<vmem>>[vector<16xi32>, vector<16xi32>], vector<16xf32>,
        %add3A_859 = arith.addi %gather3A_847, %add3A_175 : vector<16xi32>
        %gather3A_860 = tpu.vector_load_idx %arg10[%add3A_833, %add3A_859] : memref<128x128xf32, #tpu.memory_space<vmem>>[vector<16xi32>, vector<16xi32>], vector<16xf32>,
        tpu.vector_store_idx %arg12[%add3A_175, %add3A_833], %gather3A_860 : memref<64x128xf32, #tpu.memory_space<vmem>>[vector<16xi32>, vector<16xi32>], vector<16xf32>,
        %add3A_861 = arith.addi %gather3A_848, %add3A_175 : vector<16xi32>
        %gather3A_862 = tpu.vector_load_idx %arg10[%add3A_836, %add3A_861] : memref<128x128xf32, #tpu.memory_space<vmem>>[vector<16xi32>, vector<16xi32>], vector<16xf32>,
        tpu.vector_store_idx %arg12[%add3A_175, %add3A_836], %gather3A_862 : memref<64x128xf32, #tpu.memory_space<vmem>>[vector<16xi32>, vector<16xi32>], vector<16xf32>,
        %add3A_863 = arith.addi %gather3A_849, %add3A_175 : vector<16xi32>
        %gather3A_864 = tpu.vector_load_idx %arg10[%add3A_839, %add3A_863] : memref<128x128xf32, #tpu.memory_space<vmem>>[vector<16xi32>, vector<16xi32>], vector<16xf32>,
        tpu.vector_store_idx %arg12[%add3A_175, %add3A_839], %gather3A_864 : memref<64x128xf32, #tpu.memory_space<vmem>>[vector<16xi32>, vector<16xi32>], vector<16xf32>,
        %add3A_865 = arith.addi %gather3A_850, %add3A_175 : vector<16xi32>
        %gather3A_866 = tpu.vector_load_idx %arg10[%add3A_842, %add3A_865] : memref<128x128xf32, #tpu.memory_space<vmem>>[vector<16xi32>, vector<16xi32>], vector<16xf32>,
        tpu.vector_store_idx %arg12[%add3A_175, %add3A_842], %gather3A_866 : memref<64x128xf32, #tpu.memory_space<vmem>>[vector<16xi32>, vector<16xi32>], vector<16xf32>,
        %add3A_867 = arith.addi %gather3A_843, %add3A_178 : vector<16xi32>
        %gather3A_868 = tpu.vector_load_idx %arg10[%add3A_821, %add3A_867] : memref<128x128xf32, #tpu.memory_space<vmem>>[vector<16xi32>, vector<16xi32>], vector<16xf32>,
        tpu.vector_store_idx %arg12[%add3A_178, %add3A_821], %gather3A_868 : memref<64x128xf32, #tpu.memory_space<vmem>>[vector<16xi32>, vector<16xi32>], vector<16xf32>,
        %add3A_869 = arith.addi %gather3A_844, %add3A_178 : vector<16xi32>
        %gather3A_870 = tpu.vector_load_idx %arg10[%add3A_824, %add3A_869] : memref<128x128xf32, #tpu.memory_space<vmem>>[vector<16xi32>, vector<16xi32>], vector<16xf32>,
        tpu.vector_store_idx %arg12[%add3A_178, %add3A_824], %gather3A_870 : memref<64x128xf32, #tpu.memory_space<vmem>>[vector<16xi32>, vector<16xi32>], vector<16xf32>,
        %add3A_871 = arith.addi %gather3A_845, %add3A_178 : vector<16xi32>
        %gather3A_872 = tpu.vector_load_idx %arg10[%add3A_827, %add3A_871] : memref<128x128xf32, #tpu.memory_space<vmem>>[vector<16xi32>, vector<16xi32>], vector<16xf32>,
        tpu.vector_store_idx %arg12[%add3A_178, %add3A_827], %gather3A_872 : memref<64x128xf32, #tpu.memory_space<vmem>>[vector<16xi32>, vector<16xi32>], vector<16xf32>,
        %add3A_873 = arith.addi %gather3A_846, %add3A_178 : vector<16xi32>
        %gather3A_874 = tpu.vector_load_idx %arg10[%add3A_830, %add3A_873] : memref<128x128xf32, #tpu.memory_space<vmem>>[vector<16xi32>, vector<16xi32>], vector<16xf32>,
        tpu.vector_store_idx %arg12[%add3A_178, %add3A_830], %gather3A_874 : memref<64x128xf32, #tpu.memory_space<vmem>>[vector<16xi32>, vector<16xi32>], vector<16xf32>,
        %add3A_875 = arith.addi %gather3A_847, %add3A_178 : vector<16xi32>
        %gather3A_876 = tpu.vector_load_idx %arg10[%add3A_833, %add3A_875] : memref<128x128xf32, #tpu.memory_space<vmem>>[vector<16xi32>, vector<16xi32>], vector<16xf32>,
        tpu.vector_store_idx %arg12[%add3A_178, %add3A_833], %gather3A_876 : memref<64x128xf32, #tpu.memory_space<vmem>>[vector<16xi32>, vector<16xi32>], vector<16xf32>,
        %add3A_877 = arith.addi %gather3A_848, %add3A_178 : vector<16xi32>
        %gather3A_878 = tpu.vector_load_idx %arg10[%add3A_836, %add3A_877] : memref<128x128xf32, #tpu.memory_space<vmem>>[vector<16xi32>, vector<16xi32>], vector<16xf32>,
        tpu.vector_store_idx %arg12[%add3A_178, %add3A_836], %gather3A_878 : memref<64x128xf32, #tpu.memory_space<vmem>>[vector<16xi32>, vector<16xi32>], vector<16xf32>,
        %add3A_879 = arith.addi %gather3A_849, %add3A_178 : vector<16xi32>
        %gather3A_880 = tpu.vector_load_idx %arg10[%add3A_839, %add3A_879] : memref<128x128xf32, #tpu.memory_space<vmem>>[vector<16xi32>, vector<16xi32>], vector<16xf32>,
        tpu.vector_store_idx %arg12[%add3A_178, %add3A_839], %gather3A_880 : memref<64x128xf32, #tpu.memory_space<vmem>>[vector<16xi32>, vector<16xi32>], vector<16xf32>,
        %add3A_881 = arith.addi %gather3A_850, %add3A_178 : vector<16xi32>
        %gather3A_882 = tpu.vector_load_idx %arg10[%add3A_842, %add3A_881] : memref<128x128xf32, #tpu.memory_space<vmem>>[vector<16xi32>, vector<16xi32>], vector<16xf32>,
        tpu.vector_store_idx %arg12[%add3A_178, %add3A_842], %gather3A_882 : memref<64x128xf32, #tpu.memory_space<vmem>>[vector<16xi32>, vector<16xi32>], vector<16xf32>,
        %add3A_883 = arith.addi %gather3A_843, %add3A_181 : vector<16xi32>
        %gather3A_884 = tpu.vector_load_idx %arg10[%add3A_821, %add3A_883] : memref<128x128xf32, #tpu.memory_space<vmem>>[vector<16xi32>, vector<16xi32>], vector<16xf32>,
        tpu.vector_store_idx %arg12[%add3A_181, %add3A_821], %gather3A_884 : memref<64x128xf32, #tpu.memory_space<vmem>>[vector<16xi32>, vector<16xi32>], vector<16xf32>,
        %add3A_885 = arith.addi %gather3A_844, %add3A_181 : vector<16xi32>
        %gather3A_886 = tpu.vector_load_idx %arg10[%add3A_824, %add3A_885] : memref<128x128xf32, #tpu.memory_space<vmem>>[vector<16xi32>, vector<16xi32>], vector<16xf32>,
        tpu.vector_store_idx %arg12[%add3A_181, %add3A_824], %gather3A_886 : memref<64x128xf32, #tpu.memory_space<vmem>>[vector<16xi32>, vector<16xi32>], vector<16xf32>,
        %add3A_887 = arith.addi %gather3A_845, %add3A_181 : vector<16xi32>
        %gather3A_888 = tpu.vector_load_idx %arg10[%add3A_827, %add3A_887] : memref<128x128xf32, #tpu.memory_space<vmem>>[vector<16xi32>, vector<16xi32>], vector<16xf32>,
        tpu.vector_store_idx %arg12[%add3A_181, %add3A_827], %gather3A_888 : memref<64x128xf32, #tpu.memory_space<vmem>>[vector<16xi32>, vector<16xi32>], vector<16xf32>,
        %add3A_889 = arith.addi %gather3A_846, %add3A_181 : vector<16xi32>
        %gather3A_890 = tpu.vector_load_idx %arg10[%add3A_830, %add3A_889] : memref<128x128xf32, #tpu.memory_space<vmem>>[vector<16xi32>, vector<16xi32>], vector<16xf32>,
        tpu.vector_store_idx %arg12[%add3A_181, %add3A_830], %gather3A_890 : memref<64x128xf32, #tpu.memory_space<vmem>>[vector<16xi32>, vector<16xi32>], vector<16xf32>,
        %add3A_891 = arith.addi %gather3A_847, %add3A_181 : vector<16xi32>
        %gather3A_892 = tpu.vector_load_idx %arg10[%add3A_833, %add3A_891] : memref<128x128xf32, #tpu.memory_space<vmem>>[vector<16xi32>, vector<16xi32>], vector<16xf32>,
        tpu.vector_store_idx %arg12[%add3A_181, %add3A_833], %gather3A_892 : memref<64x128xf32, #tpu.memory_space<vmem>>[vector<16xi32>, vector<16xi32>], vector<16xf32>,
        %add3A_893 = arith.addi %gather3A_848, %add3A_181 : vector<16xi32>
        %gather3A_894 = tpu.vector_load_idx %arg10[%add3A_836, %add3A_893] : memref<128x128xf32, #tpu.memory_space<vmem>>[vector<16xi32>, vector<16xi32>], vector<16xf32>,
        tpu.vector_store_idx %arg12[%add3A_181, %add3A_836], %gather3A_894 : memref<64x128xf32, #tpu.memory_space<vmem>>[vector<16xi32>, vector<16xi32>], vector<16xf32>,
        %add3A_895 = arith.addi %gather3A_849, %add3A_181 : vector<16xi32>
        %gather3A_896 = tpu.vector_load_idx %arg10[%add3A_839, %add3A_895] : memref<128x128xf32, #tpu.memory_space<vmem>>[vector<16xi32>, vector<16xi32>], vector<16xf32>,
        tpu.vector_store_idx %arg12[%add3A_181, %add3A_839], %gather3A_896 : memref<64x128xf32, #tpu.memory_space<vmem>>[vector<16xi32>, vector<16xi32>], vector<16xf32>,
        %add3A_897 = arith.addi %gather3A_850, %add3A_181 : vector<16xi32>
        %gather3A_898 = tpu.vector_load_idx %arg10[%add3A_842, %add3A_897] : memref<128x128xf32, #tpu.memory_space<vmem>>[vector<16xi32>, vector<16xi32>], vector<16xf32>,
        tpu.vector_store_idx %arg12[%add3A_181, %add3A_842], %gather3A_898 : memref<64x128xf32, #tpu.memory_space<vmem>>[vector<16xi32>, vector<16xi32>], vector<16xf32>,
        %add3A_899 = arith.addi %gather3A_843, %add3A_184 : vector<16xi32>
        %gather3A_900 = tpu.vector_load_idx %arg10[%add3A_821, %add3A_899] : memref<128x128xf32, #tpu.memory_space<vmem>>[vector<16xi32>, vector<16xi32>], vector<16xf32>,
        tpu.vector_store_idx %arg12[%add3A_184, %add3A_821], %gather3A_900 : memref<64x128xf32, #tpu.memory_space<vmem>>[vector<16xi32>, vector<16xi32>], vector<16xf32>,
        %add3A_901 = arith.addi %gather3A_844, %add3A_184 : vector<16xi32>
        %gather3A_902 = tpu.vector_load_idx %arg10[%add3A_824, %add3A_901] : memref<128x128xf32, #tpu.memory_space<vmem>>[vector<16xi32>, vector<16xi32>], vector<16xf32>,
        tpu.vector_store_idx %arg12[%add3A_184, %add3A_824], %gather3A_902 : memref<64x128xf32, #tpu.memory_space<vmem>>[vector<16xi32>, vector<16xi32>], vector<16xf32>,
        %add3A_903 = arith.addi %gather3A_845, %add3A_184 : vector<16xi32>
        %gather3A_904 = tpu.vector_load_idx %arg10[%add3A_827, %add3A_903] : memref<128x128xf32, #tpu.memory_space<vmem>>[vector<16xi32>, vector<16xi32>], vector<16xf32>,
        tpu.vector_store_idx %arg12[%add3A_184, %add3A_827], %gather3A_904 : memref<64x128xf32, #tpu.memory_space<vmem>>[vector<16xi32>, vector<16xi32>], vector<16xf32>,
        %add3A_905 = arith.addi %gather3A_846, %add3A_184 : vector<16xi32>
        %gather3A_906 = tpu.vector_load_idx %arg10[%add3A_830, %add3A_905] : memref<128x128xf32, #tpu.memory_space<vmem>>[vector<16xi32>, vector<16xi32>], vector<16xf32>,
        tpu.vector_store_idx %arg12[%add3A_184, %add3A_830], %gather3A_906 : memref<64x128xf32, #tpu.memory_space<vmem>>[vector<16xi32>, vector<16xi32>], vector<16xf32>,
        %add3A_907 = arith.addi %gather3A_847, %add3A_184 : vector<16xi32>
        %gather3A_908 = tpu.vector_load_idx %arg10[%add3A_833, %add3A_907] : memref<128x128xf32, #tpu.memory_space<vmem>>[vector<16xi32>, vector<16xi32>], vector<16xf32>,
        tpu.vector_store_idx %arg12[%add3A_184, %add3A_833], %gather3A_908 : memref<64x128xf32, #tpu.memory_space<vmem>>[vector<16xi32>, vector<16xi32>], vector<16xf32>,
        %add3A_909 = arith.addi %gather3A_848, %add3A_184 : vector<16xi32>
        %gather3A_910 = tpu.vector_load_idx %arg10[%add3A_836, %add3A_909] : memref<128x128xf32, #tpu.memory_space<vmem>>[vector<16xi32>, vector<16xi32>], vector<16xf32>,
        tpu.vector_store_idx %arg12[%add3A_184, %add3A_836], %gather3A_910 : memref<64x128xf32, #tpu.memory_space<vmem>>[vector<16xi32>, vector<16xi32>], vector<16xf32>,
        %add3A_911 = arith.addi %gather3A_849, %add3A_184 : vector<16xi32>
        %gather3A_912 = tpu.vector_load_idx %arg10[%add3A_839, %add3A_911] : memref<128x128xf32, #tpu.memory_space<vmem>>[vector<16xi32>, vector<16xi32>], vector<16xf32>,
        tpu.vector_store_idx %arg12[%add3A_184, %add3A_839], %gather3A_912 : memref<64x128xf32, #tpu.memory_space<vmem>>[vector<16xi32>, vector<16xi32>], vector<16xf32>,
        %add3A_913 = arith.addi %gather3A_850, %add3A_184 : vector<16xi32>
        %gather3A_914 = tpu.vector_load_idx %arg10[%add3A_842, %add3A_913] : memref<128x128xf32, #tpu.memory_space<vmem>>[vector<16xi32>, vector<16xi32>], vector<16xf32>,
        tpu.vector_store_idx %arg12[%add3A_184, %add3A_842], %gather3A_914 : memref<64x128xf32, #tpu.memory_space<vmem>>[vector<16xi32>, vector<16xi32>], vector<16xf32>,
      }
      %scan3A_574 = arith.constant 8 : i32
      %mul3A_575 = arith.constant 104 : i32
      %mul3A_576 = arith.muli %add3A, %mul3A_575 : i32
      %add3A_577 = arith.addi %mul3A_576, %mul3A_563 : i32
      %jit3A_578 = arith.constant 128 : i32
      %div3A_579 = arith.divsi %add3A_577, %jit3A_578 : i32
      %sign3A_580 = arith.constant 0 : i32
      %sign3A_581 = arith.cmpi sgt, %add3A_577, %sign3A_580 : i32
      %sign3A_582 = arith.extui %sign3A_581 : i1 to i32
      %sign3A_583 = arith.constant 0 : i32
      %sign3A_584 = arith.cmpi slt, %add3A_577, %sign3A_583 : i32
      %sign3A_585 = arith.extui %sign3A_584 : i1 to i32
      %sign3A_586 = arith.subi %sign3A_582, %sign3A_585 : i32
      %sign3A_587 = arith.constant 0 : i32
      %sign3A_588 = arith.cmpi sgt, %jit3A_578, %sign3A_587 : i32
      %sign3A_589 = arith.extui %sign3A_588 : i1 to i32
      %sign3A_590 = arith.constant 0 : i32
      %sign3A_591 = arith.cmpi slt, %jit3A_578, %sign3A_590 : i32
      %sign3A_592 = arith.extui %sign3A_591 : i1 to i32
      %sign3A_593 = arith.subi %sign3A_589, %sign3A_592 : i32
      %ne3A_594 = arith.cmpi ne, %sign3A_586, %sign3A_593 : i32
      %rem3A_595 = arith.remsi %add3A_577, %jit3A_578 : i32
      %ne3A_596 = arith.constant 0 : i32
      %ne3A_597 = arith.cmpi ne, %rem3A_595, %ne3A_596 : i32
      %and3A_598 = arith.andi %ne3A_594, %ne3A_597 : i1
      %sub3A_599 = arith.constant 1 : i32
      %sub3A_600 = arith.subi %div3A_579, %sub3A_599 : i32
      %select_n3A_601 = arith.select %and3A_598, %sub3A_600, %div3A_579 : i32
      %jit3A_602 = arith.constant 128 : i32
      %eq3A_603 = arith.constant 0 : i32
      %eq3A_604 = arith.cmpi eq, %jit3A_602, %eq3A_603 : i32
      %jit3A_605 = arith.constant 1 : i32
      %select_n3A_606 = arith.select %eq3A_604, %jit3A_605, %jit3A_602 : i32
      %rem3A_607 = arith.remsi %add3A_577, %select_n3A_606 : i32
      %ne3A_608 = arith.constant 0 : i32
      %ne3A_609 = arith.cmpi ne, %rem3A_607, %ne3A_608 : i32
      %lt3A_610 = arith.constant 0 : i32
      %lt3A_611 = arith.cmpi slt, %rem3A_607, %lt3A_610 : i32
      %lt3A_612 = arith.constant 0 : i32
      %lt3A_613 = arith.cmpi slt, %select_n3A_606, %lt3A_612 : i32
      %ne3A_614 = arith.xori %lt3A_611, %lt3A_613 : i1
      %and3A_615 = arith.andi %ne3A_614, %ne3A_609 : i1
      %add3A_616 = arith.addi %rem3A_607, %select_n3A_606 : i32
      %select_n3A_617 = arith.select %and3A_615, %add3A_616, %rem3A_607 : i32
      %mul3A_618 = arith.constant 128 : i32
      %mul3A_619 = arith.muli %select_n3A_617, %mul3A_618 : i32
      %dma_start3A_620 = arith.constant 0 : i32
      %dma_start3A_621 = tpu.memref_slice %arg4[%select_n3A_601, %dma_start3A_620, %mul3A_619] : memref<26x64x16384xf32, #tpu.memory_space<hbm>> -> memref<1x64x128xf32, #tpu.memory_space<hbm>>
      %dma_start3A_622 = tpu.memref_squeeze %dma_start3A_621 : memref<1x64x128xf32, #tpu.memory_space<hbm>> -> memref<64x128xf32, #tpu.memory_space<hbm>>
      %dma_start3A_623 = arith.constant 0 : i32
      %dma_start3A_624 = tpu.memref_slice %arg4[%select_n3A_601, %dma_start3A_623, %mul3A_619] : memref<26x64x16384xf32, #tpu.memory_space<hbm>> -> memref<1x64x128xf32, #tpu.memory_space<hbm>>
      %dma_start3A_625 = tpu.memref_squeeze %dma_start3A_624 : memref<1x64x128xf32, #tpu.memory_space<hbm>> -> memref<64x128xf32, #tpu.memory_space<hbm>>
      tpu.enqueue_dma source(%arg12 : memref<64x128xf32, #tpu.memory_space<vmem>>) target(%dma_start3A_625 : memref<64x128xf32, #tpu.memory_space<hbm>>) target_semaphore(%arg17 : memref<!tpu.dma_semaphore, #tpu.memory_space<semaphore_mem>>)
      %add3A_626 = arith.constant 2 : i32
      %add3A_627 = arith.addi %mul3A_563, %add3A_626 : i32
      %lt3A_628 = arith.constant 104 : i32
      %lt3A_629 = arith.cmpi slt, %add3A_627, %lt3A_628 : i32
      %convert_element_type3A_630 = arith.extui %lt3A_629 : i1 to i32
      %cond3A_631 = arith.constant 0 : i32
      %cond3A_632 = arith.cmpi ne, %convert_element_type3A_630, %cond3A_631 : i32
      scf.if %cond3A_632 {
        %add3A_709 = arith.constant 2 : i32
        %add3A_710 = arith.addi %mul3A_563, %add3A_709 : i32
        %get3A_711 = arith.index_cast %add3A_710 : i32 to index
        %get3A_712 = arith.constant 0 : index
        %get3A_713 = tpu.vector_load %arg5[%get3A_711, %get3A_712] {strides = array<i32>} : memref<104x128xi32, #tpu.memory_space<vmem>>, vector<16xi32>,
        %shift_right_logical3A_714 = arith.constant 1 : i32
        %shift_right_logical3A_715 = vector.broadcast %shift_right_logical3A_714 : i32 to vector<16xi32>
        %shift_right_logical3A_716 = arith.shrui %get3A_713, %shift_right_logical3A_715 : vector<16xi32>
        %swap3A_717 = arith.constant 0 : index
        %swap3A_718 = tpu.vector_load %arg6[%swap3A_717] {strides = array<i32>} : memref<128xi32, #tpu.memory_space<vmem>>, vector<16xi32>,
        tpu.vector_store %arg6[%swap3A_717], %shift_right_logical3A_716 {strides = array<i32>} : memref<128xi32, #tpu.memory_space<vmem>>, vector<16xi32>,
        %and3A_719 = arith.constant 1 : i32
        %and3A_720 = vector.broadcast %and3A_719 : i32 to vector<16xi32>
        %and3A_721 = arith.andi %get3A_713, %and3A_720 : vector<16xi32>
        %mul3A_722 = arith.constant 64 : i32
        %mul3A_723 = vector.broadcast %mul3A_722 : i32 to vector<16xi32>
        %mul3A_724 = arith.muli %and3A_721, %mul3A_723 : vector<16xi32>
        %swap3A_725 = arith.constant 0 : index
        %swap3A_726 = tpu.vector_load %arg8[%swap3A_725] {strides = array<i32>} : memref<128xi32, #tpu.memory_space<vmem>>, vector<16xi32>,
        tpu.vector_store %arg8[%swap3A_725], %mul3A_724 {strides = array<i32>} : memref<128xi32, #tpu.memory_space<vmem>>, vector<16xi32>,
        %get3A_727 = arith.index_cast %add3A_710 : i32 to index
        %get3A_728 = arith.constant 16 : index
        %get3A_729 = tpu.vector_load %arg5[%get3A_727, %get3A_728] {strides = array<i32>} : memref<104x128xi32, #tpu.memory_space<vmem>>, vector<16xi32>,
        %shift_right_logical3A_730 = arith.constant 1 : i32
        %shift_right_logical3A_731 = vector.broadcast %shift_right_logical3A_730 : i32 to vector<16xi32>
        %shift_right_logical3A_732 = arith.shrui %get3A_729, %shift_right_logical3A_731 : vector<16xi32>
        %swap3A_733 = arith.constant 16 : index
        %swap3A_734 = tpu.vector_load %arg6[%swap3A_733] {strides = array<i32>} : memref<128xi32, #tpu.memory_space<vmem>>, vector<16xi32>,
        tpu.vector_store %arg6[%swap3A_733], %shift_right_logical3A_732 {strides = array<i32>} : memref<128xi32, #tpu.memory_space<vmem>>, vector<16xi32>,
        %and3A_735 = arith.constant 1 : i32
        %and3A_736 = vector.broadcast %and3A_735 : i32 to vector<16xi32>
        %and3A_737 = arith.andi %get3A_729, %and3A_736 : vector<16xi32>
        %mul3A_738 = arith.constant 64 : i32
        %mul3A_739 = vector.broadcast %mul3A_738 : i32 to vector<16xi32>
        %mul3A_740 = arith.muli %and3A_737, %mul3A_739 : vector<16xi32>
        %swap3A_741 = arith.constant 16 : index
        %swap3A_742 = tpu.vector_load %arg8[%swap3A_741] {strides = array<i32>} : memref<128xi32, #tpu.memory_space<vmem>>, vector<16xi32>,
        tpu.vector_store %arg8[%swap3A_741], %mul3A_740 {strides = array<i32>} : memref<128xi32, #tpu.memory_space<vmem>>, vector<16xi32>,
        %get3A_743 = arith.index_cast %add3A_710 : i32 to index
        %get3A_744 = arith.constant 32 : index
        %get3A_745 = tpu.vector_load %arg5[%get3A_743, %get3A_744] {strides = array<i32>} : memref<104x128xi32, #tpu.memory_space<vmem>>, vector<16xi32>,
        %shift_right_logical3A_746 = arith.constant 1 : i32
        %shift_right_logical3A_747 = vector.broadcast %shift_right_logical3A_746 : i32 to vector<16xi32>
        %shift_right_logical3A_748 = arith.shrui %get3A_745, %shift_right_logical3A_747 : vector<16xi32>
        %swap3A_749 = arith.constant 32 : index
        %swap3A_750 = tpu.vector_load %arg6[%swap3A_749] {strides = array<i32>} : memref<128xi32, #tpu.memory_space<vmem>>, vector<16xi32>,
        tpu.vector_store %arg6[%swap3A_749], %shift_right_logical3A_748 {strides = array<i32>} : memref<128xi32, #tpu.memory_space<vmem>>, vector<16xi32>,
        %and3A_751 = arith.constant 1 : i32
        %and3A_752 = vector.broadcast %and3A_751 : i32 to vector<16xi32>
        %and3A_753 = arith.andi %get3A_745, %and3A_752 : vector<16xi32>
        %mul3A_754 = arith.constant 64 : i32
        %mul3A_755 = vector.broadcast %mul3A_754 : i32 to vector<16xi32>
        %mul3A_756 = arith.muli %and3A_753, %mul3A_755 : vector<16xi32>
        %swap3A_757 = arith.constant 32 : index
        %swap3A_758 = tpu.vector_load %arg8[%swap3A_757] {strides = array<i32>} : memref<128xi32, #tpu.memory_space<vmem>>, vector<16xi32>,
        tpu.vector_store %arg8[%swap3A_757], %mul3A_756 {strides = array<i32>} : memref<128xi32, #tpu.memory_space<vmem>>, vector<16xi32>,
        %get3A_759 = arith.index_cast %add3A_710 : i32 to index
        %get3A_760 = arith.constant 48 : index
        %get3A_761 = tpu.vector_load %arg5[%get3A_759, %get3A_760] {strides = array<i32>} : memref<104x128xi32, #tpu.memory_space<vmem>>, vector<16xi32>,
        %shift_right_logical3A_762 = arith.constant 1 : i32
        %shift_right_logical3A_763 = vector.broadcast %shift_right_logical3A_762 : i32 to vector<16xi32>
        %shift_right_logical3A_764 = arith.shrui %get3A_761, %shift_right_logical3A_763 : vector<16xi32>
        %swap3A_765 = arith.constant 48 : index
        %swap3A_766 = tpu.vector_load %arg6[%swap3A_765] {strides = array<i32>} : memref<128xi32, #tpu.memory_space<vmem>>, vector<16xi32>,
        tpu.vector_store %arg6[%swap3A_765], %shift_right_logical3A_764 {strides = array<i32>} : memref<128xi32, #tpu.memory_space<vmem>>, vector<16xi32>,
        %and3A_767 = arith.constant 1 : i32
        %and3A_768 = vector.broadcast %and3A_767 : i32 to vector<16xi32>
        %and3A_769 = arith.andi %get3A_761, %and3A_768 : vector<16xi32>
        %mul3A_770 = arith.constant 64 : i32
        %mul3A_771 = vector.broadcast %mul3A_770 : i32 to vector<16xi32>
        %mul3A_772 = arith.muli %and3A_769, %mul3A_771 : vector<16xi32>
        %swap3A_773 = arith.constant 48 : index
        %swap3A_774 = tpu.vector_load %arg8[%swap3A_773] {strides = array<i32>} : memref<128xi32, #tpu.memory_space<vmem>>, vector<16xi32>,
        tpu.vector_store %arg8[%swap3A_773], %mul3A_772 {strides = array<i32>} : memref<128xi32, #tpu.memory_space<vmem>>, vector<16xi32>,
        %get3A_775 = arith.index_cast %add3A_710 : i32 to index
        %get3A_776 = arith.constant 64 : index
        %get3A_777 = tpu.vector_load %arg5[%get3A_775, %get3A_776] {strides = array<i32>} : memref<104x128xi32, #tpu.memory_space<vmem>>, vector<16xi32>,
        %shift_right_logical3A_778 = arith.constant 1 : i32
        %shift_right_logical3A_779 = vector.broadcast %shift_right_logical3A_778 : i32 to vector<16xi32>
        %shift_right_logical3A_780 = arith.shrui %get3A_777, %shift_right_logical3A_779 : vector<16xi32>
        %swap3A_781 = arith.constant 64 : index
        %swap3A_782 = tpu.vector_load %arg6[%swap3A_781] {strides = array<i32>} : memref<128xi32, #tpu.memory_space<vmem>>, vector<16xi32>,
        tpu.vector_store %arg6[%swap3A_781], %shift_right_logical3A_780 {strides = array<i32>} : memref<128xi32, #tpu.memory_space<vmem>>, vector<16xi32>,
        %and3A_783 = arith.constant 1 : i32
        %and3A_784 = vector.broadcast %and3A_783 : i32 to vector<16xi32>
        %and3A_785 = arith.andi %get3A_777, %and3A_784 : vector<16xi32>
        %mul3A_786 = arith.constant 64 : i32
        %mul3A_787 = vector.broadcast %mul3A_786 : i32 to vector<16xi32>
        %mul3A_788 = arith.muli %and3A_785, %mul3A_787 : vector<16xi32>
        %swap3A_789 = arith.constant 64 : index
        %swap3A_790 = tpu.vector_load %arg8[%swap3A_789] {strides = array<i32>} : memref<128xi32, #tpu.memory_space<vmem>>, vector<16xi32>,
        tpu.vector_store %arg8[%swap3A_789], %mul3A_788 {strides = array<i32>} : memref<128xi32, #tpu.memory_space<vmem>>, vector<16xi32>,
        %get3A_791 = arith.index_cast %add3A_710 : i32 to index
        %get3A_792 = arith.constant 80 : index
        %get3A_793 = tpu.vector_load %arg5[%get3A_791, %get3A_792] {strides = array<i32>} : memref<104x128xi32, #tpu.memory_space<vmem>>, vector<16xi32>,
        %shift_right_logical3A_794 = arith.constant 1 : i32
        %shift_right_logical3A_795 = vector.broadcast %shift_right_logical3A_794 : i32 to vector<16xi32>
        %shift_right_logical3A_796 = arith.shrui %get3A_793, %shift_right_logical3A_795 : vector<16xi32>
        %swap3A_797 = arith.constant 80 : index
        %swap3A_798 = tpu.vector_load %arg6[%swap3A_797] {strides = array<i32>} : memref<128xi32, #tpu.memory_space<vmem>>, vector<16xi32>,
        tpu.vector_store %arg6[%swap3A_797], %shift_right_logical3A_796 {strides = array<i32>} : memref<128xi32, #tpu.memory_space<vmem>>, vector<16xi32>,
        %and3A_799 = arith.constant 1 : i32
        %and3A_800 = vector.broadcast %and3A_799 : i32 to vector<16xi32>
        %and3A_801 = arith.andi %get3A_793, %and3A_800 : vector<16xi32>
        %mul3A_802 = arith.constant 64 : i32
        %mul3A_803 = vector.broadcast %mul3A_802 : i32 to vector<16xi32>
        %mul3A_804 = arith.muli %and3A_801, %mul3A_803 : vector<16xi32>
        %swap3A_805 = arith.constant 80 : index
        %swap3A_806 = tpu.vector_load %arg8[%swap3A_805] {strides = array<i32>} : memref<128xi32, #tpu.memory_space<vmem>>, vector<16xi32>,
        tpu.vector_store %arg8[%swap3A_805], %mul3A_804 {strides = array<i32>} : memref<128xi32, #tpu.memory_space<vmem>>, vector<16xi32>,
        %get3A_807 = arith.index_cast %add3A_710 : i32 to index
        %get3A_808 = arith.constant 96 : index
        %get3A_809 = tpu.vector_load %arg5[%get3A_807, %get3A_808] {strides = array<i32>} : memref<104x128xi32, #tpu.memory_space<vmem>>, vector<16xi32>,
        %shift_right_logical3A_810 = arith.constant 1 : i32
        %shift_right_logical3A_811 = vector.broadcast %shift_right_logical3A_810 : i32 to vector<16xi32>
        %shift_right_logical3A_812 = arith.shrui %get3A_809, %shift_right_logical3A_811 : vector<16xi32>
        %swap3A_813 = arith.constant 96 : index
        %swap3A_814 = tpu.vector_load %arg6[%swap3A_813] {strides = array<i32>} : memref<128xi32, #tpu.memory_space<vmem>>, vector<16xi32>,
        tpu.vector_store %arg6[%swap3A_813], %shift_right_logical3A_812 {strides = array<i32>} : memref<128xi32, #tpu.memory_space<vmem>>, vector<16xi32>,
        %and3A_815 = arith.constant 1 : i32
        %and3A_816 = vector.broadcast %and3A_815 : i32 to vector<16xi32>
        %and3A_817 = arith.andi %get3A_809, %and3A_816 : vector<16xi32>
        %mul3A_818 = arith.constant 64 : i32
        %mul3A_819 = vector.broadcast %mul3A_818 : i32 to vector<16xi32>
        %mul3A_820 = arith.muli %and3A_817, %mul3A_819 : vector<16xi32>
        %swap3A_821 = arith.constant 96 : index
        %swap3A_822 = tpu.vector_load %arg8[%swap3A_821] {strides = array<i32>} : memref<128xi32, #tpu.memory_space<vmem>>, vector<16xi32>,
        tpu.vector_store %arg8[%swap3A_821], %mul3A_820 {strides = array<i32>} : memref<128xi32, #tpu.memory_space<vmem>>, vector<16xi32>,
        %get3A_823 = arith.index_cast %add3A_710 : i32 to index
        %get3A_824 = arith.constant 112 : index
        %get3A_825 = tpu.vector_load %arg5[%get3A_823, %get3A_824] {strides = array<i32>} : memref<104x128xi32, #tpu.memory_space<vmem>>, vector<16xi32>,
        %shift_right_logical3A_826 = arith.constant 1 : i32
        %shift_right_logical3A_827 = vector.broadcast %shift_right_logical3A_826 : i32 to vector<16xi32>
        %shift_right_logical3A_828 = arith.shrui %get3A_825, %shift_right_logical3A_827 : vector<16xi32>
        %swap3A_829 = arith.constant 112 : index
        %swap3A_830 = tpu.vector_load %arg6[%swap3A_829] {strides = array<i32>} : memref<128xi32, #tpu.memory_space<vmem>>, vector<16xi32>,
        tpu.vector_store %arg6[%swap3A_829], %shift_right_logical3A_828 {strides = array<i32>} : memref<128xi32, #tpu.memory_space<vmem>>, vector<16xi32>,
        %and3A_831 = arith.constant 1 : i32
        %and3A_832 = vector.broadcast %and3A_831 : i32 to vector<16xi32>
        %and3A_833 = arith.andi %get3A_825, %and3A_832 : vector<16xi32>
        %mul3A_834 = arith.constant 64 : i32
        %mul3A_835 = vector.broadcast %mul3A_834 : i32 to vector<16xi32>
        %mul3A_836 = arith.muli %and3A_833, %mul3A_835 : vector<16xi32>
        %swap3A_837 = arith.constant 112 : index
        %swap3A_838 = tpu.vector_load %arg8[%swap3A_837] {strides = array<i32>} : memref<128xi32, #tpu.memory_space<vmem>>, vector<16xi32>,
        tpu.vector_store %arg8[%swap3A_837], %mul3A_836 {strides = array<i32>} : memref<128xi32, #tpu.memory_space<vmem>>, vector<16xi32>,
        %dma_start3A_839 = arith.constant 0 : i32
        %dma_start3A_840 = arith.constant 0 : i32
        %dma_start3A_841 = tpu.memref_slice %arg3[%dma_start3A_839, %dma_start3A_840] : memref<500000x128xf32, #tpu.memory_space<hbm>> -> memref<500000x128xf32, #tpu.memory_space<hbm>>
        tpu.enqueue_indirect_dma source(%dma_start3A_841 : memref<500000x128xf32, #tpu.memory_space<hbm>>) target(%arg10 : memref<128x128xf32, #tpu.memory_space<vmem>>) offsets(%arg6 : memref<128xi32, #tpu.memory_space<vmem>>) semaphore(%arg15 : memref<!tpu.dma_semaphore, #tpu.memory_space<semaphore_mem>>)
      } else {
      }
      %mul3A_633 = arith.constant 2 : i32
      %mul3A_634 = arith.muli %mul3A_633, %scan3A_561 : i32
      %add3A_635 = arith.constant 1 : i32
      %add3A_636 = arith.addi %mul3A_634, %add3A_635 : i32
      %dma_wait3A_637 = arith.constant 0 : i32
      %dma_wait3A_638 = arith.constant 0 : i32
      %dma_wait3A_639 = tpu.memref_slice %arg3[%dma_wait3A_637, %dma_wait3A_638] : memref<500000x128xf32, #tpu.memory_space<hbm>> -> memref<500000x128xf32, #tpu.memory_space<hbm>>
      tpu.wait_indirect_dma semaphore(%arg16 : memref<!tpu.dma_semaphore, #tpu.memory_space<semaphore_mem>>) src(%dma_wait3A_639 : memref<500000x128xf32, #tpu.memory_space<hbm>>) dst(%arg11 : memref<128x128xf32, #tpu.memory_space<vmem>>)
      %ge3A_640 = arith.constant 2 : i32
      %ge3A_641 = arith.cmpi sge, %add3A_636, %ge3A_640 : i32
      %convert_element_type3A_642 = arith.extui %ge3A_641 : i1 to i32
      %cond3A_643 = arith.constant 0 : i32
      %cond3A_644 = arith.cmpi ne, %convert_element_type3A_642, %cond3A_643 : i32
      scf.if %cond3A_644 {
        %sub3A_709 = arith.constant 2 : i32
        %sub3A_710 = arith.subi %add3A_636, %sub3A_709 : i32
        %mul3A_711 = arith.constant 104 : i32
        %mul3A_712 = arith.muli %add3A, %mul3A_711 : i32
        %add3A_713 = arith.addi %mul3A_712, %sub3A_710 : i32
        %jit3A_714 = arith.constant 128 : i32
        %div3A_715 = arith.divsi %add3A_713, %jit3A_714 : i32
        %sign3A_716 = arith.constant 0 : i32
        %sign3A_717 = arith.cmpi sgt, %add3A_713, %sign3A_716 : i32
        %sign3A_718 = arith.extui %sign3A_717 : i1 to i32
        %sign3A_719 = arith.constant 0 : i32
        %sign3A_720 = arith.cmpi slt, %add3A_713, %sign3A_719 : i32
        %sign3A_721 = arith.extui %sign3A_720 : i1 to i32
        %sign3A_722 = arith.subi %sign3A_718, %sign3A_721 : i32
        %sign3A_723 = arith.constant 0 : i32
        %sign3A_724 = arith.cmpi sgt, %jit3A_714, %sign3A_723 : i32
        %sign3A_725 = arith.extui %sign3A_724 : i1 to i32
        %sign3A_726 = arith.constant 0 : i32
        %sign3A_727 = arith.cmpi slt, %jit3A_714, %sign3A_726 : i32
        %sign3A_728 = arith.extui %sign3A_727 : i1 to i32
        %sign3A_729 = arith.subi %sign3A_725, %sign3A_728 : i32
        %ne3A_730 = arith.cmpi ne, %sign3A_722, %sign3A_729 : i32
        %rem3A_731 = arith.remsi %add3A_713, %jit3A_714 : i32
        %ne3A_732 = arith.constant 0 : i32
        %ne3A_733 = arith.cmpi ne, %rem3A_731, %ne3A_732 : i32
        %and3A_734 = arith.andi %ne3A_730, %ne3A_733 : i1
        %sub3A_735 = arith.constant 1 : i32
        %sub3A_736 = arith.subi %div3A_715, %sub3A_735 : i32
        %select_n3A_737 = arith.select %and3A_734, %sub3A_736, %div3A_715 : i32
        %jit3A_738 = arith.constant 128 : i32
        %eq3A_739 = arith.constant 0 : i32
        %eq3A_740 = arith.cmpi eq, %jit3A_738, %eq3A_739 : i32
        %jit3A_741 = arith.constant 1 : i32
        %select_n3A_742 = arith.select %eq3A_740, %jit3A_741, %jit3A_738 : i32
        %rem3A_743 = arith.remsi %add3A_713, %select_n3A_742 : i32
        %ne3A_744 = arith.constant 0 : i32
        %ne3A_745 = arith.cmpi ne, %rem3A_743, %ne3A_744 : i32
        %lt3A_746 = arith.constant 0 : i32
        %lt3A_747 = arith.cmpi slt, %rem3A_743, %lt3A_746 : i32
        %lt3A_748 = arith.constant 0 : i32
        %lt3A_749 = arith.cmpi slt, %select_n3A_742, %lt3A_748 : i32
        %ne3A_750 = arith.xori %lt3A_747, %lt3A_749 : i1
        %and3A_751 = arith.andi %ne3A_750, %ne3A_745 : i1
        %add3A_752 = arith.addi %rem3A_743, %select_n3A_742 : i32
        %select_n3A_753 = arith.select %and3A_751, %add3A_752, %rem3A_743 : i32
        %mul3A_754 = arith.constant 128 : i32
        %mul3A_755 = arith.muli %select_n3A_753, %mul3A_754 : i32
        %dma_wait3A_756 = arith.constant 0 : i32
        %dma_wait3A_757 = tpu.memref_slice %arg4[%select_n3A_737, %dma_wait3A_756, %mul3A_755] : memref<26x64x16384xf32, #tpu.memory_space<hbm>> -> memref<1x64x128xf32, #tpu.memory_space<hbm>>
        %dma_wait3A_758 = tpu.memref_squeeze %dma_wait3A_757 : memref<1x64x128xf32, #tpu.memory_space<hbm>> -> memref<64x128xf32, #tpu.memory_space<hbm>>
        %dma_wait3A_759 = arith.constant 0 : i32
        %dma_wait3A_760 = tpu.memref_slice %arg4[%select_n3A_737, %dma_wait3A_759, %mul3A_755] : memref<26x64x16384xf32, #tpu.memory_space<hbm>> -> memref<1x64x128xf32, #tpu.memory_space<hbm>>
        %dma_wait3A_761 = tpu.memref_squeeze %dma_wait3A_760 : memref<1x64x128xf32, #tpu.memory_space<hbm>> -> memref<64x128xf32, #tpu.memory_space<hbm>>
        tpu.wait_dma2 semaphore(%arg18 : memref<!tpu.dma_semaphore, #tpu.memory_space<semaphore_mem>>) src(%arg13 : memref<64x128xf32, #tpu.memory_space<vmem>>) dst(%dma_wait3A_761 : memref<64x128xf32, #tpu.memory_space<hbm>>)
      } else {
      }
      %scan3A_645 = arith.constant 0 : i32
      %scan3A_646 = arith.constant 0 : i32
      %scan3A_647 = arith.constant 8 : i32
      %scan3A_648 = arith.addi %scan3A_646, %scan3A_647 : i32
      %scan3A_649 = arith.constant 1 : i32
      scf.for %scan3A_709 = %scan3A_646 to %scan3A_648 step %scan3A_649  : i32 {
        %mul3A_710 = arith.constant 2 : i32
        %mul3A_711 = arith.muli %mul3A_710, %scan3A_709 : i32
        %add3A_712 = arith.constant 0 : i32
        %add3A_713 = arith.addi %mul3A_711, %add3A_712 : i32
        %get3A_714 = arith.index_cast %add3A_713 : i32 to index
        %get3A_715 = arith.constant 0 : index
        %get3A_716 = tpu.vector_load %arg14[%get3A_714, %get3A_715] {strides = array<i32>} : memref<16x16xi32, #tpu.memory_space<vmem>>, vector<16xi32>,
        %add3A_717 = arith.constant 0 : i32
        %add3A_718 = vector.broadcast %add3A_717 : i32 to vector<16xi32>
        %add3A_719 = arith.addi %add3A_718, %get3A_716 : vector<16xi32>
        %add3A_720 = arith.constant 16 : i32
        %add3A_721 = vector.broadcast %add3A_720 : i32 to vector<16xi32>
        %add3A_722 = arith.addi %add3A_721, %get3A_716 : vector<16xi32>
        %add3A_723 = arith.constant 32 : i32
        %add3A_724 = vector.broadcast %add3A_723 : i32 to vector<16xi32>
        %add3A_725 = arith.addi %add3A_724, %get3A_716 : vector<16xi32>
        %add3A_726 = arith.constant 48 : i32
        %add3A_727 = vector.broadcast %add3A_726 : i32 to vector<16xi32>
        %add3A_728 = arith.addi %add3A_727, %get3A_716 : vector<16xi32>
        %add3A_729 = arith.constant 64 : i32
        %add3A_730 = vector.broadcast %add3A_729 : i32 to vector<16xi32>
        %add3A_731 = arith.addi %add3A_730, %get3A_716 : vector<16xi32>
        %add3A_732 = arith.constant 80 : i32
        %add3A_733 = vector.broadcast %add3A_732 : i32 to vector<16xi32>
        %add3A_734 = arith.addi %add3A_733, %get3A_716 : vector<16xi32>
        %add3A_735 = arith.constant 96 : i32
        %add3A_736 = vector.broadcast %add3A_735 : i32 to vector<16xi32>
        %add3A_737 = arith.addi %add3A_736, %get3A_716 : vector<16xi32>
        %add3A_738 = arith.constant 112 : i32
        %add3A_739 = vector.broadcast %add3A_738 : i32 to vector<16xi32>
        %add3A_740 = arith.addi %add3A_739, %get3A_716 : vector<16xi32>
        %gather3A = tpu.vector_load_idx %arg9[%add3A_719] : memref<128xi32, #tpu.memory_space<vmem>>[vector<16xi32>], vector<16xi32>,
        %gather3A_741 = tpu.vector_load_idx %arg9[%add3A_722] : memref<128xi32, #tpu.memory_space<vmem>>[vector<16xi32>], vector<16xi32>,
        %gather3A_742 = tpu.vector_load_idx %arg9[%add3A_725] : memref<128xi32, #tpu.memory_space<vmem>>[vector<16xi32>], vector<16xi32>,
        %gather3A_743 = tpu.vector_load_idx %arg9[%add3A_728] : memref<128xi32, #tpu.memory_space<vmem>>[vector<16xi32>], vector<16xi32>,
        %gather3A_744 = tpu.vector_load_idx %arg9[%add3A_731] : memref<128xi32, #tpu.memory_space<vmem>>[vector<16xi32>], vector<16xi32>,
        %gather3A_745 = tpu.vector_load_idx %arg9[%add3A_734] : memref<128xi32, #tpu.memory_space<vmem>>[vector<16xi32>], vector<16xi32>,
        %gather3A_746 = tpu.vector_load_idx %arg9[%add3A_737] : memref<128xi32, #tpu.memory_space<vmem>>[vector<16xi32>], vector<16xi32>,
        %gather3A_747 = tpu.vector_load_idx %arg9[%add3A_740] : memref<128xi32, #tpu.memory_space<vmem>>[vector<16xi32>], vector<16xi32>,
        %add3A_748 = arith.addi %gather3A, %add3A_175 : vector<16xi32>
        %gather3A_749 = tpu.vector_load_idx %arg11[%add3A_719, %add3A_748] : memref<128x128xf32, #tpu.memory_space<vmem>>[vector<16xi32>, vector<16xi32>], vector<16xf32>,
        tpu.vector_store_idx %arg13[%add3A_175, %add3A_719], %gather3A_749 : memref<64x128xf32, #tpu.memory_space<vmem>>[vector<16xi32>, vector<16xi32>], vector<16xf32>,
        %add3A_750 = arith.addi %gather3A_741, %add3A_175 : vector<16xi32>
        %gather3A_751 = tpu.vector_load_idx %arg11[%add3A_722, %add3A_750] : memref<128x128xf32, #tpu.memory_space<vmem>>[vector<16xi32>, vector<16xi32>], vector<16xf32>,
        tpu.vector_store_idx %arg13[%add3A_175, %add3A_722], %gather3A_751 : memref<64x128xf32, #tpu.memory_space<vmem>>[vector<16xi32>, vector<16xi32>], vector<16xf32>,
        %add3A_752 = arith.addi %gather3A_742, %add3A_175 : vector<16xi32>
        %gather3A_753 = tpu.vector_load_idx %arg11[%add3A_725, %add3A_752] : memref<128x128xf32, #tpu.memory_space<vmem>>[vector<16xi32>, vector<16xi32>], vector<16xf32>,
        tpu.vector_store_idx %arg13[%add3A_175, %add3A_725], %gather3A_753 : memref<64x128xf32, #tpu.memory_space<vmem>>[vector<16xi32>, vector<16xi32>], vector<16xf32>,
        %add3A_754 = arith.addi %gather3A_743, %add3A_175 : vector<16xi32>
        %gather3A_755 = tpu.vector_load_idx %arg11[%add3A_728, %add3A_754] : memref<128x128xf32, #tpu.memory_space<vmem>>[vector<16xi32>, vector<16xi32>], vector<16xf32>,
        tpu.vector_store_idx %arg13[%add3A_175, %add3A_728], %gather3A_755 : memref<64x128xf32, #tpu.memory_space<vmem>>[vector<16xi32>, vector<16xi32>], vector<16xf32>,
        %add3A_756 = arith.addi %gather3A_744, %add3A_175 : vector<16xi32>
        %gather3A_757 = tpu.vector_load_idx %arg11[%add3A_731, %add3A_756] : memref<128x128xf32, #tpu.memory_space<vmem>>[vector<16xi32>, vector<16xi32>], vector<16xf32>,
        tpu.vector_store_idx %arg13[%add3A_175, %add3A_731], %gather3A_757 : memref<64x128xf32, #tpu.memory_space<vmem>>[vector<16xi32>, vector<16xi32>], vector<16xf32>,
        %add3A_758 = arith.addi %gather3A_745, %add3A_175 : vector<16xi32>
        %gather3A_759 = tpu.vector_load_idx %arg11[%add3A_734, %add3A_758] : memref<128x128xf32, #tpu.memory_space<vmem>>[vector<16xi32>, vector<16xi32>], vector<16xf32>,
        tpu.vector_store_idx %arg13[%add3A_175, %add3A_734], %gather3A_759 : memref<64x128xf32, #tpu.memory_space<vmem>>[vector<16xi32>, vector<16xi32>], vector<16xf32>,
        %add3A_760 = arith.addi %gather3A_746, %add3A_175 : vector<16xi32>
        %gather3A_761 = tpu.vector_load_idx %arg11[%add3A_737, %add3A_760] : memref<128x128xf32, #tpu.memory_space<vmem>>[vector<16xi32>, vector<16xi32>], vector<16xf32>,
        tpu.vector_store_idx %arg13[%add3A_175, %add3A_737], %gather3A_761 : memref<64x128xf32, #tpu.memory_space<vmem>>[vector<16xi32>, vector<16xi32>], vector<16xf32>,
        %add3A_762 = arith.addi %gather3A_747, %add3A_175 : vector<16xi32>
        %gather3A_763 = tpu.vector_load_idx %arg11[%add3A_740, %add3A_762] : memref<128x128xf32, #tpu.memory_space<vmem>>[vector<16xi32>, vector<16xi32>], vector<16xf32>,
        tpu.vector_store_idx %arg13[%add3A_175, %add3A_740], %gather3A_763 : memref<64x128xf32, #tpu.memory_space<vmem>>[vector<16xi32>, vector<16xi32>], vector<16xf32>,
        %add3A_764 = arith.addi %gather3A, %add3A_178 : vector<16xi32>
        %gather3A_765 = tpu.vector_load_idx %arg11[%add3A_719, %add3A_764] : memref<128x128xf32, #tpu.memory_space<vmem>>[vector<16xi32>, vector<16xi32>], vector<16xf32>,
        tpu.vector_store_idx %arg13[%add3A_178, %add3A_719], %gather3A_765 : memref<64x128xf32, #tpu.memory_space<vmem>>[vector<16xi32>, vector<16xi32>], vector<16xf32>,
        %add3A_766 = arith.addi %gather3A_741, %add3A_178 : vector<16xi32>
        %gather3A_767 = tpu.vector_load_idx %arg11[%add3A_722, %add3A_766] : memref<128x128xf32, #tpu.memory_space<vmem>>[vector<16xi32>, vector<16xi32>], vector<16xf32>,
        tpu.vector_store_idx %arg13[%add3A_178, %add3A_722], %gather3A_767 : memref<64x128xf32, #tpu.memory_space<vmem>>[vector<16xi32>, vector<16xi32>], vector<16xf32>,
        %add3A_768 = arith.addi %gather3A_742, %add3A_178 : vector<16xi32>
        %gather3A_769 = tpu.vector_load_idx %arg11[%add3A_725, %add3A_768] : memref<128x128xf32, #tpu.memory_space<vmem>>[vector<16xi32>, vector<16xi32>], vector<16xf32>,
        tpu.vector_store_idx %arg13[%add3A_178, %add3A_725], %gather3A_769 : memref<64x128xf32, #tpu.memory_space<vmem>>[vector<16xi32>, vector<16xi32>], vector<16xf32>,
        %add3A_770 = arith.addi %gather3A_743, %add3A_178 : vector<16xi32>
        %gather3A_771 = tpu.vector_load_idx %arg11[%add3A_728, %add3A_770] : memref<128x128xf32, #tpu.memory_space<vmem>>[vector<16xi32>, vector<16xi32>], vector<16xf32>,
        tpu.vector_store_idx %arg13[%add3A_178, %add3A_728], %gather3A_771 : memref<64x128xf32, #tpu.memory_space<vmem>>[vector<16xi32>, vector<16xi32>], vector<16xf32>,
        %add3A_772 = arith.addi %gather3A_744, %add3A_178 : vector<16xi32>
        %gather3A_773 = tpu.vector_load_idx %arg11[%add3A_731, %add3A_772] : memref<128x128xf32, #tpu.memory_space<vmem>>[vector<16xi32>, vector<16xi32>], vector<16xf32>,
        tpu.vector_store_idx %arg13[%add3A_178, %add3A_731], %gather3A_773 : memref<64x128xf32, #tpu.memory_space<vmem>>[vector<16xi32>, vector<16xi32>], vector<16xf32>,
        %add3A_774 = arith.addi %gather3A_745, %add3A_178 : vector<16xi32>
        %gather3A_775 = tpu.vector_load_idx %arg11[%add3A_734, %add3A_774] : memref<128x128xf32, #tpu.memory_space<vmem>>[vector<16xi32>, vector<16xi32>], vector<16xf32>,
        tpu.vector_store_idx %arg13[%add3A_178, %add3A_734], %gather3A_775 : memref<64x128xf32, #tpu.memory_space<vmem>>[vector<16xi32>, vector<16xi32>], vector<16xf32>,
        %add3A_776 = arith.addi %gather3A_746, %add3A_178 : vector<16xi32>
        %gather3A_777 = tpu.vector_load_idx %arg11[%add3A_737, %add3A_776] : memref<128x128xf32, #tpu.memory_space<vmem>>[vector<16xi32>, vector<16xi32>], vector<16xf32>,
        tpu.vector_store_idx %arg13[%add3A_178, %add3A_737], %gather3A_777 : memref<64x128xf32, #tpu.memory_space<vmem>>[vector<16xi32>, vector<16xi32>], vector<16xf32>,
        %add3A_778 = arith.addi %gather3A_747, %add3A_178 : vector<16xi32>
        %gather3A_779 = tpu.vector_load_idx %arg11[%add3A_740, %add3A_778] : memref<128x128xf32, #tpu.memory_space<vmem>>[vector<16xi32>, vector<16xi32>], vector<16xf32>,
        tpu.vector_store_idx %arg13[%add3A_178, %add3A_740], %gather3A_779 : memref<64x128xf32, #tpu.memory_space<vmem>>[vector<16xi32>, vector<16xi32>], vector<16xf32>,
        %add3A_780 = arith.addi %gather3A, %add3A_181 : vector<16xi32>
        %gather3A_781 = tpu.vector_load_idx %arg11[%add3A_719, %add3A_780] : memref<128x128xf32, #tpu.memory_space<vmem>>[vector<16xi32>, vector<16xi32>], vector<16xf32>,
        tpu.vector_store_idx %arg13[%add3A_181, %add3A_719], %gather3A_781 : memref<64x128xf32, #tpu.memory_space<vmem>>[vector<16xi32>, vector<16xi32>], vector<16xf32>,
        %add3A_782 = arith.addi %gather3A_741, %add3A_181 : vector<16xi32>
        %gather3A_783 = tpu.vector_load_idx %arg11[%add3A_722, %add3A_782] : memref<128x128xf32, #tpu.memory_space<vmem>>[vector<16xi32>, vector<16xi32>], vector<16xf32>,
        tpu.vector_store_idx %arg13[%add3A_181, %add3A_722], %gather3A_783 : memref<64x128xf32, #tpu.memory_space<vmem>>[vector<16xi32>, vector<16xi32>], vector<16xf32>,
        %add3A_784 = arith.addi %gather3A_742, %add3A_181 : vector<16xi32>
        %gather3A_785 = tpu.vector_load_idx %arg11[%add3A_725, %add3A_784] : memref<128x128xf32, #tpu.memory_space<vmem>>[vector<16xi32>, vector<16xi32>], vector<16xf32>,
        tpu.vector_store_idx %arg13[%add3A_181, %add3A_725], %gather3A_785 : memref<64x128xf32, #tpu.memory_space<vmem>>[vector<16xi32>, vector<16xi32>], vector<16xf32>,
        %add3A_786 = arith.addi %gather3A_743, %add3A_181 : vector<16xi32>
        %gather3A_787 = tpu.vector_load_idx %arg11[%add3A_728, %add3A_786] : memref<128x128xf32, #tpu.memory_space<vmem>>[vector<16xi32>, vector<16xi32>], vector<16xf32>,
        tpu.vector_store_idx %arg13[%add3A_181, %add3A_728], %gather3A_787 : memref<64x128xf32, #tpu.memory_space<vmem>>[vector<16xi32>, vector<16xi32>], vector<16xf32>,
        %add3A_788 = arith.addi %gather3A_744, %add3A_181 : vector<16xi32>
        %gather3A_789 = tpu.vector_load_idx %arg11[%add3A_731, %add3A_788] : memref<128x128xf32, #tpu.memory_space<vmem>>[vector<16xi32>, vector<16xi32>], vector<16xf32>,
        tpu.vector_store_idx %arg13[%add3A_181, %add3A_731], %gather3A_789 : memref<64x128xf32, #tpu.memory_space<vmem>>[vector<16xi32>, vector<16xi32>], vector<16xf32>,
        %add3A_790 = arith.addi %gather3A_745, %add3A_181 : vector<16xi32>
        %gather3A_791 = tpu.vector_load_idx %arg11[%add3A_734, %add3A_790] : memref<128x128xf32, #tpu.memory_space<vmem>>[vector<16xi32>, vector<16xi32>], vector<16xf32>,
        tpu.vector_store_idx %arg13[%add3A_181, %add3A_734], %gather3A_791 : memref<64x128xf32, #tpu.memory_space<vmem>>[vector<16xi32>, vector<16xi32>], vector<16xf32>,
        %add3A_792 = arith.addi %gather3A_746, %add3A_181 : vector<16xi32>
        %gather3A_793 = tpu.vector_load_idx %arg11[%add3A_737, %add3A_792] : memref<128x128xf32, #tpu.memory_space<vmem>>[vector<16xi32>, vector<16xi32>], vector<16xf32>,
        tpu.vector_store_idx %arg13[%add3A_181, %add3A_737], %gather3A_793 : memref<64x128xf32, #tpu.memory_space<vmem>>[vector<16xi32>, vector<16xi32>], vector<16xf32>,
        %add3A_794 = arith.addi %gather3A_747, %add3A_181 : vector<16xi32>
        %gather3A_795 = tpu.vector_load_idx %arg11[%add3A_740, %add3A_794] : memref<128x128xf32, #tpu.memory_space<vmem>>[vector<16xi32>, vector<16xi32>], vector<16xf32>,
        tpu.vector_store_idx %arg13[%add3A_181, %add3A_740], %gather3A_795 : memref<64x128xf32, #tpu.memory_space<vmem>>[vector<16xi32>, vector<16xi32>], vector<16xf32>,
        %add3A_796 = arith.addi %gather3A, %add3A_184 : vector<16xi32>
        %gather3A_797 = tpu.vector_load_idx %arg11[%add3A_719, %add3A_796] : memref<128x128xf32, #tpu.memory_space<vmem>>[vector<16xi32>, vector<16xi32>], vector<16xf32>,
        tpu.vector_store_idx %arg13[%add3A_184, %add3A_719], %gather3A_797 : memref<64x128xf32, #tpu.memory_space<vmem>>[vector<16xi32>, vector<16xi32>], vector<16xf32>,
        %add3A_798 = arith.addi %gather3A_741, %add3A_184 : vector<16xi32>
        %gather3A_799 = tpu.vector_load_idx %arg11[%add3A_722, %add3A_798] : memref<128x128xf32, #tpu.memory_space<vmem>>[vector<16xi32>, vector<16xi32>], vector<16xf32>,
        tpu.vector_store_idx %arg13[%add3A_184, %add3A_722], %gather3A_799 : memref<64x128xf32, #tpu.memory_space<vmem>>[vector<16xi32>, vector<16xi32>], vector<16xf32>,
        %add3A_800 = arith.addi %gather3A_742, %add3A_184 : vector<16xi32>
        %gather3A_801 = tpu.vector_load_idx %arg11[%add3A_725, %add3A_800] : memref<128x128xf32, #tpu.memory_space<vmem>>[vector<16xi32>, vector<16xi32>], vector<16xf32>,
        tpu.vector_store_idx %arg13[%add3A_184, %add3A_725], %gather3A_801 : memref<64x128xf32, #tpu.memory_space<vmem>>[vector<16xi32>, vector<16xi32>], vector<16xf32>,
        %add3A_802 = arith.addi %gather3A_743, %add3A_184 : vector<16xi32>
        %gather3A_803 = tpu.vector_load_idx %arg11[%add3A_728, %add3A_802] : memref<128x128xf32, #tpu.memory_space<vmem>>[vector<16xi32>, vector<16xi32>], vector<16xf32>,
        tpu.vector_store_idx %arg13[%add3A_184, %add3A_728], %gather3A_803 : memref<64x128xf32, #tpu.memory_space<vmem>>[vector<16xi32>, vector<16xi32>], vector<16xf32>,
        %add3A_804 = arith.addi %gather3A_744, %add3A_184 : vector<16xi32>
        %gather3A_805 = tpu.vector_load_idx %arg11[%add3A_731, %add3A_804] : memref<128x128xf32, #tpu.memory_space<vmem>>[vector<16xi32>, vector<16xi32>], vector<16xf32>,
        tpu.vector_store_idx %arg13[%add3A_184, %add3A_731], %gather3A_805 : memref<64x128xf32, #tpu.memory_space<vmem>>[vector<16xi32>, vector<16xi32>], vector<16xf32>,
        %add3A_806 = arith.addi %gather3A_745, %add3A_184 : vector<16xi32>
        %gather3A_807 = tpu.vector_load_idx %arg11[%add3A_734, %add3A_806] : memref<128x128xf32, #tpu.memory_space<vmem>>[vector<16xi32>, vector<16xi32>], vector<16xf32>,
        tpu.vector_store_idx %arg13[%add3A_184, %add3A_734], %gather3A_807 : memref<64x128xf32, #tpu.memory_space<vmem>>[vector<16xi32>, vector<16xi32>], vector<16xf32>,
        %add3A_808 = arith.addi %gather3A_746, %add3A_184 : vector<16xi32>
        %gather3A_809 = tpu.vector_load_idx %arg11[%add3A_737, %add3A_808] : memref<128x128xf32, #tpu.memory_space<vmem>>[vector<16xi32>, vector<16xi32>], vector<16xf32>,
        tpu.vector_store_idx %arg13[%add3A_184, %add3A_737], %gather3A_809 : memref<64x128xf32, #tpu.memory_space<vmem>>[vector<16xi32>, vector<16xi32>], vector<16xf32>,
        %add3A_810 = arith.addi %gather3A_747, %add3A_184 : vector<16xi32>
        %gather3A_811 = tpu.vector_load_idx %arg11[%add3A_740, %add3A_810] : memref<128x128xf32, #tpu.memory_space<vmem>>[vector<16xi32>, vector<16xi32>], vector<16xf32>,
        tpu.vector_store_idx %arg13[%add3A_184, %add3A_740], %gather3A_811 : memref<64x128xf32, #tpu.memory_space<vmem>>[vector<16xi32>, vector<16xi32>], vector<16xf32>,
        %mul3A_812 = arith.constant 2 : i32
        %mul3A_813 = arith.muli %mul3A_812, %scan3A_709 : i32
        %add3A_814 = arith.constant 1 : i32
        %add3A_815 = arith.addi %mul3A_813, %add3A_814 : i32
        %get3A_816 = arith.index_cast %add3A_815 : i32 to index
        %get3A_817 = arith.constant 0 : index
        %get3A_818 = tpu.vector_load %arg14[%get3A_816, %get3A_817] {strides = array<i32>} : memref<16x16xi32, #tpu.memory_space<vmem>>, vector<16xi32>,
        %add3A_819 = arith.constant 0 : i32
        %add3A_820 = vector.broadcast %add3A_819 : i32 to vector<16xi32>
        %add3A_821 = arith.addi %add3A_820, %get3A_818 : vector<16xi32>
        %add3A_822 = arith.constant 16 : i32
        %add3A_823 = vector.broadcast %add3A_822 : i32 to vector<16xi32>
        %add3A_824 = arith.addi %add3A_823, %get3A_818 : vector<16xi32>
        %add3A_825 = arith.constant 32 : i32
        %add3A_826 = vector.broadcast %add3A_825 : i32 to vector<16xi32>
        %add3A_827 = arith.addi %add3A_826, %get3A_818 : vector<16xi32>
        %add3A_828 = arith.constant 48 : i32
        %add3A_829 = vector.broadcast %add3A_828 : i32 to vector<16xi32>
        %add3A_830 = arith.addi %add3A_829, %get3A_818 : vector<16xi32>
        %add3A_831 = arith.constant 64 : i32
        %add3A_832 = vector.broadcast %add3A_831 : i32 to vector<16xi32>
        %add3A_833 = arith.addi %add3A_832, %get3A_818 : vector<16xi32>
        %add3A_834 = arith.constant 80 : i32
        %add3A_835 = vector.broadcast %add3A_834 : i32 to vector<16xi32>
        %add3A_836 = arith.addi %add3A_835, %get3A_818 : vector<16xi32>
        %add3A_837 = arith.constant 96 : i32
        %add3A_838 = vector.broadcast %add3A_837 : i32 to vector<16xi32>
        %add3A_839 = arith.addi %add3A_838, %get3A_818 : vector<16xi32>
        %add3A_840 = arith.constant 112 : i32
        %add3A_841 = vector.broadcast %add3A_840 : i32 to vector<16xi32>
        %add3A_842 = arith.addi %add3A_841, %get3A_818 : vector<16xi32>
        %gather3A_843 = tpu.vector_load_idx %arg9[%add3A_821] : memref<128xi32, #tpu.memory_space<vmem>>[vector<16xi32>], vector<16xi32>,
        %gather3A_844 = tpu.vector_load_idx %arg9[%add3A_824] : memref<128xi32, #tpu.memory_space<vmem>>[vector<16xi32>], vector<16xi32>,
        %gather3A_845 = tpu.vector_load_idx %arg9[%add3A_827] : memref<128xi32, #tpu.memory_space<vmem>>[vector<16xi32>], vector<16xi32>,
        %gather3A_846 = tpu.vector_load_idx %arg9[%add3A_830] : memref<128xi32, #tpu.memory_space<vmem>>[vector<16xi32>], vector<16xi32>,
        %gather3A_847 = tpu.vector_load_idx %arg9[%add3A_833] : memref<128xi32, #tpu.memory_space<vmem>>[vector<16xi32>], vector<16xi32>,
        %gather3A_848 = tpu.vector_load_idx %arg9[%add3A_836] : memref<128xi32, #tpu.memory_space<vmem>>[vector<16xi32>], vector<16xi32>,
        %gather3A_849 = tpu.vector_load_idx %arg9[%add3A_839] : memref<128xi32, #tpu.memory_space<vmem>>[vector<16xi32>], vector<16xi32>,
        %gather3A_850 = tpu.vector_load_idx %arg9[%add3A_842] : memref<128xi32, #tpu.memory_space<vmem>>[vector<16xi32>], vector<16xi32>,
        %add3A_851 = arith.addi %gather3A_843, %add3A_175 : vector<16xi32>
        %gather3A_852 = tpu.vector_load_idx %arg11[%add3A_821, %add3A_851] : memref<128x128xf32, #tpu.memory_space<vmem>>[vector<16xi32>, vector<16xi32>], vector<16xf32>,
        tpu.vector_store_idx %arg13[%add3A_175, %add3A_821], %gather3A_852 : memref<64x128xf32, #tpu.memory_space<vmem>>[vector<16xi32>, vector<16xi32>], vector<16xf32>,
        %add3A_853 = arith.addi %gather3A_844, %add3A_175 : vector<16xi32>
        %gather3A_854 = tpu.vector_load_idx %arg11[%add3A_824, %add3A_853] : memref<128x128xf32, #tpu.memory_space<vmem>>[vector<16xi32>, vector<16xi32>], vector<16xf32>,
        tpu.vector_store_idx %arg13[%add3A_175, %add3A_824], %gather3A_854 : memref<64x128xf32, #tpu.memory_space<vmem>>[vector<16xi32>, vector<16xi32>], vector<16xf32>,
        %add3A_855 = arith.addi %gather3A_845, %add3A_175 : vector<16xi32>
        %gather3A_856 = tpu.vector_load_idx %arg11[%add3A_827, %add3A_855] : memref<128x128xf32, #tpu.memory_space<vmem>>[vector<16xi32>, vector<16xi32>], vector<16xf32>,
        tpu.vector_store_idx %arg13[%add3A_175, %add3A_827], %gather3A_856 : memref<64x128xf32, #tpu.memory_space<vmem>>[vector<16xi32>, vector<16xi32>], vector<16xf32>,
        %add3A_857 = arith.addi %gather3A_846, %add3A_175 : vector<16xi32>
        %gather3A_858 = tpu.vector_load_idx %arg11[%add3A_830, %add3A_857] : memref<128x128xf32, #tpu.memory_space<vmem>>[vector<16xi32>, vector<16xi32>], vector<16xf32>,
        tpu.vector_store_idx %arg13[%add3A_175, %add3A_830], %gather3A_858 : memref<64x128xf32, #tpu.memory_space<vmem>>[vector<16xi32>, vector<16xi32>], vector<16xf32>,
        %add3A_859 = arith.addi %gather3A_847, %add3A_175 : vector<16xi32>
        %gather3A_860 = tpu.vector_load_idx %arg11[%add3A_833, %add3A_859] : memref<128x128xf32, #tpu.memory_space<vmem>>[vector<16xi32>, vector<16xi32>], vector<16xf32>,
        tpu.vector_store_idx %arg13[%add3A_175, %add3A_833], %gather3A_860 : memref<64x128xf32, #tpu.memory_space<vmem>>[vector<16xi32>, vector<16xi32>], vector<16xf32>,
        %add3A_861 = arith.addi %gather3A_848, %add3A_175 : vector<16xi32>
        %gather3A_862 = tpu.vector_load_idx %arg11[%add3A_836, %add3A_861] : memref<128x128xf32, #tpu.memory_space<vmem>>[vector<16xi32>, vector<16xi32>], vector<16xf32>,
        tpu.vector_store_idx %arg13[%add3A_175, %add3A_836], %gather3A_862 : memref<64x128xf32, #tpu.memory_space<vmem>>[vector<16xi32>, vector<16xi32>], vector<16xf32>,
        %add3A_863 = arith.addi %gather3A_849, %add3A_175 : vector<16xi32>
        %gather3A_864 = tpu.vector_load_idx %arg11[%add3A_839, %add3A_863] : memref<128x128xf32, #tpu.memory_space<vmem>>[vector<16xi32>, vector<16xi32>], vector<16xf32>,
        tpu.vector_store_idx %arg13[%add3A_175, %add3A_839], %gather3A_864 : memref<64x128xf32, #tpu.memory_space<vmem>>[vector<16xi32>, vector<16xi32>], vector<16xf32>,
        %add3A_865 = arith.addi %gather3A_850, %add3A_175 : vector<16xi32>
        %gather3A_866 = tpu.vector_load_idx %arg11[%add3A_842, %add3A_865] : memref<128x128xf32, #tpu.memory_space<vmem>>[vector<16xi32>, vector<16xi32>], vector<16xf32>,
        tpu.vector_store_idx %arg13[%add3A_175, %add3A_842], %gather3A_866 : memref<64x128xf32, #tpu.memory_space<vmem>>[vector<16xi32>, vector<16xi32>], vector<16xf32>,
        %add3A_867 = arith.addi %gather3A_843, %add3A_178 : vector<16xi32>
        %gather3A_868 = tpu.vector_load_idx %arg11[%add3A_821, %add3A_867] : memref<128x128xf32, #tpu.memory_space<vmem>>[vector<16xi32>, vector<16xi32>], vector<16xf32>,
        tpu.vector_store_idx %arg13[%add3A_178, %add3A_821], %gather3A_868 : memref<64x128xf32, #tpu.memory_space<vmem>>[vector<16xi32>, vector<16xi32>], vector<16xf32>,
        %add3A_869 = arith.addi %gather3A_844, %add3A_178 : vector<16xi32>
        %gather3A_870 = tpu.vector_load_idx %arg11[%add3A_824, %add3A_869] : memref<128x128xf32, #tpu.memory_space<vmem>>[vector<16xi32>, vector<16xi32>], vector<16xf32>,
        tpu.vector_store_idx %arg13[%add3A_178, %add3A_824], %gather3A_870 : memref<64x128xf32, #tpu.memory_space<vmem>>[vector<16xi32>, vector<16xi32>], vector<16xf32>,
        %add3A_871 = arith.addi %gather3A_845, %add3A_178 : vector<16xi32>
        %gather3A_872 = tpu.vector_load_idx %arg11[%add3A_827, %add3A_871] : memref<128x128xf32, #tpu.memory_space<vmem>>[vector<16xi32>, vector<16xi32>], vector<16xf32>,
        tpu.vector_store_idx %arg13[%add3A_178, %add3A_827], %gather3A_872 : memref<64x128xf32, #tpu.memory_space<vmem>>[vector<16xi32>, vector<16xi32>], vector<16xf32>,
        %add3A_873 = arith.addi %gather3A_846, %add3A_178 : vector<16xi32>
        %gather3A_874 = tpu.vector_load_idx %arg11[%add3A_830, %add3A_873] : memref<128x128xf32, #tpu.memory_space<vmem>>[vector<16xi32>, vector<16xi32>], vector<16xf32>,
        tpu.vector_store_idx %arg13[%add3A_178, %add3A_830], %gather3A_874 : memref<64x128xf32, #tpu.memory_space<vmem>>[vector<16xi32>, vector<16xi32>], vector<16xf32>,
        %add3A_875 = arith.addi %gather3A_847, %add3A_178 : vector<16xi32>
        %gather3A_876 = tpu.vector_load_idx %arg11[%add3A_833, %add3A_875] : memref<128x128xf32, #tpu.memory_space<vmem>>[vector<16xi32>, vector<16xi32>], vector<16xf32>,
        tpu.vector_store_idx %arg13[%add3A_178, %add3A_833], %gather3A_876 : memref<64x128xf32, #tpu.memory_space<vmem>>[vector<16xi32>, vector<16xi32>], vector<16xf32>,
        %add3A_877 = arith.addi %gather3A_848, %add3A_178 : vector<16xi32>
        %gather3A_878 = tpu.vector_load_idx %arg11[%add3A_836, %add3A_877] : memref<128x128xf32, #tpu.memory_space<vmem>>[vector<16xi32>, vector<16xi32>], vector<16xf32>,
        tpu.vector_store_idx %arg13[%add3A_178, %add3A_836], %gather3A_878 : memref<64x128xf32, #tpu.memory_space<vmem>>[vector<16xi32>, vector<16xi32>], vector<16xf32>,
        %add3A_879 = arith.addi %gather3A_849, %add3A_178 : vector<16xi32>
        %gather3A_880 = tpu.vector_load_idx %arg11[%add3A_839, %add3A_879] : memref<128x128xf32, #tpu.memory_space<vmem>>[vector<16xi32>, vector<16xi32>], vector<16xf32>,
        tpu.vector_store_idx %arg13[%add3A_178, %add3A_839], %gather3A_880 : memref<64x128xf32, #tpu.memory_space<vmem>>[vector<16xi32>, vector<16xi32>], vector<16xf32>,
        %add3A_881 = arith.addi %gather3A_850, %add3A_178 : vector<16xi32>
        %gather3A_882 = tpu.vector_load_idx %arg11[%add3A_842, %add3A_881] : memref<128x128xf32, #tpu.memory_space<vmem>>[vector<16xi32>, vector<16xi32>], vector<16xf32>,
        tpu.vector_store_idx %arg13[%add3A_178, %add3A_842], %gather3A_882 : memref<64x128xf32, #tpu.memory_space<vmem>>[vector<16xi32>, vector<16xi32>], vector<16xf32>,
        %add3A_883 = arith.addi %gather3A_843, %add3A_181 : vector<16xi32>
        %gather3A_884 = tpu.vector_load_idx %arg11[%add3A_821, %add3A_883] : memref<128x128xf32, #tpu.memory_space<vmem>>[vector<16xi32>, vector<16xi32>], vector<16xf32>,
        tpu.vector_store_idx %arg13[%add3A_181, %add3A_821], %gather3A_884 : memref<64x128xf32, #tpu.memory_space<vmem>>[vector<16xi32>, vector<16xi32>], vector<16xf32>,
        %add3A_885 = arith.addi %gather3A_844, %add3A_181 : vector<16xi32>
        %gather3A_886 = tpu.vector_load_idx %arg11[%add3A_824, %add3A_885] : memref<128x128xf32, #tpu.memory_space<vmem>>[vector<16xi32>, vector<16xi32>], vector<16xf32>,
        tpu.vector_store_idx %arg13[%add3A_181, %add3A_824], %gather3A_886 : memref<64x128xf32, #tpu.memory_space<vmem>>[vector<16xi32>, vector<16xi32>], vector<16xf32>,
        %add3A_887 = arith.addi %gather3A_845, %add3A_181 : vector<16xi32>
        %gather3A_888 = tpu.vector_load_idx %arg11[%add3A_827, %add3A_887] : memref<128x128xf32, #tpu.memory_space<vmem>>[vector<16xi32>, vector<16xi32>], vector<16xf32>,
        tpu.vector_store_idx %arg13[%add3A_181, %add3A_827], %gather3A_888 : memref<64x128xf32, #tpu.memory_space<vmem>>[vector<16xi32>, vector<16xi32>], vector<16xf32>,
        %add3A_889 = arith.addi %gather3A_846, %add3A_181 : vector<16xi32>
        %gather3A_890 = tpu.vector_load_idx %arg11[%add3A_830, %add3A_889] : memref<128x128xf32, #tpu.memory_space<vmem>>[vector<16xi32>, vector<16xi32>], vector<16xf32>,
        tpu.vector_store_idx %arg13[%add3A_181, %add3A_830], %gather3A_890 : memref<64x128xf32, #tpu.memory_space<vmem>>[vector<16xi32>, vector<16xi32>], vector<16xf32>,
        %add3A_891 = arith.addi %gather3A_847, %add3A_181 : vector<16xi32>
        %gather3A_892 = tpu.vector_load_idx %arg11[%add3A_833, %add3A_891] : memref<128x128xf32, #tpu.memory_space<vmem>>[vector<16xi32>, vector<16xi32>], vector<16xf32>,
        tpu.vector_store_idx %arg13[%add3A_181, %add3A_833], %gather3A_892 : memref<64x128xf32, #tpu.memory_space<vmem>>[vector<16xi32>, vector<16xi32>], vector<16xf32>,
        %add3A_893 = arith.addi %gather3A_848, %add3A_181 : vector<16xi32>
        %gather3A_894 = tpu.vector_load_idx %arg11[%add3A_836, %add3A_893] : memref<128x128xf32, #tpu.memory_space<vmem>>[vector<16xi32>, vector<16xi32>], vector<16xf32>,
        tpu.vector_store_idx %arg13[%add3A_181, %add3A_836], %gather3A_894 : memref<64x128xf32, #tpu.memory_space<vmem>>[vector<16xi32>, vector<16xi32>], vector<16xf32>,
        %add3A_895 = arith.addi %gather3A_849, %add3A_181 : vector<16xi32>
        %gather3A_896 = tpu.vector_load_idx %arg11[%add3A_839, %add3A_895] : memref<128x128xf32, #tpu.memory_space<vmem>>[vector<16xi32>, vector<16xi32>], vector<16xf32>,
        tpu.vector_store_idx %arg13[%add3A_181, %add3A_839], %gather3A_896 : memref<64x128xf32, #tpu.memory_space<vmem>>[vector<16xi32>, vector<16xi32>], vector<16xf32>,
        %add3A_897 = arith.addi %gather3A_850, %add3A_181 : vector<16xi32>
        %gather3A_898 = tpu.vector_load_idx %arg11[%add3A_842, %add3A_897] : memref<128x128xf32, #tpu.memory_space<vmem>>[vector<16xi32>, vector<16xi32>], vector<16xf32>,
        tpu.vector_store_idx %arg13[%add3A_181, %add3A_842], %gather3A_898 : memref<64x128xf32, #tpu.memory_space<vmem>>[vector<16xi32>, vector<16xi32>], vector<16xf32>,
        %add3A_899 = arith.addi %gather3A_843, %add3A_184 : vector<16xi32>
        %gather3A_900 = tpu.vector_load_idx %arg11[%add3A_821, %add3A_899] : memref<128x128xf32, #tpu.memory_space<vmem>>[vector<16xi32>, vector<16xi32>], vector<16xf32>,
        tpu.vector_store_idx %arg13[%add3A_184, %add3A_821], %gather3A_900 : memref<64x128xf32, #tpu.memory_space<vmem>>[vector<16xi32>, vector<16xi32>], vector<16xf32>,
        %add3A_901 = arith.addi %gather3A_844, %add3A_184 : vector<16xi32>
        %gather3A_902 = tpu.vector_load_idx %arg11[%add3A_824, %add3A_901] : memref<128x128xf32, #tpu.memory_space<vmem>>[vector<16xi32>, vector<16xi32>], vector<16xf32>,
        tpu.vector_store_idx %arg13[%add3A_184, %add3A_824], %gather3A_902 : memref<64x128xf32, #tpu.memory_space<vmem>>[vector<16xi32>, vector<16xi32>], vector<16xf32>,
        %add3A_903 = arith.addi %gather3A_845, %add3A_184 : vector<16xi32>
        %gather3A_904 = tpu.vector_load_idx %arg11[%add3A_827, %add3A_903] : memref<128x128xf32, #tpu.memory_space<vmem>>[vector<16xi32>, vector<16xi32>], vector<16xf32>,
        tpu.vector_store_idx %arg13[%add3A_184, %add3A_827], %gather3A_904 : memref<64x128xf32, #tpu.memory_space<vmem>>[vector<16xi32>, vector<16xi32>], vector<16xf32>,
        %add3A_905 = arith.addi %gather3A_846, %add3A_184 : vector<16xi32>
        %gather3A_906 = tpu.vector_load_idx %arg11[%add3A_830, %add3A_905] : memref<128x128xf32, #tpu.memory_space<vmem>>[vector<16xi32>, vector<16xi32>], vector<16xf32>,
        tpu.vector_store_idx %arg13[%add3A_184, %add3A_830], %gather3A_906 : memref<64x128xf32, #tpu.memory_space<vmem>>[vector<16xi32>, vector<16xi32>], vector<16xf32>,
        %add3A_907 = arith.addi %gather3A_847, %add3A_184 : vector<16xi32>
        %gather3A_908 = tpu.vector_load_idx %arg11[%add3A_833, %add3A_907] : memref<128x128xf32, #tpu.memory_space<vmem>>[vector<16xi32>, vector<16xi32>], vector<16xf32>,
        tpu.vector_store_idx %arg13[%add3A_184, %add3A_833], %gather3A_908 : memref<64x128xf32, #tpu.memory_space<vmem>>[vector<16xi32>, vector<16xi32>], vector<16xf32>,
        %add3A_909 = arith.addi %gather3A_848, %add3A_184 : vector<16xi32>
        %gather3A_910 = tpu.vector_load_idx %arg11[%add3A_836, %add3A_909] : memref<128x128xf32, #tpu.memory_space<vmem>>[vector<16xi32>, vector<16xi32>], vector<16xf32>,
        tpu.vector_store_idx %arg13[%add3A_184, %add3A_836], %gather3A_910 : memref<64x128xf32, #tpu.memory_space<vmem>>[vector<16xi32>, vector<16xi32>], vector<16xf32>,
        %add3A_911 = arith.addi %gather3A_849, %add3A_184 : vector<16xi32>
        %gather3A_912 = tpu.vector_load_idx %arg11[%add3A_839, %add3A_911] : memref<128x128xf32, #tpu.memory_space<vmem>>[vector<16xi32>, vector<16xi32>], vector<16xf32>,
        tpu.vector_store_idx %arg13[%add3A_184, %add3A_839], %gather3A_912 : memref<64x128xf32, #tpu.memory_space<vmem>>[vector<16xi32>, vector<16xi32>], vector<16xf32>,
        %add3A_913 = arith.addi %gather3A_850, %add3A_184 : vector<16xi32>
        %gather3A_914 = tpu.vector_load_idx %arg11[%add3A_842, %add3A_913] : memref<128x128xf32, #tpu.memory_space<vmem>>[vector<16xi32>, vector<16xi32>], vector<16xf32>,
        tpu.vector_store_idx %arg13[%add3A_184, %add3A_842], %gather3A_914 : memref<64x128xf32, #tpu.memory_space<vmem>>[vector<16xi32>, vector<16xi32>], vector<16xf32>,
      }
      %scan3A_650 = arith.constant 8 : i32
      %mul3A_651 = arith.constant 104 : i32
      %mul3A_652 = arith.muli %add3A, %mul3A_651 : i32
      %add3A_653 = arith.addi %mul3A_652, %add3A_636 : i32
      %jit3A_654 = arith.constant 128 : i32
      %div3A_655 = arith.divsi %add3A_653, %jit3A_654 : i32
      %sign3A_656 = arith.constant 0 : i32
      %sign3A_657 = arith.cmpi sgt, %add3A_653, %sign3A_656 : i32
      %sign3A_658 = arith.extui %sign3A_657 : i1 to i32
      %sign3A_659 = arith.constant 0 : i32
      %sign3A_660 = arith.cmpi slt, %add3A_653, %sign3A_659 : i32
      %sign3A_661 = arith.extui %sign3A_660 : i1 to i32
      %sign3A_662 = arith.subi %sign3A_658, %sign3A_661 : i32
      %sign3A_663 = arith.constant 0 : i32
      %sign3A_664 = arith.cmpi sgt, %jit3A_654, %sign3A_663 : i32
      %sign3A_665 = arith.extui %sign3A_664 : i1 to i32
      %sign3A_666 = arith.constant 0 : i32
      %sign3A_667 = arith.cmpi slt, %jit3A_654, %sign3A_666 : i32
      %sign3A_668 = arith.extui %sign3A_667 : i1 to i32
      %sign3A_669 = arith.subi %sign3A_665, %sign3A_668 : i32
      %ne3A_670 = arith.cmpi ne, %sign3A_662, %sign3A_669 : i32
      %rem3A_671 = arith.remsi %add3A_653, %jit3A_654 : i32
      %ne3A_672 = arith.constant 0 : i32
      %ne3A_673 = arith.cmpi ne, %rem3A_671, %ne3A_672 : i32
      %and3A_674 = arith.andi %ne3A_670, %ne3A_673 : i1
      %sub3A_675 = arith.constant 1 : i32
      %sub3A_676 = arith.subi %div3A_655, %sub3A_675 : i32
      %select_n3A_677 = arith.select %and3A_674, %sub3A_676, %div3A_655 : i32
      %jit3A_678 = arith.constant 128 : i32
      %eq3A_679 = arith.constant 0 : i32
      %eq3A_680 = arith.cmpi eq, %jit3A_678, %eq3A_679 : i32
      %jit3A_681 = arith.constant 1 : i32
      %select_n3A_682 = arith.select %eq3A_680, %jit3A_681, %jit3A_678 : i32
      %rem3A_683 = arith.remsi %add3A_653, %select_n3A_682 : i32
      %ne3A_684 = arith.constant 0 : i32
      %ne3A_685 = arith.cmpi ne, %rem3A_683, %ne3A_684 : i32
      %lt3A_686 = arith.constant 0 : i32
      %lt3A_687 = arith.cmpi slt, %rem3A_683, %lt3A_686 : i32
      %lt3A_688 = arith.constant 0 : i32
      %lt3A_689 = arith.cmpi slt, %select_n3A_682, %lt3A_688 : i32
      %ne3A_690 = arith.xori %lt3A_687, %lt3A_689 : i1
      %and3A_691 = arith.andi %ne3A_690, %ne3A_685 : i1
      %add3A_692 = arith.addi %rem3A_683, %select_n3A_682 : i32
      %select_n3A_693 = arith.select %and3A_691, %add3A_692, %rem3A_683 : i32
      %mul3A_694 = arith.constant 128 : i32
      %mul3A_695 = arith.muli %select_n3A_693, %mul3A_694 : i32
      %dma_start3A_696 = arith.constant 0 : i32
      %dma_start3A_697 = tpu.memref_slice %arg4[%select_n3A_677, %dma_start3A_696, %mul3A_695] : memref<26x64x16384xf32, #tpu.memory_space<hbm>> -> memref<1x64x128xf32, #tpu.memory_space<hbm>>
      %dma_start3A_698 = tpu.memref_squeeze %dma_start3A_697 : memref<1x64x128xf32, #tpu.memory_space<hbm>> -> memref<64x128xf32, #tpu.memory_space<hbm>>
      %dma_start3A_699 = arith.constant 0 : i32
      %dma_start3A_700 = tpu.memref_slice %arg4[%select_n3A_677, %dma_start3A_699, %mul3A_695] : memref<26x64x16384xf32, #tpu.memory_space<hbm>> -> memref<1x64x128xf32, #tpu.memory_space<hbm>>
      %dma_start3A_701 = tpu.memref_squeeze %dma_start3A_700 : memref<1x64x128xf32, #tpu.memory_space<hbm>> -> memref<64x128xf32, #tpu.memory_space<hbm>>
      tpu.enqueue_dma source(%arg13 : memref<64x128xf32, #tpu.memory_space<vmem>>) target(%dma_start3A_701 : memref<64x128xf32, #tpu.memory_space<hbm>>) target_semaphore(%arg18 : memref<!tpu.dma_semaphore, #tpu.memory_space<semaphore_mem>>)
      %add3A_702 = arith.constant 2 : i32
      %add3A_703 = arith.addi %add3A_636, %add3A_702 : i32
      %lt3A_704 = arith.constant 104 : i32
      %lt3A_705 = arith.cmpi slt, %add3A_703, %lt3A_704 : i32
      %convert_element_type3A_706 = arith.extui %lt3A_705 : i1 to i32
      %cond3A_707 = arith.constant 0 : i32
      %cond3A_708 = arith.cmpi ne, %convert_element_type3A_706, %cond3A_707 : i32
      scf.if %cond3A_708 {
        %add3A_709 = arith.constant 2 : i32
        %add3A_710 = arith.addi %add3A_636, %add3A_709 : i32
        %get3A_711 = arith.index_cast %add3A_710 : i32 to index
        %get3A_712 = arith.constant 0 : index
        %get3A_713 = tpu.vector_load %arg5[%get3A_711, %get3A_712] {strides = array<i32>} : memref<104x128xi32, #tpu.memory_space<vmem>>, vector<16xi32>,
        %shift_right_logical3A_714 = arith.constant 1 : i32
        %shift_right_logical3A_715 = vector.broadcast %shift_right_logical3A_714 : i32 to vector<16xi32>
        %shift_right_logical3A_716 = arith.shrui %get3A_713, %shift_right_logical3A_715 : vector<16xi32>
        %swap3A_717 = arith.constant 0 : index
        %swap3A_718 = tpu.vector_load %arg7[%swap3A_717] {strides = array<i32>} : memref<128xi32, #tpu.memory_space<vmem>>, vector<16xi32>,
        tpu.vector_store %arg7[%swap3A_717], %shift_right_logical3A_716 {strides = array<i32>} : memref<128xi32, #tpu.memory_space<vmem>>, vector<16xi32>,
        %and3A_719 = arith.constant 1 : i32
        %and3A_720 = vector.broadcast %and3A_719 : i32 to vector<16xi32>
        %and3A_721 = arith.andi %get3A_713, %and3A_720 : vector<16xi32>
        %mul3A_722 = arith.constant 64 : i32
        %mul3A_723 = vector.broadcast %mul3A_722 : i32 to vector<16xi32>
        %mul3A_724 = arith.muli %and3A_721, %mul3A_723 : vector<16xi32>
        %swap3A_725 = arith.constant 0 : index
        %swap3A_726 = tpu.vector_load %arg9[%swap3A_725] {strides = array<i32>} : memref<128xi32, #tpu.memory_space<vmem>>, vector<16xi32>,
        tpu.vector_store %arg9[%swap3A_725], %mul3A_724 {strides = array<i32>} : memref<128xi32, #tpu.memory_space<vmem>>, vector<16xi32>,
        %get3A_727 = arith.index_cast %add3A_710 : i32 to index
        %get3A_728 = arith.constant 16 : index
        %get3A_729 = tpu.vector_load %arg5[%get3A_727, %get3A_728] {strides = array<i32>} : memref<104x128xi32, #tpu.memory_space<vmem>>, vector<16xi32>,
        %shift_right_logical3A_730 = arith.constant 1 : i32
        %shift_right_logical3A_731 = vector.broadcast %shift_right_logical3A_730 : i32 to vector<16xi32>
        %shift_right_logical3A_732 = arith.shrui %get3A_729, %shift_right_logical3A_731 : vector<16xi32>
        %swap3A_733 = arith.constant 16 : index
        %swap3A_734 = tpu.vector_load %arg7[%swap3A_733] {strides = array<i32>} : memref<128xi32, #tpu.memory_space<vmem>>, vector<16xi32>,
        tpu.vector_store %arg7[%swap3A_733], %shift_right_logical3A_732 {strides = array<i32>} : memref<128xi32, #tpu.memory_space<vmem>>, vector<16xi32>,
        %and3A_735 = arith.constant 1 : i32
        %and3A_736 = vector.broadcast %and3A_735 : i32 to vector<16xi32>
        %and3A_737 = arith.andi %get3A_729, %and3A_736 : vector<16xi32>
        %mul3A_738 = arith.constant 64 : i32
        %mul3A_739 = vector.broadcast %mul3A_738 : i32 to vector<16xi32>
        %mul3A_740 = arith.muli %and3A_737, %mul3A_739 : vector<16xi32>
        %swap3A_741 = arith.constant 16 : index
        %swap3A_742 = tpu.vector_load %arg9[%swap3A_741] {strides = array<i32>} : memref<128xi32, #tpu.memory_space<vmem>>, vector<16xi32>,
        tpu.vector_store %arg9[%swap3A_741], %mul3A_740 {strides = array<i32>} : memref<128xi32, #tpu.memory_space<vmem>>, vector<16xi32>,
        %get3A_743 = arith.index_cast %add3A_710 : i32 to index
        %get3A_744 = arith.constant 32 : index
        %get3A_745 = tpu.vector_load %arg5[%get3A_743, %get3A_744] {strides = array<i32>} : memref<104x128xi32, #tpu.memory_space<vmem>>, vector<16xi32>,
        %shift_right_logical3A_746 = arith.constant 1 : i32
        %shift_right_logical3A_747 = vector.broadcast %shift_right_logical3A_746 : i32 to vector<16xi32>
        %shift_right_logical3A_748 = arith.shrui %get3A_745, %shift_right_logical3A_747 : vector<16xi32>
        %swap3A_749 = arith.constant 32 : index
        %swap3A_750 = tpu.vector_load %arg7[%swap3A_749] {strides = array<i32>} : memref<128xi32, #tpu.memory_space<vmem>>, vector<16xi32>,
        tpu.vector_store %arg7[%swap3A_749], %shift_right_logical3A_748 {strides = array<i32>} : memref<128xi32, #tpu.memory_space<vmem>>, vector<16xi32>,
        %and3A_751 = arith.constant 1 : i32
        %and3A_752 = vector.broadcast %and3A_751 : i32 to vector<16xi32>
        %and3A_753 = arith.andi %get3A_745, %and3A_752 : vector<16xi32>
        %mul3A_754 = arith.constant 64 : i32
        %mul3A_755 = vector.broadcast %mul3A_754 : i32 to vector<16xi32>
        %mul3A_756 = arith.muli %and3A_753, %mul3A_755 : vector<16xi32>
        %swap3A_757 = arith.constant 32 : index
        %swap3A_758 = tpu.vector_load %arg9[%swap3A_757] {strides = array<i32>} : memref<128xi32, #tpu.memory_space<vmem>>, vector<16xi32>,
        tpu.vector_store %arg9[%swap3A_757], %mul3A_756 {strides = array<i32>} : memref<128xi32, #tpu.memory_space<vmem>>, vector<16xi32>,
        %get3A_759 = arith.index_cast %add3A_710 : i32 to index
        %get3A_760 = arith.constant 48 : index
        %get3A_761 = tpu.vector_load %arg5[%get3A_759, %get3A_760] {strides = array<i32>} : memref<104x128xi32, #tpu.memory_space<vmem>>, vector<16xi32>,
        %shift_right_logical3A_762 = arith.constant 1 : i32
        %shift_right_logical3A_763 = vector.broadcast %shift_right_logical3A_762 : i32 to vector<16xi32>
        %shift_right_logical3A_764 = arith.shrui %get3A_761, %shift_right_logical3A_763 : vector<16xi32>
        %swap3A_765 = arith.constant 48 : index
        %swap3A_766 = tpu.vector_load %arg7[%swap3A_765] {strides = array<i32>} : memref<128xi32, #tpu.memory_space<vmem>>, vector<16xi32>,
        tpu.vector_store %arg7[%swap3A_765], %shift_right_logical3A_764 {strides = array<i32>} : memref<128xi32, #tpu.memory_space<vmem>>, vector<16xi32>,
        %and3A_767 = arith.constant 1 : i32
        %and3A_768 = vector.broadcast %and3A_767 : i32 to vector<16xi32>
        %and3A_769 = arith.andi %get3A_761, %and3A_768 : vector<16xi32>
        %mul3A_770 = arith.constant 64 : i32
        %mul3A_771 = vector.broadcast %mul3A_770 : i32 to vector<16xi32>
        %mul3A_772 = arith.muli %and3A_769, %mul3A_771 : vector<16xi32>
        %swap3A_773 = arith.constant 48 : index
        %swap3A_774 = tpu.vector_load %arg9[%swap3A_773] {strides = array<i32>} : memref<128xi32, #tpu.memory_space<vmem>>, vector<16xi32>,
        tpu.vector_store %arg9[%swap3A_773], %mul3A_772 {strides = array<i32>} : memref<128xi32, #tpu.memory_space<vmem>>, vector<16xi32>,
        %get3A_775 = arith.index_cast %add3A_710 : i32 to index
        %get3A_776 = arith.constant 64 : index
        %get3A_777 = tpu.vector_load %arg5[%get3A_775, %get3A_776] {strides = array<i32>} : memref<104x128xi32, #tpu.memory_space<vmem>>, vector<16xi32>,
        %shift_right_logical3A_778 = arith.constant 1 : i32
        %shift_right_logical3A_779 = vector.broadcast %shift_right_logical3A_778 : i32 to vector<16xi32>
        %shift_right_logical3A_780 = arith.shrui %get3A_777, %shift_right_logical3A_779 : vector<16xi32>
        %swap3A_781 = arith.constant 64 : index
        %swap3A_782 = tpu.vector_load %arg7[%swap3A_781] {strides = array<i32>} : memref<128xi32, #tpu.memory_space<vmem>>, vector<16xi32>,
        tpu.vector_store %arg7[%swap3A_781], %shift_right_logical3A_780 {strides = array<i32>} : memref<128xi32, #tpu.memory_space<vmem>>, vector<16xi32>,
        %and3A_783 = arith.constant 1 : i32
        %and3A_784 = vector.broadcast %and3A_783 : i32 to vector<16xi32>
        %and3A_785 = arith.andi %get3A_777, %and3A_784 : vector<16xi32>
        %mul3A_786 = arith.constant 64 : i32
        %mul3A_787 = vector.broadcast %mul3A_786 : i32 to vector<16xi32>
        %mul3A_788 = arith.muli %and3A_785, %mul3A_787 : vector<16xi32>
        %swap3A_789 = arith.constant 64 : index
        %swap3A_790 = tpu.vector_load %arg9[%swap3A_789] {strides = array<i32>} : memref<128xi32, #tpu.memory_space<vmem>>, vector<16xi32>,
        tpu.vector_store %arg9[%swap3A_789], %mul3A_788 {strides = array<i32>} : memref<128xi32, #tpu.memory_space<vmem>>, vector<16xi32>,
        %get3A_791 = arith.index_cast %add3A_710 : i32 to index
        %get3A_792 = arith.constant 80 : index
        %get3A_793 = tpu.vector_load %arg5[%get3A_791, %get3A_792] {strides = array<i32>} : memref<104x128xi32, #tpu.memory_space<vmem>>, vector<16xi32>,
        %shift_right_logical3A_794 = arith.constant 1 : i32
        %shift_right_logical3A_795 = vector.broadcast %shift_right_logical3A_794 : i32 to vector<16xi32>
        %shift_right_logical3A_796 = arith.shrui %get3A_793, %shift_right_logical3A_795 : vector<16xi32>
        %swap3A_797 = arith.constant 80 : index
        %swap3A_798 = tpu.vector_load %arg7[%swap3A_797] {strides = array<i32>} : memref<128xi32, #tpu.memory_space<vmem>>, vector<16xi32>,
        tpu.vector_store %arg7[%swap3A_797], %shift_right_logical3A_796 {strides = array<i32>} : memref<128xi32, #tpu.memory_space<vmem>>, vector<16xi32>,
        %and3A_799 = arith.constant 1 : i32
        %and3A_800 = vector.broadcast %and3A_799 : i32 to vector<16xi32>
        %and3A_801 = arith.andi %get3A_793, %and3A_800 : vector<16xi32>
        %mul3A_802 = arith.constant 64 : i32
        %mul3A_803 = vector.broadcast %mul3A_802 : i32 to vector<16xi32>
        %mul3A_804 = arith.muli %and3A_801, %mul3A_803 : vector<16xi32>
        %swap3A_805 = arith.constant 80 : index
        %swap3A_806 = tpu.vector_load %arg9[%swap3A_805] {strides = array<i32>} : memref<128xi32, #tpu.memory_space<vmem>>, vector<16xi32>,
        tpu.vector_store %arg9[%swap3A_805], %mul3A_804 {strides = array<i32>} : memref<128xi32, #tpu.memory_space<vmem>>, vector<16xi32>,
        %get3A_807 = arith.index_cast %add3A_710 : i32 to index
        %get3A_808 = arith.constant 96 : index
        %get3A_809 = tpu.vector_load %arg5[%get3A_807, %get3A_808] {strides = array<i32>} : memref<104x128xi32, #tpu.memory_space<vmem>>, vector<16xi32>,
        %shift_right_logical3A_810 = arith.constant 1 : i32
        %shift_right_logical3A_811 = vector.broadcast %shift_right_logical3A_810 : i32 to vector<16xi32>
        %shift_right_logical3A_812 = arith.shrui %get3A_809, %shift_right_logical3A_811 : vector<16xi32>
        %swap3A_813 = arith.constant 96 : index
        %swap3A_814 = tpu.vector_load %arg7[%swap3A_813] {strides = array<i32>} : memref<128xi32, #tpu.memory_space<vmem>>, vector<16xi32>,
        tpu.vector_store %arg7[%swap3A_813], %shift_right_logical3A_812 {strides = array<i32>} : memref<128xi32, #tpu.memory_space<vmem>>, vector<16xi32>,
        %and3A_815 = arith.constant 1 : i32
        %and3A_816 = vector.broadcast %and3A_815 : i32 to vector<16xi32>
        %and3A_817 = arith.andi %get3A_809, %and3A_816 : vector<16xi32>
        %mul3A_818 = arith.constant 64 : i32
        %mul3A_819 = vector.broadcast %mul3A_818 : i32 to vector<16xi32>
        %mul3A_820 = arith.muli %and3A_817, %mul3A_819 : vector<16xi32>
        %swap3A_821 = arith.constant 96 : index
        %swap3A_822 = tpu.vector_load %arg9[%swap3A_821] {strides = array<i32>} : memref<128xi32, #tpu.memory_space<vmem>>, vector<16xi32>,
        tpu.vector_store %arg9[%swap3A_821], %mul3A_820 {strides = array<i32>} : memref<128xi32, #tpu.memory_space<vmem>>, vector<16xi32>,
        %get3A_823 = arith.index_cast %add3A_710 : i32 to index
        %get3A_824 = arith.constant 112 : index
        %get3A_825 = tpu.vector_load %arg5[%get3A_823, %get3A_824] {strides = array<i32>} : memref<104x128xi32, #tpu.memory_space<vmem>>, vector<16xi32>,
        %shift_right_logical3A_826 = arith.constant 1 : i32
        %shift_right_logical3A_827 = vector.broadcast %shift_right_logical3A_826 : i32 to vector<16xi32>
        %shift_right_logical3A_828 = arith.shrui %get3A_825, %shift_right_logical3A_827 : vector<16xi32>
        %swap3A_829 = arith.constant 112 : index
        %swap3A_830 = tpu.vector_load %arg7[%swap3A_829] {strides = array<i32>} : memref<128xi32, #tpu.memory_space<vmem>>, vector<16xi32>,
        tpu.vector_store %arg7[%swap3A_829], %shift_right_logical3A_828 {strides = array<i32>} : memref<128xi32, #tpu.memory_space<vmem>>, vector<16xi32>,
        %and3A_831 = arith.constant 1 : i32
        %and3A_832 = vector.broadcast %and3A_831 : i32 to vector<16xi32>
        %and3A_833 = arith.andi %get3A_825, %and3A_832 : vector<16xi32>
        %mul3A_834 = arith.constant 64 : i32
        %mul3A_835 = vector.broadcast %mul3A_834 : i32 to vector<16xi32>
        %mul3A_836 = arith.muli %and3A_833, %mul3A_835 : vector<16xi32>
        %swap3A_837 = arith.constant 112 : index
        %swap3A_838 = tpu.vector_load %arg9[%swap3A_837] {strides = array<i32>} : memref<128xi32, #tpu.memory_space<vmem>>, vector<16xi32>,
        tpu.vector_store %arg9[%swap3A_837], %mul3A_836 {strides = array<i32>} : memref<128xi32, #tpu.memory_space<vmem>>, vector<16xi32>,
        %dma_start3A_839 = arith.constant 0 : i32
        %dma_start3A_840 = arith.constant 0 : i32
        %dma_start3A_841 = tpu.memref_slice %arg3[%dma_start3A_839, %dma_start3A_840] : memref<500000x128xf32, #tpu.memory_space<hbm>> -> memref<500000x128xf32, #tpu.memory_space<hbm>>
        tpu.enqueue_indirect_dma source(%dma_start3A_841 : memref<500000x128xf32, #tpu.memory_space<hbm>>) target(%arg11 : memref<128x128xf32, #tpu.memory_space<vmem>>) offsets(%arg7 : memref<128xi32, #tpu.memory_space<vmem>>) semaphore(%arg16 : memref<!tpu.dma_semaphore, #tpu.memory_space<semaphore_mem>>)
      } else {
      }
    }
    %scan3A_465 = arith.constant 52 : i32
    %mul3A_466 = arith.constant 104 : i32
    %mul3A_467 = arith.muli %add3A, %mul3A_466 : i32
    %add3A_468 = arith.constant 102 : i32
    %add3A_469 = arith.addi %mul3A_467, %add3A_468 : i32
    %jit3A = arith.constant 128 : i32
    %div3A = arith.divsi %add3A_469, %jit3A : i32
    %sign3A = arith.constant 0 : i32
    %sign3A_470 = arith.cmpi sgt, %add3A_469, %sign3A : i32
    %sign3A_471 = arith.extui %sign3A_470 : i1 to i32
    %sign3A_472 = arith.constant 0 : i32
    %sign3A_473 = arith.cmpi slt, %add3A_469, %sign3A_472 : i32
    %sign3A_474 = arith.extui %sign3A_473 : i1 to i32
    %sign3A_475 = arith.subi %sign3A_471, %sign3A_474 : i32
    %sign3A_476 = arith.constant 0 : i32
    %sign3A_477 = arith.cmpi sgt, %jit3A, %sign3A_476 : i32
    %sign3A_478 = arith.extui %sign3A_477 : i1 to i32
    %sign3A_479 = arith.constant 0 : i32
    %sign3A_480 = arith.cmpi slt, %jit3A, %sign3A_479 : i32
    %sign3A_481 = arith.extui %sign3A_480 : i1 to i32
    %sign3A_482 = arith.subi %sign3A_478, %sign3A_481 : i32
    %ne3A = arith.cmpi ne, %sign3A_475, %sign3A_482 : i32
    %rem3A = arith.remsi %add3A_469, %jit3A : i32
    %ne3A_483 = arith.constant 0 : i32
    %ne3A_484 = arith.cmpi ne, %rem3A, %ne3A_483 : i32
    %and3A_485 = arith.andi %ne3A, %ne3A_484 : i1
    %sub3A = arith.constant 1 : i32
    %sub3A_486 = arith.subi %div3A, %sub3A : i32
    %select_n3A = arith.select %and3A_485, %sub3A_486, %div3A : i32
    %jit3A_487 = arith.constant 128 : i32
    %eq3A = arith.constant 0 : i32
    %eq3A_488 = arith.cmpi eq, %jit3A_487, %eq3A : i32
    %jit3A_489 = arith.constant 1 : i32
    %select_n3A_490 = arith.select %eq3A_488, %jit3A_489, %jit3A_487 : i32
    %rem3A_491 = arith.remsi %add3A_469, %select_n3A_490 : i32
    %ne3A_492 = arith.constant 0 : i32
    %ne3A_493 = arith.cmpi ne, %rem3A_491, %ne3A_492 : i32
    %lt3A = arith.constant 0 : i32
    %lt3A_494 = arith.cmpi slt, %rem3A_491, %lt3A : i32
    %lt3A_495 = arith.constant 0 : i32
    %lt3A_496 = arith.cmpi slt, %select_n3A_490, %lt3A_495 : i32
    %ne3A_497 = arith.xori %lt3A_494, %lt3A_496 : i1
    %and3A_498 = arith.andi %ne3A_497, %ne3A_493 : i1
    %add3A_499 = arith.addi %rem3A_491, %select_n3A_490 : i32
    %select_n3A_500 = arith.select %and3A_498, %add3A_499, %rem3A_491 : i32
    %mul3A_501 = arith.constant 128 : i32
    %mul3A_502 = arith.muli %select_n3A_500, %mul3A_501 : i32
    %dma_wait3A_503 = arith.constant 0 : i32
    %dma_wait3A_504 = tpu.memref_slice %arg4[%select_n3A, %dma_wait3A_503, %mul3A_502] : memref<26x64x16384xf32, #tpu.memory_space<hbm>> -> memref<1x64x128xf32, #tpu.memory_space<hbm>>
    %dma_wait3A_505 = tpu.memref_squeeze %dma_wait3A_504 : memref<1x64x128xf32, #tpu.memory_space<hbm>> -> memref<64x128xf32, #tpu.memory_space<hbm>>
    %dma_wait3A_506 = arith.constant 0 : i32
    %dma_wait3A_507 = tpu.memref_slice %arg4[%select_n3A, %dma_wait3A_506, %mul3A_502] : memref<26x64x16384xf32, #tpu.memory_space<hbm>> -> memref<1x64x128xf32, #tpu.memory_space<hbm>>
    %dma_wait3A_508 = tpu.memref_squeeze %dma_wait3A_507 : memref<1x64x128xf32, #tpu.memory_space<hbm>> -> memref<64x128xf32, #tpu.memory_space<hbm>>
    tpu.wait_dma2 semaphore(%arg17 : memref<!tpu.dma_semaphore, #tpu.memory_space<semaphore_mem>>) src(%arg12 : memref<64x128xf32, #tpu.memory_space<vmem>>) dst(%dma_wait3A_508 : memref<64x128xf32, #tpu.memory_space<hbm>>)
    %mul3A_509 = arith.constant 104 : i32
    %mul3A_510 = arith.muli %add3A, %mul3A_509 : i32
    %add3A_511 = arith.constant 103 : i32
    %add3A_512 = arith.addi %mul3A_510, %add3A_511 : i32
    %jit3A_513 = arith.constant 128 : i32
    %div3A_514 = arith.divsi %add3A_512, %jit3A_513 : i32
    %sign3A_515 = arith.constant 0 : i32
    %sign3A_516 = arith.cmpi sgt, %add3A_512, %sign3A_515 : i32
    %sign3A_517 = arith.extui %sign3A_516 : i1 to i32
    %sign3A_518 = arith.constant 0 : i32
    %sign3A_519 = arith.cmpi slt, %add3A_512, %sign3A_518 : i32
    %sign3A_520 = arith.extui %sign3A_519 : i1 to i32
    %sign3A_521 = arith.subi %sign3A_517, %sign3A_520 : i32
    %sign3A_522 = arith.constant 0 : i32
    %sign3A_523 = arith.cmpi sgt, %jit3A_513, %sign3A_522 : i32
    %sign3A_524 = arith.extui %sign3A_523 : i1 to i32
    %sign3A_525 = arith.constant 0 : i32
    %sign3A_526 = arith.cmpi slt, %jit3A_513, %sign3A_525 : i32
    %sign3A_527 = arith.extui %sign3A_526 : i1 to i32
    %sign3A_528 = arith.subi %sign3A_524, %sign3A_527 : i32
    %ne3A_529 = arith.cmpi ne, %sign3A_521, %sign3A_528 : i32
    %rem3A_530 = arith.remsi %add3A_512, %jit3A_513 : i32
    %ne3A_531 = arith.constant 0 : i32
    %ne3A_532 = arith.cmpi ne, %rem3A_530, %ne3A_531 : i32
    %and3A_533 = arith.andi %ne3A_529, %ne3A_532 : i1
    %sub3A_534 = arith.constant 1 : i32
    %sub3A_535 = arith.subi %div3A_514, %sub3A_534 : i32
    %select_n3A_536 = arith.select %and3A_533, %sub3A_535, %div3A_514 : i32
    %jit3A_537 = arith.constant 128 : i32
    %eq3A_538 = arith.constant 0 : i32
    %eq3A_539 = arith.cmpi eq, %jit3A_537, %eq3A_538 : i32
    %jit3A_540 = arith.constant 1 : i32
    %select_n3A_541 = arith.select %eq3A_539, %jit3A_540, %jit3A_537 : i32
    %rem3A_542 = arith.remsi %add3A_512, %select_n3A_541 : i32
    %ne3A_543 = arith.constant 0 : i32
    %ne3A_544 = arith.cmpi ne, %rem3A_542, %ne3A_543 : i32
    %lt3A_545 = arith.constant 0 : i32
    %lt3A_546 = arith.cmpi slt, %rem3A_542, %lt3A_545 : i32
    %lt3A_547 = arith.constant 0 : i32
    %lt3A_548 = arith.cmpi slt, %select_n3A_541, %lt3A_547 : i32
    %ne3A_549 = arith.xori %lt3A_546, %lt3A_548 : i1
    %and3A_550 = arith.andi %ne3A_549, %ne3A_544 : i1
    %add3A_551 = arith.addi %rem3A_542, %select_n3A_541 : i32
    %select_n3A_552 = arith.select %and3A_550, %add3A_551, %rem3A_542 : i32
    %mul3A_553 = arith.constant 128 : i32
    %mul3A_554 = arith.muli %select_n3A_552, %mul3A_553 : i32
    %dma_wait3A_555 = arith.constant 0 : i32
    %dma_wait3A_556 = tpu.memref_slice %arg4[%select_n3A_536, %dma_wait3A_555, %mul3A_554] : memref<26x64x16384xf32, #tpu.memory_space<hbm>> -> memref<1x64x128xf32, #tpu.memory_space<hbm>>
    %dma_wait3A_557 = tpu.memref_squeeze %dma_wait3A_556 : memref<1x64x128xf32, #tpu.memory_space<hbm>> -> memref<64x128xf32, #tpu.memory_space<hbm>>
    %dma_wait3A_558 = arith.constant 0 : i32
    %dma_wait3A_559 = tpu.memref_slice %arg4[%select_n3A_536, %dma_wait3A_558, %mul3A_554] : memref<26x64x16384xf32, #tpu.memory_space<hbm>> -> memref<1x64x128xf32, #tpu.memory_space<hbm>>
    %dma_wait3A_560 = tpu.memref_squeeze %dma_wait3A_559 : memref<1x64x128xf32, #tpu.memory_space<hbm>> -> memref<64x128xf32, #tpu.memory_space<hbm>>
    tpu.wait_dma2 semaphore(%arg18 : memref<!tpu.dma_semaphore, #tpu.memory_space<semaphore_mem>>) src(%arg13 : memref<64x128xf32, #tpu.memory_space<vmem>>) dst(%dma_wait3A_560 : memref<64x128xf32, #tpu.memory_space<hbm>>)
    return
  }
}

</mosaic_0001>

<sc_bundles>
// kernel: kernel.4.cloned.1.call-start
scs
__scs_entry_jumppad:
0x0: {  	(pc) =	sbr.rel $0x88, $3  }
0x1: {  	(tag) =	ssettag $0x0;
	lr =	simm.s32 $0x1  }
0x2: {  	[smem:$0x3F9F] =	sst lr;
	_ =	strace $0xD0000000  }
0x3: {  	_ = 	snop  }
0x4: {  	_ = 	snop  }
0x5: {  	_ = 	snop  }
0x6: {  	_ = 	snop  }
0x7: {  	_ = 	snop  }
__scs_overlays_trampoline_lowered:
0x8: {  	[smem:$0x3FAE] =	sst s0  }
0x9: {  	[smem:$0x3FAF] =	sst s1  }
0xa: {  	[smem:$0x3FB0] =	sst s2  }
0xb: {  	[smem:$0x3FB1] =	sst s3  }
0xc: {  	[smem:$0x3FB2] =	sst s4  }
0xd: {  	[smem:$0x3FB3] =	sst s5  }
0xe: {  	[smem:$0x3FB4] =	sst s6  }
0xf: {  	[smem:$0x3FB5] =	sst s7  }
0x10: {  	[smem:$0x3FB6] =	sst s8  }
0x11: {  	[smem:$0x3FB7] =	sst s9;
	s0 =	simm.s32 @!p0 $0x0  }
0x12: {  	s1 =	sld [smem:$0x3F9D];
	s0 =	simm.s32 @p0 $0x1  }
0x13: {  	[smem:$0x3FB8] =	sst s0;
	s0 =	simm.s32 @!p1 $0x0  }
0x14: {  	s2 =	sld [smem:$0x3F9C];
	s0 =	simm.s32 @p1 $0x1  }
0x15: {  	[smem:$0x3FB9] =	sst s0;
	s0 =	simm.s32 @!p2 $0x0  }
0x16: {  	s3 =	sld [smem:$0x3FDB];
	s0 =	simm.s32 @p2 $0x1  }
0x17: {  	s4 =	simm.s32 $0x1BF5;
	[smem:$0x3FBB] =	sst s0  }
0x18: {  	s0 =	sld [smem:$0x3F9E];
	_ =	swait.ge [sflag:s4], $0x0  }
0x19: {  	s7 =	sld [smem:$0x3F9F]  }
0x1a: {  	s8 =	sadd.s32 $0xFFFFE003, lr  }
0x1b: {  	s9 =	sadd.s32 $0xFFFFFEF7, lr;
	s5 =	simm.s32 $0xFFFFFFFF;
	p2 =	slt.u32 s8, $0xFFFFF086  }
0x1c: {  	p1 =	slt.u32 s9, $0xF7A;
	s5 =	simm.s32 @!p2 $0x0  }
0x1d: {  	s5 =	simm.s32 @p1 $0x1;
	p0 =	seq.s32 s7, s2  }
0x1e: {  	s7 =	smul.u32 @!p0 $0xF7A, s2;
	p2 =	seq.s32 @!p0 s5, $0x0  }
0x1f: {  	s9 =	smul.u32 $0xF7A, s1;
	s8 =	simm.s32 @!p0 $0x1BF5;
	p2 =	por !p2, p0  }
0x20: {  	[sflag:s8] =	ssyncset.s32 @!p0 $0xFFFFF086;
	s6 =	sadd.s32 @!p0 s3, s7;
	s7 =	simm.s32 @!p0 $0x108  }
0x21: {  	s3 =	sadd.s32 s3, s9;
	s6 =	sadd.s32 @!p0 $0x88, s6;
	s7 =	simm.s32 @p2 $0x1082  }
0x22: {  	[simem:s7], [sflag:s8] =	dma.local @!p0 [hbm:s6], $0xF7A  }
0x23: {  	s9 =	sor.u32 $0xD0000000, s2;
	s6 =	simm.s32 $0x108;
	_ =	swait.ge @!p0 [sflag:s8], $0x0  }
0x24: {  	s3 =	sadd.s32 $0x88, s3;
	s6 =	simm.s32 @!p1 $0x1082;
	[sflag:s4] =	ssyncset.s32 $0xFFFFF086  }
0x25: {  	[simem:s6], [sflag:s4] =	dma.local [hbm:s3], $0xF7A  }
0x26: {  	[smem:$0x3F9F] =	sst s1;
	(tag) =	ssettag s2;
	_ =	strace s9  }
0x27: {  	s1 =	sld [smem:$0x3FAF]  }
0x28: {  	s2 =	sld [smem:$0x3FB0]  }
0x29: {  	s4 =	sld [smem:$0x3FB2]  }
0x2a: {  	p0 =	seq.s32 s5, $0x0;
	s5 =	sld [smem:$0x3FB3]  }
0x2b: {  	s6 =	sld [smem:$0x3FB4]  }
0x2c: {  	s7 =	sld [smem:$0x3FB5]  }
0x2d: {  	s3 =	simm.s32 $0x108;
	s8 =	sld [smem:$0x3FB6]  }
0x2e: {  	s3 =	simm.s32 @!p0 $0x1082;
	s9 =	sld [smem:$0x3FB7]  }
0x2f: {  	lr =	sadd.s32 s0, s3;
	s0 =	sld [smem:$0x3FAE]  }
0x30: {  	s3 =	sld [smem:$0x3FB1]  }
0x31: {  	[smem:$0x3FBA] =	sst s10  }
0x32: {  	s10 =	sld [smem:$0x3FB8];
	_ =	sdelay $0x3  }
0x33: {  	p0 =	seq.s32 s10, $0x1;
	s10 =	sld [smem:$0x3FBA];
	_ =	sdelay $0x3  }
0x34: {  	[smem:$0x3FBA] =	sst s10  }
0x35: {  	s10 =	sld [smem:$0x3FB9];
	_ =	sdelay $0x3  }
0x36: {  	p1 =	seq.s32 s10, $0x1;
	s10 =	sld [smem:$0x3FBA];
	_ =	sdelay $0x3  }
0x37: {  	[smem:$0x3FBA] =	sst s10  }
0x38: {  	s10 =	sld [smem:$0x3FBB]  }
0x39: {  	_ = 	snop;
	(pc) =	sbr.ind lr, $3  }
0x3a: {  	_ = 	snop  }
0x3b: {  	_ = 	snop  }
0x3c: {  	p2 =	seq.s32 s10, $0x1;
	s10 =	sld [smem:$0x3FBA]  }
0x3d: {  	_ =	shalt  }
0x3e: {  	_ =	shalt  }
0x3f: {  	_ =	shalt  }
0x40: {  	_ =	shalt  }
0x41: {  	_ =	shalt  }
0x42: {  	_ =	shalt  }
0x43: {  	_ =	shalt  }
0x44: {  	_ =	shalt  }
0x45: {  	_ =	shalt  }
0x46: {  	_ =	shalt  }
0x47: {  	_ =	shalt  }
0x48: {  	_ =	shalt  }
0x49: {  	_ =	shalt  }
0x4a: {  	_ =	shalt  }
0x4b: {  	_ =	shalt  }
0x4c: {  	_ =	shalt  }
0x4d: {  	_ =	shalt  }
0x4e: {  	_ =	shalt  }
0x4f: {  	_ =	shalt  }
0x50: {  	_ =	shalt  }
0x51: {  	_ =	shalt  }
0x52: {  	_ =	shalt  }
0x53: {  	_ =	shalt  }
0x54: {  	_ =	shalt  }
0x55: {  	_ =	shalt  }
0x56: {  	_ =	shalt  }
0x57: {  	_ =	shalt  }
0x58: {  	_ =	shalt  }
0x59: {  	_ =	shalt  }
0x5a: {  	_ =	shalt  }
0x5b: {  	_ =	shalt  }
0x5c: {  	_ =	shalt  }
0x5d: {  	_ =	shalt  }
0x5e: {  	_ =	shalt  }
0x5f: {  	_ =	shalt  }
0x60: {  	_ =	shalt  }
0x61: {  	_ =	shalt  }
0x62: {  	_ =	shalt  }
0x63: {  	_ =	shalt  }
0x64: {  	_ =	shalt  }
0x65: {  	_ =	shalt  }
0x66: {  	_ =	shalt  }
0x67: {  	_ =	shalt  }
0x68: {  	_ =	shalt  }
0x69: {  	_ =	shalt  }
0x6a: {  	_ =	shalt  }
0x6b: {  	_ =	shalt  }
0x6c: {  	_ =	shalt  }
0x6d: {  	_ =	shalt  }
0x6e: {  	_ =	shalt  }
0x6f: {  	_ =	shalt  }
0x70: {  	_ =	shalt  }
0x71: {  	_ =	shalt  }
0x72: {  	_ =	shalt  }
0x73: {  	_ =	shalt  }
0x74: {  	_ =	shalt  }
0x75: {  	_ =	shalt  }
0x76: {  	_ =	shalt  }
0x77: {  	_ =	shalt  }
0x78: {  	_ =	shalt  }
0x79: {  	_ =	shalt  }
0x7a: {  	_ =	shalt  }
0x7b: {  	_ =	shalt  }
0x7c: {  	_ =	shalt  }
0x7d: {  	_ =	shalt  }
0x7e: {  	_ =	shalt  }
0x7f: {  	_ =	shalt  }
0x80: {  	_ =	shalt  }
0x81: {  	_ =	shalt  }
0x82: {  	_ =	shalt  }
0x83: {  	_ =	shalt  }
0x84: {  	_ =	shalt  }
0x85: {  	_ =	shalt  }
0x86: {  	_ =	shalt  }
0x87: {  	_ =	shalt  }
.Lfunc_end0:
.L_simem_size_0:
called_computation_lowered:
.L_overlay_start_0:
0x88: {  	s2 =	sld [smem:$0x3FD9]  }
0x89: {  	s3 =	sld [smem:$0x3FFE];
	_ =	sdelay $0x1  }
0x8a: {  	s1 =	srdreg.scid  }
0x8b: {  	s0 =	sand.u32 $0x1, s1  }
0x8c: {  	s17 =	sshll.u32 s0, $0xA;
	s2 =	sadd.s32 s3, s2  }
0x8d: {  	s2 =	sadd.s32 s2, s17  }
0x8e: {  	[smem:$0x3FC6] =	sst s2  }
0x8f: {  	_ = 	snop  }
0x90: {  	s2 =	sld [smem:$0x3FC8]  }
0x91: {  	s18 =	sld [smem:$0x3FD0];
	(tm) =	ssettm $0x1  }
0x92: {  	s4 =	sld [smem:$0x3FFB];
	_ =	sdelay $0x3  }
0x93: {  	_ =	strace s4  }
0x94: {  	s4 =	sld [smem:$0x3FFC];
	_ =	sdelay $0x3  }
0x95: {  	_ =	strace s4  }
0x96: {  	s4 =	sld [smem:$0x3FFD];
	_ =	sdelay $0x3  }
0x97: {  	_ =	strace s4  }
0x98: {  	_ =	strace $0x8FFFFFFF  }
0x99: {  	s19 =	sld [smem:$0x3FDB];
	_ =	sdelay $0x1  }
0x9a: {  	s5 =	simm.s32 $_scs_section_size  }
0x9b: {  	s6 =	simm.s32 $_size__tile_overlayer_lowered;
	s7 =	simm.s32 $_tile_overlayer_lowered  }
0x9c: {  	s22 =	simm.s32 $0x1BFF;
	s21 =	sshll.u32 s7, $0x1;
	s4 =	sadd.s32 s5, s19  }
0x9d: {  	s8 =	simm.s32 $0x0;
	s20 =	sshll.u32 s6, $0x1;
	s6 =	sadd.s32 s21, s4  }
0x9e: {  	[timem:s8], [sflag:s22] =	dma.local [hbm:s6], s20  }
0x9f: {  	_ =	swait.ge [sflag:s22], s20  }
0xa0: {  	s5 =	ssub.s32 $0x0, s20;
	[sflag:s22] =	ssyncset.done $0x0  }
0xa1: {  	[sflag:s22] =	ssyncadd.s32 s5;
	_ =	sdelay $0x1  }
0xa2: {  	s23 =	simm.s32 $0x1B8B  }
0xa3: {  	_ =	swait.ge [sflag:s23], $0x1  }
0xa4: {  	[sflag:s23] =	ssyncset.done $0x0  }
0xa5: {  	s25 =	simm.s32 $0x1B8E;
	s24 =	sld [smem:$0x3FFE];
	[sflag:s23] =	ssyncadd.s32 $0xFFFFFFFF  }
0xa6: {  	s26 =	simm.s32 $execute0_lowered;
	[smem:$0x3FD2] =	sst s25  }
0xa7: {  	s6 =	sshll.u32 s26, $0x1;
	_ =	strace $0x80000046;
	[dreg:$0x1] =	wrdreg $0xFFFFFFFF  }
0xa8: {  	s28 =	simm.s32 $_size_execute0_lowered;
	s4 =	sadd.s32 s4, s6;
	[dreg:$0x0] =	wrdreg $0x0  }
0xa9: {  	s6 =	sshll.u32 s28, $0x1;
	[dreg:$0x2] =	wrdreg s4  }
0xaa: {  	[dreg:$0x3] =	wrdreg s6  }
0xab: {  	[dreg:$0x4] =	wrdreg $0xC0  }
0xac: {  	_ =	task [dreg:s8], $0x5FFFF  }
0xad: {  	[dreg:$0x1] =	wrdreg $0xFFFFFFFF  }
0xae: {  	[dreg:$0x0] =	wrdreg $0x60  }
0xaf: {  	[dreg:$0x2] =	wrdreg s2  }
0xb0: {  	[dreg:$0x3] =	wrdreg s18  }
0xb1: {  	[dreg:$0x4] =	wrdreg s24  }
0xb2: {  	[dreg:$0x5] =	wrdreg $0x9  }
0xb3: {  	_ =	task.clear_ibuf [dreg:s8], $0x6FFFF;
	_ =	strace $0x90000046  }
0xb4: {  	s29 =	simm.s32 $0x9;
	_ =	strace $0x80000048  }
0xb5: {  	_ =	swait.ge [sflag:s29], $0x1  }
0xb6: {  	[sflag:s29] =	ssyncadd.s32 $0xFFFFFFFF  }
0xb7: {  	_ =	strace $0x90000048  }
0xb8: {  	_ =	sfence  }
0xb9: {  	s30 =	sld [smem:$0x0];
	_ =	sdelay $0x2  }
0xba: {  	s31 =	sshll.u32 s1, $0xD;
	s1 =	sshrl.u32 s1, $0x2  }
0xbb: {  	s3 =	sand.u32 $0x4000, s31;
	s1 =	sadd.s32 s1, s30  }
0xbc: {  	s0 =	sor.u32 s3, s0;
	s1 =	sshll.u32 s1, $0x11  }
0xbd: {  	s0 =	sor.u32 s1, s0  }
0xbe: {  	s0 =	sadd.s32 $0x8F2B, s0  }
0xbf: {  	[sflag:s0] =	ssyncadd.remote.s32 $0x1  }
0xc0: {  	_ =	sfence.sel $0xFFFF  }
0xc1: {  	[dreg:$0x0] =	wrdreg $0xFFFFFFFF;
	(pc) =	sbr.abs _section_cstart, $3  }
0xc2: {  	[dreg:$0x1] =	wrdreg $0xFFFFFFFF  }
0xc3: {  	_ =	task.clear_ibuf [dreg:s8], $0x2FFFF;
	_ =	strace $0x9FFFFFFF  }
0xc4: {  	(tm) =	ssettm $0x7FFFFFFF  }
0xc5: {  	_ =	shalt  }
tec
execute0_lowered:
.L_overlay_start_1:
0x0: {  	(tag) =	ssettag $0x1  }
0x1: {  	v0 =	vimm.s32 $0xFEDCBA9;
	v1 =	vimm.s32 $0x87654321  }
0x2: {  	v42 =	vimm.s32 $0x10FEDCBA;
	v43 =	vimm.s32 $0x98765432;
	v44 =	vimm.s32 $0x210FEDCB  }
0x3: {  	v45 =	vimm.s32 $0xA9876543;
	v46 =	vlaneseq.u32;
	v49 =	vimm.s32 $0x3210FEDC  }
0x4: {  	v50 =	vimm.s32 $0xBA987654;
	v5 =	vimm.s32 $0x43210FED;
	v6 =	vimm.s32 $0xCBA98765  }
0x5: {  	v52 =	vimm.s32 $0x543210FE;
	v53 =	vimm.s32 $0xDCBA9876;
	v57 =	vimm.s32 $0x6543210F  }
0x6: {  	v58 =	vimm.s32 $0xEDCBA987;
	v20 =	vimm.s32 $0xFEDCBA98;
	v22 =	vimm.s32 $0x76543210  }
0x7: {  	v0 =	vunpack.c.l.s4.s8 v0;
	v1 =	vunpack.c.l.s4.s8 v1;
	v3 =	vunpack.c.l.s4.s8 v44  }
0x8: {  	v4 =	vunpack.c.l.s4.s8 v45;
	v5 =	vunpack.c.l.s4.s8 v5;
	v51 =	vunpack.c.l.s4.s8 v6  }
0x9: {  	v20 =	vunpack.c.l.s4.s8 v20;
	v22 =	vunpack.c.l.s4.s8 v22;
	v7 =	vunpack.c.0.s8.s32 v0  }
0xa: {  	v8 =	vunpack.c.0.s8.s32 v1;
	v0 =	vunpack.c.l.s4.s8 v42;
	v1 =	vunpack.c.l.s4.s8 v43  }
0xb: {  	v11 =	vunpack.c.0.s8.s32 v3;
	v12 =	vunpack.c.0.s8.s32 v4;
	v3 =	vunpack.c.l.s4.s8 v49  }
0xc: {  	v4 =	vunpack.c.l.s4.s8 v50;
	v16 =	vunpack.c.0.s8.s32 v5;
	v17 =	vunpack.c.0.s8.s32 v51  }
0xd: {  	v5 =	vunpack.c.l.s4.s8 v53;
	v2 =	vcombine.low v8, v7;
	v9 =	vunpack.c.0.s8.s32 v0  }
0xe: {  	v10 =	vunpack.c.0.s8.s32 v1;
	v13 =	vcombine.low v12, v11;
	v14 =	vunpack.c.0.s8.s32 v3  }
0xf: {  	v15 =	vunpack.c.0.s8.s32 v4;
	v4 =	vunpack.c.l.s4.s8 v52;
	v19 =	vunpack.c.0.s8.s32 v5  }
0x10: {  	v5 =	vunpack.c.l.s4.s8 v58;
	v11 =	vcombine.low v11, v12;
	v47 =	vand.u32 $0xF, v2  }
0x11: {  	v48 =	vcombine.low v10, v9;
	v55 =	vand.u32 $0xF, v13;
	v56 =	vcombine.low v15, v14  }
0x12: {  	v13 =	vcombine.low v17, v16;
	v18 =	vunpack.c.0.s8.s32 v4;
	v4 =	vunpack.c.l.s4.s8 v57  }
0x13: {  	v24 =	vunpack.c.0.s8.s32 v5;
	v10 =	vcombine.low v9, v10;
	v12 =	vcombine.low v14, v15  }
0x14: {  	v11 =	vand.u32 $0xF, v11;
	v14 =	vcombine.low v16, v17;
	v16 =	vmul.u32 $0x2, v46  }
0x15: {  	v54 =	vand.u32 $0xF, v48;
	v21 =	vcombine.low v19, v18;
	v23 =	vunpack.c.0.s8.s32 v4  }
0x16: {  	v59 =	vand.u32 $0xF, v56;
	v60 =	vand.u32 $0xF, v13;
	v13 =	vunpack.c.0.s8.s32 v20  }
0x17: {  	v10 =	vand.u32 $0xF, v10;
	v15 =	vcombine.low v18, v19;
	v12 =	vand.u32 $0xF, v12  }
0x18: {  	v14 =	vand.u32 $0xF, v14;
	v25 =	vor.u32 $0x2001, v16;
	v27 =	vor.u32 $0x3001, v16  }
0x19: {  	s0 =	rddreg [dreg:$0x0];
	v29 =	vor.u32 $0x20, v16;
	v31 =	vor.u32 $0x21, v16;
	v32 =	vor.u32 $0x40, v16  }
0x1a: {  	s3 =	srdreg.scid;
	s2 =	rddreg [dreg:$0x1];
	v34 =	vor.u32 $0x41, v16;
	v35 =	vor.u32 $0x60, v16;
	v37 =	vor.u32 $0x61, v16  }
0x1b: {  	s1 =	stileid.u32;
	s10 =	rddreg [dreg:$0x2];
	s12 =	simm.s32 $0x800;
	v39 =	vor.u32 $0x1401, v16;
	v40 =	vor.u32 $0x2401, v16;
	v41 =	vor.u32 $0x3401, v16  }
0x1c: {  	s4 =	simm.s32 $0x0;
	s13 =	simm.s32 $0x7A1400;
	s14 =	simm.s32 $0x4000;
	v43 =	vor.u32 $0x1421, v16;
	v44 =	vor.u32 $0x2421, v16;
	v45 =	vor.u32 $0x3421, v16  }
0x1d: {  	s15 =	simm.s32 $0x1;
	s16 =	simm.s32 $0x8000;
	s17 =	simm.s32 $0x2;
	[tilespmem:$0x1FF80] =	vst v47;
	v47 =	vor.u32 $0x1441, v16;
	v48 =	vor.u32 $0x2441, v16;
	v49 =	vor.u32 $0x3441, v16  }
0x1e: {  	s18 =	simm.s32 $0xC000;
	s20 =	simm.s32 $0x4;
	s21 =	simm.s32 $0x0;
	v61 =	vand.u32 $0xF, v21;
	v20 =	vcombine.low v24, v23;
	v21 =	vunpack.c.0.s8.s32 v22  }
0x1f: {  	s5 =	sand.u32 $0x1, s3;
	s29 =	sshll.u32 s1, $0x1;
	s3 =	rddreg [dreg:$0x3];
	[tilespmem:$0x1FFA0] =	vst v55;
	v13 =	vand.u32 $0xF, v13;
	v22 =	vcombine.low v7, v8;
	v17 =	vcombine.low v23, v24  }
0x20: {  	[smem:$0x7FF] =	sst s4;
	s19 =	sor.u32 s5, s29;
	s7 =	ssub.s32 $0x2, s5;
	[tilespmem:$0x1FF90] =	vst v54;
	v15 =	vand.u32 $0xF, v15;
	v63 =	vcombine.low v13, v21;
	v13 =	vmul.u32 $0x80, v46  }
0x21: {  	p0 =	seq.s32 s1, $0x0;
	s6 =	smul.u32 $0x7A, s19;
	s8 =	sshrl.u32 s7, $0x1;
	[tilespmem:$0x1FFB0] =	vst v59;
	v23 =	vor.u32 $0x1001, v16;
	v62 =	vand.u32 $0xF, v20;
	v9 =	vand.u32 $0xF, v22  }
.Ltmp0:
0x22: {  	s30 =	smin.u32 s19, $0x2;
	s11 =	ssub.s32 s7, s8;
	[tilespmem:$0x1FFC0] =	vst v60;
	v17 =	vand.u32 $0xF, v17;
	v21 =	vor.u32 $0x1, v16;
	v18 =	vor.u32 $0x10, v13;
	(pc) =	sbr.rel .LBB2_1-.Ltmp0, $4  }
0x23: {  	s7 =	simm.s32 $0x7B;
	s5 =	sadd.s32 s30, s6;
	s6 =	sadd.s32 $0xA00, s10;
	[tilespmem:$0x1FFD0] =	vst v61;
	v19 =	vor.u32 $0x20, v13;
	v20 =	vor.u32 $0x30, v13;
	v22 =	vor.u32 $0x40, v13  }
0x24: {  	s7 =	simm.s32 @!p0 $0x7A;
	s10 =	sadd.s32 $0x7A1A00, s10;
	s31 =	sshll.u32 s5, $0x8;
	[tilespmem:$0x1FFE0] =	vst v62;
	v24 =	vor.u32 $0x50, v13;
	v26 =	vor.u32 $0x60, v13;
	v28 =	vor.u32 $0x70, v13  }
0x25: {  	s11 =	smax.u32 s11, $0x1;
	p0 =	sne.s32 s19, $0x1F;
	s8 =	sadd.s32 s0, s31;
	[tilespmem:$0x1FFF0] =	vst v63;
	v30 =	vor.u32 $0x800, v13;
	v33 =	vor.u32 $0x1000, v13;
	v36 =	vor.u32 $0x1800, v13  }
0x26: {  	s19 =	simm.s32 $0x3;
	s9 =	sadd.s32 $0x100, s8;
	v38 =	vor.u32 $0x2000, v13;
	v42 =	vor.u32 $0x2800, v13;
	v46 =	vor.u32 $0x3000, v13;
	_ =	strace $0x80000047  }
.LBB2_11:
0x27: {  	_ =	swait.ge [sflag:s19], $0x4000  }
0x28: {  	[sflag:s19] =	ssyncset.done $0x0  }
0x29: {  	[sflag:s19] =	ssyncadd.s32 $0xFFFFC000  }
0x2a: {  	_ =	swait.ge [sflag:s20], $0x4000  }
0x2b: {  	s22 =	simm.s32 @!p0 $0x0;
	[sflag:s20] =	ssyncset.done $0x0  }
0x2c: {  	s23 =	simm.s32 @!p0 $0x8000;
	s24 =	simm.s32 @!p0 $0x1;
	[sflag:s20] =	ssyncadd.s32 $0xFFFFC000  }
0x2d: {  	[tilespmem:s23], [sflag:$0x1] =	stream.linear.gather @!p0 [hbm4b:s2+s22], $0x1000, $0x38;
	[tilespmem:$0x10800] =	vst v63  }
0x2e: {  	_ =	swait.ge @!p0 [sflag:s24], $0x1000  }
0x2f: {  	s21 =	sadd.s32 $0x1, s21;
	[sflag:s24] =	ssyncset.done @!p0 $0x0  }
0x30: {  	p1 =	sne.s32 s21, s11;
	[sflag:s24] =	ssyncadd.s32 @!p0 $0xFFFFF000  }
0x31: {  	[hbm4b:s10+s22] =	stream.linear.scatter @!p0 [tilespmem:s23], [sflag:$0x3], $0x1000, $0x38;
	[tilespmem:$0x10800] =	vst v63  }
.Ltmp1:
0x32: {  	_ = 	snop;
	(pc) =	sbr.rel @!p1 .LBB2_12-.Ltmp1, $4  }
0x33: {  	s22 =	simm.s32 @!p0 $0x3  }
0x34: {  	_ =	swait.ge @!p0 [sflag:s22], $0x1000  }
0x35: {  	[sflag:s22] =	ssyncset.done @!p0 $0x0  }
0x36: {  	[sflag:s22] =	ssyncadd.s32 @!p0 $0xFFFFF000  }
.LBB2_1:
0x37: {  	[tilespmem:$0x10480] =	vst v9  }
0x38: {  	[tilespmem:$0x10500] =	vst v10  }
0x39: {  	[tilespmem:$0x10580] =	vst v11  }
0x3a: {  	v56 =	vld [tilespmem:$0x1FF80];
	[tilespmem:$0x10600] =	vst v12  }
0x3b: {  	v57 =	vld [tilespmem:$0x1FF90];
	[tilespmem:$0x10680] =	vst v14  }
0x3c: {  	v58 =	vld [tilespmem:$0x1FFA0];
	[tilespmem:$0x10700] =	vst v15  }
0x3d: {  	v0 =	vlaneseq.u32;
	v59 =	vld [tilespmem:$0x1FFB0];
	[tilespmem:$0x10780] =	vst v17  }
0x3e: {  	v60 =	vld [tilespmem:$0x1FFC0];
	[tilespmem:$0x10000] =	vst v0  }
0x3f: {  	v61 =	vld [tilespmem:$0x1FFD0];
	[tilespmem:$0x10080] =	vst v56  }
0x40: {  	v62 =	vld [tilespmem:$0x1FFE0];
	[tilespmem:$0x10100] =	vst v57  }
0x41: {  	v63 =	vld [tilespmem:$0x1FFF0];
	[tilespmem:$0x10180] =	vst v58  }
0x42: {  	[tilespmem:$0x10200] =	vst v59  }
0x43: {  	[tilespmem:$0x10280] =	vst v60  }
0x44: {  	[tilespmem:$0x10300] =	vst v61  }
.Ltmp2:
0x45: {  	[tilespmem:$0x10380] =	vst v62;
	(pc) =	sbr.rel .LBB2_2-.Ltmp2, $4  }
0x46: {  	[tilespmem:$0x10400] =	vst v63  }
0x47: {  	[tilespmem:s4], [sflag:$0x1] =	stream.strided.gather [hbm4b:s8+s12], $0x4000, s13, s12, $0x38;
	[tilespmem:$0x10800] =	vst v63  }
0x48: {  	s22 =	simm.s32 $0x0  }
0x49: {  	[tilespmem:s14], [sflag:$0x2] =	stream.strided.gather [hbm4b:s9+s12], $0x4000, s13, s12, $0x38;
	[tilespmem:$0x10800] =	vst v63  }
.LBB2_10:
0x4a: {  	s22 =	sadd.s32 $0x1, s22  }
0x4b: {  	p1 =	sne.s32 s22, $0x3E  }
.Ltmp3:
0x4c: {  	_ = 	snop;
	(pc) =	sbr.rel @!p1 .LBB2_11-.Ltmp3, $1  }
0x4d: {  	_ =	sdelay $0x3  }
.LBB2_2:
0x4e: {  	s23 =	sshll.u32 s22, $0x1  }
0x4f: {  	p1 =	sge.u32 s23, s7  }
.Ltmp4:
0x50: {  	_ = 	snop;
	(pc) =	sbr.rel @p1 .LBB2_6-.Ltmp4, $1  }
0x51: {  	_ =	sdelay $0x3  }
0x52: {  	_ =	swait.ge [sflag:s15], $0x4000  }
0x53: {  	p1 =	seq.s32 s22, $0x0;
	[sflag:s15] =	ssyncset.done $0x0  }
0x54: {  	s25 =	simm.s32 @!p1 $0x3;
	[sflag:s15] =	ssyncadd.s32 $0xFFFFC000  }
0x55: {  	_ =	swait.ge @!p1 [sflag:s25], $0x4000  }
0x56: {  	[sflag:s25] =	ssyncset.done @!p1 $0x0  }
0x57: {  	s24 =	sadd.s32 s5, s23;
	[sflag:s25] =	ssyncadd.s32 @!p1 $0xFFFFC000;
	s25 =	simm.s32 $0x0  }
.LBB2_4:
0x58: {  	s26 =	sshra.s32 s25, $0x2  }
0x59: {  	v50 =	vld [tilespmem:s26+$0x10000];
	_ =	sdelay $0x4  }
0x5a: {  	v51 =	vshll.u32 v50, $0x8;
	v52 =	vshll.u32 v50, $0x7  }
0x5b: {  	v53 =	vand.u32 $0xFFFFF800, v51;
	v61 =	vand.u32 $0x380, v52  }
0x5c: {  	v54 =	vor.u32 v61, v53  }
0x5d: {  	v3 =	vor.u32 v16, v54;
	_ =	sdelay $0x1  }
0x5e: {  	v51 =	vadd.s32 $0x10, v50  }
0x5f: {  	v55 =	vshll.u32 v51, $0x8  }
0x60: {  	v60 =	vand.u32 $0xFFFFF800, v55  }
0x61: {  	v56 =	vadd.s32 v13, v50;
	v0 =	vor.u32 v61, v60;
	v4 =	vld.idx.msk [tilespmem:v3+s4+$0x0], $0xffff  }
0x62: {  	v57 =	vor.u32 v16, v0;
	_ =	sdelay $0x1  }
0x63: {  	v52 =	vadd.s32 $0x20, v50  }
0x64: {  	v58 =	vshll.u32 v52, $0x8  }
0x65: {  	v62 =	vand.u32 $0xFFFFF800, v58;
	[tilespmem:v56+s16+$0x0] =	vst.idx.msk $0xffff, v4  }
0x66: {  	v5 =	vadd.s32 v18, v50;
	v1 =	vor.u32 v61, v62;
	v56 =	vld.idx.msk [tilespmem:v57+s4+$0x0], $0xffff  }
0x67: {  	v6 =	vor.u32 v16, v1;
	_ =	sdelay $0x1  }
0x68: {  	v55 =	vadd.s32 $0x30, v50  }
0x69: {  	v59 =	vshll.u32 v55, $0x8  }
0x6a: {  	v63 =	vand.u32 $0xFFFFF800, v59;
	[tilespmem:v5+s16+$0x0] =	vst.idx.msk $0xffff, v56  }
0x6b: {  	v7 =	vadd.s32 v19, v50;
	v2 =	vor.u32 v61, v63;
	v56 =	vld.idx.msk [tilespmem:v6+s4+$0x0], $0xffff  }
0x6c: {  	v4 =	vor.u32 v16, v2;
	_ =	sdelay $0x3  }
0x6d: {  	[tilespmem:v7+s16+$0x0] =	vst.idx.msk $0xffff, v56  }
0x6e: {  	v5 =	vadd.s32 v20, v50;
	v56 =	vld.idx.msk [tilespmem:v4+s4+$0x0], $0xffff  }
0x6f: {  	v6 =	vor.u32 v21, v54;
	_ =	sdelay $0x3  }
0x70: {  	[tilespmem:v5+s16+$0x0] =	vst.idx.msk $0xffff, v56  }
0x71: {  	v7 =	vadd.s32 v22, v50;
	v56 =	vld.idx.msk [tilespmem:v6+s4+$0x0], $0xffff  }
0x72: {  	v3 =	vadd.s32 v23, v54;
	_ =	sdelay $0x3  }
0x73: {  	[tilespmem:v7+s16+$0x0] =	vst.idx.msk $0xffff, v56  }
0x74: {  	v4 =	vadd.s32 v24, v50;
	v56 =	vld.idx.msk [tilespmem:v3+s4+$0x0], $0xffff  }
0x75: {  	v5 =	vadd.s32 v25, v54;
	_ =	sdelay $0x3  }
0x76: {  	[tilespmem:v4+s16+$0x0] =	vst.idx.msk $0xffff, v56  }
0x77: {  	v6 =	vadd.s32 v26, v50;
	v56 =	vld.idx.msk [tilespmem:v5+s4+$0x0], $0xffff  }
0x78: {  	v7 =	vadd.s32 v27, v54;
	_ =	sdelay $0x3  }
0x79: {  	[tilespmem:v6+s16+$0x0] =	vst.idx.msk $0xffff, v56  }
0x7a: {  	v3 =	vadd.s32 v28, v50;
	v56 =	vld.idx.msk [tilespmem:v7+s4+$0x0], $0xffff  }
0x7b: {  	v4 =	vor.u32 v29, v54;
	_ =	sdelay $0x3  }
0x7c: {  	[tilespmem:v3+s16+$0x0] =	vst.idx.msk $0xffff, v56  }
0x7d: {  	v5 =	vadd.s32 v30, v50;
	v56 =	vld.idx.msk [tilespmem:v4+s4+$0x0], $0xffff  }
0x7e: {  	v6 =	vor.u32 v29, v0;
	_ =	sdelay $0x3  }
0x7f: {  	[tilespmem:v5+s16+$0x0] =	vst.idx.msk $0xffff, v56  }
0x80: {  	v7 =	vadd.s32 v30, v51;
	v56 =	vld.idx.msk [tilespmem:v6+s4+$0x0], $0xffff  }
0x81: {  	v3 =	vor.u32 v29, v1;
	_ =	sdelay $0x3  }
0x82: {  	[tilespmem:v7+s16+$0x0] =	vst.idx.msk $0xffff, v56  }
0x83: {  	v4 =	vadd.s32 v30, v52;
	v56 =	vld.idx.msk [tilespmem:v3+s4+$0x0], $0xffff  }
0x84: {  	v5 =	vor.u32 v29, v2;
	_ =	sdelay $0x3  }
0x85: {  	[tilespmem:v4+s16+$0x0] =	vst.idx.msk $0xffff, v56  }
0x86: {  	v6 =	vadd.s32 v30, v55;
	v57 =	vld.idx.msk [tilespmem:v5+s4+$0x0], $0xffff  }
0x87: {  	v7 =	vor.u32 v31, v54;
	_ =	sdelay $0x3  }
0x88: {  	v56 =	vadd.s32 $0x40, v50;
	[tilespmem:v6+s16+$0x0] =	vst.idx.msk $0xffff, v57  }
0x89: {  	v3 =	vadd.s32 $0x1000, v54;
	v59 =	vadd.s32 v30, v56;
	v58 =	vld.idx.msk [tilespmem:v7+s4+$0x0], $0xffff  }
0x8a: {  	v4 =	vor.u32 v31, v3;
	_ =	sdelay $0x3  }
0x8b: {  	v57 =	vadd.s32 $0x50, v50;
	[tilespmem:v59+s16+$0x0] =	vst.idx.msk $0xffff, v58  }
0x8c: {  	v5 =	vadd.s32 $0x2000, v54;
	v59 =	vadd.s32 v30, v57;
	v4 =	vld.idx.msk [tilespmem:v4+s4+$0x0], $0xffff  }
0x8d: {  	v6 =	vor.u32 v31, v5;
	_ =	sdelay $0x3  }
0x8e: {  	v58 =	vadd.s32 $0x60, v50;
	[tilespmem:v59+s16+$0x0] =	vst.idx.msk $0xffff, v4  }
0x8f: {  	v7 =	vadd.s32 v30, v58;
	v4 =	vadd.s32 $0x3000, v54;
	v6 =	vld.idx.msk [tilespmem:v6+s4+$0x0], $0xffff  }
0x90: {  	v8 =	vor.u32 v31, v4;
	_ =	sdelay $0x3  }
0x91: {  	v59 =	vadd.s32 $0x70, v50;
	[tilespmem:v7+s16+$0x0] =	vst.idx.msk $0xffff, v6  }
0x92: {  	v7 =	vadd.s32 v30, v59;
	v6 =	vld.idx.msk [tilespmem:v8+s4+$0x0], $0xffff  }
0x93: {  	v8 =	vor.u32 v32, v54;
	_ =	sdelay $0x3  }
0x94: {  	[tilespmem:v7+s16+$0x0] =	vst.idx.msk $0xffff, v6  }
0x95: {  	v7 =	vadd.s32 v33, v50;
	v6 =	vld.idx.msk [tilespmem:v8+s4+$0x0], $0xffff  }
0x96: {  	v8 =	vor.u32 v32, v0;
	_ =	sdelay $0x3  }
0x97: {  	[tilespmem:v7+s16+$0x0] =	vst.idx.msk $0xffff, v6  }
0x98: {  	v7 =	vadd.s32 v33, v51;
	v6 =	vld.idx.msk [tilespmem:v8+s4+$0x0], $0xffff  }
0x99: {  	v8 =	vor.u32 v32, v1;
	_ =	sdelay $0x3  }
0x9a: {  	[tilespmem:v7+s16+$0x0] =	vst.idx.msk $0xffff, v6  }
0x9b: {  	v7 =	vadd.s32 v33, v52;
	v6 =	vld.idx.msk [tilespmem:v8+s4+$0x0], $0xffff  }
0x9c: {  	v8 =	vor.u32 v32, v2;
	_ =	sdelay $0x3  }
0x9d: {  	[tilespmem:v7+s16+$0x0] =	vst.idx.msk $0xffff, v6  }
0x9e: {  	v7 =	vadd.s32 v33, v55;
	v6 =	vld.idx.msk [tilespmem:v8+s4+$0x0], $0xffff  }
0x9f: {  	v8 =	vor.u32 v34, v54;
	_ =	sdelay $0x3  }
0xa0: {  	[tilespmem:v7+s16+$0x0] =	vst.idx.msk $0xffff, v6  }
0xa1: {  	v7 =	vadd.s32 v33, v56;
	v6 =	vld.idx.msk [tilespmem:v8+s4+$0x0], $0xffff  }
0xa2: {  	v8 =	vor.u32 v34, v3;
	_ =	sdelay $0x3  }
0xa3: {  	[tilespmem:v7+s16+$0x0] =	vst.idx.msk $0xffff, v6  }
0xa4: {  	v7 =	vadd.s32 v33, v57;
	v6 =	vld.idx.msk [tilespmem:v8+s4+$0x0], $0xffff  }
0xa5: {  	v8 =	vor.u32 v34, v5;
	_ =	sdelay $0x3  }
0xa6: {  	[tilespmem:v7+s16+$0x0] =	vst.idx.msk $0xffff, v6  }
0xa7: {  	v7 =	vadd.s32 v33, v58;
	v6 =	vld.idx.msk [tilespmem:v8+s4+$0x0], $0xffff  }
0xa8: {  	v8 =	vor.u32 v34, v4;
	_ =	sdelay $0x3  }
0xa9: {  	[tilespmem:v7+s16+$0x0] =	vst.idx.msk $0xffff, v6  }
0xaa: {  	v7 =	vadd.s32 v33, v59;
	v6 =	vld.idx.msk [tilespmem:v8+s4+$0x0], $0xffff  }
0xab: {  	v8 =	vor.u32 v35, v54;
	_ =	sdelay $0x3  }
0xac: {  	[tilespmem:v7+s16+$0x0] =	vst.idx.msk $0xffff, v6  }
0xad: {  	v7 =	vadd.s32 v36, v50;
	v6 =	vld.idx.msk [tilespmem:v8+s4+$0x0], $0xffff  }
0xae: {  	v0 =	vor.u32 v35, v0;
	_ =	sdelay $0x3  }
0xaf: {  	[tilespmem:v7+s16+$0x0] =	vst.idx.msk $0xffff, v6  }
0xb0: {  	v6 =	vadd.s32 v36, v51;
	v0 =	vld.idx.msk [tilespmem:v0+s4+$0x0], $0xffff  }
0xb1: {  	v1 =	vor.u32 v35, v1;
	_ =	sdelay $0x3  }
0xb2: {  	[tilespmem:v6+s16+$0x0] =	vst.idx.msk $0xffff, v0  }
0xb3: {  	v6 =	vadd.s32 v36, v52;
	v0 =	vld.idx.msk [tilespmem:v1+s4+$0x0], $0xffff  }
0xb4: {  	v2 =	vor.u32 v35, v2;
	_ =	sdelay $0x3  }
0xb5: {  	[tilespmem:v6+s16+$0x0] =	vst.idx.msk $0xffff, v0  }
0xb6: {  	v7 =	vadd.s32 v36, v55;
	v0 =	vld.idx.msk [tilespmem:v2+s4+$0x0], $0xffff  }
0xb7: {  	v6 =	vor.u32 v37, v54;
	_ =	sdelay $0x3  }
0xb8: {  	[tilespmem:v7+s16+$0x0] =	vst.idx.msk $0xffff, v0  }
0xb9: {  	v7 =	vadd.s32 v36, v56;
	v0 =	vld.idx.msk [tilespmem:v6+s4+$0x0], $0xffff  }
0xba: {  	v6 =	vor.u32 v37, v3;
	_ =	sdelay $0x3  }
0xbb: {  	[tilespmem:v7+s16+$0x0] =	vst.idx.msk $0xffff, v0  }
0xbc: {  	v7 =	vadd.s32 v36, v57;
	v0 =	vld.idx.msk [tilespmem:v6+s4+$0x0], $0xffff  }
0xbd: {  	v5 =	vor.u32 v37, v5;
	_ =	sdelay $0x3  }
0xbe: {  	[tilespmem:v7+s16+$0x0] =	vst.idx.msk $0xffff, v0  }
0xbf: {  	v6 =	vadd.s32 v36, v58;
	v0 =	vld.idx.msk [tilespmem:v5+s4+$0x0], $0xffff  }
0xc0: {  	v7 =	vor.u32 v37, v4;
	_ =	sdelay $0x3  }
0xc1: {  	[tilespmem:v6+s16+$0x0] =	vst.idx.msk $0xffff, v0;
	v0 =	vor.u32 $0x400, v61  }
0xc2: {  	v61 =	vadd.s32 v36, v59;
	v1 =	vld.idx.msk [tilespmem:v7+s4+$0x0], $0xffff;
	v3 =	vor.u32 v53, v0  }
0xc3: {  	v53 =	vor.u32 v16, v3;
	_ =	sdelay $0x3  }
0xc4: {  	[tilespmem:v61+s16+$0x0] =	vst.idx.msk $0xffff, v1  }
0xc5: {  	v4 =	vor.u32 v60, v0;
	v61 =	vadd.s32 v38, v50;
	v1 =	vld.idx.msk [tilespmem:v53+s4+$0x0], $0xffff  }
0xc6: {  	v53 =	vor.u32 v16, v4;
	_ =	sdelay $0x3  }
0xc7: {  	[tilespmem:v61+s16+$0x0] =	vst.idx.msk $0xffff, v1  }
0xc8: {  	v60 =	vadd.s32 v38, v51;
	v5 =	vor.u32 v62, v0;
	v1 =	vld.idx.msk [tilespmem:v53+s4+$0x0], $0xffff  }
0xc9: {  	v61 =	vor.u32 v16, v5;
	_ =	sdelay $0x3  }
0xca: {  	[tilespmem:v60+s16+$0x0] =	vst.idx.msk $0xffff, v1  }
0xcb: {  	v62 =	vadd.s32 v38, v52;
	v0 =	vor.u32 v63, v0;
	v1 =	vld.idx.msk [tilespmem:v61+s4+$0x0], $0xffff  }
0xcc: {  	v53 =	vor.u32 v16, v0;
	_ =	sdelay $0x3  }
0xcd: {  	[tilespmem:v62+s16+$0x0] =	vst.idx.msk $0xffff, v1  }
0xce: {  	v60 =	vadd.s32 v38, v55;
	v1 =	vld.idx.msk [tilespmem:v53+s4+$0x0], $0xffff  }
0xcf: {  	v61 =	vor.u32 v21, v3;
	_ =	sdelay $0x3  }
0xd0: {  	[tilespmem:v60+s16+$0x0] =	vst.idx.msk $0xffff, v1  }
0xd1: {  	v62 =	vadd.s32 v38, v56;
	v1 =	vld.idx.msk [tilespmem:v61+s4+$0x0], $0xffff  }
0xd2: {  	v63 =	vadd.s32 v39, v54;
	_ =	sdelay $0x3  }
0xd3: {  	[tilespmem:v62+s16+$0x0] =	vst.idx.msk $0xffff, v1  }
0xd4: {  	v53 =	vadd.s32 v38, v57;
	v1 =	vld.idx.msk [tilespmem:v63+s4+$0x0], $0xffff  }
0xd5: {  	v60 =	vadd.s32 v40, v54;
	_ =	sdelay $0x3  }
0xd6: {  	[tilespmem:v53+s16+$0x0] =	vst.idx.msk $0xffff, v1  }
0xd7: {  	v61 =	vadd.s32 v38, v58;
	v1 =	vld.idx.msk [tilespmem:v60+s4+$0x0], $0xffff  }
0xd8: {  	v62 =	vadd.s32 v41, v54;
	_ =	sdelay $0x3  }
0xd9: {  	[tilespmem:v61+s16+$0x0] =	vst.idx.msk $0xffff, v1  }
0xda: {  	v63 =	vadd.s32 v38, v59;
	v1 =	vld.idx.msk [tilespmem:v62+s4+$0x0], $0xffff  }
0xdb: {  	v53 =	vor.u32 v29, v3;
	_ =	sdelay $0x3  }
0xdc: {  	[tilespmem:v63+s16+$0x0] =	vst.idx.msk $0xffff, v1  }
0xdd: {  	v60 =	vadd.s32 v42, v50;
	v1 =	vld.idx.msk [tilespmem:v53+s4+$0x0], $0xffff  }
0xde: {  	v61 =	vor.u32 v29, v4;
	_ =	sdelay $0x3  }
0xdf: {  	[tilespmem:v60+s16+$0x0] =	vst.idx.msk $0xffff, v1  }
0xe0: {  	v62 =	vadd.s32 v42, v51;
	v1 =	vld.idx.msk [tilespmem:v61+s4+$0x0], $0xffff  }
0xe1: {  	v63 =	vor.u32 v29, v5;
	_ =	sdelay $0x3  }
0xe2: {  	[tilespmem:v62+s16+$0x0] =	vst.idx.msk $0xffff, v1  }
0xe3: {  	v53 =	vadd.s32 v42, v52;
	v1 =	vld.idx.msk [tilespmem:v63+s4+$0x0], $0xffff  }
0xe4: {  	v60 =	vor.u32 v29, v0;
	_ =	sdelay $0x3  }
0xe5: {  	[tilespmem:v53+s16+$0x0] =	vst.idx.msk $0xffff, v1  }
0xe6: {  	v61 =	vadd.s32 v42, v55;
	v1 =	vld.idx.msk [tilespmem:v60+s4+$0x0], $0xffff  }
0xe7: {  	v62 =	vor.u32 v31, v3;
	_ =	sdelay $0x3  }
0xe8: {  	[tilespmem:v61+s16+$0x0] =	vst.idx.msk $0xffff, v1  }
0xe9: {  	v63 =	vadd.s32 v42, v56;
	v1 =	vld.idx.msk [tilespmem:v62+s4+$0x0], $0xffff  }
0xea: {  	v53 =	vadd.s32 v43, v54;
	_ =	sdelay $0x3  }
0xeb: {  	[tilespmem:v63+s16+$0x0] =	vst.idx.msk $0xffff, v1  }
0xec: {  	v60 =	vadd.s32 v42, v57;
	v1 =	vld.idx.msk [tilespmem:v53+s4+$0x0], $0xffff  }
0xed: {  	v61 =	vadd.s32 v44, v54;
	_ =	sdelay $0x3  }
0xee: {  	[tilespmem:v60+s16+$0x0] =	vst.idx.msk $0xffff, v1  }
0xef: {  	v62 =	vadd.s32 v42, v58;
	v1 =	vld.idx.msk [tilespmem:v61+s4+$0x0], $0xffff  }
0xf0: {  	v63 =	vadd.s32 v45, v54;
	_ =	sdelay $0x3  }
0xf1: {  	[tilespmem:v62+s16+$0x0] =	vst.idx.msk $0xffff, v1  }
0xf2: {  	v53 =	vadd.s32 v42, v59;
	v1 =	vld.idx.msk [tilespmem:v63+s4+$0x0], $0xffff  }
0xf3: {  	v60 =	vor.u32 v32, v3;
	_ =	sdelay $0x3  }
0xf4: {  	[tilespmem:v53+s16+$0x0] =	vst.idx.msk $0xffff, v1  }
0xf5: {  	v61 =	vadd.s32 v46, v50;
	v1 =	vld.idx.msk [tilespmem:v60+s4+$0x0], $0xffff  }
0xf6: {  	v62 =	vor.u32 v32, v4;
	_ =	sdelay $0x3  }
0xf7: {  	[tilespmem:v61+s16+$0x0] =	vst.idx.msk $0xffff, v1  }
0xf8: {  	v63 =	vadd.s32 v46, v51;
	v1 =	vld.idx.msk [tilespmem:v62+s4+$0x0], $0xffff  }
0xf9: {  	v53 =	vor.u32 v32, v5;
	_ =	sdelay $0x3  }
0xfa: {  	[tilespmem:v63+s16+$0x0] =	vst.idx.msk $0xffff, v1  }
0xfb: {  	v60 =	vadd.s32 v46, v52;
	v1 =	vld.idx.msk [tilespmem:v53+s4+$0x0], $0xffff  }
0xfc: {  	v61 =	vor.u32 v32, v0;
	_ =	sdelay $0x3  }
0xfd: {  	[tilespmem:v60+s16+$0x0] =	vst.idx.msk $0xffff, v1  }
0xfe: {  	v62 =	vadd.s32 v46, v55;
	v1 =	vld.idx.msk [tilespmem:v61+s4+$0x0], $0xffff  }
0xff: {  	v63 =	vor.u32 v34, v3;
	_ =	sdelay $0x3  }
0x100: {  	[tilespmem:v62+s16+$0x0] =	vst.idx.msk $0xffff, v1  }
0x101: {  	v53 =	vadd.s32 v46, v56;
	v1 =	vld.idx.msk [tilespmem:v63+s4+$0x0], $0xffff  }
0x102: {  	v60 =	vadd.s32 v47, v54;
	_ =	sdelay $0x3  }
0x103: {  	[tilespmem:v53+s16+$0x0] =	vst.idx.msk $0xffff, v1  }
0x104: {  	v61 =	vadd.s32 v46, v57;
	v1 =	vld.idx.msk [tilespmem:v60+s4+$0x0], $0xffff  }
0x105: {  	v62 =	vadd.s32 v48, v54;
	_ =	sdelay $0x3  }
0x106: {  	[tilespmem:v61+s16+$0x0] =	vst.idx.msk $0xffff, v1  }
0x107: {  	v63 =	vadd.s32 v46, v58;
	v1 =	vld.idx.msk [tilespmem:v62+s4+$0x0], $0xffff  }
0x108: {  	v53 =	vadd.s32 v49, v54;
	_ =	sdelay $0x3  }
0x109: {  	[tilespmem:v63+s16+$0x0] =	vst.idx.msk $0xffff, v1  }
0x10a: {  	v60 =	vadd.s32 v46, v59;
	v1 =	vld.idx.msk [tilespmem:v53+s4+$0x0], $0xffff  }
0x10b: {  	v61 =	vor.u32 v35, v3;
	_ =	sdelay $0x3  }
0x10c: {  	v53 =	vor.u32 $0x3800, v13;
	[tilespmem:v60+s16+$0x0] =	vst.idx.msk $0xffff, v1  }
0x10d: {  	v62 =	vadd.s32 v53, v50;
	v1 =	vld.idx.msk [tilespmem:v61+s4+$0x0], $0xffff  }
0x10e: {  	v4 =	vor.u32 v35, v4;
	_ =	sdelay $0x3  }
0x10f: {  	[tilespmem:v62+s16+$0x0] =	vst.idx.msk $0xffff, v1  }
0x110: {  	v63 =	vadd.s32 v53, v51;
	v1 =	vld.idx.msk [tilespmem:v4+s4+$0x0], $0xffff  }
0x111: {  	v50 =	vor.u32 v35, v5;
	_ =	sdelay $0x3  }
0x112: {  	[tilespmem:v63+s16+$0x0] =	vst.idx.msk $0xffff, v1  }
0x113: {  	v51 =	vadd.s32 v53, v52;
	v1 =	vld.idx.msk [tilespmem:v50+s4+$0x0], $0xffff  }
0x114: {  	v0 =	vor.u32 v35, v0;
	_ =	sdelay $0x3  }
0x115: {  	[tilespmem:v51+s16+$0x0] =	vst.idx.msk $0xffff, v1  }
0x116: {  	v52 =	vadd.s32 v53, v55;
	v0 =	vld.idx.msk [tilespmem:v0+s4+$0x0], $0xffff  }
0x117: {  	v55 =	vor.u32 v37, v3;
	_ =	sdelay $0x3  }
0x118: {  	[tilespmem:v52+s16+$0x0] =	vst.idx.msk $0xffff, v0  }
0x119: {  	v56 =	vadd.s32 v53, v56;
	v50 =	vor.u32 $0x1461, v16;
	v0 =	vld.idx.msk [tilespmem:v55+s4+$0x0], $0xffff  }
0x11a: {  	v60 =	vadd.s32 v50, v54;
	_ =	sdelay $0x3  }
0x11b: {  	[tilespmem:v56+s16+$0x0] =	vst.idx.msk $0xffff, v0  }
0x11c: {  	v61 =	vadd.s32 v53, v57;
	v51 =	vor.u32 $0x2461, v16;
	v0 =	vld.idx.msk [tilespmem:v60+s4+$0x0], $0xffff  }
0x11d: {  	v62 =	vadd.s32 v51, v54;
	_ =	sdelay $0x3  }
0x11e: {  	[tilespmem:v61+s16+$0x0] =	vst.idx.msk $0xffff, v0  }
0x11f: {  	v63 =	vadd.s32 v53, v58;
	v52 =	vor.u32 $0x3461, v16;
	v0 =	vld.idx.msk [tilespmem:v62+s4+$0x0], $0xffff  }
0x120: {  	v4 =	vadd.s32 v52, v54;
	_ =	sdelay $0x3  }
0x121: {  	[tilespmem:v63+s16+$0x0] =	vst.idx.msk $0xffff, v0  }
0x122: {  	v5 =	vadd.s32 v53, v59;
	v0 =	vld.idx.msk [tilespmem:v4+s4+$0x0], $0xffff;
	_ =	sdelay $0x4  }
0x123: {  	[tilespmem:v5+s16+$0x0] =	vst.idx.msk $0xffff, v0  }
0x124: {  	v54 =	vld [tilespmem:s26+$0x10080];
	_ =	sdelay $0x4  }
0x125: {  	v0 =	vshll.u32 v54, $0x8;
	v6 =	vshll.u32 v54, $0x7  }
0x126: {  	v56 =	vand.u32 $0xFFFFF800, v0;
	v60 =	vand.u32 $0x380, v6  }
0x127: {  	v55 =	vor.u32 v60, v56  }
0x128: {  	v7 =	vor.u32 v16, v55;
	_ =	sdelay $0x2  }
0x129: {  	v61 =	vadd.s32 $0x1000, v0  }
0x12a: {  	v57 =	vand.u32 $0xFFFFF800, v61  }
0x12b: {  	v62 =	vadd.s32 v13, v54;
	v3 =	vor.u32 v60, v57;
	v1 =	vld.idx.msk [tilespmem:v7+s4+$0x0], $0xffff  }
0x12c: {  	v63 =	vor.u32 v16, v3;
	_ =	sdelay $0x2  }
0x12d: {  	v61 =	vadd.s32 $0x2000, v0  }
0x12e: {  	v58 =	vand.u32 $0xFFFFF800, v61;
	[tilespmem:v62+s16+$0x0] =	vst.idx.msk $0xffff, v1  }
0x12f: {  	v4 =	vor.u32 v60, v58;
	v62 =	vadd.s32 v18, v54;
	v1 =	vld.idx.msk [tilespmem:v63+s4+$0x0], $0xffff  }
0x130: {  	v63 =	vor.u32 v16, v4;
	_ =	sdelay $0x2  }
0x131: {  	v0 =	vadd.s32 $0x3000, v0  }
0x132: {  	v59 =	vand.u32 $0xFFFFF800, v0;
	[tilespmem:v62+s16+$0x0] =	vst.idx.msk $0xffff, v1  }
0x133: {  	v2 =	vor.u32 v60, v59;
	v62 =	vadd.s32 v19, v54;
	v61 =	vld.idx.msk [tilespmem:v63+s4+$0x0], $0xffff  }
0x134: {  	v63 =	vor.u32 v16, v2;
	_ =	sdelay $0x3  }
0x135: {  	[tilespmem:v62+s16+$0x0] =	vst.idx.msk $0xffff, v61  }
0x136: {  	v61 =	vadd.s32 v20, v54;
	v0 =	vld.idx.msk [tilespmem:v63+s4+$0x0], $0xffff  }
0x137: {  	v62 =	vor.u32 v21, v55;
	_ =	sdelay $0x3  }
0x138: {  	[tilespmem:v61+s16+$0x0] =	vst.idx.msk $0xffff, v0  }
0x139: {  	v63 =	vadd.s32 v22, v54;
	v0 =	vld.idx.msk [tilespmem:v62+s4+$0x0], $0xffff  }
0x13a: {  	v61 =	vadd.s32 v23, v55;
	_ =	sdelay $0x3  }
0x13b: {  	[tilespmem:v63+s16+$0x0] =	vst.idx.msk $0xffff, v0  }
0x13c: {  	v62 =	vadd.s32 v24, v54;
	v0 =	vld.idx.msk [tilespmem:v61+s4+$0x0], $0xffff  }
0x13d: {  	v63 =	vadd.s32 v25, v55;
	_ =	sdelay $0x3  }
0x13e: {  	[tilespmem:v62+s16+$0x0] =	vst.idx.msk $0xffff, v0  }
0x13f: {  	v61 =	vadd.s32 v26, v54;
	v0 =	vld.idx.msk [tilespmem:v63+s4+$0x0], $0xffff  }
0x140: {  	v62 =	vadd.s32 v27, v55;
	_ =	sdelay $0x3  }
0x141: {  	[tilespmem:v61+s16+$0x0] =	vst.idx.msk $0xffff, v0  }
0x142: {  	v63 =	vadd.s32 v28, v54;
	v0 =	vld.idx.msk [tilespmem:v62+s4+$0x0], $0xffff  }
0x143: {  	v61 =	vor.u32 v29, v55;
	_ =	sdelay $0x3  }
0x144: {  	[tilespmem:v63+s16+$0x0] =	vst.idx.msk $0xffff, v0  }
0x145: {  	v62 =	vadd.s32 v30, v54;
	v0 =	vld.idx.msk [tilespmem:v61+s4+$0x0], $0xffff  }
0x146: {  	v63 =	vor.u32 v29, v3;
	_ =	sdelay $0x3  }
0x147: {  	v7 =	vor.u32 $0x810, v13;
	[tilespmem:v62+s16+$0x0] =	vst.idx.msk $0xffff, v0  }
0x148: {  	v0 =	vadd.s32 v7, v54;
	v1 =	vld.idx.msk [tilespmem:v63+s4+$0x0], $0xffff  }
0x149: {  	v61 =	vor.u32 v29, v4;
	_ =	sdelay $0x3  }
0x14a: {  	v62 =	vor.u32 $0x820, v13;
	[tilespmem:v0+s16+$0x0] =	vst.idx.msk $0xffff, v1  }
0x14b: {  	v0 =	vadd.s32 v62, v54;
	v1 =	vld.idx.msk [tilespmem:v61+s4+$0x0], $0xffff  }
0x14c: {  	v63 =	vor.u32 v29, v2;
	_ =	sdelay $0x3  }
0x14d: {  	v7 =	vor.u32 $0x830, v13;
	[tilespmem:v0+s16+$0x0] =	vst.idx.msk $0xffff, v1  }
0x14e: {  	v0 =	vadd.s32 v7, v54;
	v1 =	vld.idx.msk [tilespmem:v63+s4+$0x0], $0xffff  }
0x14f: {  	v61 =	vor.u32 v31, v55;
	_ =	sdelay $0x3  }
0x150: {  	v62 =	vor.u32 $0x840, v13;
	[tilespmem:v0+s16+$0x0] =	vst.idx.msk $0xffff, v1  }
0x151: {  	v63 =	vor.u32 $0x1021, v16;
	v0 =	vadd.s32 v62, v54;
	v1 =	vld.idx.msk [tilespmem:v61+s4+$0x0], $0xffff  }
0x152: {  	v5 =	vadd.s32 v63, v55;
	_ =	sdelay $0x3  }
0x153: {  	v7 =	vor.u32 $0x850, v13;
	[tilespmem:v0+s16+$0x0] =	vst.idx.msk $0xffff, v1  }
0x154: {  	v61 =	vor.u32 $0x2021, v16;
	v0 =	vadd.s32 v7, v54;
	v1 =	vld.idx.msk [tilespmem:v5+s4+$0x0], $0xffff  }
0x155: {  	v5 =	vadd.s32 v61, v55;
	_ =	sdelay $0x3  }
0x156: {  	v62 =	vor.u32 $0x860, v13;
	[tilespmem:v0+s16+$0x0] =	vst.idx.msk $0xffff, v1  }
0x157: {  	v63 =	vor.u32 $0x3021, v16;
	v0 =	vadd.s32 v62, v54;
	v1 =	vld.idx.msk [tilespmem:v5+s4+$0x0], $0xffff  }
0x158: {  	v5 =	vadd.s32 v63, v55;
	_ =	sdelay $0x3  }
0x159: {  	v61 =	vor.u32 $0x870, v13;
	[tilespmem:v0+s16+$0x0] =	vst.idx.msk $0xffff, v1  }
0x15a: {  	v0 =	vadd.s32 v61, v54;
	v1 =	vld.idx.msk [tilespmem:v5+s4+$0x0], $0xffff  }
0x15b: {  	v62 =	vor.u32 v32, v55;
	_ =	sdelay $0x3  }
0x15c: {  	[tilespmem:v0+s16+$0x0] =	vst.idx.msk $0xffff, v1  }
0x15d: {  	v63 =	vadd.s32 v33, v54;
	v0 =	vld.idx.msk [tilespmem:v62+s4+$0x0], $0xffff  }
0x15e: {  	v61 =	vor.u32 v32, v3;
	_ =	sdelay $0x3  }
0x15f: {  	v62 =	vor.u32 $0x1010, v13;
	[tilespmem:v63+s16+$0x0] =	vst.idx.msk $0xffff, v0  }
0x160: {  	v0 =	vadd.s32 v62, v54;
	v1 =	vld.idx.msk [tilespmem:v61+s4+$0x0], $0xffff  }
0x161: {  	v63 =	vor.u32 v32, v4;
	_ =	sdelay $0x3  }
0x162: {  	v7 =	vor.u32 $0x1020, v13;
	[tilespmem:v0+s16+$0x0] =	vst.idx.msk $0xffff, v1  }
0x163: {  	v0 =	vadd.s32 v7, v54;
	v1 =	vld.idx.msk [tilespmem:v63+s4+$0x0], $0xffff  }
0x164: {  	v61 =	vor.u32 v32, v2;
	_ =	sdelay $0x3  }
0x165: {  	v62 =	vor.u32 $0x1030, v13;
	[tilespmem:v0+s16+$0x0] =	vst.idx.msk $0xffff, v1  }
0x166: {  	v0 =	vadd.s32 v62, v54;
	v1 =	vld.idx.msk [tilespmem:v61+s4+$0x0], $0xffff  }
0x167: {  	v63 =	vor.u32 v34, v55;
	_ =	sdelay $0x3  }
0x168: {  	v7 =	vor.u32 $0x1040, v13;
	[tilespmem:v0+s16+$0x0] =	vst.idx.msk $0xffff, v1  }
0x169: {  	v61 =	vor.u32 $0x1041, v16;
	v0 =	vadd.s32 v7, v54;
	v1 =	vld.idx.msk [tilespmem:v63+s4+$0x0], $0xffff  }
0x16a: {  	v5 =	vadd.s32 v61, v55;
	_ =	sdelay $0x3  }
0x16b: {  	v62 =	vor.u32 $0x1050, v13;
	[tilespmem:v0+s16+$0x0] =	vst.idx.msk $0xffff, v1  }
0x16c: {  	v63 =	vor.u32 $0x2041, v16;
	v0 =	vadd.s32 v62, v54;
	v1 =	vld.idx.msk [tilespmem:v5+s4+$0x0], $0xffff  }
0x16d: {  	v5 =	vadd.s32 v63, v55;
	_ =	sdelay $0x3  }
0x16e: {  	v7 =	vor.u32 $0x1060, v13;
	[tilespmem:v0+s16+$0x0] =	vst.idx.msk $0xffff, v1  }
0x16f: {  	v61 =	vor.u32 $0x3041, v16;
	v0 =	vadd.s32 v7, v54;
	v1 =	vld.idx.msk [tilespmem:v5+s4+$0x0], $0xffff  }
0x170: {  	v5 =	vadd.s32 v61, v55;
	_ =	sdelay $0x3  }
0x171: {  	v62 =	vor.u32 $0x1070, v13;
	[tilespmem:v0+s16+$0x0] =	vst.idx.msk $0xffff, v1  }
0x172: {  	v0 =	vadd.s32 v62, v54;
	v1 =	vld.idx.msk [tilespmem:v5+s4+$0x0], $0xffff  }
0x173: {  	v63 =	vor.u32 v35, v55;
	_ =	sdelay $0x3  }
0x174: {  	[tilespmem:v0+s16+$0x0] =	vst.idx.msk $0xffff, v1  }
0x175: {  	v61 =	vadd.s32 v36, v54;
	v0 =	vld.idx.msk [tilespmem:v63+s4+$0x0], $0xffff  }
0x176: {  	v3 =	vor.u32 v35, v3;
	_ =	sdelay $0x3  }
0x177: {  	v62 =	vor.u32 $0x1810, v13;
	[tilespmem:v61+s16+$0x0] =	vst.idx.msk $0xffff, v0  }
0x178: {  	v0 =	vadd.s32 v62, v54;
	v1 =	vld.idx.msk [tilespmem:v3+s4+$0x0], $0xffff  }
0x179: {  	v63 =	vor.u32 v35, v4;
	_ =	sdelay $0x3  }
0x17a: {  	v5 =	vor.u32 $0x1820, v13;
	[tilespmem:v0+s16+$0x0] =	vst.idx.msk $0xffff, v1  }
0x17b: {  	v0 =	vadd.s32 v5, v54;
	v1 =	vld.idx.msk [tilespmem:v63+s4+$0x0], $0xffff  }
0x17c: {  	v2 =	vor.u32 v35, v2;
	_ =	sdelay $0x3  }
0x17d: {  	v6 =	vor.u32 $0x1830, v13;
	[tilespmem:v0+s16+$0x0] =	vst.idx.msk $0xffff, v1  }
0x17e: {  	v0 =	vadd.s32 v6, v54;
	v1 =	vld.idx.msk [tilespmem:v2+s4+$0x0], $0xffff  }
0x17f: {  	v7 =	vor.u32 v37, v55;
	_ =	sdelay $0x3  }
0x180: {  	v61 =	vor.u32 $0x1840, v13;
	[tilespmem:v0+s16+$0x0] =	vst.idx.msk $0xffff, v1  }
0x181: {  	v62 =	vor.u32 $0x1061, v16;
	v0 =	vadd.s32 v61, v54;
	v1 =	vld.idx.msk [tilespmem:v7+s4+$0x0], $0xffff  }
0x182: {  	v2 =	vadd.s32 v62, v55;
	_ =	sdelay $0x3  }
0x183: {  	v63 =	vor.u32 $0x1850, v13;
	[tilespmem:v0+s16+$0x0] =	vst.idx.msk $0xffff, v1  }
0x184: {  	v4 =	vor.u32 $0x2061, v16;
	v0 =	vadd.s32 v63, v54;
	v1 =	vld.idx.msk [tilespmem:v2+s4+$0x0], $0xffff  }
0x185: {  	v2 =	vadd.s32 v4, v55;
	_ =	sdelay $0x3  }
0x186: {  	v5 =	vor.u32 $0x1860, v13;
	[tilespmem:v0+s16+$0x0] =	vst.idx.msk $0xffff, v1  }
0x187: {  	v6 =	vor.u32 $0x3061, v16;
	v0 =	vadd.s32 v5, v54;
	v1 =	vld.idx.msk [tilespmem:v2+s4+$0x0], $0xffff  }
0x188: {  	v2 =	vadd.s32 v6, v55;
	_ =	sdelay $0x3  }
0x189: {  	v60 =	vor.u32 $0x400, v60;
	v7 =	vor.u32 $0x1870, v13;
	[tilespmem:v0+s16+$0x0] =	vst.idx.msk $0xffff, v1  }
0x18a: {  	v56 =	vor.u32 v56, v60;
	v0 =	vadd.s32 v7, v54;
	v2 =	vld.idx.msk [tilespmem:v2+s4+$0x0], $0xffff  }
0x18b: {  	v61 =	vor.u32 v16, v56;
	_ =	sdelay $0x3  }
0x18c: {  	[tilespmem:v0+s16+$0x0] =	vst.idx.msk $0xffff, v2  }
0x18d: {  	v3 =	vor.u32 v57, v60;
	v62 =	vadd.s32 v38, v54;
	v0 =	vld.idx.msk [tilespmem:v61+s4+$0x0], $0xffff  }
0x18e: {  	v63 =	vor.u32 v16, v3;
	_ =	sdelay $0x3  }
0x18f: {  	v7 =	vor.u32 $0x2010, v13;
	[tilespmem:v62+s16+$0x0] =	vst.idx.msk $0xffff, v0  }
0x190: {  	v4 =	vor.u32 v58, v60;
	v0 =	vadd.s32 v7, v54;
	v2 =	vld.idx.msk [tilespmem:v63+s4+$0x0], $0xffff  }
0x191: {  	v57 =	vor.u32 v16, v4;
	_ =	sdelay $0x3  }
0x192: {  	v58 =	vor.u32 $0x2020, v13;
	[tilespmem:v0+s16+$0x0] =	vst.idx.msk $0xffff, v2  }
0x193: {  	v1 =	vor.u32 v59, v60;
	v0 =	vadd.s32 v58, v54;
	v2 =	vld.idx.msk [tilespmem:v57+s4+$0x0], $0xffff  }
0x194: {  	v59 =	vor.u32 v16, v1;
	_ =	sdelay $0x3  }
0x195: {  	v60 =	vor.u32 $0x2030, v13;
	[tilespmem:v0+s16+$0x0] =	vst.idx.msk $0xffff, v2  }
0x196: {  	v0 =	vadd.s32 v60, v54;
	v2 =	vld.idx.msk [tilespmem:v59+s4+$0x0], $0xffff  }
0x197: {  	v61 =	vor.u32 v21, v56;
	_ =	sdelay $0x3  }
0x198: {  	v62 =	vor.u32 $0x2040, v13;
	[tilespmem:v0+s16+$0x0] =	vst.idx.msk $0xffff, v2  }
0x199: {  	v0 =	vadd.s32 v62, v54;
	v2 =	vld.idx.msk [tilespmem:v61+s4+$0x0], $0xffff  }
0x19a: {  	v63 =	vadd.s32 v39, v55;
	_ =	sdelay $0x3  }
0x19b: {  	v7 =	vor.u32 $0x2050, v13;
	[tilespmem:v0+s16+$0x0] =	vst.idx.msk $0xffff, v2  }
0x19c: {  	v0 =	vadd.s32 v7, v54;
	v2 =	vld.idx.msk [tilespmem:v63+s4+$0x0], $0xffff  }
0x19d: {  	v57 =	vadd.s32 v40, v55;
	_ =	sdelay $0x3  }
0x19e: {  	v58 =	vor.u32 $0x2060, v13;
	[tilespmem:v0+s16+$0x0] =	vst.idx.msk $0xffff, v2  }
0x19f: {  	v0 =	vadd.s32 v58, v54;
	v2 =	vld.idx.msk [tilespmem:v57+s4+$0x0], $0xffff  }
0x1a0: {  	v59 =	vadd.s32 v41, v55;
	_ =	sdelay $0x3  }
0x1a1: {  	v60 =	vor.u32 $0x2070, v13;
	[tilespmem:v0+s16+$0x0] =	vst.idx.msk $0xffff, v2  }
0x1a2: {  	v0 =	vadd.s32 v60, v54;
	v2 =	vld.idx.msk [tilespmem:v59+s4+$0x0], $0xffff  }
0x1a3: {  	v61 =	vor.u32 v29, v56;
	_ =	sdelay $0x3  }
0x1a4: {  	[tilespmem:v0+s16+$0x0] =	vst.idx.msk $0xffff, v2  }
0x1a5: {  	v62 =	vadd.s32 v42, v54;
	v0 =	vld.idx.msk [tilespmem:v61+s4+$0x0], $0xffff  }
0x1a6: {  	v63 =	vor.u32 v29, v3;
	_ =	sdelay $0x3  }
0x1a7: {  	v7 =	vor.u32 $0x2810, v13;
	[tilespmem:v62+s16+$0x0] =	vst.idx.msk $0xffff, v0  }
0x1a8: {  	v0 =	vadd.s32 v7, v54;
	v2 =	vld.idx.msk [tilespmem:v63+s4+$0x0], $0xffff  }
0x1a9: {  	v57 =	vor.u32 v29, v4;
	_ =	sdelay $0x3  }
0x1aa: {  	v58 =	vor.u32 $0x2820, v13;
	[tilespmem:v0+s16+$0x0] =	vst.idx.msk $0xffff, v2  }
0x1ab: {  	v0 =	vadd.s32 v58, v54;
	v2 =	vld.idx.msk [tilespmem:v57+s4+$0x0], $0xffff  }
0x1ac: {  	v59 =	vor.u32 v29, v1;
	_ =	sdelay $0x3  }
0x1ad: {  	v60 =	vor.u32 $0x2830, v13;
	[tilespmem:v0+s16+$0x0] =	vst.idx.msk $0xffff, v2  }
0x1ae: {  	v0 =	vadd.s32 v60, v54;
	v2 =	vld.idx.msk [tilespmem:v59+s4+$0x0], $0xffff  }
0x1af: {  	v61 =	vor.u32 v31, v56;
	_ =	sdelay $0x3  }
0x1b0: {  	v62 =	vor.u32 $0x2840, v13;
	[tilespmem:v0+s16+$0x0] =	vst.idx.msk $0xffff, v2  }
0x1b1: {  	v0 =	vadd.s32 v62, v54;
	v2 =	vld.idx.msk [tilespmem:v61+s4+$0x0], $0xffff  }
0x1b2: {  	v63 =	vadd.s32 v43, v55;
	_ =	sdelay $0x3  }
0x1b3: {  	v7 =	vor.u32 $0x2850, v13;
	[tilespmem:v0+s16+$0x0] =	vst.idx.msk $0xffff, v2  }
0x1b4: {  	v0 =	vadd.s32 v7, v54;
	v2 =	vld.idx.msk [tilespmem:v63+s4+$0x0], $0xffff  }
0x1b5: {  	v57 =	vadd.s32 v44, v55;
	_ =	sdelay $0x3  }
0x1b6: {  	v58 =	vor.u32 $0x2860, v13;
	[tilespmem:v0+s16+$0x0] =	vst.idx.msk $0xffff, v2  }
0x1b7: {  	v0 =	vadd.s32 v58, v54;
	v2 =	vld.idx.msk [tilespmem:v57+s4+$0x0], $0xffff  }
0x1b8: {  	v59 =	vadd.s32 v45, v55;
	_ =	sdelay $0x3  }
0x1b9: {  	v60 =	vor.u32 $0x2870, v13;
	[tilespmem:v0+s16+$0x0] =	vst.idx.msk $0xffff, v2  }
0x1ba: {  	v0 =	vadd.s32 v60, v54;
	v2 =	vld.idx.msk [tilespmem:v59+s4+$0x0], $0xffff  }
0x1bb: {  	v61 =	vor.u32 v32, v56;
	_ =	sdelay $0x3  }
0x1bc: {  	[tilespmem:v0+s16+$0x0] =	vst.idx.msk $0xffff, v2  }
0x1bd: {  	v62 =	vadd.s32 v46, v54;
	v0 =	vld.idx.msk [tilespmem:v61+s4+$0x0], $0xffff  }
0x1be: {  	v63 =	vor.u32 v32, v3;
	_ =	sdelay $0x3  }
0x1bf: {  	v7 =	vor.u32 $0x3010, v13;
	[tilespmem:v62+s16+$0x0] =	vst.idx.msk $0xffff, v0  }
0x1c0: {  	v0 =	vadd.s32 v7, v54;
	v2 =	vld.idx.msk [tilespmem:v63+s4+$0x0], $0xffff  }
0x1c1: {  	v57 =	vor.u32 v32, v4;
	_ =	sdelay $0x3  }
0x1c2: {  	v58 =	vor.u32 $0x3020, v13;
	[tilespmem:v0+s16+$0x0] =	vst.idx.msk $0xffff, v2  }
0x1c3: {  	v0 =	vadd.s32 v58, v54;
	v2 =	vld.idx.msk [tilespmem:v57+s4+$0x0], $0xffff  }
0x1c4: {  	v59 =	vor.u32 v32, v1;
	_ =	sdelay $0x3  }
0x1c5: {  	v60 =	vor.u32 $0x3030, v13;
	[tilespmem:v0+s16+$0x0] =	vst.idx.msk $0xffff, v2  }
0x1c6: {  	v0 =	vadd.s32 v60, v54;
	v2 =	vld.idx.msk [tilespmem:v59+s4+$0x0], $0xffff  }
0x1c7: {  	v61 =	vor.u32 v34, v56;
	_ =	sdelay $0x3  }
0x1c8: {  	v62 =	vor.u32 $0x3040, v13;
	[tilespmem:v0+s16+$0x0] =	vst.idx.msk $0xffff, v2  }
0x1c9: {  	v0 =	vadd.s32 v62, v54;
	v2 =	vld.idx.msk [tilespmem:v61+s4+$0x0], $0xffff  }
0x1ca: {  	v63 =	vadd.s32 v47, v55;
	_ =	sdelay $0x3  }
0x1cb: {  	v57 =	vor.u32 $0x3050, v13;
	[tilespmem:v0+s16+$0x0] =	vst.idx.msk $0xffff, v2  }
0x1cc: {  	v0 =	vadd.s32 v57, v54;
	v2 =	vld.idx.msk [tilespmem:v63+s4+$0x0], $0xffff  }
0x1cd: {  	v58 =	vadd.s32 v48, v55;
	_ =	sdelay $0x3  }
0x1ce: {  	v59 =	vor.u32 $0x3060, v13;
	[tilespmem:v0+s16+$0x0] =	vst.idx.msk $0xffff, v2  }
0x1cf: {  	v0 =	vadd.s32 v59, v54;
	v2 =	vld.idx.msk [tilespmem:v58+s4+$0x0], $0xffff  }
0x1d0: {  	v60 =	vadd.s32 v49, v55;
	_ =	sdelay $0x3  }
0x1d1: {  	v61 =	vor.u32 $0x3070, v13;
	[tilespmem:v0+s16+$0x0] =	vst.idx.msk $0xffff, v2  }
0x1d2: {  	v0 =	vadd.s32 v61, v54;
	v2 =	vld.idx.msk [tilespmem:v60+s4+$0x0], $0xffff  }
0x1d3: {  	v62 =	vor.u32 v35, v56;
	_ =	sdelay $0x3  }
0x1d4: {  	[tilespmem:v0+s16+$0x0] =	vst.idx.msk $0xffff, v2  }
0x1d5: {  	v63 =	vadd.s32 v53, v54;
	v0 =	vld.idx.msk [tilespmem:v62+s4+$0x0], $0xffff  }
0x1d6: {  	v3 =	vor.u32 v35, v3;
	_ =	sdelay $0x3  }
0x1d7: {  	v5 =	vor.u32 $0x3810, v13;
	[tilespmem:v63+s16+$0x0] =	vst.idx.msk $0xffff, v0  }
0x1d8: {  	v0 =	vadd.s32 v5, v54;
	v2 =	vld.idx.msk [tilespmem:v3+s4+$0x0], $0xffff  }
0x1d9: {  	v6 =	vor.u32 v35, v4;
	_ =	sdelay $0x3  }
0x1da: {  	v7 =	vor.u32 $0x3820, v13;
	[tilespmem:v0+s16+$0x0] =	vst.idx.msk $0xffff, v2  }
0x1db: {  	v0 =	vadd.s32 v7, v54;
	v2 =	vld.idx.msk [tilespmem:v6+s4+$0x0], $0xffff  }
0x1dc: {  	v1 =	vor.u32 v35, v1;
	_ =	sdelay $0x3  }
0x1dd: {  	v53 =	vor.u32 $0x3830, v13;
	[tilespmem:v0+s16+$0x0] =	vst.idx.msk $0xffff, v2  }
0x1de: {  	v0 =	vadd.s32 v53, v54;
	v1 =	vld.idx.msk [tilespmem:v1+s4+$0x0], $0xffff  }
0x1df: {  	v56 =	vor.u32 v37, v56;
	_ =	sdelay $0x3  }
0x1e0: {  	v57 =	vor.u32 $0x3840, v13;
	[tilespmem:v0+s16+$0x0] =	vst.idx.msk $0xffff, v1  }
0x1e1: {  	v0 =	vadd.s32 v57, v54;
	v1 =	vld.idx.msk [tilespmem:v56+s4+$0x0], $0xffff  }
0x1e2: {  	v58 =	vadd.s32 v50, v55;
	_ =	sdelay $0x3  }
0x1e3: {  	v59 =	vor.u32 $0x3850, v13;
	[tilespmem:v0+s16+$0x0] =	vst.idx.msk $0xffff, v1  }
0x1e4: {  	v0 =	vadd.s32 v59, v54;
	v1 =	vld.idx.msk [tilespmem:v58+s4+$0x0], $0xffff  }
0x1e5: {  	v60 =	vadd.s32 v51, v55;
	_ =	sdelay $0x3  }
0x1e6: {  	v61 =	vor.u32 $0x3860, v13;
	[tilespmem:v0+s16+$0x0] =	vst.idx.msk $0xffff, v1  }
0x1e7: {  	v0 =	vadd.s32 v61, v54;
	v1 =	vld.idx.msk [tilespmem:v60+s4+$0x0], $0xffff  }
0x1e8: {  	v62 =	vadd.s32 v52, v55;
	_ =	sdelay $0x3  }
0x1e9: {  	v63 =	vor.u32 $0x3870, v13;
	[tilespmem:v0+s16+$0x0] =	vst.idx.msk $0xffff, v1  }
0x1ea: {  	p1 =	sne.s32 s25, $0x1C00;
	v0 =	vadd.s32 v63, v54;
	v1 =	vld.idx.msk [tilespmem:v62+s4+$0x0], $0xffff  }
.Ltmp5:
0x1eb: {  	_ = 	snop;
	(pc) =	sbr.rel @p1 .LBB2_4-.Ltmp5, $2  }
0x1ec: {  	_ =	sdelay $0x2  }
0x1ed: {  	s25 =	sadd.s32 $0x400, s25;
	[tilespmem:v0+s16+$0x0] =	vst.idx.msk $0xffff, v1  }
0x1ee: {  	s24 =	sshll.u32 s24, $0xB  }
0x1ef: {  	s24 =	sand.u32 $0x1FFFF800, s24  }
0x1f0: {  	s24 =	sadd.s32 s6, s24  }
0x1f1: {  	[hbm4b:s24+s4] =	stream.linear.scatter [tilespmem:s16], [sflag:$0x3], $0x4000, $0x38;
	[tilespmem:$0x10800] =	vst v63  }
0x1f2: {  	s24 =	sadd.s32 $0x2, s23  }
0x1f3: {  	p1 =	sge.u32 s24, s7  }
0x1f4: {  	s24 =	sadd.s32 @!p1 s5, s24  }
0x1f5: {  	s24 =	sshll.u32 @!p1 s24, $0x8  }
0x1f6: {  	s25 =	simm.s32 @!p1 $0x800;
	s24 =	sand.u32 @!p1 $0x1FFFFF00, s24  }
0x1f7: {  	s26 =	simm.s32 @!p1 $0x7A1400;
	s28 =	simm.s32 @!p1 $0x0;
	s24 =	sadd.s32 @!p1 s0, s24  }
0x1f8: {  	[tilespmem:s28], [sflag:$0x1] =	stream.strided.gather @!p1 [hbm4b:s24+s25], $0x4000, s26, s25, $0x38;
	[tilespmem:$0x10800] =	vst v63  }
.LBB2_6:
0x1f9: {  	s24 =	sor.u32 $0x1, s23  }
0x1fa: {  	p1 =	sge.u32 s24, s7  }
.Ltmp6:
0x1fb: {  	_ = 	snop;
	(pc) =	sbr.rel @p1 .LBB2_10-.Ltmp6, $1  }
0x1fc: {  	_ =	sdelay $0x3  }
0x1fd: {  	_ =	swait.ge [sflag:s17], $0x4000  }
0x1fe: {  	p1 =	seq.s32 s22, $0x0;
	[sflag:s17] =	ssyncset.done $0x0  }
0x1ff: {  	s25 =	simm.s32 @!p1 $0x4;
	[sflag:s17] =	ssyncadd.s32 $0xFFFFC000  }
0x200: {  	_ =	swait.ge @!p1 [sflag:s25], $0x4000  }
0x201: {  	[sflag:s25] =	ssyncset.done @!p1 $0x0  }
0x202: {  	s24 =	sadd.s32 s5, s24;
	[sflag:s25] =	ssyncadd.s32 @!p1 $0xFFFFC000;
	s25 =	simm.s32 $0x0  }
.LBB2_8:
0x203: {  	s26 =	sshra.s32 s25, $0x2  }
0x204: {  	v50 =	vld [tilespmem:s26+$0x10000];
	_ =	sdelay $0x4  }
0x205: {  	v0 =	vshll.u32 v50, $0x8;
	v1 =	vshll.u32 v50, $0x7  }
0x206: {  	v53 =	vand.u32 $0xFFFFF800, v0;
	v61 =	vand.u32 $0x380, v1  }
0x207: {  	v54 =	vor.u32 v61, v53  }
0x208: {  	v59 =	vor.u32 v16, v54;
	_ =	sdelay $0x1  }
0x209: {  	v51 =	vadd.s32 $0x10, v50  }
0x20a: {  	v60 =	vshll.u32 v51, $0x8  }
0x20b: {  	v60 =	vand.u32 $0xFFFFF800, v60  }
0x20c: {  	v62 =	vadd.s32 v13, v50;
	v2 =	vor.u32 v61, v60;
	v0 =	vld.idx.msk [tilespmem:v59+s14+$0x0], $0xffff  }
0x20d: {  	v3 =	vor.u32 v16, v2;
	_ =	sdelay $0x1  }
0x20e: {  	v52 =	vadd.s32 $0x20, v50  }
0x20f: {  	v4 =	vshll.u32 v52, $0x8  }
0x210: {  	[tilespmem:v62+s18+$0x0] =	vst.idx.msk $0xffff, v0;
	v62 =	vand.u32 $0xFFFFF800, v4  }
0x211: {  	v63 =	vadd.s32 v18, v50;
	v0 =	vld.idx.msk [tilespmem:v3+s14+$0x0], $0xffff;
	v3 =	vor.u32 v61, v62  }
0x212: {  	v57 =	vor.u32 v16, v3;
	_ =	sdelay $0x1  }
0x213: {  	v55 =	vadd.s32 $0x30, v50  }
0x214: {  	v5 =	vshll.u32 v55, $0x8  }
0x215: {  	[tilespmem:v63+s18+$0x0] =	vst.idx.msk $0xffff, v0;
	v63 =	vand.u32 $0xFFFFF800, v5  }
0x216: {  	v58 =	vadd.s32 v19, v50;
	v0 =	vld.idx.msk [tilespmem:v57+s14+$0x0], $0xffff;
	v4 =	vor.u32 v61, v63  }
0x217: {  	v59 =	vor.u32 v16, v4;
	_ =	sdelay $0x3  }
0x218: {  	[tilespmem:v58+s18+$0x0] =	vst.idx.msk $0xffff, v0  }
0x219: {  	v56 =	vadd.s32 v20, v50;
	v0 =	vld.idx.msk [tilespmem:v59+s14+$0x0], $0xffff  }
0x21a: {  	v57 =	vor.u32 v21, v54;
	_ =	sdelay $0x3  }
0x21b: {  	[tilespmem:v56+s18+$0x0] =	vst.idx.msk $0xffff, v0  }
0x21c: {  	v58 =	vadd.s32 v22, v50;
	v0 =	vld.idx.msk [tilespmem:v57+s14+$0x0], $0xffff  }
0x21d: {  	v59 =	vadd.s32 v23, v54;
	_ =	sdelay $0x3  }
0x21e: {  	[tilespmem:v58+s18+$0x0] =	vst.idx.msk $0xffff, v0  }
0x21f: {  	v56 =	vadd.s32 v24, v50;
	v0 =	vld.idx.msk [tilespmem:v59+s14+$0x0], $0xffff  }
0x220: {  	v57 =	vadd.s32 v25, v54;
	_ =	sdelay $0x3  }
0x221: {  	[tilespmem:v56+s18+$0x0] =	vst.idx.msk $0xffff, v0  }
0x222: {  	v58 =	vadd.s32 v26, v50;
	v0 =	vld.idx.msk [tilespmem:v57+s14+$0x0], $0xffff  }
0x223: {  	v59 =	vadd.s32 v27, v54;
	_ =	sdelay $0x3  }
0x224: {  	[tilespmem:v58+s18+$0x0] =	vst.idx.msk $0xffff, v0  }
0x225: {  	v56 =	vadd.s32 v28, v50;
	v0 =	vld.idx.msk [tilespmem:v59+s14+$0x0], $0xffff  }
0x226: {  	v57 =	vor.u32 v29, v54;
	_ =	sdelay $0x3  }
0x227: {  	[tilespmem:v56+s18+$0x0] =	vst.idx.msk $0xffff, v0  }
0x228: {  	v58 =	vadd.s32 v30, v50;
	v0 =	vld.idx.msk [tilespmem:v57+s14+$0x0], $0xffff  }
0x229: {  	v59 =	vor.u32 v29, v2;
	_ =	sdelay $0x3  }
0x22a: {  	[tilespmem:v58+s18+$0x0] =	vst.idx.msk $0xffff, v0  }
0x22b: {  	v56 =	vadd.s32 v30, v51;
	v0 =	vld.idx.msk [tilespmem:v59+s14+$0x0], $0xffff  }
0x22c: {  	v57 =	vor.u32 v29, v3;
	_ =	sdelay $0x3  }
0x22d: {  	[tilespmem:v56+s18+$0x0] =	vst.idx.msk $0xffff, v0  }
0x22e: {  	v58 =	vadd.s32 v30, v52;
	v0 =	vld.idx.msk [tilespmem:v57+s14+$0x0], $0xffff  }
0x22f: {  	v59 =	vor.u32 v29, v4;
	_ =	sdelay $0x3  }
0x230: {  	[tilespmem:v58+s18+$0x0] =	vst.idx.msk $0xffff, v0  }
0x231: {  	v1 =	vadd.s32 v30, v55;
	v0 =	vld.idx.msk [tilespmem:v59+s14+$0x0], $0xffff  }
0x232: {  	v5 =	vor.u32 v31, v54;
	_ =	sdelay $0x3  }
0x233: {  	v56 =	vadd.s32 $0x40, v50;
	[tilespmem:v1+s18+$0x0] =	vst.idx.msk $0xffff, v0  }
0x234: {  	v0 =	vadd.s32 $0x1000, v54;
	v1 =	vld.idx.msk [tilespmem:v5+s14+$0x0], $0xffff;
	v5 =	vadd.s32 v30, v56  }
0x235: {  	v6 =	vor.u32 v31, v0;
	_ =	sdelay $0x3  }
0x236: {  	v57 =	vadd.s32 $0x50, v50;
	[tilespmem:v5+s18+$0x0] =	vst.idx.msk $0xffff, v1  }
0x237: {  	v1 =	vadd.s32 $0x2000, v54;
	v5 =	vld.idx.msk [tilespmem:v6+s14+$0x0], $0xffff;
	v6 =	vadd.s32 v30, v57  }
0x238: {  	v7 =	vor.u32 v31, v1;
	_ =	sdelay $0x3  }
0x239: {  	v58 =	vadd.s32 $0x60, v50;
	[tilespmem:v6+s18+$0x0] =	vst.idx.msk $0xffff, v5  }
0x23a: {  	v5 =	vadd.s32 $0x3000, v54;
	v6 =	vld.idx.msk [tilespmem:v7+s14+$0x0], $0xffff;
	v7 =	vadd.s32 v30, v58  }
0x23b: {  	v8 =	vor.u32 v31, v5;
	_ =	sdelay $0x3  }
0x23c: {  	v59 =	vadd.s32 $0x70, v50;
	[tilespmem:v7+s18+$0x0] =	vst.idx.msk $0xffff, v6  }
0x23d: {  	v7 =	vadd.s32 v30, v59;
	v6 =	vld.idx.msk [tilespmem:v8+s14+$0x0], $0xffff  }
0x23e: {  	v8 =	vor.u32 v32, v54;
	_ =	sdelay $0x3  }
0x23f: {  	[tilespmem:v7+s18+$0x0] =	vst.idx.msk $0xffff, v6  }
0x240: {  	v7 =	vadd.s32 v33, v50;
	v6 =	vld.idx.msk [tilespmem:v8+s14+$0x0], $0xffff  }
0x241: {  	v8 =	vor.u32 v32, v2;
	_ =	sdelay $0x3  }
0x242: {  	[tilespmem:v7+s18+$0x0] =	vst.idx.msk $0xffff, v6  }
0x243: {  	v7 =	vadd.s32 v33, v51;
	v6 =	vld.idx.msk [tilespmem:v8+s14+$0x0], $0xffff  }
0x244: {  	v8 =	vor.u32 v32, v3;
	_ =	sdelay $0x3  }
0x245: {  	[tilespmem:v7+s18+$0x0] =	vst.idx.msk $0xffff, v6  }
0x246: {  	v7 =	vadd.s32 v33, v52;
	v6 =	vld.idx.msk [tilespmem:v8+s14+$0x0], $0xffff  }
0x247: {  	v8 =	vor.u32 v32, v4;
	_ =	sdelay $0x3  }
0x248: {  	[tilespmem:v7+s18+$0x0] =	vst.idx.msk $0xffff, v6  }
0x249: {  	v7 =	vadd.s32 v33, v55;
	v6 =	vld.idx.msk [tilespmem:v8+s14+$0x0], $0xffff  }
0x24a: {  	v8 =	vor.u32 v34, v54;
	_ =	sdelay $0x3  }
0x24b: {  	[tilespmem:v7+s18+$0x0] =	vst.idx.msk $0xffff, v6  }
0x24c: {  	v7 =	vadd.s32 v33, v56;
	v6 =	vld.idx.msk [tilespmem:v8+s14+$0x0], $0xffff  }
0x24d: {  	v8 =	vor.u32 v34, v0;
	_ =	sdelay $0x3  }
0x24e: {  	[tilespmem:v7+s18+$0x0] =	vst.idx.msk $0xffff, v6  }
0x24f: {  	v7 =	vadd.s32 v33, v57;
	v6 =	vld.idx.msk [tilespmem:v8+s14+$0x0], $0xffff  }
0x250: {  	v8 =	vor.u32 v34, v1;
	_ =	sdelay $0x3  }
0x251: {  	[tilespmem:v7+s18+$0x0] =	vst.idx.msk $0xffff, v6  }
0x252: {  	v7 =	vadd.s32 v33, v58;
	v6 =	vld.idx.msk [tilespmem:v8+s14+$0x0], $0xffff  }
0x253: {  	v8 =	vor.u32 v34, v5;
	_ =	sdelay $0x3  }
0x254: {  	[tilespmem:v7+s18+$0x0] =	vst.idx.msk $0xffff, v6  }
0x255: {  	v7 =	vadd.s32 v33, v59;
	v6 =	vld.idx.msk [tilespmem:v8+s14+$0x0], $0xffff  }
0x256: {  	v8 =	vor.u32 v35, v54;
	_ =	sdelay $0x3  }
0x257: {  	[tilespmem:v7+s18+$0x0] =	vst.idx.msk $0xffff, v6  }
0x258: {  	v7 =	vadd.s32 v36, v50;
	v6 =	vld.idx.msk [tilespmem:v8+s14+$0x0], $0xffff  }
0x259: {  	v2 =	vor.u32 v35, v2;
	_ =	sdelay $0x3  }
0x25a: {  	[tilespmem:v7+s18+$0x0] =	vst.idx.msk $0xffff, v6  }
0x25b: {  	v6 =	vadd.s32 v36, v51;
	v2 =	vld.idx.msk [tilespmem:v2+s14+$0x0], $0xffff  }
0x25c: {  	v3 =	vor.u32 v35, v3;
	_ =	sdelay $0x3  }
0x25d: {  	[tilespmem:v6+s18+$0x0] =	vst.idx.msk $0xffff, v2  }
0x25e: {  	v2 =	vld.idx.msk [tilespmem:v3+s14+$0x0], $0xffff;
	v3 =	vadd.s32 v36, v52  }
0x25f: {  	v4 =	vor.u32 v35, v4;
	_ =	sdelay $0x3  }
0x260: {  	[tilespmem:v3+s18+$0x0] =	vst.idx.msk $0xffff, v2  }
0x261: {  	v3 =	vadd.s32 v36, v55;
	v2 =	vld.idx.msk [tilespmem:v4+s14+$0x0], $0xffff  }
0x262: {  	v4 =	vor.u32 v37, v54;
	_ =	sdelay $0x3  }
0x263: {  	[tilespmem:v3+s18+$0x0] =	vst.idx.msk $0xffff, v2  }
0x264: {  	v7 =	vadd.s32 v36, v56;
	v2 =	vld.idx.msk [tilespmem:v4+s14+$0x0], $0xffff  }
0x265: {  	v0 =	vor.u32 v37, v0;
	_ =	sdelay $0x3  }
0x266: {  	[tilespmem:v7+s18+$0x0] =	vst.idx.msk $0xffff, v2  }
0x267: {  	v4 =	vadd.s32 v36, v57;
	v0 =	vld.idx.msk [tilespmem:v0+s14+$0x0], $0xffff  }
0x268: {  	v1 =	vor.u32 v37, v1;
	_ =	sdelay $0x3  }
0x269: {  	[tilespmem:v4+s18+$0x0] =	vst.idx.msk $0xffff, v0  }
0x26a: {  	v6 =	vadd.s32 v36, v58;
	v0 =	vld.idx.msk [tilespmem:v1+s14+$0x0], $0xffff  }
0x26b: {  	v7 =	vor.u32 v37, v5;
	_ =	sdelay $0x3  }
0x26c: {  	[tilespmem:v6+s18+$0x0] =	vst.idx.msk $0xffff, v0;
	v0 =	vor.u32 $0x400, v61  }
0x26d: {  	v61 =	vadd.s32 v36, v59;
	v1 =	vld.idx.msk [tilespmem:v7+s14+$0x0], $0xffff;
	v3 =	vor.u32 v53, v0  }
0x26e: {  	v53 =	vor.u32 v16, v3;
	_ =	sdelay $0x3  }
0x26f: {  	[tilespmem:v61+s18+$0x0] =	vst.idx.msk $0xffff, v1  }
0x270: {  	v4 =	vor.u32 v60, v0;
	v61 =	vadd.s32 v38, v50;
	v1 =	vld.idx.msk [tilespmem:v53+s14+$0x0], $0xffff  }
0x271: {  	v53 =	vor.u32 v16, v4;
	_ =	sdelay $0x3  }
0x272: {  	[tilespmem:v61+s18+$0x0] =	vst.idx.msk $0xffff, v1  }
0x273: {  	v60 =	vadd.s32 v38, v51;
	v5 =	vor.u32 v62, v0;
	v1 =	vld.idx.msk [tilespmem:v53+s14+$0x0], $0xffff  }
0x274: {  	v61 =	vor.u32 v16, v5;
	_ =	sdelay $0x3  }
0x275: {  	[tilespmem:v60+s18+$0x0] =	vst.idx.msk $0xffff, v1  }
0x276: {  	v62 =	vadd.s32 v38, v52;
	v0 =	vor.u32 v63, v0;
	v1 =	vld.idx.msk [tilespmem:v61+s14+$0x0], $0xffff  }
0x277: {  	v53 =	vor.u32 v16, v0;
	_ =	sdelay $0x3  }
0x278: {  	[tilespmem:v62+s18+$0x0] =	vst.idx.msk $0xffff, v1  }
0x279: {  	v60 =	vadd.s32 v38, v55;
	v1 =	vld.idx.msk [tilespmem:v53+s14+$0x0], $0xffff  }
0x27a: {  	v61 =	vor.u32 v21, v3;
	_ =	sdelay $0x3  }
0x27b: {  	[tilespmem:v60+s18+$0x0] =	vst.idx.msk $0xffff, v1  }
0x27c: {  	v62 =	vadd.s32 v38, v56;
	v1 =	vld.idx.msk [tilespmem:v61+s14+$0x0], $0xffff  }
0x27d: {  	v63 =	vadd.s32 v39, v54;
	_ =	sdelay $0x3  }
0x27e: {  	[tilespmem:v62+s18+$0x0] =	vst.idx.msk $0xffff, v1  }
0x27f: {  	v53 =	vadd.s32 v38, v57;
	v1 =	vld.idx.msk [tilespmem:v63+s14+$0x0], $0xffff  }
0x280: {  	v60 =	vadd.s32 v40, v54;
	_ =	sdelay $0x3  }
0x281: {  	[tilespmem:v53+s18+$0x0] =	vst.idx.msk $0xffff, v1  }
0x282: {  	v61 =	vadd.s32 v38, v58;
	v1 =	vld.idx.msk [tilespmem:v60+s14+$0x0], $0xffff  }
0x283: {  	v62 =	vadd.s32 v41, v54;
	_ =	sdelay $0x3  }
0x284: {  	[tilespmem:v61+s18+$0x0] =	vst.idx.msk $0xffff, v1  }
0x285: {  	v63 =	vadd.s32 v38, v59;
	v1 =	vld.idx.msk [tilespmem:v62+s14+$0x0], $0xffff  }
0x286: {  	v53 =	vor.u32 v29, v3;
	_ =	sdelay $0x3  }
0x287: {  	[tilespmem:v63+s18+$0x0] =	vst.idx.msk $0xffff, v1  }
0x288: {  	v60 =	vadd.s32 v42, v50;
	v1 =	vld.idx.msk [tilespmem:v53+s14+$0x0], $0xffff  }
0x289: {  	v61 =	vor.u32 v29, v4;
	_ =	sdelay $0x3  }
0x28a: {  	[tilespmem:v60+s18+$0x0] =	vst.idx.msk $0xffff, v1  }
0x28b: {  	v62 =	vadd.s32 v42, v51;
	v1 =	vld.idx.msk [tilespmem:v61+s14+$0x0], $0xffff  }
0x28c: {  	v63 =	vor.u32 v29, v5;
	_ =	sdelay $0x3  }
0x28d: {  	[tilespmem:v62+s18+$0x0] =	vst.idx.msk $0xffff, v1  }
0x28e: {  	v53 =	vadd.s32 v42, v52;
	v1 =	vld.idx.msk [tilespmem:v63+s14+$0x0], $0xffff  }
0x28f: {  	v60 =	vor.u32 v29, v0;
	_ =	sdelay $0x3  }
0x290: {  	[tilespmem:v53+s18+$0x0] =	vst.idx.msk $0xffff, v1  }
0x291: {  	v61 =	vadd.s32 v42, v55;
	v1 =	vld.idx.msk [tilespmem:v60+s14+$0x0], $0xffff  }
0x292: {  	v62 =	vor.u32 v31, v3;
	_ =	sdelay $0x3  }
0x293: {  	[tilespmem:v61+s18+$0x0] =	vst.idx.msk $0xffff, v1  }
0x294: {  	v63 =	vadd.s32 v42, v56;
	v1 =	vld.idx.msk [tilespmem:v62+s14+$0x0], $0xffff  }
0x295: {  	v53 =	vadd.s32 v43, v54;
	_ =	sdelay $0x3  }
0x296: {  	[tilespmem:v63+s18+$0x0] =	vst.idx.msk $0xffff, v1  }
0x297: {  	v60 =	vadd.s32 v42, v57;
	v1 =	vld.idx.msk [tilespmem:v53+s14+$0x0], $0xffff  }
0x298: {  	v61 =	vadd.s32 v44, v54;
	_ =	sdelay $0x3  }
0x299: {  	[tilespmem:v60+s18+$0x0] =	vst.idx.msk $0xffff, v1  }
0x29a: {  	v62 =	vadd.s32 v42, v58;
	v1 =	vld.idx.msk [tilespmem:v61+s14+$0x0], $0xffff  }
0x29b: {  	v63 =	vadd.s32 v45, v54;
	_ =	sdelay $0x3  }
0x29c: {  	[tilespmem:v62+s18+$0x0] =	vst.idx.msk $0xffff, v1  }
0x29d: {  	v53 =	vadd.s32 v42, v59;
	v1 =	vld.idx.msk [tilespmem:v63+s14+$0x0], $0xffff  }
0x29e: {  	v60 =	vor.u32 v32, v3;
	_ =	sdelay $0x3  }
0x29f: {  	[tilespmem:v53+s18+$0x0] =	vst.idx.msk $0xffff, v1  }
0x2a0: {  	v61 =	vadd.s32 v46, v50;
	v1 =	vld.idx.msk [tilespmem:v60+s14+$0x0], $0xffff  }
0x2a1: {  	v62 =	vor.u32 v32, v4;
	_ =	sdelay $0x3  }
0x2a2: {  	[tilespmem:v61+s18+$0x0] =	vst.idx.msk $0xffff, v1  }
0x2a3: {  	v63 =	vadd.s32 v46, v51;
	v1 =	vld.idx.msk [tilespmem:v62+s14+$0x0], $0xffff  }
0x2a4: {  	v53 =	vor.u32 v32, v5;
	_ =	sdelay $0x3  }
0x2a5: {  	[tilespmem:v63+s18+$0x0] =	vst.idx.msk $0xffff, v1  }
0x2a6: {  	v60 =	vadd.s32 v46, v52;
	v1 =	vld.idx.msk [tilespmem:v53+s14+$0x0], $0xffff  }
0x2a7: {  	v61 =	vor.u32 v32, v0;
	_ =	sdelay $0x3  }
0x2a8: {  	[tilespmem:v60+s18+$0x0] =	vst.idx.msk $0xffff, v1  }
0x2a9: {  	v62 =	vadd.s32 v46, v55;
	v1 =	vld.idx.msk [tilespmem:v61+s14+$0x0], $0xffff  }
0x2aa: {  	v63 =	vor.u32 v34, v3;
	_ =	sdelay $0x3  }
0x2ab: {  	[tilespmem:v62+s18+$0x0] =	vst.idx.msk $0xffff, v1  }
0x2ac: {  	v53 =	vadd.s32 v46, v56;
	v1 =	vld.idx.msk [tilespmem:v63+s14+$0x0], $0xffff  }
0x2ad: {  	v60 =	vadd.s32 v47, v54;
	_ =	sdelay $0x3  }
0x2ae: {  	[tilespmem:v53+s18+$0x0] =	vst.idx.msk $0xffff, v1  }
0x2af: {  	v61 =	vadd.s32 v46, v57;
	v1 =	vld.idx.msk [tilespmem:v60+s14+$0x0], $0xffff  }
0x2b0: {  	v62 =	vadd.s32 v48, v54;
	_ =	sdelay $0x3  }
0x2b1: {  	[tilespmem:v61+s18+$0x0] =	vst.idx.msk $0xffff, v1  }
0x2b2: {  	v63 =	vadd.s32 v46, v58;
	v1 =	vld.idx.msk [tilespmem:v62+s14+$0x0], $0xffff  }
0x2b3: {  	v53 =	vadd.s32 v49, v54;
	_ =	sdelay $0x3  }
0x2b4: {  	[tilespmem:v63+s18+$0x0] =	vst.idx.msk $0xffff, v1  }
0x2b5: {  	v60 =	vadd.s32 v46, v59;
	v1 =	vld.idx.msk [tilespmem:v53+s14+$0x0], $0xffff  }
0x2b6: {  	v61 =	vor.u32 v35, v3;
	_ =	sdelay $0x3  }
0x2b7: {  	v53 =	vor.u32 $0x3800, v13;
	[tilespmem:v60+s18+$0x0] =	vst.idx.msk $0xffff, v1  }
0x2b8: {  	v62 =	vadd.s32 v53, v50;
	v1 =	vld.idx.msk [tilespmem:v61+s14+$0x0], $0xffff  }
0x2b9: {  	v4 =	vor.u32 v35, v4;
	_ =	sdelay $0x3  }
0x2ba: {  	[tilespmem:v62+s18+$0x0] =	vst.idx.msk $0xffff, v1  }
0x2bb: {  	v63 =	vadd.s32 v53, v51;
	v1 =	vld.idx.msk [tilespmem:v4+s14+$0x0], $0xffff  }
0x2bc: {  	v50 =	vor.u32 v35, v5;
	_ =	sdelay $0x3  }
0x2bd: {  	[tilespmem:v63+s18+$0x0] =	vst.idx.msk $0xffff, v1  }
0x2be: {  	v51 =	vadd.s32 v53, v52;
	v1 =	vld.idx.msk [tilespmem:v50+s14+$0x0], $0xffff  }
0x2bf: {  	v0 =	vor.u32 v35, v0;
	_ =	sdelay $0x3  }
0x2c0: {  	[tilespmem:v51+s18+$0x0] =	vst.idx.msk $0xffff, v1  }
0x2c1: {  	v52 =	vadd.s32 v53, v55;
	v0 =	vld.idx.msk [tilespmem:v0+s14+$0x0], $0xffff  }
0x2c2: {  	v55 =	vor.u32 v37, v3;
	_ =	sdelay $0x3  }
0x2c3: {  	[tilespmem:v52+s18+$0x0] =	vst.idx.msk $0xffff, v0  }
0x2c4: {  	v56 =	vadd.s32 v53, v56;
	v50 =	vor.u32 $0x1461, v16;
	v0 =	vld.idx.msk [tilespmem:v55+s14+$0x0], $0xffff  }
0x2c5: {  	v60 =	vadd.s32 v50, v54;
	_ =	sdelay $0x3  }
0x2c6: {  	[tilespmem:v56+s18+$0x0] =	vst.idx.msk $0xffff, v0  }
0x2c7: {  	v61 =	vadd.s32 v53, v57;
	v51 =	vor.u32 $0x2461, v16;
	v0 =	vld.idx.msk [tilespmem:v60+s14+$0x0], $0xffff  }
0x2c8: {  	v62 =	vadd.s32 v51, v54;
	_ =	sdelay $0x3  }
0x2c9: {  	[tilespmem:v61+s18+$0x0] =	vst.idx.msk $0xffff, v0  }
0x2ca: {  	v63 =	vadd.s32 v53, v58;
	v52 =	vor.u32 $0x3461, v16;
	v0 =	vld.idx.msk [tilespmem:v62+s14+$0x0], $0xffff  }
0x2cb: {  	v4 =	vadd.s32 v52, v54;
	_ =	sdelay $0x3  }
0x2cc: {  	[tilespmem:v63+s18+$0x0] =	vst.idx.msk $0xffff, v0  }
0x2cd: {  	v5 =	vadd.s32 v53, v59;
	v0 =	vld.idx.msk [tilespmem:v4+s14+$0x0], $0xffff;
	_ =	sdelay $0x4  }
0x2ce: {  	[tilespmem:v5+s18+$0x0] =	vst.idx.msk $0xffff, v0  }
0x2cf: {  	v54 =	vld [tilespmem:s26+$0x10080];
	_ =	sdelay $0x4  }
0x2d0: {  	v0 =	vshll.u32 v54, $0x8;
	v6 =	vshll.u32 v54, $0x7  }
0x2d1: {  	v56 =	vand.u32 $0xFFFFF800, v0;
	v60 =	vand.u32 $0x380, v6  }
0x2d2: {  	v55 =	vor.u32 v60, v56  }
0x2d3: {  	v7 =	vor.u32 v16, v55;
	_ =	sdelay $0x2  }
0x2d4: {  	v61 =	vadd.s32 $0x1000, v0  }
0x2d5: {  	v57 =	vand.u32 $0xFFFFF800, v61  }
0x2d6: {  	v62 =	vadd.s32 v13, v54;
	v3 =	vor.u32 v60, v57;
	v1 =	vld.idx.msk [tilespmem:v7+s14+$0x0], $0xffff  }
0x2d7: {  	v63 =	vor.u32 v16, v3;
	_ =	sdelay $0x2  }
0x2d8: {  	v61 =	vadd.s32 $0x2000, v0  }
0x2d9: {  	v58 =	vand.u32 $0xFFFFF800, v61;
	[tilespmem:v62+s18+$0x0] =	vst.idx.msk $0xffff, v1  }
0x2da: {  	v4 =	vor.u32 v60, v58;
	v62 =	vadd.s32 v18, v54;
	v1 =	vld.idx.msk [tilespmem:v63+s14+$0x0], $0xffff  }
0x2db: {  	v63 =	vor.u32 v16, v4;
	_ =	sdelay $0x2  }
0x2dc: {  	v0 =	vadd.s32 $0x3000, v0  }
0x2dd: {  	v59 =	vand.u32 $0xFFFFF800, v0;
	[tilespmem:v62+s18+$0x0] =	vst.idx.msk $0xffff, v1  }
0x2de: {  	v2 =	vor.u32 v60, v59;
	v62 =	vadd.s32 v19, v54;
	v61 =	vld.idx.msk [tilespmem:v63+s14+$0x0], $0xffff  }
0x2df: {  	v63 =	vor.u32 v16, v2;
	_ =	sdelay $0x3  }
0x2e0: {  	[tilespmem:v62+s18+$0x0] =	vst.idx.msk $0xffff, v61  }
0x2e1: {  	v61 =	vadd.s32 v20, v54;
	v0 =	vld.idx.msk [tilespmem:v63+s14+$0x0], $0xffff  }
0x2e2: {  	v62 =	vor.u32 v21, v55;
	_ =	sdelay $0x3  }
0x2e3: {  	[tilespmem:v61+s18+$0x0] =	vst.idx.msk $0xffff, v0  }
0x2e4: {  	v63 =	vadd.s32 v22, v54;
	v0 =	vld.idx.msk [tilespmem:v62+s14+$0x0], $0xffff  }
0x2e5: {  	v61 =	vadd.s32 v23, v55;
	_ =	sdelay $0x3  }
0x2e6: {  	[tilespmem:v63+s18+$0x0] =	vst.idx.msk $0xffff, v0  }
0x2e7: {  	v62 =	vadd.s32 v24, v54;
	v0 =	vld.idx.msk [tilespmem:v61+s14+$0x0], $0xffff  }
0x2e8: {  	v63 =	vadd.s32 v25, v55;
	_ =	sdelay $0x3  }
0x2e9: {  	[tilespmem:v62+s18+$0x0] =	vst.idx.msk $0xffff, v0  }
0x2ea: {  	v61 =	vadd.s32 v26, v54;
	v0 =	vld.idx.msk [tilespmem:v63+s14+$0x0], $0xffff  }
0x2eb: {  	v62 =	vadd.s32 v27, v55;
	_ =	sdelay $0x3  }
0x2ec: {  	[tilespmem:v61+s18+$0x0] =	vst.idx.msk $0xffff, v0  }
0x2ed: {  	v63 =	vadd.s32 v28, v54;
	v0 =	vld.idx.msk [tilespmem:v62+s14+$0x0], $0xffff  }
0x2ee: {  	v61 =	vor.u32 v29, v55;
	_ =	sdelay $0x3  }
0x2ef: {  	[tilespmem:v63+s18+$0x0] =	vst.idx.msk $0xffff, v0  }
0x2f0: {  	v62 =	vadd.s32 v30, v54;
	v0 =	vld.idx.msk [tilespmem:v61+s14+$0x0], $0xffff  }
0x2f1: {  	v63 =	vor.u32 v29, v3;
	_ =	sdelay $0x3  }
0x2f2: {  	v7 =	vor.u32 $0x810, v13;
	[tilespmem:v62+s18+$0x0] =	vst.idx.msk $0xffff, v0  }
0x2f3: {  	v0 =	vadd.s32 v7, v54;
	v1 =	vld.idx.msk [tilespmem:v63+s14+$0x0], $0xffff  }
0x2f4: {  	v61 =	vor.u32 v29, v4;
	_ =	sdelay $0x3  }
0x2f5: {  	v62 =	vor.u32 $0x820, v13;
	[tilespmem:v0+s18+$0x0] =	vst.idx.msk $0xffff, v1  }
0x2f6: {  	v0 =	vadd.s32 v62, v54;
	v1 =	vld.idx.msk [tilespmem:v61+s14+$0x0], $0xffff  }
0x2f7: {  	v63 =	vor.u32 v29, v2;
	_ =	sdelay $0x3  }
0x2f8: {  	v7 =	vor.u32 $0x830, v13;
	[tilespmem:v0+s18+$0x0] =	vst.idx.msk $0xffff, v1  }
0x2f9: {  	v0 =	vadd.s32 v7, v54;
	v1 =	vld.idx.msk [tilespmem:v63+s14+$0x0], $0xffff  }
0x2fa: {  	v61 =	vor.u32 v31, v55;
	_ =	sdelay $0x3  }
0x2fb: {  	v62 =	vor.u32 $0x840, v13;
	[tilespmem:v0+s18+$0x0] =	vst.idx.msk $0xffff, v1  }
0x2fc: {  	v63 =	vor.u32 $0x1021, v16;
	v0 =	vadd.s32 v62, v54;
	v1 =	vld.idx.msk [tilespmem:v61+s14+$0x0], $0xffff  }
0x2fd: {  	v5 =	vadd.s32 v63, v55;
	_ =	sdelay $0x3  }
0x2fe: {  	v7 =	vor.u32 $0x850, v13;
	[tilespmem:v0+s18+$0x0] =	vst.idx.msk $0xffff, v1  }
0x2ff: {  	v61 =	vor.u32 $0x2021, v16;
	v0 =	vadd.s32 v7, v54;
	v1 =	vld.idx.msk [tilespmem:v5+s14+$0x0], $0xffff  }
0x300: {  	v5 =	vadd.s32 v61, v55;
	_ =	sdelay $0x3  }
0x301: {  	v62 =	vor.u32 $0x860, v13;
	[tilespmem:v0+s18+$0x0] =	vst.idx.msk $0xffff, v1  }
0x302: {  	v63 =	vor.u32 $0x3021, v16;
	v0 =	vadd.s32 v62, v54;
	v1 =	vld.idx.msk [tilespmem:v5+s14+$0x0], $0xffff  }
0x303: {  	v5 =	vadd.s32 v63, v55;
	_ =	sdelay $0x3  }
0x304: {  	v61 =	vor.u32 $0x870, v13;
	[tilespmem:v0+s18+$0x0] =	vst.idx.msk $0xffff, v1  }
0x305: {  	v0 =	vadd.s32 v61, v54;
	v1 =	vld.idx.msk [tilespmem:v5+s14+$0x0], $0xffff  }
0x306: {  	v62 =	vor.u32 v32, v55;
	_ =	sdelay $0x3  }
0x307: {  	[tilespmem:v0+s18+$0x0] =	vst.idx.msk $0xffff, v1  }
0x308: {  	v63 =	vadd.s32 v33, v54;
	v0 =	vld.idx.msk [tilespmem:v62+s14+$0x0], $0xffff  }
0x309: {  	v61 =	vor.u32 v32, v3;
	_ =	sdelay $0x3  }
0x30a: {  	v62 =	vor.u32 $0x1010, v13;
	[tilespmem:v63+s18+$0x0] =	vst.idx.msk $0xffff, v0  }
0x30b: {  	v0 =	vadd.s32 v62, v54;
	v1 =	vld.idx.msk [tilespmem:v61+s14+$0x0], $0xffff  }
0x30c: {  	v63 =	vor.u32 v32, v4;
	_ =	sdelay $0x3  }
0x30d: {  	v7 =	vor.u32 $0x1020, v13;
	[tilespmem:v0+s18+$0x0] =	vst.idx.msk $0xffff, v1  }
0x30e: {  	v0 =	vadd.s32 v7, v54;
	v1 =	vld.idx.msk [tilespmem:v63+s14+$0x0], $0xffff  }
0x30f: {  	v61 =	vor.u32 v32, v2;
	_ =	sdelay $0x3  }
0x310: {  	v62 =	vor.u32 $0x1030, v13;
	[tilespmem:v0+s18+$0x0] =	vst.idx.msk $0xffff, v1  }
0x311: {  	v0 =	vadd.s32 v62, v54;
	v1 =	vld.idx.msk [tilespmem:v61+s14+$0x0], $0xffff  }
0x312: {  	v63 =	vor.u32 v34, v55;
	_ =	sdelay $0x3  }
0x313: {  	v7 =	vor.u32 $0x1040, v13;
	[tilespmem:v0+s18+$0x0] =	vst.idx.msk $0xffff, v1  }
0x314: {  	v61 =	vor.u32 $0x1041, v16;
	v0 =	vadd.s32 v7, v54;
	v1 =	vld.idx.msk [tilespmem:v63+s14+$0x0], $0xffff  }
0x315: {  	v5 =	vadd.s32 v61, v55;
	_ =	sdelay $0x3  }
0x316: {  	v62 =	vor.u32 $0x1050, v13;
	[tilespmem:v0+s18+$0x0] =	vst.idx.msk $0xffff, v1  }
0x317: {  	v63 =	vor.u32 $0x2041, v16;
	v0 =	vadd.s32 v62, v54;
	v1 =	vld.idx.msk [tilespmem:v5+s14+$0x0], $0xffff  }
0x318: {  	v5 =	vadd.s32 v63, v55;
	_ =	sdelay $0x3  }
0x319: {  	v7 =	vor.u32 $0x1060, v13;
	[tilespmem:v0+s18+$0x0] =	vst.idx.msk $0xffff, v1  }
0x31a: {  	v61 =	vor.u32 $0x3041, v16;
	v0 =	vadd.s32 v7, v54;
	v1 =	vld.idx.msk [tilespmem:v5+s14+$0x0], $0xffff  }
0x31b: {  	v5 =	vadd.s32 v61, v55;
	_ =	sdelay $0x3  }
0x31c: {  	v62 =	vor.u32 $0x1070, v13;
	[tilespmem:v0+s18+$0x0] =	vst.idx.msk $0xffff, v1  }
0x31d: {  	v0 =	vadd.s32 v62, v54;
	v1 =	vld.idx.msk [tilespmem:v5+s14+$0x0], $0xffff  }
0x31e: {  	v63 =	vor.u32 v35, v55;
	_ =	sdelay $0x3  }
0x31f: {  	[tilespmem:v0+s18+$0x0] =	vst.idx.msk $0xffff, v1  }
0x320: {  	v61 =	vadd.s32 v36, v54;
	v0 =	vld.idx.msk [tilespmem:v63+s14+$0x0], $0xffff  }
0x321: {  	v3 =	vor.u32 v35, v3;
	_ =	sdelay $0x3  }
0x322: {  	v62 =	vor.u32 $0x1810, v13;
	[tilespmem:v61+s18+$0x0] =	vst.idx.msk $0xffff, v0  }
0x323: {  	v0 =	vadd.s32 v62, v54;
	v1 =	vld.idx.msk [tilespmem:v3+s14+$0x0], $0xffff  }
0x324: {  	v63 =	vor.u32 v35, v4;
	_ =	sdelay $0x3  }
0x325: {  	v5 =	vor.u32 $0x1820, v13;
	[tilespmem:v0+s18+$0x0] =	vst.idx.msk $0xffff, v1  }
0x326: {  	v0 =	vadd.s32 v5, v54;
	v1 =	vld.idx.msk [tilespmem:v63+s14+$0x0], $0xffff  }
0x327: {  	v2 =	vor.u32 v35, v2;
	_ =	sdelay $0x3  }
0x328: {  	v6 =	vor.u32 $0x1830, v13;
	[tilespmem:v0+s18+$0x0] =	vst.idx.msk $0xffff, v1  }
0x329: {  	v0 =	vadd.s32 v6, v54;
	v1 =	vld.idx.msk [tilespmem:v2+s14+$0x0], $0xffff  }
0x32a: {  	v7 =	vor.u32 v37, v55;
	_ =	sdelay $0x3  }
0x32b: {  	v61 =	vor.u32 $0x1840, v13;
	[tilespmem:v0+s18+$0x0] =	vst.idx.msk $0xffff, v1  }
0x32c: {  	v62 =	vor.u32 $0x1061, v16;
	v0 =	vadd.s32 v61, v54;
	v1 =	vld.idx.msk [tilespmem:v7+s14+$0x0], $0xffff  }
0x32d: {  	v2 =	vadd.s32 v62, v55;
	_ =	sdelay $0x3  }
0x32e: {  	v63 =	vor.u32 $0x1850, v13;
	[tilespmem:v0+s18+$0x0] =	vst.idx.msk $0xffff, v1  }
0x32f: {  	v4 =	vor.u32 $0x2061, v16;
	v0 =	vadd.s32 v63, v54;
	v1 =	vld.idx.msk [tilespmem:v2+s14+$0x0], $0xffff  }
0x330: {  	v2 =	vadd.s32 v4, v55;
	_ =	sdelay $0x3  }
0x331: {  	v5 =	vor.u32 $0x1860, v13;
	[tilespmem:v0+s18+$0x0] =	vst.idx.msk $0xffff, v1  }
0x332: {  	v6 =	vor.u32 $0x3061, v16;
	v0 =	vadd.s32 v5, v54;
	v1 =	vld.idx.msk [tilespmem:v2+s14+$0x0], $0xffff  }
0x333: {  	v2 =	vadd.s32 v6, v55;
	_ =	sdelay $0x3  }
0x334: {  	v60 =	vor.u32 $0x400, v60;
	v7 =	vor.u32 $0x1870, v13;
	[tilespmem:v0+s18+$0x0] =	vst.idx.msk $0xffff, v1  }
0x335: {  	v56 =	vor.u32 v56, v60;
	v0 =	vadd.s32 v7, v54;
	v2 =	vld.idx.msk [tilespmem:v2+s14+$0x0], $0xffff  }
0x336: {  	v61 =	vor.u32 v16, v56;
	_ =	sdelay $0x3  }
0x337: {  	[tilespmem:v0+s18+$0x0] =	vst.idx.msk $0xffff, v2  }
0x338: {  	v3 =	vor.u32 v57, v60;
	v62 =	vadd.s32 v38, v54;
	v0 =	vld.idx.msk [tilespmem:v61+s14+$0x0], $0xffff  }
0x339: {  	v63 =	vor.u32 v16, v3;
	_ =	sdelay $0x3  }
0x33a: {  	v7 =	vor.u32 $0x2010, v13;
	[tilespmem:v62+s18+$0x0] =	vst.idx.msk $0xffff, v0  }
0x33b: {  	v4 =	vor.u32 v58, v60;
	v0 =	vadd.s32 v7, v54;
	v2 =	vld.idx.msk [tilespmem:v63+s14+$0x0], $0xffff  }
0x33c: {  	v57 =	vor.u32 v16, v4;
	_ =	sdelay $0x3  }
0x33d: {  	v58 =	vor.u32 $0x2020, v13;
	[tilespmem:v0+s18+$0x0] =	vst.idx.msk $0xffff, v2  }
0x33e: {  	v1 =	vor.u32 v59, v60;
	v0 =	vadd.s32 v58, v54;
	v2 =	vld.idx.msk [tilespmem:v57+s14+$0x0], $0xffff  }
0x33f: {  	v59 =	vor.u32 v16, v1;
	_ =	sdelay $0x3  }
0x340: {  	v60 =	vor.u32 $0x2030, v13;
	[tilespmem:v0+s18+$0x0] =	vst.idx.msk $0xffff, v2  }
0x341: {  	v0 =	vadd.s32 v60, v54;
	v2 =	vld.idx.msk [tilespmem:v59+s14+$0x0], $0xffff  }
0x342: {  	v61 =	vor.u32 v21, v56;
	_ =	sdelay $0x3  }
0x343: {  	v62 =	vor.u32 $0x2040, v13;
	[tilespmem:v0+s18+$0x0] =	vst.idx.msk $0xffff, v2  }
0x344: {  	v0 =	vadd.s32 v62, v54;
	v2 =	vld.idx.msk [tilespmem:v61+s14+$0x0], $0xffff  }
0x345: {  	v63 =	vadd.s32 v39, v55;
	_ =	sdelay $0x3  }
0x346: {  	v7 =	vor.u32 $0x2050, v13;
	[tilespmem:v0+s18+$0x0] =	vst.idx.msk $0xffff, v2  }
0x347: {  	v0 =	vadd.s32 v7, v54;
	v2 =	vld.idx.msk [tilespmem:v63+s14+$0x0], $0xffff  }
0x348: {  	v57 =	vadd.s32 v40, v55;
	_ =	sdelay $0x3  }
0x349: {  	v58 =	vor.u32 $0x2060, v13;
	[tilespmem:v0+s18+$0x0] =	vst.idx.msk $0xffff, v2  }
0x34a: {  	v0 =	vadd.s32 v58, v54;
	v2 =	vld.idx.msk [tilespmem:v57+s14+$0x0], $0xffff  }
0x34b: {  	v59 =	vadd.s32 v41, v55;
	_ =	sdelay $0x3  }
0x34c: {  	v60 =	vor.u32 $0x2070, v13;
	[tilespmem:v0+s18+$0x0] =	vst.idx.msk $0xffff, v2  }
0x34d: {  	v0 =	vadd.s32 v60, v54;
	v2 =	vld.idx.msk [tilespmem:v59+s14+$0x0], $0xffff  }
0x34e: {  	v61 =	vor.u32 v29, v56;
	_ =	sdelay $0x3  }
0x34f: {  	[tilespmem:v0+s18+$0x0] =	vst.idx.msk $0xffff, v2  }
0x350: {  	v62 =	vadd.s32 v42, v54;
	v0 =	vld.idx.msk [tilespmem:v61+s14+$0x0], $0xffff  }
0x351: {  	v63 =	vor.u32 v29, v3;
	_ =	sdelay $0x3  }
0x352: {  	v7 =	vor.u32 $0x2810, v13;
	[tilespmem:v62+s18+$0x0] =	vst.idx.msk $0xffff, v0  }
0x353: {  	v0 =	vadd.s32 v7, v54;
	v2 =	vld.idx.msk [tilespmem:v63+s14+$0x0], $0xffff  }
0x354: {  	v57 =	vor.u32 v29, v4;
	_ =	sdelay $0x3  }
0x355: {  	v58 =	vor.u32 $0x2820, v13;
	[tilespmem:v0+s18+$0x0] =	vst.idx.msk $0xffff, v2  }
0x356: {  	v0 =	vadd.s32 v58, v54;
	v2 =	vld.idx.msk [tilespmem:v57+s14+$0x0], $0xffff  }
0x357: {  	v59 =	vor.u32 v29, v1;
	_ =	sdelay $0x3  }
0x358: {  	v60 =	vor.u32 $0x2830, v13;
	[tilespmem:v0+s18+$0x0] =	vst.idx.msk $0xffff, v2  }
0x359: {  	v0 =	vadd.s32 v60, v54;
	v2 =	vld.idx.msk [tilespmem:v59+s14+$0x0], $0xffff  }
0x35a: {  	v61 =	vor.u32 v31, v56;
	_ =	sdelay $0x3  }
0x35b: {  	v62 =	vor.u32 $0x2840, v13;
	[tilespmem:v0+s18+$0x0] =	vst.idx.msk $0xffff, v2  }
0x35c: {  	v0 =	vadd.s32 v62, v54;
	v2 =	vld.idx.msk [tilespmem:v61+s14+$0x0], $0xffff  }
0x35d: {  	v63 =	vadd.s32 v43, v55;
	_ =	sdelay $0x3  }
0x35e: {  	v7 =	vor.u32 $0x2850, v13;
	[tilespmem:v0+s18+$0x0] =	vst.idx.msk $0xffff, v2  }
0x35f: {  	v0 =	vadd.s32 v7, v54;
	v2 =	vld.idx.msk [tilespmem:v63+s14+$0x0], $0xffff  }
0x360: {  	v57 =	vadd.s32 v44, v55;
	_ =	sdelay $0x3  }
0x361: {  	v58 =	vor.u32 $0x2860, v13;
	[tilespmem:v0+s18+$0x0] =	vst.idx.msk $0xffff, v2  }
0x362: {  	v0 =	vadd.s32 v58, v54;
	v2 =	vld.idx.msk [tilespmem:v57+s14+$0x0], $0xffff  }
0x363: {  	v59 =	vadd.s32 v45, v55;
	_ =	sdelay $0x3  }
0x364: {  	v60 =	vor.u32 $0x2870, v13;
	[tilespmem:v0+s18+$0x0] =	vst.idx.msk $0xffff, v2  }
0x365: {  	v0 =	vadd.s32 v60, v54;
	v2 =	vld.idx.msk [tilespmem:v59+s14+$0x0], $0xffff  }
0x366: {  	v61 =	vor.u32 v32, v56;
	_ =	sdelay $0x3  }
0x367: {  	[tilespmem:v0+s18+$0x0] =	vst.idx.msk $0xffff, v2  }
0x368: {  	v62 =	vadd.s32 v46, v54;
	v0 =	vld.idx.msk [tilespmem:v61+s14+$0x0], $0xffff  }
0x369: {  	v63 =	vor.u32 v32, v3;
	_ =	sdelay $0x3  }
0x36a: {  	v7 =	vor.u32 $0x3010, v13;
	[tilespmem:v62+s18+$0x0] =	vst.idx.msk $0xffff, v0  }
0x36b: {  	v0 =	vadd.s32 v7, v54;
	v2 =	vld.idx.msk [tilespmem:v63+s14+$0x0], $0xffff  }
0x36c: {  	v57 =	vor.u32 v32, v4;
	_ =	sdelay $0x3  }
0x36d: {  	v58 =	vor.u32 $0x3020, v13;
	[tilespmem:v0+s18+$0x0] =	vst.idx.msk $0xffff, v2  }
0x36e: {  	v0 =	vadd.s32 v58, v54;
	v2 =	vld.idx.msk [tilespmem:v57+s14+$0x0], $0xffff  }
0x36f: {  	v59 =	vor.u32 v32, v1;
	_ =	sdelay $0x3  }
0x370: {  	v60 =	vor.u32 $0x3030, v13;
	[tilespmem:v0+s18+$0x0] =	vst.idx.msk $0xffff, v2  }
0x371: {  	v0 =	vadd.s32 v60, v54;
	v2 =	vld.idx.msk [tilespmem:v59+s14+$0x0], $0xffff  }
0x372: {  	v61 =	vor.u32 v34, v56;
	_ =	sdelay $0x3  }
0x373: {  	v62 =	vor.u32 $0x3040, v13;
	[tilespmem:v0+s18+$0x0] =	vst.idx.msk $0xffff, v2  }
0x374: {  	v0 =	vadd.s32 v62, v54;
	v2 =	vld.idx.msk [tilespmem:v61+s14+$0x0], $0xffff  }
0x375: {  	v63 =	vadd.s32 v47, v55;
	_ =	sdelay $0x3  }
0x376: {  	v57 =	vor.u32 $0x3050, v13;
	[tilespmem:v0+s18+$0x0] =	vst.idx.msk $0xffff, v2  }
0x377: {  	v0 =	vadd.s32 v57, v54;
	v2 =	vld.idx.msk [tilespmem:v63+s14+$0x0], $0xffff  }
0x378: {  	v58 =	vadd.s32 v48, v55;
	_ =	sdelay $0x3  }
0x379: {  	v59 =	vor.u32 $0x3060, v13;
	[tilespmem:v0+s18+$0x0] =	vst.idx.msk $0xffff, v2  }
0x37a: {  	v0 =	vadd.s32 v59, v54;
	v2 =	vld.idx.msk [tilespmem:v58+s14+$0x0], $0xffff  }
0x37b: {  	v60 =	vadd.s32 v49, v55;
	_ =	sdelay $0x3  }
0x37c: {  	v61 =	vor.u32 $0x3070, v13;
	[tilespmem:v0+s18+$0x0] =	vst.idx.msk $0xffff, v2  }
0x37d: {  	v0 =	vadd.s32 v61, v54;
	v2 =	vld.idx.msk [tilespmem:v60+s14+$0x0], $0xffff  }
0x37e: {  	v62 =	vor.u32 v35, v56;
	_ =	sdelay $0x3  }
0x37f: {  	[tilespmem:v0+s18+$0x0] =	vst.idx.msk $0xffff, v2  }
0x380: {  	v63 =	vadd.s32 v53, v54;
	v0 =	vld.idx.msk [tilespmem:v62+s14+$0x0], $0xffff  }
0x381: {  	v3 =	vor.u32 v35, v3;
	_ =	sdelay $0x3  }
0x382: {  	v5 =	vor.u32 $0x3810, v13;
	[tilespmem:v63+s18+$0x0] =	vst.idx.msk $0xffff, v0  }
0x383: {  	v0 =	vadd.s32 v5, v54;
	v2 =	vld.idx.msk [tilespmem:v3+s14+$0x0], $0xffff  }
0x384: {  	v6 =	vor.u32 v35, v4;
	_ =	sdelay $0x3  }
0x385: {  	v7 =	vor.u32 $0x3820, v13;
	[tilespmem:v0+s18+$0x0] =	vst.idx.msk $0xffff, v2  }
0x386: {  	v0 =	vadd.s32 v7, v54;
	v2 =	vld.idx.msk [tilespmem:v6+s14+$0x0], $0xffff  }
0x387: {  	v1 =	vor.u32 v35, v1;
	_ =	sdelay $0x3  }
0x388: {  	v53 =	vor.u32 $0x3830, v13;
	[tilespmem:v0+s18+$0x0] =	vst.idx.msk $0xffff, v2  }
0x389: {  	v0 =	vadd.s32 v53, v54;
	v1 =	vld.idx.msk [tilespmem:v1+s14+$0x0], $0xffff  }
0x38a: {  	v56 =	vor.u32 v37, v56;
	_ =	sdelay $0x3  }
0x38b: {  	v57 =	vor.u32 $0x3840, v13;
	[tilespmem:v0+s18+$0x0] =	vst.idx.msk $0xffff, v1  }
0x38c: {  	v0 =	vadd.s32 v57, v54;
	v1 =	vld.idx.msk [tilespmem:v56+s14+$0x0], $0xffff  }
0x38d: {  	v58 =	vadd.s32 v50, v55;
	_ =	sdelay $0x3  }
0x38e: {  	v59 =	vor.u32 $0x3850, v13;
	[tilespmem:v0+s18+$0x0] =	vst.idx.msk $0xffff, v1  }
0x38f: {  	v0 =	vadd.s32 v59, v54;
	v1 =	vld.idx.msk [tilespmem:v58+s14+$0x0], $0xffff  }
0x390: {  	v60 =	vadd.s32 v51, v55;
	_ =	sdelay $0x3  }
0x391: {  	v61 =	vor.u32 $0x3860, v13;
	[tilespmem:v0+s18+$0x0] =	vst.idx.msk $0xffff, v1  }
0x392: {  	v0 =	vadd.s32 v61, v54;
	v1 =	vld.idx.msk [tilespmem:v60+s14+$0x0], $0xffff  }
0x393: {  	v62 =	vadd.s32 v52, v55;
	_ =	sdelay $0x3  }
0x394: {  	v63 =	vor.u32 $0x3870, v13;
	[tilespmem:v0+s18+$0x0] =	vst.idx.msk $0xffff, v1  }
0x395: {  	p1 =	sne.s32 s25, $0x1C00;
	v0 =	vadd.s32 v63, v54;
	v1 =	vld.idx.msk [tilespmem:v62+s14+$0x0], $0xffff  }
.Ltmp7:
0x396: {  	_ = 	snop;
	(pc) =	sbr.rel @p1 .LBB2_8-.Ltmp7, $2  }
0x397: {  	_ =	sdelay $0x2  }
0x398: {  	s25 =	sadd.s32 $0x400, s25;
	[tilespmem:v0+s18+$0x0] =	vst.idx.msk $0xffff, v1  }
0x399: {  	s24 =	sshll.u32 s24, $0xB  }
0x39a: {  	s23 =	sadd.s32 $0x3, s23;
	s24 =	sand.u32 $0x1FFFF800, s24  }
0x39b: {  	p1 =	sge.u32 s23, s7;
	s24 =	sadd.s32 s6, s24  }
0x39c: {  	[hbm4b:s24+s4] =	stream.linear.scatter [tilespmem:s18], [sflag:$0x4], $0x4000, $0x38;
	[tilespmem:$0x10800] =	vst v63  }
.Ltmp8:
0x39d: {  	s23 =	sadd.s32 @!p1 s5, s23;
	(pc) =	sbr.rel .LBB2_10-.Ltmp8, $4  }
0x39e: {  	s23 =	sshll.u32 @!p1 s23, $0x8  }
0x39f: {  	s25 =	simm.s32 @!p1 $0x7A1400;
	s23 =	sand.u32 @!p1 $0x1FFFFF00, s23  }
0x3a0: {  	s26 =	simm.s32 @!p1 $0x4000;
	s24 =	simm.s32 @!p1 $0x800;
	s23 =	sadd.s32 @!p1 s0, s23  }
0x3a1: {  	[tilespmem:s26], [sflag:$0x2] =	stream.strided.gather @!p1 [hbm4b:s23+s24], $0x4000, s25, s24, $0x38;
	[tilespmem:$0x10800] =	vst v63  }
.LBB2_12:
0x3a2: {  	_ =	sfence.sel $0x180000  }
0x3a3: {  	[bflag:$0x0] =	sbarrier.arrive $0xFFFF  }
0x3a4: {  	p0 =	sne.s32 s1, $0x0;
	_ =	strace $0x90000047  }
0x3a5: {  	s0 =	sadd.s32 @!p0 $0x100000, s3;
	[bflag:$0x2] =	sbarrier.arrive $0xFFFF  }
0x3a6: {  	[sflag:s0] =	ssyncadd.tile.s32 @!p0 $0x1;
	_ =	shalt  }
.Lfunc_end2:
_tile_overlayer_lowered:
.L_overlay_start_2:
0x3a7: {  	(tag) =	ssettag $0x2  }
0x3a8: {  	s0 =	rddreg [dreg:$0x0];
	s2 =	stileid.u32  }
0x3a9: {  	s1 =	rddreg [dreg:$0x1];
	p0 =	sne.s32 s2, $0x0  }
0x3aa: {  	s3 =	rddreg [dreg:$0x2];
	[bflag:$0x3] =	sbarrier.arrive $0xFFFF;
	s2 =	simm.s32 @!p0 $0x1C05  }
0x3ab: {  	[timem:s3], [sflag:s2] =	dma.local @!p0 [hbm:s0], s1  }
0x3ac: {  	s0 =	simm.s32 @!p0 $0x5  }
0x3ad: {  	_ =	swait.ge @!p0 [sflag:s0], s1  }
0x3ae: {  	s1 =	ssub.s32 @!p0 $0x0, s1;
	[sflag:s0] =	ssyncset.done @!p0 $0x0  }
0x3af: {  	[sflag:s0] =	ssyncadd.s32 @!p0 s1  }
0x3b0: {  	[bflag:$0x3] =	sbarrier.arrive $0xFFFF  }
0x3b1: {  	_ =	shalt  }

// kernel: kernel.7.cloned.1.call-start
scs
__scs_entry_jumppad:
0x0: {  	(pc) =	sbr.rel $0x88, $3  }
0x1: {  	(tag) =	ssettag $0x0;
	lr =	simm.s32 $0x1  }
0x2: {  	[smem:$0x3F9F] =	sst lr;
	_ =	strace $0xD0000000  }
0x3: {  	_ = 	snop  }
0x4: {  	_ = 	snop  }
0x5: {  	_ = 	snop  }
0x6: {  	_ = 	snop  }
0x7: {  	_ = 	snop  }
__scs_overlays_trampoline_lowered:
0x8: {  	[smem:$0x3FAE] =	sst s0  }
0x9: {  	[smem:$0x3FAF] =	sst s1  }
0xa: {  	[smem:$0x3FB0] =	sst s2  }
0xb: {  	[smem:$0x3FB1] =	sst s3  }
0xc: {  	[smem:$0x3FB2] =	sst s4  }
0xd: {  	[smem:$0x3FB3] =	sst s5  }
0xe: {  	[smem:$0x3FB4] =	sst s6  }
0xf: {  	[smem:$0x3FB5] =	sst s7  }
0x10: {  	[smem:$0x3FB6] =	sst s8  }
0x11: {  	[smem:$0x3FB7] =	sst s9;
	s0 =	simm.s32 @!p0 $0x0  }
0x12: {  	s1 =	sld [smem:$0x3F9D];
	s0 =	simm.s32 @p0 $0x1  }
0x13: {  	[smem:$0x3FB8] =	sst s0;
	s0 =	simm.s32 @!p1 $0x0  }
0x14: {  	s2 =	sld [smem:$0x3F9C];
	s0 =	simm.s32 @p1 $0x1  }
0x15: {  	[smem:$0x3FB9] =	sst s0;
	s0 =	simm.s32 @!p2 $0x0  }
0x16: {  	s3 =	sld [smem:$0x3FDB];
	s0 =	simm.s32 @p2 $0x1  }
0x17: {  	s4 =	simm.s32 $0x1BF5;
	[smem:$0x3FBB] =	sst s0  }
0x18: {  	s0 =	sld [smem:$0x3F9E];
	_ =	swait.ge [sflag:s4], $0x0  }
0x19: {  	s7 =	sld [smem:$0x3F9F]  }
0x1a: {  	s8 =	sadd.s32 $0xFFFFE003, lr  }
0x1b: {  	s9 =	sadd.s32 $0xFFFFFEF7, lr;
	s5 =	simm.s32 $0xFFFFFFFF;
	p2 =	slt.u32 s8, $0xFFFFF086  }
0x1c: {  	p1 =	slt.u32 s9, $0xF7A;
	s5 =	simm.s32 @!p2 $0x0  }
0x1d: {  	s5 =	simm.s32 @p1 $0x1;
	p0 =	seq.s32 s7, s2  }
0x1e: {  	s7 =	smul.u32 @!p0 $0xF7A, s2;
	p2 =	seq.s32 @!p0 s5, $0x0  }
0x1f: {  	s9 =	smul.u32 $0xF7A, s1;
	s8 =	simm.s32 @!p0 $0x1BF5;
	p2 =	por !p2, p0  }
0x20: {  	[sflag:s8] =	ssyncset.s32 @!p0 $0xFFFFF086;
	s6 =	sadd.s32 @!p0 s3, s7;
	s7 =	simm.s32 @!p0 $0x108  }
0x21: {  	s3 =	sadd.s32 s3, s9;
	s6 =	sadd.s32 @!p0 $0x88, s6;
	s7 =	simm.s32 @p2 $0x1082  }
0x22: {  	[simem:s7], [sflag:s8] =	dma.local @!p0 [hbm:s6], $0xF7A  }
0x23: {  	s9 =	sor.u32 $0xD0000000, s2;
	s6 =	simm.s32 $0x108;
	_ =	swait.ge @!p0 [sflag:s8], $0x0  }
0x24: {  	s3 =	sadd.s32 $0x88, s3;
	s6 =	simm.s32 @!p1 $0x1082;
	[sflag:s4] =	ssyncset.s32 $0xFFFFF086  }
0x25: {  	[simem:s6], [sflag:s4] =	dma.local [hbm:s3], $0xF7A  }
0x26: {  	[smem:$0x3F9F] =	sst s1;
	(tag) =	ssettag s2;
	_ =	strace s9  }
0x27: {  	s1 =	sld [smem:$0x3FAF]  }
0x28: {  	s2 =	sld [smem:$0x3FB0]  }
0x29: {  	s4 =	sld [smem:$0x3FB2]  }
0x2a: {  	p0 =	seq.s32 s5, $0x0;
	s5 =	sld [smem:$0x3FB3]  }
0x2b: {  	s6 =	sld [smem:$0x3FB4]  }
0x2c: {  	s7 =	sld [smem:$0x3FB5]  }
0x2d: {  	s3 =	simm.s32 $0x108;
	s8 =	sld [smem:$0x3FB6]  }
0x2e: {  	s3 =	simm.s32 @!p0 $0x1082;
	s9 =	sld [smem:$0x3FB7]  }
0x2f: {  	lr =	sadd.s32 s0, s3;
	s0 =	sld [smem:$0x3FAE]  }
0x30: {  	s3 =	sld [smem:$0x3FB1]  }
0x31: {  	[smem:$0x3FBA] =	sst s10  }
0x32: {  	s10 =	sld [smem:$0x3FB8];
	_ =	sdelay $0x3  }
0x33: {  	p0 =	seq.s32 s10, $0x1;
	s10 =	sld [smem:$0x3FBA];
	_ =	sdelay $0x3  }
0x34: {  	[smem:$0x3FBA] =	sst s10  }
0x35: {  	s10 =	sld [smem:$0x3FB9];
	_ =	sdelay $0x3  }
0x36: {  	p1 =	seq.s32 s10, $0x1;
	s10 =	sld [smem:$0x3FBA];
	_ =	sdelay $0x3  }
0x37: {  	[smem:$0x3FBA] =	sst s10  }
0x38: {  	s10 =	sld [smem:$0x3FBB]  }
0x39: {  	_ = 	snop;
	(pc) =	sbr.ind lr, $3  }
0x3a: {  	_ = 	snop  }
0x3b: {  	_ = 	snop  }
0x3c: {  	p2 =	seq.s32 s10, $0x1;
	s10 =	sld [smem:$0x3FBA]  }
0x3d: {  	_ =	shalt  }
0x3e: {  	_ =	shalt  }
0x3f: {  	_ =	shalt  }
0x40: {  	_ =	shalt  }
0x41: {  	_ =	shalt  }
0x42: {  	_ =	shalt  }
0x43: {  	_ =	shalt  }
0x44: {  	_ =	shalt  }
0x45: {  	_ =	shalt  }
0x46: {  	_ =	shalt  }
0x47: {  	_ =	shalt  }
0x48: {  	_ =	shalt  }
0x49: {  	_ =	shalt  }
0x4a: {  	_ =	shalt  }
0x4b: {  	_ =	shalt  }
0x4c: {  	_ =	shalt  }
0x4d: {  	_ =	shalt  }
0x4e: {  	_ =	shalt  }
0x4f: {  	_ =	shalt  }
0x50: {  	_ =	shalt  }
0x51: {  	_ =	shalt  }
0x52: {  	_ =	shalt  }
0x53: {  	_ =	shalt  }
0x54: {  	_ =	shalt  }
0x55: {  	_ =	shalt  }
0x56: {  	_ =	shalt  }
0x57: {  	_ =	shalt  }
0x58: {  	_ =	shalt  }
0x59: {  	_ =	shalt  }
0x5a: {  	_ =	shalt  }
0x5b: {  	_ =	shalt  }
0x5c: {  	_ =	shalt  }
0x5d: {  	_ =	shalt  }
0x5e: {  	_ =	shalt  }
0x5f: {  	_ =	shalt  }
0x60: {  	_ =	shalt  }
0x61: {  	_ =	shalt  }
0x62: {  	_ =	shalt  }
0x63: {  	_ =	shalt  }
0x64: {  	_ =	shalt  }
0x65: {  	_ =	shalt  }
0x66: {  	_ =	shalt  }
0x67: {  	_ =	shalt  }
0x68: {  	_ =	shalt  }
0x69: {  	_ =	shalt  }
0x6a: {  	_ =	shalt  }
0x6b: {  	_ =	shalt  }
0x6c: {  	_ =	shalt  }
0x6d: {  	_ =	shalt  }
0x6e: {  	_ =	shalt  }
0x6f: {  	_ =	shalt  }
0x70: {  	_ =	shalt  }
0x71: {  	_ =	shalt  }
0x72: {  	_ =	shalt  }
0x73: {  	_ =	shalt  }
0x74: {  	_ =	shalt  }
0x75: {  	_ =	shalt  }
0x76: {  	_ =	shalt  }
0x77: {  	_ =	shalt  }
0x78: {  	_ =	shalt  }
0x79: {  	_ =	shalt  }
0x7a: {  	_ =	shalt  }
0x7b: {  	_ =	shalt  }
0x7c: {  	_ =	shalt  }
0x7d: {  	_ =	shalt  }
0x7e: {  	_ =	shalt  }
0x7f: {  	_ =	shalt  }
0x80: {  	_ =	shalt  }
0x81: {  	_ =	shalt  }
0x82: {  	_ =	shalt  }
0x83: {  	_ =	shalt  }
0x84: {  	_ =	shalt  }
0x85: {  	_ =	shalt  }
0x86: {  	_ =	shalt  }
0x87: {  	_ =	shalt  }
.Lfunc_end0:
.L_simem_size_0:
called_computation.1_lowered:
.L_overlay_start_0:
0x88: {  	s2 =	sld [smem:$0x3FD9]  }
0x89: {  	s3 =	sld [smem:$0x3FFE];
	_ =	sdelay $0x1  }
0x8a: {  	s1 =	srdreg.scid  }
0x8b: {  	s0 =	sand.u32 $0x1, s1  }
0x8c: {  	s17 =	sshll.u32 s0, $0xA;
	s2 =	sadd.s32 s3, s2  }
0x8d: {  	s2 =	sadd.s32 s2, s17  }
0x8e: {  	[smem:$0x3FC6] =	sst s2  }
0x8f: {  	_ = 	snop  }
0x90: {  	s2 =	sld [smem:$0x3FD0];
	(tm) =	ssettm $0x1  }
0x91: {  	s18 =	sld [smem:$0x3FFB];
	_ =	sdelay $0x3  }
0x92: {  	_ =	strace s18  }
0x93: {  	s3 =	sld [smem:$0x3FFC];
	_ =	sdelay $0x3  }
0x94: {  	_ =	strace s3  }
0x95: {  	s3 =	sld [smem:$0x3FFD];
	_ =	sdelay $0x3  }
0x96: {  	_ =	strace s3  }
0x97: {  	_ =	strace $0x8FFFFFFF  }
0x98: {  	s19 =	sld [smem:$0x3FDB];
	_ =	sdelay $0x1  }
0x99: {  	s4 =	simm.s32 $_scs_section_size  }
0x9a: {  	s5 =	simm.s32 $_size__tile_overlayer_lowered;
	s6 =	simm.s32 $_tile_overlayer_lowered  }
0x9b: {  	s22 =	simm.s32 $0x1BFF;
	s21 =	sshll.u32 s6, $0x1;
	s3 =	sadd.s32 s4, s19  }
0x9c: {  	s7 =	simm.s32 $0x0;
	s20 =	sshll.u32 s5, $0x1;
	s5 =	sadd.s32 s21, s3  }
0x9d: {  	[timem:s7], [sflag:s22] =	dma.local [hbm:s5], s20  }
0x9e: {  	_ =	swait.ge [sflag:s22], s20  }
0x9f: {  	s4 =	ssub.s32 $0x0, s20;
	[sflag:s22] =	ssyncset.done $0x0  }
0xa0: {  	[sflag:s22] =	ssyncadd.s32 s4;
	_ =	sdelay $0x1  }
0xa1: {  	s23 =	simm.s32 $0x1B8B  }
0xa2: {  	_ =	swait.ge [sflag:s23], $0x1  }
0xa3: {  	[sflag:s23] =	ssyncset.done $0x0  }
0xa4: {  	s25 =	simm.s32 $0x1B8E;
	s24 =	sld [smem:$0x3FFE];
	[sflag:s23] =	ssyncadd.s32 $0xFFFFFFFF  }
0xa5: {  	s26 =	simm.s32 $execute0_lowered;
	[smem:$0x3FD2] =	sst s25  }
0xa6: {  	s5 =	sshll.u32 s26, $0x1;
	_ =	strace $0x80000049;
	[dreg:$0x1] =	wrdreg $0xFFFFFFFF  }
0xa7: {  	s28 =	simm.s32 $_size_execute0_lowered;
	s3 =	sadd.s32 s3, s5;
	[dreg:$0x0] =	wrdreg $0x0  }
0xa8: {  	s5 =	sshll.u32 s28, $0x1;
	[dreg:$0x2] =	wrdreg s3  }
0xa9: {  	[dreg:$0x3] =	wrdreg s5  }
0xaa: {  	[dreg:$0x4] =	wrdreg $0xC0  }
0xab: {  	_ =	task [dreg:s7], $0x5FFFF  }
0xac: {  	[dreg:$0x1] =	wrdreg $0xFFFFFFFF  }
0xad: {  	[dreg:$0x0] =	wrdreg $0x60  }
0xae: {  	[dreg:$0x2] =	wrdreg s24  }
0xaf: {  	[dreg:$0x3] =	wrdreg s2  }
0xb0: {  	[dreg:$0x4] =	wrdreg $0x9  }
0xb1: {  	_ =	task.clear_ibuf [dreg:s7], $0x5FFFF;
	_ =	strace $0x90000049  }
0xb2: {  	s29 =	simm.s32 $0x9;
	_ =	strace $0x8000004B  }
0xb3: {  	_ =	swait.ge [sflag:s29], $0x1  }
0xb4: {  	[sflag:s29] =	ssyncadd.s32 $0xFFFFFFFF  }
0xb5: {  	_ =	strace $0x9000004B  }
0xb6: {  	_ =	sfence  }
0xb7: {  	s30 =	sld [smem:$0x0];
	_ =	sdelay $0x2  }
0xb8: {  	s31 =	sshll.u32 s1, $0xD;
	s1 =	sshrl.u32 s1, $0x2  }
0xb9: {  	s3 =	sand.u32 $0x4000, s31;
	s1 =	sadd.s32 s1, s30  }
0xba: {  	s0 =	sor.u32 s3, s0;
	s1 =	sshll.u32 s1, $0x11  }
0xbb: {  	s0 =	sor.u32 s1, s0  }
0xbc: {  	s0 =	sadd.s32 $0x8F2B, s0  }
0xbd: {  	[sflag:s0] =	ssyncadd.remote.s32 $0x1  }
0xbe: {  	_ =	sfence.sel $0xFFFF  }
0xbf: {  	[dreg:$0x0] =	wrdreg $0xFFFFFFFF;
	(pc) =	sbr.abs _section_cstart, $3  }
0xc0: {  	[dreg:$0x1] =	wrdreg $0xFFFFFFFF  }
0xc1: {  	_ =	task.clear_ibuf [dreg:s7], $0x2FFFF;
	_ =	strace $0x9FFFFFFF  }
0xc2: {  	(tm) =	ssettm $0x7FFFFFFF  }
0xc3: {  	_ =	shalt  }
tec
execute0_lowered:
.L_overlay_start_1:
0x0: {  	(tag) =	ssettag $0x1  }
0x1: {  	v0 =	vimm.s32 $0xFEDCBA9;
	v1 =	vimm.s32 $0x87654321  }
0x2: {  	v3 =	vimm.s32 $0x10FEDCBA;
	v4 =	vimm.s32 $0x98765432;
	v5 =	vimm.s32 $0x210FEDCB  }
0x3: {  	v6 =	vimm.s32 $0xA9876543;
	v8 =	vimm.s32 $0x3210FEDC;
	v9 =	vimm.s32 $0xBA987654  }
0x4: {  	v10 =	vimm.s32 $0x43210FED;
	v11 =	vimm.s32 $0xCBA98765;
	v14 =	vimm.s32 $0xDCBA9876  }
0x5: {  	v15 =	vimm.s32 $0x6543210F;
	v16 =	vimm.s32 $0xEDCBA987;
	v17 =	vimm.s32 $0xFEDCBA98  }
0x6: {  	v18 =	vimm.s32 $0x76543210;
	v2 =	vunpack.c.l.s4.s8 v0;
	v1 =	vunpack.c.l.s4.s8 v1  }
0x7: {  	v0 =	vlaneseq.u32;
	v3 =	vunpack.c.l.s4.s8 v3;
	v4 =	vunpack.c.l.s4.s8 v4  }
0x8: {  	v5 =	vunpack.c.l.s4.s8 v5;
	v6 =	vunpack.c.l.s4.s8 v6;
	v8 =	vunpack.c.l.s4.s8 v8  }
0x9: {  	v9 =	vunpack.c.l.s4.s8 v9;
	v10 =	vunpack.c.l.s4.s8 v10;
	v11 =	vunpack.c.l.s4.s8 v11  }
0xa: {  	v14 =	vunpack.c.l.s4.s8 v14;
	v15 =	vunpack.c.l.s4.s8 v15;
	v16 =	vunpack.c.l.s4.s8 v16  }
0xb: {  	v17 =	vunpack.c.l.s4.s8 v17;
	v18 =	vunpack.c.l.s4.s8 v18;
	v24 =	vor.u32 $0x10, v0  }
0xc: {  	v26 =	vor.u32 $0x20, v0;
	v28 =	vor.u32 $0x30, v0;
	v2 =	vunpack.c.0.s8.s32 v2  }
0xd: {  	v1 =	vunpack.c.0.s8.s32 v1;
	v3 =	vunpack.c.0.s8.s32 v3;
	v4 =	vunpack.c.0.s8.s32 v4  }
0xe: {  	v5 =	vunpack.c.0.s8.s32 v5;
	v6 =	vunpack.c.0.s8.s32 v6;
	v8 =	vunpack.c.0.s8.s32 v8  }
0xf: {  	v55 =	vunpack.c.0.s8.s32 v10;
	v56 =	vunpack.c.0.s8.s32 v11;
	v12 =	vcombine.low v4, v3  }
0x10: {  	v9 =	vunpack.c.0.s8.s32 v9;
	v14 =	vunpack.c.0.s8.s32 v14;
	v15 =	vunpack.c.0.s8.s32 v15  }
0x11: {  	v16 =	vunpack.c.0.s8.s32 v16;
	v57 =	vand.u32 $0xF, v12;
	v12 =	vcombine.low v56, v55  }
0x12: {  	v17 =	vunpack.c.0.s8.s32 v17;
	v18 =	vunpack.c.0.s8.s32 v18;
	v13 =	vcombine.low v6, v5  }
0x13: {  	v7 =	vcombine.low v1, v2;
	v1 =	vcombine.low v2, v1;
	v12 =	vand.u32 $0xF, v12  }
0x14: {  	v58 =	vand.u32 $0xF, v13;
	v13 =	vimm.s32 $0x543210FE;
	[tilespmem:$0x1FF50] =	vst v12;
	v12 =	vcombine.low v16, v15  }
0x15: {  	v59 =	vcombine.low v9, v8;
	v1 =	vand.u32 $0xF, v1;
	v13 =	vunpack.c.l.s4.s8 v13  }
0x16: {  	v17 =	vand.u32 $0xF, v17;
	v62 =	vcombine.low v55, v56;
	[tilespmem:$0x1FF90] =	vst v1;
	v2 =	vand.u32 $0xF, v12  }
0x17: {  	v1 =	vcombine.low v8, v9;
	v13 =	vunpack.c.0.s8.s32 v13;
	[tilespmem:$0x1FF80] =	vst v2;
	v2 =	vcombine.low v3, v4  }
0x18: {  	v63 =	vcombine.low v15, v16;
	v61 =	vcombine.low v17, v18;
	v11 =	vand.u32 $0xF, v59  }
0x19: {  	[tilespmem:$0x1FF40] =	vst v11;
	v1 =	vand.u32 $0xF, v1;
	v60 =	vcombine.low v14, v13;
	v2 =	vand.u32 $0xF, v2  }
0x1a: {  	s4 =	rddreg [dreg:$0x0];
	s1 =	srdreg.scid;
	v3 =	vcombine.low v5, v6;
	[tilespmem:$0x1FFA0] =	vst v2;
	v2 =	vcombine.low v13, v14;
	v13 =	vmul.u32 $0x80, v0  }
0x1b: {  	s0 =	stileid.u32;
	s2 =	rddreg [dreg:$0x1];
	s3 =	simm.s32 $0x0;
	v7 =	vand.u32 $0xF, v7;
	[tilespmem:$0x1FFC0] =	vst v1;
	v1 =	vand.u32 $0xF, v62;
	v11 =	vand.u32 $0xF, v60  }
0x1c: {  	s9 =	simm.s32 $0x80;
	s10 =	simm.s32 $0x3400;
	s11 =	simm.s32 $0x3600;
	[tilespmem:$0x1FFD0] =	vst v1;
	v3 =	vand.u32 $0xF, v3;
	v1 =	vand.u32 $0xF, v2;
	v17 =	vor.u32 $0x10, v13  }
0x1d: {  	s12 =	simm.s32 $0x3480;
	s13 =	simm.s32 $0x7600;
	s15 =	simm.s32 $0x3500;
	v18 =	vor.u32 $0x20, v13;
	v19 =	vor.u32 $0x30, v13;
	v20 =	vor.u32 $0x40, v13  }
0x1e: {  	s14 =	simm.s32 $0x1;
	s16 =	simm.s32 $0xB600;
	s17 =	simm.s32 $0x400;
	[tilespmem:$0x1FF10] =	vst v7;
	v21 =	vor.u32 $0x50, v13;
	v22 =	vor.u32 $0x60, v13;
	v23 =	vor.u32 $0x70, v13  }
0x1f: {  	s18 =	simm.s32 $0x20000;
	s5 =	sand.u32 $0x1, s1;
	s6 =	sshll.u32 s0, $0x1;
	[tilespmem:$0x1FF20] =	vst v57;
	v25 =	vor.u32 $0x800, v13;
	v27 =	vor.u32 $0x1000, v13;
	v29 =	vor.u32 $0x1800, v13  }
0x20: {  	s19 =	simm.s32 $0x2;
	s20 =	simm.s32 $0x3580;
	s6 =	sor.u32 s5, s6;
	[tilespmem:$0x1FF30] =	vst v58;
	v30 =	vor.u32 $0x810, v13;
	v31 =	vor.u32 $0x820, v13;
	v32 =	vor.u32 $0x830, v13  }
0x21: {  	s21 =	simm.s32 $0xD600;
	s22 =	simm.s32 $0x3;
	s7 =	smul.u32 $0x680, s6;
	[tilespmem:$0x1FF70] =	vst v61;
	v33 =	vor.u32 $0x840, v13;
	v34 =	vor.u32 $0x850, v13;
	v35 =	vor.u32 $0x860, v13  }
.Ltmp0:
0x22: {  	s23 =	simm.s32 $0x4;
	s5 =	ssub.s32 $0x2, s5;
	[tilespmem:$0x1FF60] =	vst v11;
	v36 =	vor.u32 $0x870, v13;
	v37 =	vor.u32 $0x1010, v13;
	v38 =	vor.u32 $0x1020, v13;
	(pc) =	sbr.rel .LBB2_1-.Ltmp0, $4  }
0x23: {  	s24 =	simm.s32 $0x0;
	[smem:$0x7FF] =	sst s3;
	s8 =	sshrl.u32 s5, $0x1;
	[tilespmem:$0x1FFB0] =	vst v3;
	v39 =	vor.u32 $0x1030, v13;
	v40 =	vor.u32 $0x1040, v13;
	v41 =	vor.u32 $0x1050, v13  }
0x24: {  	s6 =	smul.u32 $0x68, s6;
	s7 =	sadd.s32 s7, s4;
	s4 =	sadd.s32 $0xA00, s4;
	v42 =	vor.u32 $0x1060, v13;
	v43 =	vor.u32 $0x1070, v13;
	[tilespmem:$0x1FFE0] =	vst v1;
	v1 =	vand.u32 $0xF, v63  }
0x25: {  	s1 =	rddreg [dreg:$0x2];
	s8 =	ssub.s32 s5, s8;
	s5 =	sadd.s32 $0x7A1C00, s7;
	v44 =	vor.u32 $0x1810, v13;
	v45 =	vor.u32 $0x1820, v13;
	v46 =	vor.u32 $0x1830, v13;
	[tilespmem:$0x1FFF0] =	vst v1  }
0x26: {  	s7 =	smax.u32 s8, $0x1;
	s8 =	simm.s32 $0x5;
	v47 =	vor.u32 $0x1840, v13;
	v48 =	vor.u32 $0x1850, v13;
	v49 =	vor.u32 $0x1860, v13;
	_ =	strace $0x8000004A  }
.LBB2_8:
0x27: {  	s24 =	sadd.s32 $0x1, s24  }
0x28: {  	_ =	swait.ge [sflag:s22], $0x2000;
	p0 =	sne.s32 s24, s7  }
.Ltmp1:
0x29: {  	[sflag:s22] =	ssyncset.done $0x0;
	(pc) =	sbr.rel @!p0 .LBB2_9-.Ltmp1, $4  }
0x2a: {  	[sflag:s22] =	ssyncadd.s32 $0xFFFFE000  }
0x2b: {  	_ =	swait.ge [sflag:s23], $0x2000  }
0x2c: {  	[sflag:s23] =	ssyncset.done $0x0  }
0x2d: {  	[sflag:s23] =	ssyncadd.s32 $0xFFFFE000  }
.LBB2_1:
0x2e: {  	v1 =	vld [tilespmem:$0x1FF10];
	_ =	sdelay $0x4  }
0x2f: {  	[tilespmem:$0xF680] =	vst v1;
	v1 =	vld [tilespmem:$0x1FF20];
	_ =	sdelay $0x4  }
0x30: {  	[tilespmem:$0xF700] =	vst v1;
	v1 =	vld [tilespmem:$0x1FF30];
	_ =	sdelay $0x4  }
0x31: {  	[tilespmem:$0xF780] =	vst v1;
	v1 =	vld [tilespmem:$0x1FF40];
	_ =	sdelay $0x4  }
0x32: {  	[tilespmem:$0xF800] =	vst v1;
	v1 =	vld [tilespmem:$0x1FF50];
	_ =	sdelay $0x4  }
0x33: {  	[tilespmem:$0xF880] =	vst v1;
	v1 =	vld [tilespmem:$0x1FF60];
	_ =	sdelay $0x4  }
0x34: {  	[tilespmem:$0xF900] =	vst v1;
	v1 =	vld [tilespmem:$0x1FF80];
	_ =	sdelay $0x4  }
0x35: {  	[tilespmem:$0xF980] =	vst v1;
	v1 =	vld [tilespmem:$0x1FF70];
	_ =	sdelay $0x4  }
0x36: {  	[tilespmem:$0xFA00] =	vst v1;
	v1 =	vld [tilespmem:$0x1FF90];
	_ =	sdelay $0x4  }
0x37: {  	[tilespmem:$0xFA80] =	vst v1;
	v1 =	vld [tilespmem:$0x1FFA0];
	_ =	sdelay $0x4  }
0x38: {  	[tilespmem:$0xFB00] =	vst v1;
	v1 =	vld [tilespmem:$0x1FFB0];
	_ =	sdelay $0x4  }
0x39: {  	[tilespmem:$0xFB80] =	vst v1;
	v1 =	vld [tilespmem:$0x1FFC0];
	_ =	sdelay $0x4  }
0x3a: {  	[tilespmem:$0xFC00] =	vst v1;
	v1 =	vld [tilespmem:$0x1FFD0];
	_ =	sdelay $0x4  }
0x3b: {  	[tilespmem:$0xFC80] =	vst v1;
	v1 =	vld [tilespmem:$0x1FFE0];
	_ =	sdelay $0x4  }
0x3c: {  	[tilespmem:$0xFD00] =	vst v1;
	v1 =	vld [tilespmem:$0x1FFF0];
	_ =	sdelay $0x3  }
0x3d: {  	[tilespmem:$0xF600] =	vst v0  }
0x3e: {  	[tilespmem:$0xFD80] =	vst v1  }
0x3f: {  	[tilespmem:s3], [sflag:$0x5] =	stream.linear.gather [hbm4b:s5+s3], $0x3400, $0x38;
	[tilespmem:$0xFE00] =	vst v63  }
0x40: {  	_ =	swait.ge [sflag:s8], $0x3400  }
0x41: {  	[sflag:s8] =	ssyncset.done $0x0  }
0x42: {  	[sflag:s8] =	ssyncadd.s32 $0xFFFFCC00  }
0x43: {  	v1 =	vld [tilespmem:$0x0];
	_ =	sdelay $0x1  }
0x44: {  	v2 =	vld [tilespmem:$0x10];
	_ =	sdelay $0x1  }
0x45: {  	v3 =	vld [tilespmem:$0x20]  }
0x46: {  	v4 =	vshrl.u32 v1, $0x1;
	v1 =	vshll.u32 v1, $0x6  }
0x47: {  	v59 =	vld [tilespmem:$0x30];
	[tilespmem:$0x3400] =	vst v4;
	v1 =	vand.u32 $0x40, v1  }
0x48: {  	[tilespmem:$0x3500] =	vst v1;
	v1 =	vshrl.u32 v2, $0x1;
	v2 =	vshll.u32 v2, $0x6  }
0x49: {  	[tilespmem:$0x3410] =	vst v1;
	v1 =	vand.u32 $0x40, v2;
	v2 =	vld [tilespmem:$0x40]  }
0x4a: {  	[tilespmem:$0x3510] =	vst v1;
	v1 =	vshrl.u32 v3, $0x1;
	v3 =	vshll.u32 v3, $0x6  }
0x4b: {  	[tilespmem:$0x3420] =	vst v1;
	v1 =	vand.u32 $0x40, v3;
	v3 =	vld [tilespmem:$0x50]  }
0x4c: {  	v4 =	vshll.u32 v59, $0x6;
	[tilespmem:$0x3520] =	vst v1;
	v1 =	vshrl.u32 v59, $0x1  }
0x4d: {  	v60 =	vld [tilespmem:$0x60];
	[tilespmem:$0x3430] =	vst v1;
	v1 =	vand.u32 $0x40, v4  }
0x4e: {  	[tilespmem:$0x3530] =	vst v1;
	v1 =	vshrl.u32 v2, $0x1;
	v2 =	vshll.u32 v2, $0x6  }
0x4f: {  	[tilespmem:$0x3440] =	vst v1;
	v1 =	vand.u32 $0x40, v2;
	v2 =	vld [tilespmem:$0x70]  }
0x50: {  	[tilespmem:$0x3540] =	vst v1;
	v1 =	vshrl.u32 v3, $0x1;
	v3 =	vshll.u32 v3, $0x6  }
0x51: {  	[tilespmem:$0x3450] =	vst v1;
	v1 =	vand.u32 $0x40, v3  }
0x52: {  	v3 =	vshll.u32 v60, $0x6;
	[tilespmem:$0x3550] =	vst v1;
	v1 =	vshrl.u32 v60, $0x1  }
0x53: {  	[tilespmem:$0x3460] =	vst v1;
	v1 =	vand.u32 $0x40, v3  }
0x54: {  	[tilespmem:$0x3560] =	vst v1;
	v1 =	vshrl.u32 v2, $0x1;
	v2 =	vshll.u32 v2, $0x6  }
0x55: {  	[tilespmem:$0x3470] =	vst v1;
	v1 =	vand.u32 $0x40, v2  }
0x56: {  	[tilespmem:$0x3570] =	vst v1  }
0x57: {  	[tilespmem:s11], [sflag:$0x1] =	stream.indirect.gather [hbm4b:s4+s9], $0x80, s10, s9, $0xb8;
	[tilespmem:$0xFE00] =	vst v63  }
0x58: {  	v1 =	vld [tilespmem:$0x80];
	_ =	sdelay $0x1  }
0x59: {  	v2 =	vld [tilespmem:$0x90];
	_ =	sdelay $0x1  }
0x5a: {  	v3 =	vld [tilespmem:$0xA0]  }
0x5b: {  	v61 =	vshrl.u32 v1, $0x1;
	v1 =	vshll.u32 v1, $0x6  }
0x5c: {  	v62 =	vld [tilespmem:$0xB0];
	[tilespmem:$0x3480] =	vst v61;
	v1 =	vand.u32 $0x40, v1  }
0x5d: {  	[tilespmem:$0x3580] =	vst v1;
	v1 =	vshrl.u32 v2, $0x1;
	v2 =	vshll.u32 v2, $0x6  }
0x5e: {  	[tilespmem:$0x3490] =	vst v1;
	v1 =	vand.u32 $0x40, v2;
	v2 =	vld [tilespmem:$0xC0]  }
0x5f: {  	[tilespmem:$0x3590] =	vst v1;
	v1 =	vshrl.u32 v3, $0x1;
	v3 =	vshll.u32 v3, $0x6  }
0x60: {  	[tilespmem:$0x34A0] =	vst v1;
	v1 =	vand.u32 $0x40, v3;
	v3 =	vld [tilespmem:$0xD0]  }
0x61: {  	v4 =	vshll.u32 v62, $0x6;
	[tilespmem:$0x35A0] =	vst v1;
	v1 =	vshrl.u32 v62, $0x1  }
0x62: {  	v63 =	vld [tilespmem:$0xE0];
	[tilespmem:$0x34B0] =	vst v1;
	v1 =	vand.u32 $0x40, v4  }
0x63: {  	[tilespmem:$0x35B0] =	vst v1;
	v1 =	vshrl.u32 v2, $0x1;
	v2 =	vshll.u32 v2, $0x6  }
0x64: {  	[tilespmem:$0x34C0] =	vst v1;
	v1 =	vand.u32 $0x40, v2;
	v2 =	vld [tilespmem:$0xF0]  }
0x65: {  	[tilespmem:$0x35C0] =	vst v1;
	v1 =	vshrl.u32 v3, $0x1;
	v3 =	vshll.u32 v3, $0x6  }
0x66: {  	[tilespmem:$0x34D0] =	vst v1;
	v1 =	vand.u32 $0x40, v3  }
0x67: {  	v3 =	vshll.u32 v63, $0x6;
	[tilespmem:$0x35D0] =	vst v1;
	v1 =	vshrl.u32 v63, $0x1  }
0x68: {  	[tilespmem:$0x34E0] =	vst v1;
	v1 =	vand.u32 $0x40, v3  }
0x69: {  	[tilespmem:$0x35E0] =	vst v1;
	v1 =	vshrl.u32 v2, $0x1;
	v2 =	vshll.u32 v2, $0x6  }
0x6a: {  	[tilespmem:$0x34F0] =	vst v1;
	v1 =	vand.u32 $0x40, v2  }
0x6b: {  	s25 =	simm.s32 $0x0;
	[tilespmem:$0x35F0] =	vst v1  }
0x6c: {  	[tilespmem:s13], [sflag:$0x2] =	stream.indirect.gather [hbm4b:s4+s9], $0x80, s12, s9, $0xb8;
	[tilespmem:$0xFE00] =	vst v63  }
.LBB2_2:
0x6d: {  	_ =	swait.ge [sflag:s14], $0x4000  }
0x6e: {  	p0 =	seq.s32 s25, $0x0;
	[sflag:s14] =	ssyncset.done $0x0  }
0x6f: {  	s28 =	simm.s32 @!p0 $0x3;
	[sflag:s14] =	ssyncadd.s32 $0xFFFFC000  }
0x70: {  	_ =	swait.ge @!p0 [sflag:s28], $0x2000  }
0x71: {  	[sflag:s28] =	ssyncset.done @!p0 $0x0  }
0x72: {  	s26 =	sshll.u32 s25, $0x1;
	[sflag:s28] =	ssyncadd.s32 @!p0 $0xFFFFE000;
	s28 =	simm.s32 $0x0  }
.LBB2_3:
0x73: {  	s29 =	sshra.s32 s28, $0x2  }
0x74: {  	v60 =	vld [tilespmem:s29+$0xF600];
	_ =	sdelay $0x7  }
0x75: {  	v2 =	vld.idx.msk [tilespmem:v60+s15+$0x0], $0xffff  }
0x76: {  	v58 =	vadd.s32 $0x10, v60;
	_ =	sdelay $0x3  }
0x77: {  	v1 =	vadd.s32 v0, v2  }
0x78: {  	v3 =	vshll.u32 v60, $0x7;
	v63 =	vld.idx.msk [tilespmem:v58+s15+$0x0], $0xffff;
	v4 =	vand.u32 $0xFFFFFF80, v1  }
0x79: {  	v56 =	vadd.s32 $0x20, v60;
	v1 =	vand.u32 $0x7F, v1;
	v4 =	vadd.s32 v3, v4  }
0x7a: {  	v5 =	vor.u32 v1, v4  }
0x7b: {  	v54 =	vadd.s32 $0x30, v60  }
0x7c: {  	v53 =	vadd.s32 $0x40, v60  }
0x7d: {  	v52 =	vadd.s32 $0x50, v60;
	v51 =	vadd.s32 $0x60, v60;
	v6 =	vadd.s32 v0, v63  }
0x7e: {  	v50 =	vadd.s32 $0x70, v60;
	v1 =	vld.idx.msk [tilespmem:v56+s15+$0x0], $0xffff;
	v7 =	vand.u32 $0xFFFFFF80, v6;
	v4 =	vshll.u32 v58, $0x7  }
0x7f: {  	v8 =	vadd.s32 v13, v60;
	v6 =	vand.u32 $0x7F, v6;
	v7 =	vadd.s32 v4, v7;
	v5 =	vld.idx.msk [tilespmem:v5+s11+$0x0], $0xffff  }
0x80: {  	v62 =	vld.idx.msk [tilespmem:v54+s15+$0x0], $0xffff;
	v6 =	vor.u32 v6, v7  }
0x81: {  	v61 =	vld.idx.msk [tilespmem:v53+s15+$0x0], $0xffff  }
0x82: {  	v59 =	vld.idx.msk [tilespmem:v52+s15+$0x0], $0xffff  }
0x83: {  	v57 =	vld.idx.msk [tilespmem:v51+s15+$0x0], $0xffff;
	v7 =	vadd.s32 v0, v1  }
0x84: {  	v55 =	vld.idx.msk [tilespmem:v50+s15+$0x0], $0xffff;
	[tilespmem:v8+s16+$0x0] =	vst.idx.msk $0xffff, v5;
	v8 =	vand.u32 $0xFFFFFF80, v7;
	v5 =	vshll.u32 v56, $0x7  }
0x85: {  	v9 =	vadd.s32 v17, v60;
	v7 =	vand.u32 $0x7F, v7;
	v6 =	vld.idx.msk [tilespmem:v6+s11+$0x0], $0xffff;
	v8 =	vadd.s32 v5, v8  }
0x86: {  	v7 =	vor.u32 v7, v8;
	_ =	sdelay $0x2  }
0x87: {  	v8 =	vadd.s32 v0, v62  }
0x88: {  	[tilespmem:v9+s16+$0x0] =	vst.idx.msk $0xffff, v6;
	v9 =	vand.u32 $0xFFFFFF80, v8;
	v6 =	vshll.u32 v54, $0x7  }
0x89: {  	v10 =	vadd.s32 v18, v60;
	v8 =	vand.u32 $0x7F, v8;
	v7 =	vld.idx.msk [tilespmem:v7+s11+$0x0], $0xffff;
	v9 =	vadd.s32 v6, v9  }
0x8a: {  	v8 =	vor.u32 v8, v9;
	_ =	sdelay $0x2  }
0x8b: {  	v9 =	vadd.s32 v0, v61  }
0x8c: {  	[tilespmem:v10+s16+$0x0] =	vst.idx.msk $0xffff, v7;
	v10 =	vand.u32 $0xFFFFFF80, v9;
	v7 =	vshll.u32 v53, $0x7  }
0x8d: {  	v11 =	vadd.s32 v19, v60;
	v9 =	vand.u32 $0x7F, v9;
	v8 =	vld.idx.msk [tilespmem:v8+s11+$0x0], $0xffff;
	v10 =	vadd.s32 v7, v10  }
0x8e: {  	v9 =	vor.u32 v9, v10;
	_ =	sdelay $0x2  }
0x8f: {  	v10 =	vadd.s32 v0, v59  }
0x90: {  	[tilespmem:v11+s16+$0x0] =	vst.idx.msk $0xffff, v8;
	v11 =	vand.u32 $0xFFFFFF80, v10;
	v8 =	vshll.u32 v52, $0x7  }
0x91: {  	v12 =	vadd.s32 v20, v60;
	v10 =	vand.u32 $0x7F, v10;
	v9 =	vld.idx.msk [tilespmem:v9+s11+$0x0], $0xffff;
	v11 =	vadd.s32 v8, v11  }
0x92: {  	v10 =	vor.u32 v10, v11;
	_ =	sdelay $0x2  }
0x93: {  	v11 =	vadd.s32 v0, v57  }
0x94: {  	[tilespmem:v12+s16+$0x0] =	vst.idx.msk $0xffff, v9;
	v12 =	vand.u32 $0xFFFFFF80, v11;
	v9 =	vshll.u32 v51, $0x7  }
0x95: {  	v14 =	vadd.s32 v21, v60;
	v11 =	vand.u32 $0x7F, v11;
	v10 =	vld.idx.msk [tilespmem:v10+s11+$0x0], $0xffff;
	v12 =	vadd.s32 v9, v12  }
0x96: {  	v11 =	vor.u32 v11, v12;
	_ =	sdelay $0x2  }
0x97: {  	v12 =	vadd.s32 v0, v55  }
0x98: {  	[tilespmem:v14+s16+$0x0] =	vst.idx.msk $0xffff, v10;
	v14 =	vand.u32 $0xFFFFFF80, v12;
	v10 =	vshll.u32 v50, $0x7  }
0x99: {  	v15 =	vadd.s32 v22, v60;
	v12 =	vand.u32 $0x7F, v12;
	v11 =	vld.idx.msk [tilespmem:v11+s11+$0x0], $0xffff;
	v14 =	vadd.s32 v10, v14  }
0x9a: {  	v12 =	vor.u32 v12, v14;
	_ =	sdelay $0x2  }
0x9b: {  	v14 =	vadd.s32 v24, v2  }
0x9c: {  	[tilespmem:v15+s16+$0x0] =	vst.idx.msk $0xffff, v11;
	v11 =	vand.u32 $0xFFFFFF80, v14  }
0x9d: {  	v15 =	vadd.s32 v23, v60;
	v14 =	vand.u32 $0x7F, v14;
	v12 =	vld.idx.msk [tilespmem:v12+s11+$0x0], $0xffff;
	v11 =	vadd.s32 v3, v11  }
0x9e: {  	v11 =	vor.u32 v14, v11;
	_ =	sdelay $0x2  }
0x9f: {  	v14 =	vadd.s32 v24, v63  }
0xa0: {  	[tilespmem:v15+s16+$0x0] =	vst.idx.msk $0xffff, v12;
	v12 =	vand.u32 $0xFFFFFF80, v14  }
0xa1: {  	v15 =	vadd.s32 v25, v60;
	v14 =	vand.u32 $0x7F, v14;
	v11 =	vld.idx.msk [tilespmem:v11+s11+$0x0], $0xffff;
	v12 =	vadd.s32 v4, v12  }
0xa2: {  	v12 =	vor.u32 v14, v12;
	_ =	sdelay $0x2  }
0xa3: {  	v14 =	vadd.s32 v24, v1  }
0xa4: {  	[tilespmem:v15+s16+$0x0] =	vst.idx.msk $0xffff, v11;
	v11 =	vand.u32 $0xFFFFFF80, v14  }
0xa5: {  	v15 =	vadd.s32 v25, v58;
	v14 =	vand.u32 $0x7F, v14;
	v12 =	vld.idx.msk [tilespmem:v12+s11+$0x0], $0xffff;
	v11 =	vadd.s32 v5, v11  }
0xa6: {  	v11 =	vor.u32 v14, v11;
	_ =	sdelay $0x2  }
0xa7: {  	v14 =	vadd.s32 v24, v62  }
0xa8: {  	[tilespmem:v15+s16+$0x0] =	vst.idx.msk $0xffff, v12;
	v12 =	vand.u32 $0xFFFFFF80, v14  }
0xa9: {  	v15 =	vadd.s32 v25, v56;
	v14 =	vand.u32 $0x7F, v14;
	v11 =	vld.idx.msk [tilespmem:v11+s11+$0x0], $0xffff;
	v12 =	vadd.s32 v6, v12  }
0xaa: {  	v12 =	vor.u32 v14, v12;
	_ =	sdelay $0x2  }
0xab: {  	v14 =	vadd.s32 v24, v61  }
0xac: {  	[tilespmem:v15+s16+$0x0] =	vst.idx.msk $0xffff, v11;
	v11 =	vand.u32 $0xFFFFFF80, v14  }
0xad: {  	v15 =	vadd.s32 v25, v54;
	v14 =	vand.u32 $0x7F, v14;
	v12 =	vld.idx.msk [tilespmem:v12+s11+$0x0], $0xffff;
	v11 =	vadd.s32 v7, v11  }
0xae: {  	v11 =	vor.u32 v14, v11;
	_ =	sdelay $0x2  }
0xaf: {  	v14 =	vadd.s32 v24, v59  }
0xb0: {  	[tilespmem:v15+s16+$0x0] =	vst.idx.msk $0xffff, v12;
	v12 =	vand.u32 $0xFFFFFF80, v14  }
0xb1: {  	v15 =	vadd.s32 v25, v53;
	v14 =	vand.u32 $0x7F, v14;
	v11 =	vld.idx.msk [tilespmem:v11+s11+$0x0], $0xffff;
	v12 =	vadd.s32 v8, v12  }
0xb2: {  	v12 =	vor.u32 v14, v12;
	_ =	sdelay $0x2  }
0xb3: {  	v14 =	vadd.s32 v24, v57  }
0xb4: {  	[tilespmem:v15+s16+$0x0] =	vst.idx.msk $0xffff, v11;
	v11 =	vand.u32 $0xFFFFFF80, v14  }
0xb5: {  	v15 =	vadd.s32 v25, v52;
	v14 =	vand.u32 $0x7F, v14;
	v12 =	vld.idx.msk [tilespmem:v12+s11+$0x0], $0xffff;
	v11 =	vadd.s32 v9, v11  }
0xb6: {  	v11 =	vor.u32 v14, v11;
	_ =	sdelay $0x2  }
0xb7: {  	v14 =	vadd.s32 v24, v55  }
0xb8: {  	[tilespmem:v15+s16+$0x0] =	vst.idx.msk $0xffff, v12;
	v12 =	vand.u32 $0xFFFFFF80, v14  }
0xb9: {  	v15 =	vadd.s32 v25, v51;
	v14 =	vand.u32 $0x7F, v14;
	v11 =	vld.idx.msk [tilespmem:v11+s11+$0x0], $0xffff;
	v12 =	vadd.s32 v10, v12  }
0xba: {  	v12 =	vor.u32 v14, v12;
	_ =	sdelay $0x2  }
0xbb: {  	v14 =	vadd.s32 v26, v2  }
0xbc: {  	[tilespmem:v15+s16+$0x0] =	vst.idx.msk $0xffff, v11;
	v11 =	vand.u32 $0xFFFFFF80, v14  }
0xbd: {  	v15 =	vadd.s32 v25, v50;
	v14 =	vand.u32 $0x7F, v14;
	v12 =	vld.idx.msk [tilespmem:v12+s11+$0x0], $0xffff;
	v11 =	vadd.s32 v3, v11  }
0xbe: {  	v11 =	vor.u32 v14, v11;
	_ =	sdelay $0x2  }
0xbf: {  	v14 =	vadd.s32 v26, v63  }
0xc0: {  	[tilespmem:v15+s16+$0x0] =	vst.idx.msk $0xffff, v12;
	v12 =	vand.u32 $0xFFFFFF80, v14  }
0xc1: {  	v15 =	vadd.s32 v27, v60;
	v14 =	vand.u32 $0x7F, v14;
	v11 =	vld.idx.msk [tilespmem:v11+s11+$0x0], $0xffff;
	v12 =	vadd.s32 v4, v12  }
0xc2: {  	v12 =	vor.u32 v14, v12;
	_ =	sdelay $0x2  }
0xc3: {  	v14 =	vadd.s32 v26, v1  }
0xc4: {  	[tilespmem:v15+s16+$0x0] =	vst.idx.msk $0xffff, v11;
	v11 =	vand.u32 $0xFFFFFF80, v14  }
0xc5: {  	v15 =	vadd.s32 v27, v58;
	v14 =	vand.u32 $0x7F, v14;
	v12 =	vld.idx.msk [tilespmem:v12+s11+$0x0], $0xffff;
	v11 =	vadd.s32 v5, v11  }
0xc6: {  	v11 =	vor.u32 v14, v11;
	_ =	sdelay $0x2  }
0xc7: {  	v14 =	vadd.s32 v26, v62  }
0xc8: {  	[tilespmem:v15+s16+$0x0] =	vst.idx.msk $0xffff, v12;
	v12 =	vand.u32 $0xFFFFFF80, v14  }
0xc9: {  	v15 =	vadd.s32 v27, v56;
	v14 =	vand.u32 $0x7F, v14;
	v11 =	vld.idx.msk [tilespmem:v11+s11+$0x0], $0xffff;
	v12 =	vadd.s32 v6, v12  }
0xca: {  	v12 =	vor.u32 v14, v12;
	_ =	sdelay $0x2  }
0xcb: {  	v14 =	vadd.s32 v26, v61  }
0xcc: {  	[tilespmem:v15+s16+$0x0] =	vst.idx.msk $0xffff, v11;
	v11 =	vand.u32 $0xFFFFFF80, v14  }
0xcd: {  	v15 =	vadd.s32 v27, v54;
	v14 =	vand.u32 $0x7F, v14;
	v12 =	vld.idx.msk [tilespmem:v12+s11+$0x0], $0xffff;
	v11 =	vadd.s32 v7, v11  }
0xce: {  	v11 =	vor.u32 v14, v11;
	_ =	sdelay $0x2  }
0xcf: {  	v14 =	vadd.s32 v26, v59  }
0xd0: {  	[tilespmem:v15+s16+$0x0] =	vst.idx.msk $0xffff, v12;
	v12 =	vand.u32 $0xFFFFFF80, v14  }
0xd1: {  	v15 =	vadd.s32 v27, v53;
	v14 =	vand.u32 $0x7F, v14;
	v11 =	vld.idx.msk [tilespmem:v11+s11+$0x0], $0xffff;
	v12 =	vadd.s32 v8, v12  }
0xd2: {  	v12 =	vor.u32 v14, v12;
	_ =	sdelay $0x2  }
0xd3: {  	v14 =	vadd.s32 v26, v57  }
0xd4: {  	[tilespmem:v15+s16+$0x0] =	vst.idx.msk $0xffff, v11;
	v11 =	vand.u32 $0xFFFFFF80, v14  }
0xd5: {  	v15 =	vadd.s32 v27, v52;
	v14 =	vand.u32 $0x7F, v14;
	v12 =	vld.idx.msk [tilespmem:v12+s11+$0x0], $0xffff;
	v11 =	vadd.s32 v9, v11  }
0xd6: {  	v11 =	vor.u32 v14, v11;
	_ =	sdelay $0x2  }
0xd7: {  	v14 =	vadd.s32 v26, v55  }
0xd8: {  	[tilespmem:v15+s16+$0x0] =	vst.idx.msk $0xffff, v12;
	v12 =	vand.u32 $0xFFFFFF80, v14  }
0xd9: {  	v15 =	vadd.s32 v27, v51;
	v14 =	vand.u32 $0x7F, v14;
	v11 =	vld.idx.msk [tilespmem:v11+s11+$0x0], $0xffff;
	v12 =	vadd.s32 v10, v12  }
0xda: {  	v12 =	vor.u32 v14, v12;
	_ =	sdelay $0x2  }
0xdb: {  	v2 =	vadd.s32 v28, v2  }
0xdc: {  	[tilespmem:v15+s16+$0x0] =	vst.idx.msk $0xffff, v11;
	v11 =	vand.u32 $0xFFFFFF80, v2  }
0xdd: {  	v2 =	vand.u32 $0x7F, v2;
	v12 =	vld.idx.msk [tilespmem:v12+s11+$0x0], $0xffff;
	v3 =	vadd.s32 v3, v11;
	v11 =	vadd.s32 v27, v50  }
0xde: {  	v2 =	vor.u32 v2, v3;
	_ =	sdelay $0x2  }
0xdf: {  	v3 =	vadd.s32 v28, v63  }
0xe0: {  	v63 =	vand.u32 $0xFFFFFF80, v3;
	[tilespmem:v11+s16+$0x0] =	vst.idx.msk $0xffff, v12  }
0xe1: {  	v3 =	vand.u32 $0x7F, v3;
	v4 =	vadd.s32 v4, v63;
	v12 =	vadd.s32 v29, v60;
	v2 =	vld.idx.msk [tilespmem:v2+s11+$0x0], $0xffff  }
0xe2: {  	v3 =	vor.u32 v3, v4;
	_ =	sdelay $0x2  }
0xe3: {  	v1 =	vadd.s32 v28, v1  }
0xe4: {  	[tilespmem:v12+s16+$0x0] =	vst.idx.msk $0xffff, v2;
	v2 =	vand.u32 $0xFFFFFF80, v1  }
0xe5: {  	v63 =	vadd.s32 v29, v58;
	v1 =	vand.u32 $0x7F, v1;
	v3 =	vld.idx.msk [tilespmem:v3+s11+$0x0], $0xffff;
	v2 =	vadd.s32 v5, v2  }
0xe6: {  	v1 =	vor.u32 v1, v2;
	_ =	sdelay $0x2  }
0xe7: {  	v2 =	vadd.s32 v28, v62  }
0xe8: {  	[tilespmem:v63+s16+$0x0] =	vst.idx.msk $0xffff, v3;
	v3 =	vand.u32 $0xFFFFFF80, v2  }
0xe9: {  	v11 =	vadd.s32 v29, v56;
	v2 =	vand.u32 $0x7F, v2;
	v1 =	vld.idx.msk [tilespmem:v1+s11+$0x0], $0xffff;
	v3 =	vadd.s32 v6, v3  }
0xea: {  	v2 =	vor.u32 v2, v3;
	_ =	sdelay $0x2  }
0xeb: {  	v3 =	vadd.s32 v28, v61  }
0xec: {  	[tilespmem:v11+s16+$0x0] =	vst.idx.msk $0xffff, v1;
	v1 =	vand.u32 $0xFFFFFF80, v3  }
0xed: {  	v56 =	vadd.s32 v29, v54;
	v3 =	vand.u32 $0x7F, v3;
	v2 =	vld.idx.msk [tilespmem:v2+s11+$0x0], $0xffff;
	v1 =	vadd.s32 v7, v1  }
0xee: {  	v1 =	vor.u32 v3, v1;
	_ =	sdelay $0x2  }
0xef: {  	v3 =	vadd.s32 v28, v59  }
0xf0: {  	[tilespmem:v56+s16+$0x0] =	vst.idx.msk $0xffff, v2;
	v2 =	vand.u32 $0xFFFFFF80, v3  }
0xf1: {  	v58 =	vadd.s32 v29, v53;
	v3 =	vand.u32 $0x7F, v3;
	v1 =	vld.idx.msk [tilespmem:v1+s11+$0x0], $0xffff;
	v2 =	vadd.s32 v8, v2  }
0xf2: {  	v2 =	vor.u32 v3, v2;
	_ =	sdelay $0x2  }
0xf3: {  	v3 =	vadd.s32 v28, v57  }
0xf4: {  	[tilespmem:v58+s16+$0x0] =	vst.idx.msk $0xffff, v1;
	v1 =	vand.u32 $0xFFFFFF80, v3  }
0xf5: {  	v59 =	vadd.s32 v29, v52;
	v3 =	vand.u32 $0x7F, v3;
	v2 =	vld.idx.msk [tilespmem:v2+s11+$0x0], $0xffff;
	v1 =	vadd.s32 v9, v1  }
0xf6: {  	v1 =	vor.u32 v3, v1;
	_ =	sdelay $0x2  }
0xf7: {  	v3 =	vadd.s32 v28, v55  }
0xf8: {  	[tilespmem:v59+s16+$0x0] =	vst.idx.msk $0xffff, v2;
	v2 =	vand.u32 $0xFFFFFF80, v3  }
0xf9: {  	v60 =	vadd.s32 v29, v51;
	v3 =	vand.u32 $0x7F, v3;
	v1 =	vld.idx.msk [tilespmem:v1+s11+$0x0], $0xffff;
	v2 =	vadd.s32 v10, v2  }
0xfa: {  	v2 =	vor.u32 v3, v2;
	_ =	sdelay $0x3  }
0xfb: {  	[tilespmem:v60+s16+$0x0] =	vst.idx.msk $0xffff, v1  }
0xfc: {  	v1 =	vld.idx.msk [tilespmem:v2+s11+$0x0], $0xffff;
	v2 =	vadd.s32 v29, v50;
	_ =	sdelay $0x4  }
0xfd: {  	[tilespmem:v2+s16+$0x0] =	vst.idx.msk $0xffff, v1  }
0xfe: {  	v51 =	vld [tilespmem:s29+$0xF680];
	_ =	sdelay $0x7  }
0xff: {  	v2 =	vld.idx.msk [tilespmem:v51+s15+$0x0], $0xffff  }
0x100: {  	v3 =	vadd.s32 $0x10, v51;
	_ =	sdelay $0x3  }
0x101: {  	v1 =	vadd.s32 v0, v2  }
0x102: {  	v57 =	vshll.u32 v51, $0x7;
	v56 =	vld.idx.msk [tilespmem:v3+s15+$0x0], $0xffff;
	v62 =	vand.u32 $0xFFFFFF80, v1  }
0x103: {  	v61 =	vadd.s32 $0x20, v51;
	v1 =	vand.u32 $0x7F, v1;
	v5 =	vadd.s32 v57, v62  }
0x104: {  	v5 =	vor.u32 v1, v5  }
0x105: {  	v63 =	vadd.s32 $0x30, v51  }
0x106: {  	v58 =	vadd.s32 $0x40, v51  }
0x107: {  	v8 =	vadd.s32 $0x50, v51;
	v9 =	vadd.s32 $0x60, v51;
	v59 =	vadd.s32 v0, v56  }
0x108: {  	v11 =	vadd.s32 $0x70, v51;
	v3 =	vshll.u32 v3, $0x7;
	v1 =	vld.idx.msk [tilespmem:v61+s15+$0x0], $0xffff;
	v12 =	vand.u32 $0xFFFFFF80, v59  }
0x109: {  	v14 =	vadd.s32 v13, v51;
	v10 =	vand.u32 $0x7F, v59;
	v12 =	vadd.s32 v3, v12;
	v5 =	vld.idx.msk [tilespmem:v5+s11+$0x0], $0xffff  }
0x10a: {  	v55 =	vld.idx.msk [tilespmem:v63+s15+$0x0], $0xffff;
	v10 =	vor.u32 v10, v12  }
0x10b: {  	v54 =	vld.idx.msk [tilespmem:v58+s15+$0x0], $0xffff  }
0x10c: {  	v53 =	vld.idx.msk [tilespmem:v8+s15+$0x0], $0xffff  }
0x10d: {  	v52 =	vld.idx.msk [tilespmem:v9+s15+$0x0], $0xffff;
	v12 =	vadd.s32 v0, v1  }
0x10e: {  	v4 =	vshll.u32 v61, $0x7;
	v50 =	vld.idx.msk [tilespmem:v11+s15+$0x0], $0xffff;
	v60 =	vand.u32 $0xFFFFFF80, v12;
	[tilespmem:v14+s16+$0x0] =	vst.idx.msk $0xffff, v5  }
0x10f: {  	v12 =	vand.u32 $0x7F, v12;
	v14 =	vadd.s32 v17, v51;
	v5 =	vadd.s32 v4, v60;
	v10 =	vld.idx.msk [tilespmem:v10+s11+$0x0], $0xffff  }
0x110: {  	v12 =	vor.u32 v12, v5;
	_ =	sdelay $0x2  }
0x111: {  	v15 =	vadd.s32 v0, v55  }
0x112: {  	v61 =	vand.u32 $0xFFFFFF80, v15;
	v5 =	vshll.u32 v63, $0x7;
	[tilespmem:v14+s16+$0x0] =	vst.idx.msk $0xffff, v10  }
0x113: {  	v14 =	vand.u32 $0x7F, v15;
	v10 =	vadd.s32 v5, v61;
	v62 =	vld.idx.msk [tilespmem:v12+s11+$0x0], $0xffff;
	v12 =	vadd.s32 v18, v51  }
0x114: {  	v10 =	vor.u32 v14, v10;
	_ =	sdelay $0x2  }
0x115: {  	v14 =	vadd.s32 v0, v54  }
0x116: {  	v6 =	vshll.u32 v58, $0x7;
	[tilespmem:v12+s16+$0x0] =	vst.idx.msk $0xffff, v62;
	v12 =	vand.u32 $0xFFFFFF80, v14  }
0x117: {  	v58 =	vadd.s32 v19, v51;
	v14 =	vand.u32 $0x7F, v14;
	v63 =	vld.idx.msk [tilespmem:v10+s11+$0x0], $0xffff;
	v12 =	vadd.s32 v6, v12  }
0x118: {  	v12 =	vor.u32 v14, v12;
	_ =	sdelay $0x2  }
0x119: {  	v14 =	vadd.s32 v0, v53  }
0x11a: {  	v7 =	vshll.u32 v8, $0x7;
	v59 =	vand.u32 $0xFFFFFF80, v14;
	[tilespmem:v58+s16+$0x0] =	vst.idx.msk $0xffff, v63  }
0x11b: {  	v14 =	vand.u32 $0x7F, v14;
	v10 =	vadd.s32 v7, v59;
	v60 =	vld.idx.msk [tilespmem:v12+s11+$0x0], $0xffff;
	v12 =	vadd.s32 v20, v51  }
0x11c: {  	v10 =	vor.u32 v14, v10;
	_ =	sdelay $0x2  }
0x11d: {  	v14 =	vadd.s32 v0, v52  }
0x11e: {  	v8 =	vshll.u32 v9, $0x7;
	[tilespmem:v12+s16+$0x0] =	vst.idx.msk $0xffff, v60;
	v12 =	vand.u32 $0xFFFFFF80, v14  }
0x11f: {  	v62 =	vadd.s32 v21, v51;
	v14 =	vand.u32 $0x7F, v14;
	v61 =	vld.idx.msk [tilespmem:v10+s11+$0x0], $0xffff;
	v12 =	vadd.s32 v8, v12  }
0x120: {  	v12 =	vor.u32 v14, v12;
	_ =	sdelay $0x2  }
0x121: {  	v14 =	vadd.s32 v0, v50  }
0x122: {  	v9 =	vshll.u32 v11, $0x7;
	v63 =	vand.u32 $0xFFFFFF80, v14;
	[tilespmem:v62+s16+$0x0] =	vst.idx.msk $0xffff, v61  }
0x123: {  	v14 =	vand.u32 $0x7F, v14;
	v10 =	vadd.s32 v9, v63;
	v58 =	vld.idx.msk [tilespmem:v12+s11+$0x0], $0xffff;
	v12 =	vadd.s32 v22, v51  }
0x124: {  	v10 =	vor.u32 v14, v10;
	_ =	sdelay $0x2  }
0x125: {  	v14 =	vadd.s32 v24, v2  }
0x126: {  	v59 =	vand.u32 $0xFFFFFF80, v14;
	[tilespmem:v12+s16+$0x0] =	vst.idx.msk $0xffff, v58  }
0x127: {  	v14 =	vand.u32 $0x7F, v14;
	v11 =	vadd.s32 v57, v59;
	v12 =	vadd.s32 v23, v51;
	v10 =	vld.idx.msk [tilespmem:v10+s11+$0x0], $0xffff  }
0x128: {  	v11 =	vor.u32 v14, v11;
	_ =	sdelay $0x2  }
0x129: {  	v14 =	vadd.s32 v24, v56  }
0x12a: {  	v60 =	vand.u32 $0xFFFFFF80, v14;
	[tilespmem:v12+s16+$0x0] =	vst.idx.msk $0xffff, v10  }
0x12b: {  	v14 =	vand.u32 $0x7F, v14;
	v12 =	vadd.s32 v25, v51;
	v10 =	vadd.s32 v3, v60;
	v11 =	vld.idx.msk [tilespmem:v11+s11+$0x0], $0xffff  }
0x12c: {  	v10 =	vor.u32 v14, v10;
	_ =	sdelay $0x2  }
0x12d: {  	v14 =	vadd.s32 v24, v1  }
0x12e: {  	v61 =	vand.u32 $0xFFFFFF80, v14;
	[tilespmem:v12+s16+$0x0] =	vst.idx.msk $0xffff, v11  }
0x12f: {  	v14 =	vand.u32 $0x7F, v14;
	v12 =	vadd.s32 v30, v51;
	v11 =	vadd.s32 v4, v61;
	v10 =	vld.idx.msk [tilespmem:v10+s11+$0x0], $0xffff  }
0x130: {  	v11 =	vor.u32 v14, v11;
	_ =	sdelay $0x2  }
0x131: {  	v14 =	vadd.s32 v24, v55  }
0x132: {  	v62 =	vand.u32 $0xFFFFFF80, v14;
	[tilespmem:v12+s16+$0x0] =	vst.idx.msk $0xffff, v10  }
0x133: {  	v14 =	vand.u32 $0x7F, v14;
	v12 =	vadd.s32 v31, v51;
	v10 =	vadd.s32 v5, v62;
	v11 =	vld.idx.msk [tilespmem:v11+s11+$0x0], $0xffff  }
0x134: {  	v10 =	vor.u32 v14, v10;
	_ =	sdelay $0x2  }
0x135: {  	v14 =	vadd.s32 v24, v54  }
0x136: {  	v63 =	vand.u32 $0xFFFFFF80, v14;
	[tilespmem:v12+s16+$0x0] =	vst.idx.msk $0xffff, v11  }
0x137: {  	v14 =	vand.u32 $0x7F, v14;
	v12 =	vadd.s32 v32, v51;
	v11 =	vadd.s32 v6, v63;
	v10 =	vld.idx.msk [tilespmem:v10+s11+$0x0], $0xffff  }
0x138: {  	v11 =	vor.u32 v14, v11;
	_ =	sdelay $0x2  }
0x139: {  	v14 =	vadd.s32 v24, v53  }
0x13a: {  	v58 =	vand.u32 $0xFFFFFF80, v14;
	[tilespmem:v12+s16+$0x0] =	vst.idx.msk $0xffff, v10  }
0x13b: {  	v14 =	vand.u32 $0x7F, v14;
	v12 =	vadd.s32 v33, v51;
	v10 =	vadd.s32 v7, v58;
	v11 =	vld.idx.msk [tilespmem:v11+s11+$0x0], $0xffff  }
0x13c: {  	v10 =	vor.u32 v14, v10;
	_ =	sdelay $0x2  }
0x13d: {  	v14 =	vadd.s32 v24, v52  }
0x13e: {  	v59 =	vand.u32 $0xFFFFFF80, v14;
	[tilespmem:v12+s16+$0x0] =	vst.idx.msk $0xffff, v11  }
0x13f: {  	v14 =	vand.u32 $0x7F, v14;
	v12 =	vadd.s32 v34, v51;
	v11 =	vadd.s32 v8, v59;
	v10 =	vld.idx.msk [tilespmem:v10+s11+$0x0], $0xffff  }
0x140: {  	v11 =	vor.u32 v14, v11;
	_ =	sdelay $0x2  }
0x141: {  	v14 =	vadd.s32 v24, v50  }
0x142: {  	v60 =	vand.u32 $0xFFFFFF80, v14;
	[tilespmem:v12+s16+$0x0] =	vst.idx.msk $0xffff, v10  }
0x143: {  	v14 =	vand.u32 $0x7F, v14;
	v12 =	vadd.s32 v35, v51;
	v10 =	vadd.s32 v9, v60;
	v11 =	vld.idx.msk [tilespmem:v11+s11+$0x0], $0xffff  }
0x144: {  	v10 =	vor.u32 v14, v10;
	_ =	sdelay $0x2  }
0x145: {  	v14 =	vadd.s32 v26, v2  }
0x146: {  	v61 =	vand.u32 $0xFFFFFF80, v14;
	[tilespmem:v12+s16+$0x0] =	vst.idx.msk $0xffff, v11  }
0x147: {  	v14 =	vand.u32 $0x7F, v14;
	v12 =	vadd.s32 v36, v51;
	v11 =	vadd.s32 v57, v61;
	v10 =	vld.idx.msk [tilespmem:v10+s11+$0x0], $0xffff  }
0x148: {  	v11 =	vor.u32 v14, v11;
	_ =	sdelay $0x2  }
0x149: {  	v14 =	vadd.s32 v26, v56  }
0x14a: {  	v62 =	vand.u32 $0xFFFFFF80, v14;
	[tilespmem:v12+s16+$0x0] =	vst.idx.msk $0xffff, v10  }
0x14b: {  	v14 =	vand.u32 $0x7F, v14;
	v12 =	vadd.s32 v27, v51;
	v10 =	vadd.s32 v3, v62;
	v11 =	vld.idx.msk [tilespmem:v11+s11+$0x0], $0xffff  }
0x14c: {  	v10 =	vor.u32 v14, v10;
	_ =	sdelay $0x2  }
0x14d: {  	v14 =	vadd.s32 v26, v1  }
0x14e: {  	v63 =	vand.u32 $0xFFFFFF80, v14;
	[tilespmem:v12+s16+$0x0] =	vst.idx.msk $0xffff, v11  }
0x14f: {  	v14 =	vand.u32 $0x7F, v14;
	v12 =	vadd.s32 v37, v51;
	v11 =	vadd.s32 v4, v63;
	v10 =	vld.idx.msk [tilespmem:v10+s11+$0x0], $0xffff  }
0x150: {  	v11 =	vor.u32 v14, v11;
	_ =	sdelay $0x2  }
0x151: {  	v14 =	vadd.s32 v26, v55  }
0x152: {  	v58 =	vand.u32 $0xFFFFFF80, v14;
	[tilespmem:v12+s16+$0x0] =	vst.idx.msk $0xffff, v10  }
0x153: {  	v14 =	vand.u32 $0x7F, v14;
	v12 =	vadd.s32 v38, v51;
	v10 =	vadd.s32 v5, v58;
	v11 =	vld.idx.msk [tilespmem:v11+s11+$0x0], $0xffff  }
0x154: {  	v10 =	vor.u32 v14, v10;
	_ =	sdelay $0x2  }
0x155: {  	v14 =	vadd.s32 v26, v54  }
0x156: {  	v59 =	vand.u32 $0xFFFFFF80, v14;
	[tilespmem:v12+s16+$0x0] =	vst.idx.msk $0xffff, v11  }
0x157: {  	v14 =	vand.u32 $0x7F, v14;
	v12 =	vadd.s32 v39, v51;
	v11 =	vadd.s32 v6, v59;
	v10 =	vld.idx.msk [tilespmem:v10+s11+$0x0], $0xffff  }
0x158: {  	v11 =	vor.u32 v14, v11;
	_ =	sdelay $0x2  }
0x159: {  	v14 =	vadd.s32 v26, v53  }
0x15a: {  	v60 =	vand.u32 $0xFFFFFF80, v14;
	[tilespmem:v12+s16+$0x0] =	vst.idx.msk $0xffff, v10  }
0x15b: {  	v14 =	vand.u32 $0x7F, v14;
	v12 =	vadd.s32 v40, v51;
	v10 =	vadd.s32 v7, v60;
	v11 =	vld.idx.msk [tilespmem:v11+s11+$0x0], $0xffff  }
0x15c: {  	v10 =	vor.u32 v14, v10;
	_ =	sdelay $0x2  }
0x15d: {  	v14 =	vadd.s32 v26, v52  }
0x15e: {  	v61 =	vand.u32 $0xFFFFFF80, v14;
	[tilespmem:v12+s16+$0x0] =	vst.idx.msk $0xffff, v11  }
0x15f: {  	v14 =	vand.u32 $0x7F, v14;
	v12 =	vadd.s32 v41, v51;
	v11 =	vadd.s32 v8, v61;
	v10 =	vld.idx.msk [tilespmem:v10+s11+$0x0], $0xffff  }
0x160: {  	v11 =	vor.u32 v14, v11;
	_ =	sdelay $0x2  }
0x161: {  	v14 =	vadd.s32 v26, v50  }
0x162: {  	v62 =	vand.u32 $0xFFFFFF80, v14;
	[tilespmem:v12+s16+$0x0] =	vst.idx.msk $0xffff, v10  }
0x163: {  	v14 =	vand.u32 $0x7F, v14;
	v12 =	vadd.s32 v42, v51;
	v10 =	vadd.s32 v9, v62;
	v11 =	vld.idx.msk [tilespmem:v11+s11+$0x0], $0xffff  }
0x164: {  	v10 =	vor.u32 v14, v10;
	_ =	sdelay $0x2  }
0x165: {  	v2 =	vadd.s32 v28, v2  }
0x166: {  	v63 =	vand.u32 $0xFFFFFF80, v2;
	[tilespmem:v12+s16+$0x0] =	vst.idx.msk $0xffff, v11  }
0x167: {  	v2 =	vand.u32 $0x7F, v2;
	v12 =	vadd.s32 v43, v51;
	v11 =	vadd.s32 v57, v63;
	v10 =	vld.idx.msk [tilespmem:v10+s11+$0x0], $0xffff  }
0x168: {  	v2 =	vor.u32 v2, v11;
	_ =	sdelay $0x2  }
0x169: {  	v56 =	vadd.s32 v28, v56  }
0x16a: {  	v57 =	vand.u32 $0xFFFFFF80, v56;
	[tilespmem:v12+s16+$0x0] =	vst.idx.msk $0xffff, v10  }
0x16b: {  	v11 =	vand.u32 $0x7F, v56;
	v3 =	vadd.s32 v3, v57;
	v12 =	vadd.s32 v29, v51;
	v2 =	vld.idx.msk [tilespmem:v2+s11+$0x0], $0xffff  }
0x16c: {  	v3 =	vor.u32 v11, v3;
	_ =	sdelay $0x2  }
0x16d: {  	v1 =	vadd.s32 v28, v1  }
0x16e: {  	[tilespmem:v12+s16+$0x0] =	vst.idx.msk $0xffff, v2;
	v2 =	vand.u32 $0xFFFFFF80, v1  }
0x16f: {  	v58 =	vadd.s32 v44, v51;
	v1 =	vand.u32 $0x7F, v1;
	v3 =	vld.idx.msk [tilespmem:v3+s11+$0x0], $0xffff;
	v2 =	vadd.s32 v4, v2  }
0x170: {  	v1 =	vor.u32 v1, v2;
	_ =	sdelay $0x2  }
0x171: {  	v2 =	vadd.s32 v28, v55  }
0x172: {  	[tilespmem:v58+s16+$0x0] =	vst.idx.msk $0xffff, v3;
	v3 =	vand.u32 $0xFFFFFF80, v2  }
0x173: {  	v59 =	vadd.s32 v45, v51;
	v2 =	vand.u32 $0x7F, v2;
	v1 =	vld.idx.msk [tilespmem:v1+s11+$0x0], $0xffff;
	v3 =	vadd.s32 v5, v3  }
0x174: {  	v2 =	vor.u32 v2, v3;
	_ =	sdelay $0x2  }
0x175: {  	v3 =	vadd.s32 v28, v54  }
0x176: {  	[tilespmem:v59+s16+$0x0] =	vst.idx.msk $0xffff, v1;
	v1 =	vand.u32 $0xFFFFFF80, v3  }
0x177: {  	v60 =	vadd.s32 v46, v51;
	v3 =	vand.u32 $0x7F, v3;
	v2 =	vld.idx.msk [tilespmem:v2+s11+$0x0], $0xffff;
	v1 =	vadd.s32 v6, v1  }
0x178: {  	v1 =	vor.u32 v3, v1;
	_ =	sdelay $0x2  }
0x179: {  	v3 =	vadd.s32 v28, v53  }
0x17a: {  	[tilespmem:v60+s16+$0x0] =	vst.idx.msk $0xffff, v2;
	v2 =	vand.u32 $0xFFFFFF80, v3  }
0x17b: {  	v61 =	vadd.s32 v47, v51;
	v3 =	vand.u32 $0x7F, v3;
	v1 =	vld.idx.msk [tilespmem:v1+s11+$0x0], $0xffff;
	v2 =	vadd.s32 v7, v2  }
0x17c: {  	v2 =	vor.u32 v3, v2;
	_ =	sdelay $0x2  }
0x17d: {  	v3 =	vadd.s32 v28, v52  }
0x17e: {  	[tilespmem:v61+s16+$0x0] =	vst.idx.msk $0xffff, v1;
	v1 =	vand.u32 $0xFFFFFF80, v3  }
0x17f: {  	v62 =	vadd.s32 v48, v51;
	v3 =	vand.u32 $0x7F, v3;
	v2 =	vld.idx.msk [tilespmem:v2+s11+$0x0], $0xffff;
	v1 =	vadd.s32 v8, v1  }
0x180: {  	v1 =	vor.u32 v3, v1;
	_ =	sdelay $0x2  }
0x181: {  	v3 =	vadd.s32 v28, v50  }
0x182: {  	[tilespmem:v62+s16+$0x0] =	vst.idx.msk $0xffff, v2;
	v2 =	vand.u32 $0xFFFFFF80, v3  }
0x183: {  	v63 =	vadd.s32 v49, v51;
	v3 =	vand.u32 $0x7F, v3;
	v1 =	vld.idx.msk [tilespmem:v1+s11+$0x0], $0xffff;
	v2 =	vadd.s32 v9, v2  }
0x184: {  	v2 =	vor.u32 v3, v2;
	_ =	sdelay $0x3  }
0x185: {  	v50 =	vor.u32 $0x1870, v13;
	[tilespmem:v63+s16+$0x0] =	vst.idx.msk $0xffff, v1  }
0x186: {  	p1 =	sne.s32 s28, $0x1C00;
	v1 =	vld.idx.msk [tilespmem:v2+s11+$0x0], $0xffff;
	v2 =	vadd.s32 v50, v51  }
.Ltmp2:
0x187: {  	_ = 	snop;
	(pc) =	sbr.rel @p1 .LBB2_3-.Ltmp2, $2  }
0x188: {  	_ =	sdelay $0x2  }
0x189: {  	s28 =	sadd.s32 $0x400, s28;
	[tilespmem:v2+s16+$0x0] =	vst.idx.msk $0xffff, v1  }
0x18a: {  	s28 =	sadd.s32 s6, s26  }
0x18b: {  	s29 =	sshll.u32 s28, $0x7  }
0x18c: {  	s28 =	sshll.u32 s28, $0xA;
	s29 =	sand.u32 $0x3F00, s29  }
0x18d: {  	s28 =	sand.u32 $0xFFE0000, s28;
	s29 =	sadd.s32 s2, s29  }
0x18e: {  	p1 =	seq.s32 s25, $0x33;
	s28 =	sadd.s32 s28, s29  }
0x18f: {  	[hbm4b:s28+s17] =	stream.strided.scatter [tilespmem:s16], [sflag:$0x3], $0x2000, s18, s17, $0x38;
	[tilespmem:$0xFE00] =	vst v63  }
0x190: {  	s28 =	sshll.u32 @!p1 s25, $0x8  }
0x191: {  	s28 =	sand.u32 @!p1 $0x3FFFFF00, s28  }
0x192: {  	v1 =	vld @!p1 [tilespmem:s28+$0x100];
	_ =	sdelay $0x4  }
0x193: {  	v2 =	vshrl.u32 @!p1 v1, $0x1;
	v1 =	vshll.u32 @!p1 v1, $0x6  }
0x194: {  	[tilespmem:$0x3400] =	vst @!p1 v2;
	v1 =	vand.u32 @!p1 $0x40, v1  }
0x195: {  	[tilespmem:$0x3500] =	vst @!p1 v1  }
0x196: {  	v1 =	vld @!p1 [tilespmem:s28+$0x110];
	_ =	sdelay $0x4  }
0x197: {  	v2 =	vshrl.u32 @!p1 v1, $0x1;
	v1 =	vshll.u32 @!p1 v1, $0x6  }
0x198: {  	[tilespmem:$0x3410] =	vst @!p1 v2;
	v1 =	vand.u32 @!p1 $0x40, v1  }
0x199: {  	[tilespmem:$0x3510] =	vst @!p1 v1  }
0x19a: {  	v1 =	vld @!p1 [tilespmem:s28+$0x120];
	_ =	sdelay $0x4  }
0x19b: {  	v2 =	vshrl.u32 @!p1 v1, $0x1;
	v1 =	vshll.u32 @!p1 v1, $0x6  }
0x19c: {  	[tilespmem:$0x3420] =	vst @!p1 v2;
	v1 =	vand.u32 @!p1 $0x40, v1  }
0x19d: {  	[tilespmem:$0x3520] =	vst @!p1 v1  }
0x19e: {  	v1 =	vld @!p1 [tilespmem:s28+$0x130];
	_ =	sdelay $0x4  }
0x19f: {  	v2 =	vshrl.u32 @!p1 v1, $0x1;
	v1 =	vshll.u32 @!p1 v1, $0x6  }
0x1a0: {  	[tilespmem:$0x3430] =	vst @!p1 v2;
	v1 =	vand.u32 @!p1 $0x40, v1  }
0x1a1: {  	[tilespmem:$0x3530] =	vst @!p1 v1  }
0x1a2: {  	v1 =	vld @!p1 [tilespmem:s28+$0x140];
	_ =	sdelay $0x4  }
0x1a3: {  	v2 =	vshrl.u32 @!p1 v1, $0x1;
	v1 =	vshll.u32 @!p1 v1, $0x6  }
0x1a4: {  	[tilespmem:$0x3440] =	vst @!p1 v2;
	v1 =	vand.u32 @!p1 $0x40, v1  }
0x1a5: {  	[tilespmem:$0x3540] =	vst @!p1 v1  }
0x1a6: {  	v1 =	vld @!p1 [tilespmem:s28+$0x150];
	_ =	sdelay $0x4  }
0x1a7: {  	v2 =	vshrl.u32 @!p1 v1, $0x1;
	v1 =	vshll.u32 @!p1 v1, $0x6  }
0x1a8: {  	[tilespmem:$0x3450] =	vst @!p1 v2;
	v1 =	vand.u32 @!p1 $0x40, v1  }
0x1a9: {  	[tilespmem:$0x3550] =	vst @!p1 v1  }
0x1aa: {  	v1 =	vld @!p1 [tilespmem:s28+$0x160];
	_ =	sdelay $0x4  }
0x1ab: {  	v2 =	vshrl.u32 @!p1 v1, $0x1;
	v1 =	vshll.u32 @!p1 v1, $0x6  }
0x1ac: {  	[tilespmem:$0x3460] =	vst @!p1 v2;
	v1 =	vand.u32 @!p1 $0x40, v1  }
0x1ad: {  	[tilespmem:$0x3560] =	vst @!p1 v1  }
0x1ae: {  	v1 =	vld @!p1 [tilespmem:s28+$0x170];
	_ =	sdelay $0x4  }
0x1af: {  	v2 =	vshrl.u32 @!p1 v1, $0x1;
	v1 =	vshll.u32 @!p1 v1, $0x6  }
0x1b0: {  	[tilespmem:$0x3470] =	vst @!p1 v2;
	v1 =	vand.u32 @!p1 $0x40, v1  }
0x1b1: {  	s30 =	simm.s32 @!p1 $0x3600;
	s29 =	simm.s32 @!p1 $0x3400;
	s28 =	simm.s32 @!p1 $0x80;
	[tilespmem:$0x3570] =	vst @!p1 v1  }
0x1b2: {  	[tilespmem:s30], [sflag:$0x1] =	stream.indirect.gather @!p1 [hbm4b:s4+s28], $0x80, s29, s28, $0xb8;
	[tilespmem:$0xFE00] =	vst v63  }
0x1b3: {  	_ =	swait.ge [sflag:s19], $0x4000  }
0x1b4: {  	[sflag:s19] =	ssyncset.done $0x0  }
0x1b5: {  	s28 =	simm.s32 @!p0 $0x4;
	[sflag:s19] =	ssyncadd.s32 $0xFFFFC000  }
0x1b6: {  	_ =	swait.ge @!p0 [sflag:s28], $0x2000  }
0x1b7: {  	[sflag:s28] =	ssyncset.done @!p0 $0x0  }
0x1b8: {  	s26 =	sor.u32 $0x1, s26;
	[sflag:s28] =	ssyncadd.s32 @!p0 $0xFFFFE000;
	s28 =	simm.s32 $0x0  }
.LBB2_5:
0x1b9: {  	s29 =	sshra.s32 s28, $0x2  }
0x1ba: {  	v61 =	vld [tilespmem:s29+$0xF600];
	_ =	sdelay $0x7  }
0x1bb: {  	v3 =	vld.idx.msk [tilespmem:v61+s20+$0x0], $0xffff  }
0x1bc: {  	v59 =	vadd.s32 $0x10, v61;
	_ =	sdelay $0x3  }
0x1bd: {  	v2 =	vadd.s32 v0, v3  }
0x1be: {  	v4 =	vshll.u32 v61, $0x7;
	v1 =	vld.idx.msk [tilespmem:v59+s20+$0x0], $0xffff;
	v5 =	vand.u32 $0xFFFFFF80, v2  }
0x1bf: {  	v57 =	vadd.s32 $0x20, v61;
	v2 =	vand.u32 $0x7F, v2;
	v5 =	vadd.s32 v4, v5  }
0x1c0: {  	v6 =	vor.u32 v2, v5  }
0x1c1: {  	v55 =	vadd.s32 $0x30, v61  }
0x1c2: {  	v54 =	vadd.s32 $0x40, v61  }
0x1c3: {  	v53 =	vadd.s32 $0x50, v61;
	v52 =	vadd.s32 $0x60, v61;
	v7 =	vadd.s32 v0, v1  }
0x1c4: {  	v51 =	vadd.s32 $0x70, v61;
	v2 =	vld.idx.msk [tilespmem:v57+s20+$0x0], $0xffff;
	v8 =	vand.u32 $0xFFFFFF80, v7;
	v5 =	vshll.u32 v59, $0x7  }
0x1c5: {  	v9 =	vadd.s32 v13, v61;
	v7 =	vand.u32 $0x7F, v7;
	v8 =	vadd.s32 v5, v8;
	v6 =	vld.idx.msk [tilespmem:v6+s13+$0x0], $0xffff  }
0x1c6: {  	v63 =	vld.idx.msk [tilespmem:v55+s20+$0x0], $0xffff;
	v7 =	vor.u32 v7, v8  }
0x1c7: {  	v62 =	vld.idx.msk [tilespmem:v54+s20+$0x0], $0xffff  }
0x1c8: {  	v60 =	vld.idx.msk [tilespmem:v53+s20+$0x0], $0xffff  }
0x1c9: {  	v58 =	vld.idx.msk [tilespmem:v52+s20+$0x0], $0xffff;
	v8 =	vadd.s32 v0, v2  }
0x1ca: {  	v56 =	vld.idx.msk [tilespmem:v51+s20+$0x0], $0xffff;
	[tilespmem:v9+s21+$0x0] =	vst.idx.msk $0xffff, v6;
	v9 =	vand.u32 $0xFFFFFF80, v8;
	v6 =	vshll.u32 v57, $0x7  }
0x1cb: {  	v10 =	vadd.s32 v17, v61;
	v8 =	vand.u32 $0x7F, v8;
	v7 =	vld.idx.msk [tilespmem:v7+s13+$0x0], $0xffff;
	v9 =	vadd.s32 v6, v9  }
0x1cc: {  	v8 =	vor.u32 v8, v9;
	_ =	sdelay $0x2  }
0x1cd: {  	v9 =	vadd.s32 v0, v63  }
0x1ce: {  	[tilespmem:v10+s21+$0x0] =	vst.idx.msk $0xffff, v7;
	v10 =	vand.u32 $0xFFFFFF80, v9;
	v7 =	vshll.u32 v55, $0x7  }
0x1cf: {  	v11 =	vadd.s32 v18, v61;
	v9 =	vand.u32 $0x7F, v9;
	v8 =	vld.idx.msk [tilespmem:v8+s13+$0x0], $0xffff;
	v10 =	vadd.s32 v7, v10  }
0x1d0: {  	v9 =	vor.u32 v9, v10;
	_ =	sdelay $0x2  }
0x1d1: {  	v10 =	vadd.s32 v0, v62  }
0x1d2: {  	[tilespmem:v11+s21+$0x0] =	vst.idx.msk $0xffff, v8;
	v11 =	vand.u32 $0xFFFFFF80, v10;
	v8 =	vshll.u32 v54, $0x7  }
0x1d3: {  	v12 =	vadd.s32 v19, v61;
	v10 =	vand.u32 $0x7F, v10;
	v9 =	vld.idx.msk [tilespmem:v9+s13+$0x0], $0xffff;
	v11 =	vadd.s32 v8, v11  }
0x1d4: {  	v10 =	vor.u32 v10, v11;
	_ =	sdelay $0x2  }
0x1d5: {  	v11 =	vadd.s32 v0, v60  }
0x1d6: {  	[tilespmem:v12+s21+$0x0] =	vst.idx.msk $0xffff, v9;
	v12 =	vand.u32 $0xFFFFFF80, v11;
	v9 =	vshll.u32 v53, $0x7  }
0x1d7: {  	v14 =	vadd.s32 v20, v61;
	v11 =	vand.u32 $0x7F, v11;
	v10 =	vld.idx.msk [tilespmem:v10+s13+$0x0], $0xffff;
	v12 =	vadd.s32 v9, v12  }
0x1d8: {  	v11 =	vor.u32 v11, v12;
	_ =	sdelay $0x2  }
0x1d9: {  	v12 =	vadd.s32 v0, v58  }
0x1da: {  	[tilespmem:v14+s21+$0x0] =	vst.idx.msk $0xffff, v10;
	v14 =	vand.u32 $0xFFFFFF80, v12;
	v10 =	vshll.u32 v52, $0x7  }
0x1db: {  	v15 =	vadd.s32 v21, v61;
	v12 =	vand.u32 $0x7F, v12;
	v11 =	vld.idx.msk [tilespmem:v11+s13+$0x0], $0xffff;
	v14 =	vadd.s32 v10, v14  }
0x1dc: {  	v12 =	vor.u32 v12, v14;
	_ =	sdelay $0x2  }
0x1dd: {  	v14 =	vadd.s32 v0, v56  }
0x1de: {  	[tilespmem:v15+s21+$0x0] =	vst.idx.msk $0xffff, v11;
	v15 =	vand.u32 $0xFFFFFF80, v14;
	v11 =	vshll.u32 v51, $0x7  }
0x1df: {  	v16 =	vadd.s32 v22, v61;
	v14 =	vand.u32 $0x7F, v14;
	v12 =	vld.idx.msk [tilespmem:v12+s13+$0x0], $0xffff;
	v15 =	vadd.s32 v11, v15  }
0x1e0: {  	v14 =	vor.u32 v14, v15;
	_ =	sdelay $0x2  }
0x1e1: {  	v15 =	vadd.s32 v24, v3  }
0x1e2: {  	[tilespmem:v16+s21+$0x0] =	vst.idx.msk $0xffff, v12;
	v12 =	vand.u32 $0xFFFFFF80, v15  }
0x1e3: {  	v16 =	vadd.s32 v23, v61;
	v15 =	vand.u32 $0x7F, v15;
	v14 =	vld.idx.msk [tilespmem:v14+s13+$0x0], $0xffff;
	v12 =	vadd.s32 v4, v12  }
0x1e4: {  	v12 =	vor.u32 v15, v12;
	_ =	sdelay $0x2  }
0x1e5: {  	v15 =	vadd.s32 v24, v1  }
0x1e6: {  	[tilespmem:v16+s21+$0x0] =	vst.idx.msk $0xffff, v14;
	v14 =	vand.u32 $0xFFFFFF80, v15  }
0x1e7: {  	v16 =	vadd.s32 v25, v61;
	v15 =	vand.u32 $0x7F, v15;
	v12 =	vld.idx.msk [tilespmem:v12+s13+$0x0], $0xffff;
	v14 =	vadd.s32 v5, v14  }
0x1e8: {  	v14 =	vor.u32 v15, v14;
	_ =	sdelay $0x2  }
0x1e9: {  	v15 =	vadd.s32 v24, v2  }
0x1ea: {  	[tilespmem:v16+s21+$0x0] =	vst.idx.msk $0xffff, v12;
	v12 =	vand.u32 $0xFFFFFF80, v15  }
0x1eb: {  	v16 =	vadd.s32 v25, v59;
	v15 =	vand.u32 $0x7F, v15;
	v14 =	vld.idx.msk [tilespmem:v14+s13+$0x0], $0xffff;
	v12 =	vadd.s32 v6, v12  }
0x1ec: {  	v12 =	vor.u32 v15, v12;
	_ =	sdelay $0x2  }
0x1ed: {  	v15 =	vadd.s32 v24, v63  }
0x1ee: {  	[tilespmem:v16+s21+$0x0] =	vst.idx.msk $0xffff, v14;
	v14 =	vand.u32 $0xFFFFFF80, v15  }
0x1ef: {  	v16 =	vadd.s32 v25, v57;
	v15 =	vand.u32 $0x7F, v15;
	v12 =	vld.idx.msk [tilespmem:v12+s13+$0x0], $0xffff;
	v14 =	vadd.s32 v7, v14  }
0x1f0: {  	v14 =	vor.u32 v15, v14;
	_ =	sdelay $0x2  }
0x1f1: {  	v15 =	vadd.s32 v24, v62  }
0x1f2: {  	[tilespmem:v16+s21+$0x0] =	vst.idx.msk $0xffff, v12;
	v12 =	vand.u32 $0xFFFFFF80, v15  }
0x1f3: {  	v16 =	vadd.s32 v25, v55;
	v15 =	vand.u32 $0x7F, v15;
	v14 =	vld.idx.msk [tilespmem:v14+s13+$0x0], $0xffff;
	v12 =	vadd.s32 v8, v12  }
0x1f4: {  	v12 =	vor.u32 v15, v12;
	_ =	sdelay $0x2  }
0x1f5: {  	v15 =	vadd.s32 v24, v60  }
0x1f6: {  	[tilespmem:v16+s21+$0x0] =	vst.idx.msk $0xffff, v14;
	v14 =	vand.u32 $0xFFFFFF80, v15  }
0x1f7: {  	v16 =	vadd.s32 v25, v54;
	v15 =	vand.u32 $0x7F, v15;
	v12 =	vld.idx.msk [tilespmem:v12+s13+$0x0], $0xffff;
	v14 =	vadd.s32 v9, v14  }
0x1f8: {  	v14 =	vor.u32 v15, v14;
	_ =	sdelay $0x2  }
0x1f9: {  	v15 =	vadd.s32 v24, v58  }
0x1fa: {  	[tilespmem:v16+s21+$0x0] =	vst.idx.msk $0xffff, v12;
	v12 =	vand.u32 $0xFFFFFF80, v15  }
0x1fb: {  	v16 =	vadd.s32 v25, v53;
	v15 =	vand.u32 $0x7F, v15;
	v14 =	vld.idx.msk [tilespmem:v14+s13+$0x0], $0xffff;
	v12 =	vadd.s32 v10, v12  }
0x1fc: {  	v12 =	vor.u32 v15, v12;
	_ =	sdelay $0x2  }
0x1fd: {  	v15 =	vadd.s32 v24, v56  }
0x1fe: {  	[tilespmem:v16+s21+$0x0] =	vst.idx.msk $0xffff, v14;
	v14 =	vand.u32 $0xFFFFFF80, v15  }
0x1ff: {  	v16 =	vadd.s32 v25, v52;
	v15 =	vand.u32 $0x7F, v15;
	v12 =	vld.idx.msk [tilespmem:v12+s13+$0x0], $0xffff;
	v14 =	vadd.s32 v11, v14  }
0x200: {  	v14 =	vor.u32 v15, v14;
	_ =	sdelay $0x2  }
0x201: {  	v15 =	vadd.s32 v26, v3  }
0x202: {  	[tilespmem:v16+s21+$0x0] =	vst.idx.msk $0xffff, v12;
	v12 =	vand.u32 $0xFFFFFF80, v15  }
0x203: {  	v16 =	vadd.s32 v25, v51;
	v15 =	vand.u32 $0x7F, v15;
	v14 =	vld.idx.msk [tilespmem:v14+s13+$0x0], $0xffff;
	v12 =	vadd.s32 v4, v12  }
0x204: {  	v12 =	vor.u32 v15, v12;
	_ =	sdelay $0x2  }
0x205: {  	v15 =	vadd.s32 v26, v1  }
0x206: {  	[tilespmem:v16+s21+$0x0] =	vst.idx.msk $0xffff, v14;
	v14 =	vand.u32 $0xFFFFFF80, v15  }
0x207: {  	v16 =	vadd.s32 v27, v61;
	v15 =	vand.u32 $0x7F, v15;
	v12 =	vld.idx.msk [tilespmem:v12+s13+$0x0], $0xffff;
	v14 =	vadd.s32 v5, v14  }
0x208: {  	v14 =	vor.u32 v15, v14;
	_ =	sdelay $0x2  }
0x209: {  	v15 =	vadd.s32 v26, v2  }
0x20a: {  	[tilespmem:v16+s21+$0x0] =	vst.idx.msk $0xffff, v12;
	v12 =	vand.u32 $0xFFFFFF80, v15  }
0x20b: {  	v16 =	vadd.s32 v27, v59;
	v15 =	vand.u32 $0x7F, v15;
	v14 =	vld.idx.msk [tilespmem:v14+s13+$0x0], $0xffff;
	v12 =	vadd.s32 v6, v12  }
0x20c: {  	v12 =	vor.u32 v15, v12;
	_ =	sdelay $0x2  }
0x20d: {  	v15 =	vadd.s32 v26, v63  }
0x20e: {  	[tilespmem:v16+s21+$0x0] =	vst.idx.msk $0xffff, v14;
	v14 =	vand.u32 $0xFFFFFF80, v15  }
0x20f: {  	v16 =	vadd.s32 v27, v57;
	v15 =	vand.u32 $0x7F, v15;
	v12 =	vld.idx.msk [tilespmem:v12+s13+$0x0], $0xffff;
	v14 =	vadd.s32 v7, v14  }
0x210: {  	v14 =	vor.u32 v15, v14;
	_ =	sdelay $0x2  }
0x211: {  	v15 =	vadd.s32 v26, v62  }
0x212: {  	[tilespmem:v16+s21+$0x0] =	vst.idx.msk $0xffff, v12;
	v12 =	vand.u32 $0xFFFFFF80, v15  }
0x213: {  	v16 =	vadd.s32 v27, v55;
	v15 =	vand.u32 $0x7F, v15;
	v14 =	vld.idx.msk [tilespmem:v14+s13+$0x0], $0xffff;
	v12 =	vadd.s32 v8, v12  }
0x214: {  	v12 =	vor.u32 v15, v12;
	_ =	sdelay $0x2  }
0x215: {  	v15 =	vadd.s32 v26, v60  }
0x216: {  	[tilespmem:v16+s21+$0x0] =	vst.idx.msk $0xffff, v14;
	v14 =	vand.u32 $0xFFFFFF80, v15  }
0x217: {  	v16 =	vadd.s32 v27, v54;
	v15 =	vand.u32 $0x7F, v15;
	v12 =	vld.idx.msk [tilespmem:v12+s13+$0x0], $0xffff;
	v14 =	vadd.s32 v9, v14  }
0x218: {  	v14 =	vor.u32 v15, v14;
	_ =	sdelay $0x2  }
0x219: {  	v15 =	vadd.s32 v26, v58  }
0x21a: {  	[tilespmem:v16+s21+$0x0] =	vst.idx.msk $0xffff, v12;
	v12 =	vand.u32 $0xFFFFFF80, v15  }
0x21b: {  	v16 =	vadd.s32 v27, v53;
	v15 =	vand.u32 $0x7F, v15;
	v14 =	vld.idx.msk [tilespmem:v14+s13+$0x0], $0xffff;
	v12 =	vadd.s32 v10, v12  }
0x21c: {  	v12 =	vor.u32 v15, v12;
	_ =	sdelay $0x2  }
0x21d: {  	v15 =	vadd.s32 v26, v56  }
0x21e: {  	[tilespmem:v16+s21+$0x0] =	vst.idx.msk $0xffff, v14;
	v14 =	vand.u32 $0xFFFFFF80, v15  }
0x21f: {  	v16 =	vadd.s32 v27, v52;
	v15 =	vand.u32 $0x7F, v15;
	v12 =	vld.idx.msk [tilespmem:v12+s13+$0x0], $0xffff;
	v14 =	vadd.s32 v11, v14  }
0x220: {  	v14 =	vor.u32 v15, v14;
	_ =	sdelay $0x2  }
0x221: {  	v3 =	vadd.s32 v28, v3  }
0x222: {  	[tilespmem:v16+s21+$0x0] =	vst.idx.msk $0xffff, v12;
	v12 =	vand.u32 $0xFFFFFF80, v3  }
0x223: {  	v3 =	vand.u32 $0x7F, v3;
	v14 =	vld.idx.msk [tilespmem:v14+s13+$0x0], $0xffff;
	v4 =	vadd.s32 v4, v12;
	v12 =	vadd.s32 v27, v51  }
0x224: {  	v3 =	vor.u32 v3, v4;
	_ =	sdelay $0x2  }
0x225: {  	v1 =	vadd.s32 v28, v1  }
0x226: {  	v4 =	vand.u32 $0xFFFFFF80, v1;
	[tilespmem:v12+s21+$0x0] =	vst.idx.msk $0xffff, v14  }
0x227: {  	v1 =	vand.u32 $0x7F, v1;
	v4 =	vadd.s32 v5, v4;
	v12 =	vadd.s32 v29, v61;
	v3 =	vld.idx.msk [tilespmem:v3+s13+$0x0], $0xffff  }
0x228: {  	v1 =	vor.u32 v1, v4;
	_ =	sdelay $0x2  }
0x229: {  	v2 =	vadd.s32 v28, v2  }
0x22a: {  	[tilespmem:v12+s21+$0x0] =	vst.idx.msk $0xffff, v3;
	v3 =	vand.u32 $0xFFFFFF80, v2  }
0x22b: {  	v59 =	vadd.s32 v29, v59;
	v2 =	vand.u32 $0x7F, v2;
	v1 =	vld.idx.msk [tilespmem:v1+s13+$0x0], $0xffff;
	v3 =	vadd.s32 v6, v3  }
0x22c: {  	v2 =	vor.u32 v2, v3;
	_ =	sdelay $0x2  }
0x22d: {  	v3 =	vadd.s32 v28, v63  }
0x22e: {  	[tilespmem:v59+s21+$0x0] =	vst.idx.msk $0xffff, v1;
	v1 =	vand.u32 $0xFFFFFF80, v3  }
0x22f: {  	v61 =	vadd.s32 v29, v57;
	v3 =	vand.u32 $0x7F, v3;
	v2 =	vld.idx.msk [tilespmem:v2+s13+$0x0], $0xffff;
	v1 =	vadd.s32 v7, v1  }
0x230: {  	v1 =	vor.u32 v3, v1;
	_ =	sdelay $0x2  }
0x231: {  	v3 =	vadd.s32 v28, v62  }
0x232: {  	[tilespmem:v61+s21+$0x0] =	vst.idx.msk $0xffff, v2;
	v2 =	vand.u32 $0xFFFFFF80, v3  }
0x233: {  	v63 =	vadd.s32 v29, v55;
	v3 =	vand.u32 $0x7F, v3;
	v1 =	vld.idx.msk [tilespmem:v1+s13+$0x0], $0xffff;
	v2 =	vadd.s32 v8, v2  }
0x234: {  	v2 =	vor.u32 v3, v2;
	_ =	sdelay $0x2  }
0x235: {  	v3 =	vadd.s32 v28, v60  }
0x236: {  	[tilespmem:v63+s21+$0x0] =	vst.idx.msk $0xffff, v1;
	v1 =	vand.u32 $0xFFFFFF80, v3  }
0x237: {  	v8 =	vadd.s32 v29, v54;
	v3 =	vand.u32 $0x7F, v3;
	v2 =	vld.idx.msk [tilespmem:v2+s13+$0x0], $0xffff;
	v1 =	vadd.s32 v9, v1  }
0x238: {  	v1 =	vor.u32 v3, v1;
	_ =	sdelay $0x2  }
0x239: {  	v3 =	vadd.s32 v28, v58  }
0x23a: {  	[tilespmem:v8+s21+$0x0] =	vst.idx.msk $0xffff, v2;
	v2 =	vand.u32 $0xFFFFFF80, v3  }
0x23b: {  	v9 =	vadd.s32 v29, v53;
	v3 =	vand.u32 $0x7F, v3;
	v1 =	vld.idx.msk [tilespmem:v1+s13+$0x0], $0xffff;
	v2 =	vadd.s32 v10, v2  }
0x23c: {  	v2 =	vor.u32 v3, v2;
	_ =	sdelay $0x2  }
0x23d: {  	v3 =	vadd.s32 v28, v56  }
0x23e: {  	[tilespmem:v9+s21+$0x0] =	vst.idx.msk $0xffff, v1;
	v1 =	vand.u32 $0xFFFFFF80, v3  }
0x23f: {  	v10 =	vadd.s32 v29, v52;
	v3 =	vand.u32 $0x7F, v3;
	v2 =	vld.idx.msk [tilespmem:v2+s13+$0x0], $0xffff;
	v1 =	vadd.s32 v11, v1  }
0x240: {  	v1 =	vor.u32 v3, v1;
	_ =	sdelay $0x3  }
0x241: {  	[tilespmem:v10+s21+$0x0] =	vst.idx.msk $0xffff, v2  }
0x242: {  	v2 =	vadd.s32 v29, v51;
	v1 =	vld.idx.msk [tilespmem:v1+s13+$0x0], $0xffff;
	_ =	sdelay $0x4  }
0x243: {  	[tilespmem:v2+s21+$0x0] =	vst.idx.msk $0xffff, v1  }
0x244: {  	v51 =	vld [tilespmem:s29+$0xF680];
	_ =	sdelay $0x7  }
0x245: {  	v3 =	vld.idx.msk [tilespmem:v51+s20+$0x0], $0xffff  }
0x246: {  	v52 =	vadd.s32 $0x10, v51;
	_ =	sdelay $0x3  }
0x247: {  	v2 =	vadd.s32 v0, v3  }
0x248: {  	v57 =	vshll.u32 v51, $0x7;
	v1 =	vld.idx.msk [tilespmem:v52+s20+$0x0], $0xffff;
	v61 =	vand.u32 $0xFFFFFF80, v2  }
0x249: {  	v60 =	vadd.s32 $0x20, v51;
	v2 =	vand.u32 $0x7F, v2;
	v6 =	vadd.s32 v57, v61  }
0x24a: {  	v6 =	vor.u32 v2, v6  }
0x24b: {  	v62 =	vadd.s32 $0x30, v51  }
0x24c: {  	v63 =	vadd.s32 $0x40, v51  }
0x24d: {  	v9 =	vadd.s32 $0x50, v51;
	v10 =	vadd.s32 $0x60, v51;
	v53 =	vadd.s32 v0, v1  }
0x24e: {  	v12 =	vadd.s32 $0x70, v51;
	v4 =	vshll.u32 v52, $0x7;
	v2 =	vld.idx.msk [tilespmem:v60+s20+$0x0], $0xffff;
	v14 =	vand.u32 $0xFFFFFF80, v53  }
0x24f: {  	v15 =	vadd.s32 v13, v51;
	v11 =	vand.u32 $0x7F, v53;
	v14 =	vadd.s32 v4, v14;
	v6 =	vld.idx.msk [tilespmem:v6+s13+$0x0], $0xffff  }
0x250: {  	v56 =	vld.idx.msk [tilespmem:v62+s20+$0x0], $0xffff;
	v11 =	vor.u32 v11, v14  }
0x251: {  	v55 =	vld.idx.msk [tilespmem:v63+s20+$0x0], $0xffff  }
0x252: {  	v54 =	vld.idx.msk [tilespmem:v9+s20+$0x0], $0xffff  }
0x253: {  	v52 =	vld.idx.msk [tilespmem:v12+s20+$0x0], $0xffff;
	v14 =	vadd.s32 v0, v2  }
0x254: {  	v5 =	vshll.u32 v60, $0x7;
	v53 =	vld.idx.msk [tilespmem:v10+s20+$0x0], $0xffff;
	v58 =	vand.u32 $0xFFFFFF80, v14;
	[tilespmem:v15+s21+$0x0] =	vst.idx.msk $0xffff, v6  }
0x255: {  	v14 =	vand.u32 $0x7F, v14;
	v15 =	vadd.s32 v17, v51;
	v6 =	vadd.s32 v5, v58;
	v11 =	vld.idx.msk [tilespmem:v11+s13+$0x0], $0xffff  }
0x256: {  	v14 =	vor.u32 v14, v6;
	_ =	sdelay $0x2  }
0x257: {  	v16 =	vadd.s32 v0, v56  }
0x258: {  	v59 =	vand.u32 $0xFFFFFF80, v16;
	v6 =	vshll.u32 v62, $0x7;
	[tilespmem:v15+s21+$0x0] =	vst.idx.msk $0xffff, v11  }
0x259: {  	v15 =	vand.u32 $0x7F, v16;
	v11 =	vadd.s32 v6, v59;
	v60 =	vld.idx.msk [tilespmem:v14+s13+$0x0], $0xffff;
	v14 =	vadd.s32 v18, v51  }
0x25a: {  	v11 =	vor.u32 v15, v11;
	_ =	sdelay $0x2  }
0x25b: {  	v15 =	vadd.s32 v0, v55  }
0x25c: {  	v7 =	vshll.u32 v63, $0x7;
	[tilespmem:v14+s21+$0x0] =	vst.idx.msk $0xffff, v60;
	v14 =	vand.u32 $0xFFFFFF80, v15  }
0x25d: {  	v62 =	vadd.s32 v19, v51;
	v15 =	vand.u32 $0x7F, v15;
	v61 =	vld.idx.msk [tilespmem:v11+s13+$0x0], $0xffff;
	v14 =	vadd.s32 v7, v14  }
0x25e: {  	v14 =	vor.u32 v15, v14;
	_ =	sdelay $0x2  }
0x25f: {  	v15 =	vadd.s32 v0, v54  }
0x260: {  	v8 =	vshll.u32 v9, $0x7;
	v63 =	vand.u32 $0xFFFFFF80, v15;
	[tilespmem:v62+s21+$0x0] =	vst.idx.msk $0xffff, v61  }
0x261: {  	v15 =	vand.u32 $0x7F, v15;
	v11 =	vadd.s32 v8, v63;
	v58 =	vld.idx.msk [tilespmem:v14+s13+$0x0], $0xffff;
	v14 =	vadd.s32 v20, v51  }
0x262: {  	v11 =	vor.u32 v15, v11;
	_ =	sdelay $0x2  }
0x263: {  	v15 =	vadd.s32 v0, v53  }
0x264: {  	v9 =	vshll.u32 v10, $0x7;
	[tilespmem:v14+s21+$0x0] =	vst.idx.msk $0xffff, v58;
	v14 =	vand.u32 $0xFFFFFF80, v15  }
0x265: {  	v60 =	vadd.s32 v21, v51;
	v15 =	vand.u32 $0x7F, v15;
	v59 =	vld.idx.msk [tilespmem:v11+s13+$0x0], $0xffff;
	v14 =	vadd.s32 v9, v14  }
0x266: {  	v14 =	vor.u32 v15, v14;
	_ =	sdelay $0x2  }
0x267: {  	v15 =	vadd.s32 v0, v52  }
0x268: {  	v10 =	vshll.u32 v12, $0x7;
	v61 =	vand.u32 $0xFFFFFF80, v15;
	[tilespmem:v60+s21+$0x0] =	vst.idx.msk $0xffff, v59  }
0x269: {  	v15 =	vand.u32 $0x7F, v15;
	v11 =	vadd.s32 v10, v61;
	v12 =	vld.idx.msk [tilespmem:v14+s13+$0x0], $0xffff;
	v14 =	vadd.s32 v22, v51  }
0x26a: {  	v11 =	vor.u32 v15, v11;
	_ =	sdelay $0x2  }
0x26b: {  	v15 =	vadd.s32 v24, v3  }
0x26c: {  	[tilespmem:v14+s21+$0x0] =	vst.idx.msk $0xffff, v12;
	v12 =	vand.u32 $0xFFFFFF80, v15  }
0x26d: {  	v14 =	vadd.s32 v23, v51;
	v15 =	vand.u32 $0x7F, v15;
	v11 =	vld.idx.msk [tilespmem:v11+s13+$0x0], $0xffff;
	v12 =	vadd.s32 v57, v12  }
0x26e: {  	v12 =	vor.u32 v15, v12;
	_ =	sdelay $0x2  }
0x26f: {  	v15 =	vadd.s32 v24, v1  }
0x270: {  	v62 =	vand.u32 $0xFFFFFF80, v15;
	[tilespmem:v14+s21+$0x0] =	vst.idx.msk $0xffff, v11  }
0x271: {  	v15 =	vand.u32 $0x7F, v15;
	v14 =	vadd.s32 v25, v51;
	v11 =	vadd.s32 v4, v62;
	v12 =	vld.idx.msk [tilespmem:v12+s13+$0x0], $0xffff  }
0x272: {  	v11 =	vor.u32 v15, v11;
	_ =	sdelay $0x2  }
0x273: {  	v15 =	vadd.s32 v24, v2  }
0x274: {  	[tilespmem:v14+s21+$0x0] =	vst.idx.msk $0xffff, v12;
	v12 =	vand.u32 $0xFFFFFF80, v15  }
0x275: {  	v14 =	vadd.s32 v30, v51;
	v15 =	vand.u32 $0x7F, v15;
	v11 =	vld.idx.msk [tilespmem:v11+s13+$0x0], $0xffff;
	v12 =	vadd.s32 v5, v12  }
0x276: {  	v12 =	vor.u32 v15, v12;
	_ =	sdelay $0x2  }
0x277: {  	v15 =	vadd.s32 v24, v56  }
0x278: {  	v63 =	vand.u32 $0xFFFFFF80, v15;
	[tilespmem:v14+s21+$0x0] =	vst.idx.msk $0xffff, v11  }
0x279: {  	v15 =	vand.u32 $0x7F, v15;
	v14 =	vadd.s32 v31, v51;
	v11 =	vadd.s32 v6, v63;
	v12 =	vld.idx.msk [tilespmem:v12+s13+$0x0], $0xffff  }
0x27a: {  	v11 =	vor.u32 v15, v11;
	_ =	sdelay $0x2  }
0x27b: {  	v15 =	vadd.s32 v24, v55  }
0x27c: {  	[tilespmem:v14+s21+$0x0] =	vst.idx.msk $0xffff, v12;
	v12 =	vand.u32 $0xFFFFFF80, v15  }
0x27d: {  	v14 =	vadd.s32 v32, v51;
	v15 =	vand.u32 $0x7F, v15;
	v11 =	vld.idx.msk [tilespmem:v11+s13+$0x0], $0xffff;
	v12 =	vadd.s32 v7, v12  }
0x27e: {  	v12 =	vor.u32 v15, v12;
	_ =	sdelay $0x2  }
0x27f: {  	v15 =	vadd.s32 v24, v54  }
0x280: {  	v58 =	vand.u32 $0xFFFFFF80, v15;
	[tilespmem:v14+s21+$0x0] =	vst.idx.msk $0xffff, v11  }
0x281: {  	v15 =	vand.u32 $0x7F, v15;
	v14 =	vadd.s32 v33, v51;
	v11 =	vadd.s32 v8, v58;
	v12 =	vld.idx.msk [tilespmem:v12+s13+$0x0], $0xffff  }
0x282: {  	v11 =	vor.u32 v15, v11;
	_ =	sdelay $0x2  }
0x283: {  	v15 =	vadd.s32 v24, v53  }
0x284: {  	[tilespmem:v14+s21+$0x0] =	vst.idx.msk $0xffff, v12;
	v12 =	vand.u32 $0xFFFFFF80, v15  }
0x285: {  	v14 =	vadd.s32 v34, v51;
	v15 =	vand.u32 $0x7F, v15;
	v11 =	vld.idx.msk [tilespmem:v11+s13+$0x0], $0xffff;
	v12 =	vadd.s32 v9, v12  }
0x286: {  	v12 =	vor.u32 v15, v12;
	_ =	sdelay $0x2  }
0x287: {  	v15 =	vadd.s32 v24, v52  }
0x288: {  	v59 =	vand.u32 $0xFFFFFF80, v15;
	[tilespmem:v14+s21+$0x0] =	vst.idx.msk $0xffff, v11  }
0x289: {  	v15 =	vand.u32 $0x7F, v15;
	v14 =	vadd.s32 v35, v51;
	v11 =	vadd.s32 v10, v59;
	v12 =	vld.idx.msk [tilespmem:v12+s13+$0x0], $0xffff  }
0x28a: {  	v11 =	vor.u32 v15, v11;
	_ =	sdelay $0x2  }
0x28b: {  	v15 =	vadd.s32 v26, v3  }
0x28c: {  	[tilespmem:v14+s21+$0x0] =	vst.idx.msk $0xffff, v12;
	v12 =	vand.u32 $0xFFFFFF80, v15  }
0x28d: {  	v14 =	vadd.s32 v36, v51;
	v15 =	vand.u32 $0x7F, v15;
	v11 =	vld.idx.msk [tilespmem:v11+s13+$0x0], $0xffff;
	v12 =	vadd.s32 v57, v12  }
0x28e: {  	v12 =	vor.u32 v15, v12;
	_ =	sdelay $0x2  }
0x28f: {  	v15 =	vadd.s32 v26, v1  }
0x290: {  	v60 =	vand.u32 $0xFFFFFF80, v15;
	[tilespmem:v14+s21+$0x0] =	vst.idx.msk $0xffff, v11  }
0x291: {  	v15 =	vand.u32 $0x7F, v15;
	v14 =	vadd.s32 v27, v51;
	v11 =	vadd.s32 v4, v60;
	v12 =	vld.idx.msk [tilespmem:v12+s13+$0x0], $0xffff  }
0x292: {  	v11 =	vor.u32 v15, v11;
	_ =	sdelay $0x2  }
0x293: {  	v15 =	vadd.s32 v26, v2  }
0x294: {  	[tilespmem:v14+s21+$0x0] =	vst.idx.msk $0xffff, v12;
	v12 =	vand.u32 $0xFFFFFF80, v15  }
0x295: {  	v14 =	vadd.s32 v37, v51;
	v15 =	vand.u32 $0x7F, v15;
	v11 =	vld.idx.msk [tilespmem:v11+s13+$0x0], $0xffff;
	v12 =	vadd.s32 v5, v12  }
0x296: {  	v12 =	vor.u32 v15, v12;
	_ =	sdelay $0x2  }
0x297: {  	v15 =	vadd.s32 v26, v56  }
0x298: {  	v61 =	vand.u32 $0xFFFFFF80, v15;
	[tilespmem:v14+s21+$0x0] =	vst.idx.msk $0xffff, v11  }
0x299: {  	v15 =	vand.u32 $0x7F, v15;
	v14 =	vadd.s32 v38, v51;
	v11 =	vadd.s32 v6, v61;
	v12 =	vld.idx.msk [tilespmem:v12+s13+$0x0], $0xffff  }
0x29a: {  	v11 =	vor.u32 v15, v11;
	_ =	sdelay $0x2  }
0x29b: {  	v15 =	vadd.s32 v26, v55  }
0x29c: {  	[tilespmem:v14+s21+$0x0] =	vst.idx.msk $0xffff, v12;
	v12 =	vand.u32 $0xFFFFFF80, v15  }
0x29d: {  	v14 =	vadd.s32 v39, v51;
	v15 =	vand.u32 $0x7F, v15;
	v11 =	vld.idx.msk [tilespmem:v11+s13+$0x0], $0xffff;
	v12 =	vadd.s32 v7, v12  }
0x29e: {  	v12 =	vor.u32 v15, v12;
	_ =	sdelay $0x2  }
0x29f: {  	v15 =	vadd.s32 v26, v54  }
0x2a0: {  	v62 =	vand.u32 $0xFFFFFF80, v15;
	[tilespmem:v14+s21+$0x0] =	vst.idx.msk $0xffff, v11  }
0x2a1: {  	v15 =	vand.u32 $0x7F, v15;
	v14 =	vadd.s32 v40, v51;
	v11 =	vadd.s32 v8, v62;
	v12 =	vld.idx.msk [tilespmem:v12+s13+$0x0], $0xffff  }
0x2a2: {  	v11 =	vor.u32 v15, v11;
	_ =	sdelay $0x2  }
0x2a3: {  	v15 =	vadd.s32 v26, v53  }
0x2a4: {  	[tilespmem:v14+s21+$0x0] =	vst.idx.msk $0xffff, v12;
	v12 =	vand.u32 $0xFFFFFF80, v15  }
0x2a5: {  	v14 =	vadd.s32 v41, v51;
	v15 =	vand.u32 $0x7F, v15;
	v11 =	vld.idx.msk [tilespmem:v11+s13+$0x0], $0xffff;
	v12 =	vadd.s32 v9, v12  }
0x2a6: {  	v12 =	vor.u32 v15, v12;
	_ =	sdelay $0x2  }
0x2a7: {  	v15 =	vadd.s32 v26, v52  }
0x2a8: {  	v63 =	vand.u32 $0xFFFFFF80, v15;
	[tilespmem:v14+s21+$0x0] =	vst.idx.msk $0xffff, v11  }
0x2a9: {  	v15 =	vand.u32 $0x7F, v15;
	v14 =	vadd.s32 v42, v51;
	v11 =	vadd.s32 v10, v63;
	v12 =	vld.idx.msk [tilespmem:v12+s13+$0x0], $0xffff  }
0x2aa: {  	v11 =	vor.u32 v15, v11;
	_ =	sdelay $0x2  }
0x2ab: {  	v3 =	vadd.s32 v28, v3  }
0x2ac: {  	[tilespmem:v14+s21+$0x0] =	vst.idx.msk $0xffff, v12;
	v12 =	vand.u32 $0xFFFFFF80, v3  }
0x2ad: {  	v14 =	vadd.s32 v43, v51;
	v3 =	vand.u32 $0x7F, v3;
	v11 =	vld.idx.msk [tilespmem:v11+s13+$0x0], $0xffff;
	v12 =	vadd.s32 v57, v12  }
0x2ae: {  	v3 =	vor.u32 v3, v12;
	_ =	sdelay $0x2  }
0x2af: {  	v1 =	vadd.s32 v28, v1  }
0x2b0: {  	v57 =	vand.u32 $0xFFFFFF80, v1;
	[tilespmem:v14+s21+$0x0] =	vst.idx.msk $0xffff, v11  }
0x2b1: {  	v1 =	vand.u32 $0x7F, v1;
	v12 =	vadd.s32 v29, v51;
	v4 =	vadd.s32 v4, v57;
	v3 =	vld.idx.msk [tilespmem:v3+s13+$0x0], $0xffff  }
0x2b2: {  	v1 =	vor.u32 v1, v4;
	_ =	sdelay $0x2  }
0x2b3: {  	v2 =	vadd.s32 v28, v2  }
0x2b4: {  	[tilespmem:v12+s21+$0x0] =	vst.idx.msk $0xffff, v3;
	v3 =	vand.u32 $0xFFFFFF80, v2  }
0x2b5: {  	v58 =	vadd.s32 v44, v51;
	v2 =	vand.u32 $0x7F, v2;
	v1 =	vld.idx.msk [tilespmem:v1+s13+$0x0], $0xffff;
	v3 =	vadd.s32 v5, v3  }
0x2b6: {  	v2 =	vor.u32 v2, v3;
	_ =	sdelay $0x2  }
0x2b7: {  	v3 =	vadd.s32 v28, v56  }
0x2b8: {  	[tilespmem:v58+s21+$0x0] =	vst.idx.msk $0xffff, v1;
	v1 =	vand.u32 $0xFFFFFF80, v3  }
0x2b9: {  	v59 =	vadd.s32 v45, v51;
	v3 =	vand.u32 $0x7F, v3;
	v2 =	vld.idx.msk [tilespmem:v2+s13+$0x0], $0xffff;
	v1 =	vadd.s32 v6, v1  }
0x2ba: {  	v1 =	vor.u32 v3, v1;
	_ =	sdelay $0x2  }
0x2bb: {  	v3 =	vadd.s32 v28, v55  }
0x2bc: {  	[tilespmem:v59+s21+$0x0] =	vst.idx.msk $0xffff, v2;
	v2 =	vand.u32 $0xFFFFFF80, v3  }
0x2bd: {  	v60 =	vadd.s32 v46, v51;
	v3 =	vand.u32 $0x7F, v3;
	v1 =	vld.idx.msk [tilespmem:v1+s13+$0x0], $0xffff;
	v2 =	vadd.s32 v7, v2  }
0x2be: {  	v2 =	vor.u32 v3, v2;
	_ =	sdelay $0x2  }
0x2bf: {  	v3 =	vadd.s32 v28, v54  }
0x2c0: {  	[tilespmem:v60+s21+$0x0] =	vst.idx.msk $0xffff, v1;
	v1 =	vand.u32 $0xFFFFFF80, v3  }
0x2c1: {  	v61 =	vadd.s32 v47, v51;
	v3 =	vand.u32 $0x7F, v3;
	v2 =	vld.idx.msk [tilespmem:v2+s13+$0x0], $0xffff;
	v1 =	vadd.s32 v8, v1  }
0x2c2: {  	v1 =	vor.u32 v3, v1;
	_ =	sdelay $0x2  }
0x2c3: {  	v3 =	vadd.s32 v28, v53  }
0x2c4: {  	[tilespmem:v61+s21+$0x0] =	vst.idx.msk $0xffff, v2;
	v2 =	vand.u32 $0xFFFFFF80, v3  }
0x2c5: {  	v62 =	vadd.s32 v48, v51;
	v3 =	vand.u32 $0x7F, v3;
	v1 =	vld.idx.msk [tilespmem:v1+s13+$0x0], $0xffff;
	v2 =	vadd.s32 v9, v2  }
0x2c6: {  	v2 =	vor.u32 v3, v2;
	_ =	sdelay $0x2  }
0x2c7: {  	v3 =	vadd.s32 v28, v52  }
0x2c8: {  	[tilespmem:v62+s21+$0x0] =	vst.idx.msk $0xffff, v1;
	v1 =	vand.u32 $0xFFFFFF80, v3  }
0x2c9: {  	v63 =	vadd.s32 v49, v51;
	v3 =	vand.u32 $0x7F, v3;
	v2 =	vld.idx.msk [tilespmem:v2+s13+$0x0], $0xffff;
	v1 =	vadd.s32 v10, v1  }
0x2ca: {  	v1 =	vor.u32 v3, v1;
	_ =	sdelay $0x3  }
0x2cb: {  	[tilespmem:v63+s21+$0x0] =	vst.idx.msk $0xffff, v2  }
0x2cc: {  	p0 =	sne.s32 s28, $0x1C00;
	v2 =	vadd.s32 v50, v51;
	v1 =	vld.idx.msk [tilespmem:v1+s13+$0x0], $0xffff  }
.Ltmp3:
0x2cd: {  	_ = 	snop;
	(pc) =	sbr.rel @p0 .LBB2_5-.Ltmp3, $2  }
0x2ce: {  	_ =	sdelay $0x2  }
0x2cf: {  	s28 =	sadd.s32 $0x400, s28;
	[tilespmem:v2+s21+$0x0] =	vst.idx.msk $0xffff, v1  }
0x2d0: {  	s26 =	sadd.s32 s6, s26  }
.Ltmp4:
0x2d1: {  	s28 =	sshll.u32 s26, $0x7;
	(pc) =	sbr.rel @p1 .LBB2_8-.Ltmp4, $4  }
0x2d2: {  	s26 =	sshll.u32 s26, $0xA;
	s28 =	sand.u32 $0x3F80, s28  }
0x2d3: {  	s26 =	sand.u32 $0xFFE0000, s26;
	s28 =	sadd.s32 s2, s28  }
0x2d4: {  	s26 =	sadd.s32 s26, s28  }
0x2d5: {  	[hbm4b:s26+s17] =	stream.strided.scatter [tilespmem:s21], [sflag:$0x4], $0x2000, s18, s17, $0x38;
	[tilespmem:$0xFE00] =	vst v63  }
0x2d6: {  	s26 =	sshll.u32 s25, $0x8  }
0x2d7: {  	s26 =	sand.u32 $0x3FFFFF00, s26  }
0x2d8: {  	v1 =	vld [tilespmem:s26+$0x180];
	_ =	sdelay $0x4  }
0x2d9: {  	v2 =	vshrl.u32 v1, $0x1;
	v1 =	vshll.u32 v1, $0x6  }
0x2da: {  	[tilespmem:$0x3480] =	vst v2;
	v1 =	vand.u32 $0x40, v1  }
0x2db: {  	[tilespmem:$0x3580] =	vst v1  }
0x2dc: {  	v1 =	vld [tilespmem:s26+$0x190];
	_ =	sdelay $0x4  }
0x2dd: {  	v2 =	vshrl.u32 v1, $0x1;
	v1 =	vshll.u32 v1, $0x6  }
0x2de: {  	[tilespmem:$0x3490] =	vst v2;
	v1 =	vand.u32 $0x40, v1  }
0x2df: {  	[tilespmem:$0x3590] =	vst v1  }
0x2e0: {  	v1 =	vld [tilespmem:s26+$0x1A0];
	_ =	sdelay $0x4  }
0x2e1: {  	v2 =	vshrl.u32 v1, $0x1;
	v1 =	vshll.u32 v1, $0x6  }
0x2e2: {  	[tilespmem:$0x34A0] =	vst v2;
	v1 =	vand.u32 $0x40, v1  }
0x2e3: {  	[tilespmem:$0x35A0] =	vst v1  }
0x2e4: {  	v1 =	vld [tilespmem:s26+$0x1B0];
	_ =	sdelay $0x4  }
0x2e5: {  	v2 =	vshrl.u32 v1, $0x1;
	v1 =	vshll.u32 v1, $0x6  }
0x2e6: {  	[tilespmem:$0x34B0] =	vst v2;
	v1 =	vand.u32 $0x40, v1  }
0x2e7: {  	[tilespmem:$0x35B0] =	vst v1  }
0x2e8: {  	v1 =	vld [tilespmem:s26+$0x1C0];
	_ =	sdelay $0x4  }
0x2e9: {  	v2 =	vshrl.u32 v1, $0x1;
	v1 =	vshll.u32 v1, $0x6  }
0x2ea: {  	[tilespmem:$0x34C0] =	vst v2;
	v1 =	vand.u32 $0x40, v1  }
0x2eb: {  	[tilespmem:$0x35C0] =	vst v1  }
0x2ec: {  	v1 =	vld [tilespmem:s26+$0x1D0];
	_ =	sdelay $0x4  }
0x2ed: {  	v2 =	vshrl.u32 v1, $0x1;
	v1 =	vshll.u32 v1, $0x6  }
0x2ee: {  	[tilespmem:$0x34D0] =	vst v2;
	v1 =	vand.u32 $0x40, v1  }
0x2ef: {  	[tilespmem:$0x35D0] =	vst v1  }
0x2f0: {  	v1 =	vld [tilespmem:s26+$0x1E0];
	_ =	sdelay $0x4  }
0x2f1: {  	v2 =	vshrl.u32 v1, $0x1;
	v1 =	vshll.u32 v1, $0x6  }
0x2f2: {  	[tilespmem:$0x34E0] =	vst v2;
	v1 =	vand.u32 $0x40, v1  }
0x2f3: {  	[tilespmem:$0x35E0] =	vst v1  }
0x2f4: {  	v1 =	vld [tilespmem:s26+$0x1F0];
	_ =	sdelay $0x3  }
.Ltmp5:
0x2f5: {  	_ = 	snop;
	(pc) =	sbr.rel .LBB2_2-.Ltmp5, $4  }
0x2f6: {  	v2 =	vshrl.u32 v1, $0x1;
	v1 =	vshll.u32 v1, $0x6  }
0x2f7: {  	[tilespmem:$0x34F0] =	vst v2;
	v1 =	vand.u32 $0x40, v1  }
0x2f8: {  	s25 =	sadd.s32 $0x1, s25;
	[tilespmem:$0x35F0] =	vst v1  }
0x2f9: {  	[tilespmem:s13], [sflag:$0x2] =	stream.indirect.gather [hbm4b:s4+s9], $0x80, s12, s9, $0xb8;
	[tilespmem:$0xFE00] =	vst v63  }
.LBB2_9:
0x2fa: {  	_ =	sfence.sel $0x180000  }
0x2fb: {  	[bflag:$0x0] =	sbarrier.arrive $0xFFFF  }
0x2fc: {  	p0 =	sne.s32 s0, $0x0;
	_ =	strace $0x9000004A  }
0x2fd: {  	s0 =	sadd.s32 @!p0 $0x100000, s1;
	[bflag:$0x2] =	sbarrier.arrive $0xFFFF  }
0x2fe: {  	[sflag:s0] =	ssyncadd.tile.s32 @!p0 $0x1;
	_ =	shalt  }
.Lfunc_end2:
_tile_overlayer_lowered:
.L_overlay_start_2:
0x2ff: {  	(tag) =	ssettag $0x2  }
0x300: {  	s0 =	rddreg [dreg:$0x0];
	s2 =	stileid.u32  }
0x301: {  	s1 =	rddreg [dreg:$0x1];
	p0 =	sne.s32 s2, $0x0  }
0x302: {  	s3 =	rddreg [dreg:$0x2];
	[bflag:$0x3] =	sbarrier.arrive $0xFFFF;
	s2 =	simm.s32 @!p0 $0x1C06  }
0x303: {  	[timem:s3], [sflag:s2] =	dma.local @!p0 [hbm:s0], s1  }
0x304: {  	s0 =	simm.s32 @!p0 $0x6  }
0x305: {  	_ =	swait.ge @!p0 [sflag:s0], s1  }
0x306: {  	s1 =	ssub.s32 @!p0 $0x0, s1;
	[sflag:s0] =	ssyncset.done @!p0 $0x0  }
0x307: {  	[sflag:s0] =	ssyncadd.s32 @!p0 s1  }
0x308: {  	[bflag:$0x3] =	sbarrier.arrive $0xFFFF  }
0x309: {  	_ =	shalt  }

</sc_bundles>
